<compile_context>
chip_gen: v7x
topology: tpu7x:2x2x1
jax: 0.10.2.dev20260603
libtpu: 0.0.44.dev20260713+nightly
codegen_flags: <defaults>
</compile_context>

<pallas_src>
import functools

import jax
import jax.numpy as jnp
from jax import lax
from jax.experimental import pallas as pl
from jax.experimental.pallas import tpu as pltpu
from jax.experimental.pallas import tpu_sc as plsc

L = 512
TOPK = 128
BI = 8
NBLK = L // BI
D_MSA, D_PAIR, D_STATE = 256, 128, 16
L0_IN, L0_OUT, D_EDGE = 32, 16, 32
HID = 64


def _ln(x, g, b, eps=1e-5):
    mu = jnp.mean(x, axis=-1, keepdims=True)
    var = jnp.mean((x - mu) ** 2, axis=-1, keepdims=True)
    return (x - mu) * lax.rsqrt(var + eps) * g + b


def _dot(a, b):
    return jnp.dot(a, b, preferred_element_type=jnp.float32)



def _prep_body(msa_ref, st_ref, xr_ref, xT_ref,
               gmsa_ref, bmsa_ref, gst_ref, bst_ref,
               Wx_ref, bx_ref, gn_ref, bn_ref, W1_ref,
               h_ref, sW_ref, dW_ref, D_ref, sel_ref, l1_ref, pos_ref):
    m = _ln(msa_ref[...], gmsa_ref[...], bmsa_ref[...])
    st = _ln(st_ref[...], gst_ref[...], bst_ref[...])
    x = jnp.concatenate([m, st], axis=1)
    h = _ln(_dot(x, Wx_ref[...]) + bx_ref[...], gn_ref[...], bn_ref[...])
    h_ref[...] = h
    W1 = W1_ref[...]
    sW_ref[...] = _dot(h, W1[0:L0_IN, :])
    dW_ref[...] = _dot(h, W1[L0_IN:2 * L0_IN, :])

    xr = xr_ref[...]
    ca = xr[:, 3:6]
    l1_ref[...] = xr - jnp.concatenate([ca, ca, ca], axis=1)

    d2 = jnp.zeros((L, L), jnp.float32)
    for x3 in range(3):
        col = xr[:, 3 + x3:4 + x3]
        row = xT_ref[3 + x3:4 + x3, :]
        dx = col - row
        d2 = d2 + dx * dx
    D = jnp.sqrt(d2 + 1e-8)
    D_ref[...] = D

    ri = lax.broadcasted_iota(jnp.int32, (L, L), 0)
    ci = lax.broadcasted_iota(jnp.int32, (L, L), 1)
    Dg = D + jnp.where(ri == ci, jnp.float32(999.9), jnp.float32(0.0))
    bits = lax.bitcast_convert_type(Dg, jnp.int32)

    lo0 = jnp.zeros((L, 1), jnp.int32)
    hi0 = jnp.full((L, 1), jnp.int32(0x7F7FFFFF))

    def body(_, carry):
        lo, hi = carry
        mid = lo + (hi - lo) // 2
        cnt = jnp.sum((bits <= mid).astype(jnp.int32), axis=1, keepdims=True)
        ge = cnt >= TOPK
        return jnp.where(ge, lo, mid + 1), jnp.where(ge, mid, hi)

    lo, hi = lax.fori_loop(0, 31, body, (lo0, hi0))
    t = hi
    below = bits < t
    ties = bits == t
    cnt_lt = jnp.sum(below.astype(jnp.float32), axis=1, keepdims=True)
    need = jnp.float32(TOPK) - cnt_lt
    ties_f = ties.astype(jnp.float32)
    upper = (ri <= ci).astype(jnp.float32)
    rank = _dot(ties_f, upper)
    sel = jnp.where(below | (ties & (rank <= need)),
                    jnp.float32(1.0), jnp.float32(0.0))
    sel_ref[...] = sel
    posm = _dot(sel, upper)
    selb = sel > 0.5
    vali = jnp.where(selb, ci, jnp.int32(L))
    si = jnp.where(selb, ci - (posm.astype(jnp.int32) - 1), jnp.int32(0))
    for k in range(9):
        d = 1 << k
        mvi = si & d
        in_v = jnp.concatenate([vali[:, d:], vali[:, :d]], axis=1)
        in_s = jnp.concatenate([si[:, d:], si[:, :d]], axis=1)
        in_mi = jnp.concatenate([mvi[:, d:], mvi[:, :d]], axis=1)
        mv = mvi != 0
        in_m = in_mi != 0
        vali = jnp.where(in_m, in_v, jnp.where(mv, jnp.int32(L), vali))
        si = jnp.where(in_m, in_s - d, jnp.where(mv, jnp.int32(0), si))
    eidx = vali[:, :TOPK]
    pos_ref[...] = eidx + ri[:, :TOPK] * jnp.int32(L)


def _prep(msa0, state0, xr, xT, p):
    out_shapes = [
        jax.ShapeDtypeStruct((L, L0_IN), jnp.float32),
        jax.ShapeDtypeStruct((L, HID), jnp.float32),
        jax.ShapeDtypeStruct((L, HID), jnp.float32),
        jax.ShapeDtypeStruct((L, L), jnp.float32),
        jax.ShapeDtypeStruct((L, L), jnp.float32),
        jax.ShapeDtypeStruct((L, 9), jnp.float32),
        jax.ShapeDtypeStruct((L, TOPK), jnp.int32),
    ]
    r2 = lambda v: v.reshape(1, -1)
    args = (msa0, state0, xr, xT,
            r2(p['ln_msa'][0]), r2(p['ln_msa'][1]),
            r2(p['ln_state'][0]), r2(p['ln_state'][1]),
            p['embed_x'][0], r2(p['embed_x'][1]),
            r2(p['ln_node'][0]), r2(p['ln_node'][1]),
            p['se3_W1'][0])
    return pl.pallas_call(
        _prep_body,
        out_shape=out_shapes,
    )(*args)



TABW = 40


def _sc_gather(pidx_all, pair_flat):
    info = plsc.get_sparse_core_info()
    NC, NS = info.num_cores, info.num_subcores
    NW = NC * NS
    rows_per_w = L // NW

    mesh = plsc.VectorSubcoreMesh(core_axis_name="c", subcore_axis_name="s")

    @functools.partial(
        pl.kernel, mesh=mesh,
        out_type=jax.ShapeDtypeStruct((L * TOPK, D_PAIR), jnp.float32),
        scratch_types=[
            pltpu.VMEM((TOPK,), jnp.int32),
            pltpu.VMEM((TOPK,), jnp.int32),
            pltpu.VMEM((TOPK, D_PAIR), jnp.float32),
            pltpu.VMEM((TOPK, D_PAIR), jnp.float32),
            pltpu.SemaphoreType.DMA,
            pltpu.SemaphoreType.DMA,
        ],
    )
    def k(pidx_hbm, pair_hbm, gpair_hbm, pidx0, pidx1, gbuf0, gbuf1,
          sem0, sem1):
        wid = lax.axis_index("s") * NC + lax.axis_index("c")
        base = wid * rows_per_w
        idxs = (pidx0, pidx1)
        bufs = (gbuf0, gbuf1)
        sems = (sem0, sem1)
        pltpu.sync_copy(pidx_hbm.at[base], pidx0)
        waits = [pltpu.async_copy(pair_hbm.at[pidx0], gbuf0, sem0)]
        for t in range(rows_per_w):
            if t + 1 < rows_per_w:
                b = (t + 1) & 1
                pltpu.sync_copy(pidx_hbm.at[base + t + 1], idxs[b])
                waits.append(
                    pltpu.async_copy(pair_hbm.at[idxs[b]], bufs[b], sems[b]))
            waits[t].wait()
            pltpu.sync_copy(bufs[t & 1],
                            gpair_hbm.at[pl.ds((base + t) * TOPK, TOPK)])

    return k(pidx_all, pair_flat)



def _edge_body(gpair_ref, q3_ref, tab_ref, xrb_ref, idxb_ref, sWb_ref, l13_ref,
               Wg1_ref, cg1_ref, cb1_ref, o128_ref,
               W2ag_ref, cg2_ref, We2r_ref, we2s_ref, cb2_ref, o32_ref,
               W1g_ref, cg3_ref, w1d_ref, cb3_ref, o64_ref, W2_ref, b2_ref,
               W1d_ref, mu36_ref, agg_ref):
    @pl.when(pl.program_id(0) == 0)
    def _():
        agg_ref[...] = jnp.zeros_like(agg_ref)

    mu = mu36_ref[...]
    sig = jnp.float32(20.0 / 36)
    eps = jnp.float32(1e-5)
    iotai = lax.broadcasted_iota(jnp.int32, (TOPK, L), 1)
    agg_acc = jnp.zeros_like(agg_ref)
    i0 = pl.program_id(0) * BI
    for r in range(BI):
        base = r * TOPK
        x0 = gpair_ref[base:base + TOPK, :]
        jfi = q3_ref[0][:, r:r + 1] - (i0 + r) * jnp.int32(L)
        onehot = jnp.where(jfi == iotai, jnp.float32(1.0), jnp.float32(0.0))
        tabf = _dot(onehot, tab_ref[...])
        h_d = tabf[:, 0:L0_IN]
        ca_d = tabf[:, L0_IN:L0_IN + 3]
        idf = tabf[:, L0_IN + 3:L0_IN + 4]
        dWr = _dot(h_d, W1d_ref[...])
        diff = ca_d - xrb_ref[r:r + 1, 3:6]
        Dcol = jnp.sqrt(jnp.sum(diff * diff, axis=1, keepdims=True) + 1e-8)
        u3 = diff / (Dcol + 1e-6)
        dseq = idf - idxb_ref[0][0:1, r:r + 1]
        aseq = jnp.abs(dseq)
        seq = jnp.sign(dseq) * jnp.where(aseq > 1.0, 0.0, aseq)
        mu0 = _dot(x0, o128_ref[...])
        m20 = _dot(x0 * x0, o128_ref[...])
        rs0 = lax.rsqrt(m20 - mu0 * mu0 + eps)
        pre1 = rs0 * (_dot(x0, Wg1_ref[...]) - mu0 * cg1_ref[...]) + cb1_ref[...]
        mu1 = _dot(pre1, o32_ref[...])
        m21 = _dot(pre1 * pre1, o32_ref[...])
        rs1 = lax.rsqrt(m21 - mu1 * mu1 + eps)
        rbf = jnp.exp(-(((Dcol - mu) / sig) ** 2))
        pre2 = (rs1 * (_dot(pre1, W2ag_ref[...]) - mu1 * cg2_ref[...])
                + _dot(rbf, We2r_ref[...])
                + seq * we2s_ref[...] + cb2_ref[...])
        mu2 = _dot(pre2, o64_ref[...])
        m22 = _dot(pre2 * pre2, o64_ref[...])
        rs2 = lax.rsqrt(m22 - mu2 * mu2 + eps)
        hid = (rs2 * (_dot(pre2, W1g_ref[...]) - mu2 * cg3_ref[...])
               + Dcol * w1d_ref[...] + cb3_ref[...]
               + sWb_ref[r:r + 1, :] + dWr)
        hid = jnp.maximum(hid, 0.0)
        out = _dot(hid, W2_ref[...]) + b2_ref[...]
        l1m = l13_ref[r]
        mv0 = out[:, L0_IN:L0_IN + 1] * u3 + _dot(out[:, L0_IN + 1:L0_IN + 4], l1m)
        mv1 = out[:, L0_IN + 4:L0_IN + 5] * u3 + _dot(out[:, L0_IN + 5:L0_IN + 8], l1m)
        msgf = jnp.concatenate([out[:, :L0_IN], mv0, mv1], axis=1)
        agg_acc = agg_acc + lax.dot_general(
            onehot, msgf, (((0,), (0,)), ((), ())),
            preferred_element_type=jnp.float32)
    agg_ref[...] += agg_acc


def _edges(gpair, q3, tab, xr9b, idxr3, sW, l13, p):
    We2 = p['embed_e2'][0]
    W1 = p['se3_W1'][0]
    r2 = lambda v: v.reshape(1, -1)
    gp, bp = p['ln_pair']
    ge1, bn1 = p['ln_edge1']
    ge2, bn2 = p['ln_edge2']
    We1, be1 = p['embed_e1']
    We2a = We2[0:D_EDGE, :]
    We2r = We2[D_EDGE:D_EDGE + 36, :]
    we2s = We2[D_EDGE + 36:, :]
    W1pr = W1[2 * L0_IN:2 * L0_IN + D_EDGE, :]
    w1d = W1[2 * L0_IN + D_EDGE:, :]
    Wg1 = We1 * gp[:, None]
    cg1 = r2(jnp.sum(Wg1, axis=0))
    cb1 = r2(bp @ We1 + be1)
    W2ag = We2a * ge1[:, None]
    cg2 = r2(jnp.sum(W2ag, axis=0))
    cb2 = r2(bn1 @ We2a + p['embed_e2'][1])
    W1g = W1pr * ge2[:, None]
    cg3 = r2(jnp.sum(W1g, axis=0))
    cb3 = r2(bn2 @ W1pr + p['se3_W1'][1])
    o128 = jnp.full((D_PAIR, D_EDGE), 1.0 / D_PAIR, jnp.float32)
    o32 = jnp.full((D_EDGE, D_EDGE), 1.0 / D_EDGE, jnp.float32)
    o64 = jnp.full((D_EDGE, HID), 1.0 / D_EDGE, jnp.float32)
    W1d = W1[L0_IN:2 * L0_IN, :]
    mu36 = jnp.linspace(0.0, 20.0, 36).astype(jnp.float32).reshape(1, 36)
    args = (gpair, q3, tab, xr9b, idxr3, sW, l13,
            Wg1, cg1, cb1, o128,
            W2ag, cg2, We2r, we2s, cb2, o32,
            W1g, cg3, w1d, cb3, o64,
            p['se3_W2'][0], r2(p['se3_W2'][1]), W1d, mu36)
    in_specs = [
        pl.BlockSpec((BI * TOPK, D_PAIR), lambda i: (i, 0)),
        pl.BlockSpec((1, TOPK, BI), lambda i: (i, 0, 0)),
        pl.BlockSpec((L, TABW), lambda i: (0, 0)),
        pl.BlockSpec((BI, 9), lambda i: (i, 0)),
        pl.BlockSpec((1, 1, BI), lambda i: (i, 0, 0)),
        pl.BlockSpec((BI, HID), lambda i: (i, 0)),
        pl.BlockSpec((BI, 3, 3), lambda i: (i, 0, 0)),
    ] + [pl.BlockSpec(a.shape, functools.partial(lambda n, i: (0,) * n, a.ndim))
         for a in args[7:]]
    out_specs = pl.BlockSpec((L, L0_IN + 6), lambda i: (0, 0))
    out_shapes = jax.ShapeDtypeStruct((L, L0_IN + 6), jnp.float32)
    return pl.pallas_call(
        _edge_body,
        grid=(NBLK,),
        in_specs=in_specs,
        out_specs=out_specs,
        out_shape=out_shapes,
        compiler_params=pltpu.CompilerParams(
            dimension_semantics=("arbitrary",)),
    )(*args)



def _finish_body(h_ref, agg_ref, l1_ref, xr_ref,
                 W0_ref, b0_ref, st_ref, xyz_ref, eps=1e-5):
    W0 = W0_ref[...]
    st_ref[...] = (_dot(h_ref[...], W0[0:L0_IN, :])
                   + _dot(agg_ref[...][:, :L0_IN], W0[L0_IN:, :]) + b0_ref[...])
    aggv = agg_ref[...][:, L0_IN:L0_IN + 6] * jnp.float32(0.01)
    T = aggv[:, 0:3]
    R = aggv[:, 3:6]
    Ra = jnp.sqrt(jnp.sum(R * R, axis=1, keepdims=True) + 1e-12)
    Rv = R / (Ra + eps)
    cosA = jnp.cos(Ra)
    sinA = jnp.sin(Ra)
    ca = xr_ref[...][:, 3:6]
    l1 = l1_ref[...]
    shift = ca + T
    outs = []
    for b in range(3):
        v = l1[:, 3 * b:3 * b + 3]
        Rdv = jnp.sum(Rv * v, axis=1, keepdims=True)
        cr = jnp.concatenate([
            Rv[:, 1:2] * v[:, 2:3] - Rv[:, 2:3] * v[:, 1:2],
            Rv[:, 2:3] * v[:, 0:1] - Rv[:, 0:1] * v[:, 2:3],
            Rv[:, 0:1] * v[:, 1:2] - Rv[:, 1:2] * v[:, 0:1],
        ], axis=1)
        u_par = Rv * Rdv
        vnew = (v - u_par) * cosA + cr * sinA + u_par
        outs.append(vnew + shift)
    xyz_ref[...] = jnp.concatenate(outs, axis=1)


def _finish(h, agg, l1, xr, p):
    out_shapes = [
        jax.ShapeDtypeStruct((L, L0_OUT), jnp.float32),
        jax.ShapeDtypeStruct((L, 9), jnp.float32),
    ]
    return pl.pallas_call(
        _finish_body,
        out_shape=out_shapes,
    )(h, agg, l1, xr, p['se3_W0'][0], p['se3_W0'][1].reshape(1, -1))



def kernel(msa, pair, xyz, state, idx, top_k, params):
    del top_k
    msa0 = msa[0, 0]
    state0 = state[0]
    xr = xyz[0].reshape(L, 9).astype(jnp.float32)
    xT = xr.T
    pair3 = pair[0]
    idxc = idx[0].astype(jnp.float32).reshape(L, 1)

    h, sW, dW, D, sel, l1, pidx_all = _prep(msa0, state0, xr, xT, params)
    del dW, D, sel
    idxr3 = idxc.reshape(NBLK, 1, BI)
    l13 = l1.reshape(L, 3, 3)
    tab = jnp.concatenate(
        [h, xr[:, 3:6], idxc, jnp.zeros((L, 4), jnp.float32)], axis=1)
    gpair = _sc_gather(pidx_all, pair3.reshape(L * L, D_PAIR))
    q3 = pidx_all.reshape(NBLK, BI, TOPK).transpose(0, 2, 1)
    agg = _edges(gpair, q3, tab, xr, idxr3, sW, l13, params)
    st, xyz9 = _finish(h, agg, l1, xr, params)
    return xyz9.reshape(1, L, 3, 3), st.reshape(1, L, L0_OUT)

# --- scband reference (transcript-rebuilt; emitter-appended) ---
"""Pipeline reference for scband-str2-str-188978561516 (READ-ONLY COPY).

The authoritative reference and input builder live on the scoring server;
editing this copy changes nothing except your own understanding.
"""

import jax, jax.numpy as jnp
import numpy as np

B, N, L = 1, 1, 512
D_MSA, D_PAIR, D_STATE = 256, 128, 16
L0_IN, L0_OUT, D_EDGE = 32, 16, 32
HID = 64
TOP_K = 128

def _lin(key, fin, fout):
    kw, kb = jax.random.split(key)
    w = jax.random.normal(kw, (fin, fout), jnp.float32) / np.sqrt(fin)
    return (w, jnp.zeros((fout,), jnp.float32))

def make_params(key):
    ks = jax.random.split(key, 8)
    p = {}
    p['ln_msa'] = (jnp.ones(D_MSA), jnp.zeros(D_MSA))
    p['ln_pair'] = (jnp.ones(D_PAIR), jnp.zeros(D_PAIR))
    p['ln_state'] = (jnp.ones(D_STATE), jnp.zeros(D_STATE))
    p['ln_node'] = (jnp.ones(L0_IN), jnp.zeros(L0_IN))
    p['ln_edge1'] = (jnp.ones(D_EDGE), jnp.zeros(D_EDGE))
    p['ln_edge2'] = (jnp.ones(D_EDGE), jnp.zeros(D_EDGE))
    p['embed_x'] = _lin(ks[0], D_MSA + D_STATE, L0_IN)
    p['embed_e1'] = _lin(ks[1], D_PAIR, D_EDGE)
    p['embed_e2'] = _lin(ks[2], D_EDGE + 36 + 1, D_EDGE)
    p['se3_W1'] = _lin(ks[3], 2 * L0_IN + D_EDGE + 1, HID)
    p['se3_W2'] = _lin(ks[4], HID, L0_IN + 8)
    p['se3_W0'] = _lin(ks[5], 2 * L0_IN, L0_OUT)
    return p

def setup_inputs(seed: int = 0):
    key = jax.random.key(seed)
    ks = jax.random.split(key, 6)
    inp = {}
    inp['msa'] = jax.random.normal(ks[0], (B, N, L, D_MSA), jnp.float32)
    inp['pair'] = jax.random.normal(ks[1], (B, L, L, D_PAIR), jnp.float32)
    inp['xyz'] = jax.random.normal(ks[2], (B, L, 3, 3), jnp.float32) * 5.0
    inp['state'] = jax.random.normal(ks[3], (B, L, D_STATE), jnp.float32)
    inp['idx'] = jnp.arange(B * L, dtype=jnp.int32).reshape(B, L)
    inp['top_k'] = TOP_K
    inp['params'] = make_params(ks[4])
    return inp

def layer_norm(x, gb, eps=1e-5):
    g, b = gb
    mu = x.mean(-1, keepdims=True)
    var = ((x - mu) ** 2).mean(-1, keepdims=True)
    return (x - mu) / jnp.sqrt(var + eps) * g + b

def linear(x, wb):
    return x @ wb[0] + wb[1]

def rbf(D):
    D_mu = jnp.linspace(0.0, 20.0, 36)
    D_sigma = 20.0 / 36
    return jnp.exp(-(((D[..., None] - D_mu) / D_sigma) ** 2))

def get_seqsep(idx):
    seqsep = idx[:, None, :] - idx[:, :, None]
    sign = jnp.sign(seqsep).astype(jnp.float32)
    neigh = jnp.abs(seqsep)
    neigh = jnp.where(neigh > 1, 0, neigh).astype(jnp.float32)
    return (sign * neigh)[..., None]

def cdist(a, b):
    d2 = ((a[:, :, None, :] - b[:, None, :, :]) ** 2).sum(-1)
    return jnp.sqrt(d2 + 1e-8)

def _forward(msa, pair, xyz, state, idx, top_k, params, eps=1e-5):
    p = params
    Bb, Nn, Ll = msa.shape[:3]
    m = layer_norm(msa[:, 0], p['ln_msa'])
    pr = layer_norm(pair, p['ln_pair'])
    st = layer_norm(state, p['ln_state'])
    m = jnp.concatenate([m, st], -1)
    m = layer_norm(linear(m, p['embed_x']), p['ln_node'])
    pr = layer_norm(linear(pr, p['embed_e1']), p['ln_edge1'])
    neighbor = get_seqsep(idx)
    ca = xyz[:, :, 1]
    D = cdist(ca, ca)
    rbf_feat = rbf(D)
    pr = jnp.concatenate([pr, rbf_feat, neighbor], -1)
    pr = layer_norm(linear(pr, p['embed_e2']), p['ln_edge2'])
    # top-k nearest-neighbor graph (make_topk_graph)
    k_static = TOP_K
    Dg = D + jnp.eye(Ll)[None] * 999.9
    Dg = Dg + jnp.zeros((), Dg.dtype) * top_k
    _, E_idx = jax.lax.top_k(-Dg, k_static)
    src = jnp.repeat(jnp.arange(Bb * Ll), k_static)
    dst = (E_idx + (jnp.arange(Bb) * Ll)[:, None, None]).reshape(-1)
    edge_feats = jnp.take_along_axis(pr, E_idx[..., None], axis=2).reshape(Bb * Ll * k_static, -1)
    ca_flat = ca.reshape(Bb * Ll, 3)
    rel_pos = jax.lax.stop_gradient(ca_flat[dst] - ca_flat[src])
    h = m.reshape(Bb * Ll, -1)
    l1_feats = (xyz - ca[:, :, None, :]).reshape(Bb * Ll, -1, 3)
    # SE(3)-equivariant message passing (SE3TransformerWrapper)
    dlen = jnp.sqrt((rel_pos ** 2).sum(-1, keepdims=True) + 1e-8)
    u = rel_pos / (dlen + 1e-6)
    feat = jnp.concatenate([h[src], h[dst], edge_feats, dlen], -1)
    hid = jax.nn.relu(linear(feat, p['se3_W1']))
    out = linear(hid, p['se3_W2'])
    msg_s = out[:, :L0_IN]
    coef = out[:, L0_IN:].reshape(-1, 2, 4)
    basis = jnp.concatenate([u[:, None, :], l1_feats[src]], axis=1)
    msg_v = jnp.einsum('ecb,ebd->ecd', coef, basis)
    BL = Bb * Ll
    agg_s = jax.ops.segment_sum(msg_s, dst, num_segments=BL)
    agg_v = jax.ops.segment_sum(msg_v, dst, num_segments=BL)
    out0 = linear(jnp.concatenate([h, agg_s], -1), p['se3_W0'])
    state_out = out0.reshape(Bb, Ll, -1)
    offset = agg_v.reshape(Bb, Ll, 2, 3) / 100.0
    T = offset[:, :, 0, :]
    R = offset[:, :, 1, :]
    R_angle = jnp.sqrt((R ** 2).sum(-1, keepdims=True) + 1e-12)
    R_vector = (R / (R_angle + eps))[:, :, None, :]
    v = l1_feats.reshape(Bb, Ll, -1, 3)
    R_dot_v = (R_vector * v).sum(-1, keepdims=True)
    R_cross_v = jnp.cross(jnp.broadcast_to(R_vector, v.shape), v, axis=-1)
    v_perp = v - R_vector * R_dot_v
    u_par = R_vector * R_dot_v
    cosA = jnp.cos(R_angle)[:, :, None, :]
    sinA = jnp.sin(R_angle)[:, :, None, :]
    v_new = v_perp * cosA + R_cross_v * sinA + u_par
    xyz_new = v_new + (ca + T)[:, :, None, :]
    return xyz_new, state_out

def reference(msa, pair, xyz, state, idx, top_k, params):
    return _forward(msa, pair, xyz, state, idx, top_k, params)

if __name__ == "__main__":
    import jax
    _d = setup_inputs()
    print(jax.jit(kernel)(*tuple(_d.values())))

</pallas_src>

<mosaic_0001>
#map = affine_map<(d0, d1) -> (0, 0)>
module attributes {stable_mosaic.version = 14 : i64} {
  func.func @k(%arg0: i32, %arg1: i32, %arg2: memref<512x128xi32, #tpu.memory_space<hbm>>, %arg3: memref<262144x128xf32, #tpu.memory_space<hbm>>, %arg4: memref<65536x128xf32, #tpu.memory_space<hbm>>, %arg5: memref<128xi32, #tpu.memory_space<vmem>>, %arg6: memref<128xi32, #tpu.memory_space<vmem>>, %arg7: memref<128x128xf32, #tpu.memory_space<vmem>>, %arg8: memref<128x128xf32, #tpu.memory_space<vmem>>, %arg9: memref<!tpu.dma_semaphore, #tpu.memory_space<semaphore_mem>>, %arg10: memref<!tpu.dma_semaphore, #tpu.memory_space<semaphore_mem>>) attributes {dimension_semantics = [#tpu.dimension_semantics<core_parallel>, #tpu.dimension_semantics<subcore_parallel>], iteration_bounds = array<i64: 2, 16>, scalar_prefetch = 0 : i64, scratch_operands = 6 : i64, tpu.core_type = #tpu.core_type<sc_vector_subcore>, window_params = [{transform_indices = #map}, {transform_indices = #map}, {transform_indices = #map}]} {
    %mul3A = arith.constant 2 : i32
    %mul3A_0 = arith.muli %arg1, %mul3A : i32
    %add3A = arith.addi %mul3A_0, %arg0 : i32
    %mul3A_1 = arith.constant 16 : i32
    %mul3A_2 = arith.muli %add3A, %mul3A_1 : i32
    "tpu.region"() ({
      %run_scoped3A = tpu.sem_alloc : memref<!tpu.dma_semaphore, #tpu.memory_space<semaphore_mem>>
      %dma_start3A_221 = arith.constant 0 : i32
      %dma_start3A_222 = tpu.memref_slice %arg2[%mul3A_2, %dma_start3A_221] : memref<512x128xi32, #tpu.memory_space<hbm>> -> memref<1x128xi32, #tpu.memory_space<hbm>>
      %dma_start3A_223 = tpu.memref_squeeze %dma_start3A_222 : memref<1x128xi32, #tpu.memory_space<hbm>> -> memref<128xi32, #tpu.memory_space<hbm>>
      %dma_start3A_224 = arith.constant 0 : i32
      %dma_start3A_225 = tpu.memref_slice %arg2[%mul3A_2, %dma_start3A_224] : memref<512x128xi32, #tpu.memory_space<hbm>> -> memref<1x128xi32, #tpu.memory_space<hbm>>
      %dma_start3A_226 = tpu.memref_squeeze %dma_start3A_225 : memref<1x128xi32, #tpu.memory_space<hbm>> -> memref<128xi32, #tpu.memory_space<hbm>>
      tpu.enqueue_dma source(%dma_start3A_226 : memref<128xi32, #tpu.memory_space<hbm>>) target(%arg5 : memref<128xi32, #tpu.memory_space<vmem>>) target_semaphore(%run_scoped3A : memref<!tpu.dma_semaphore, #tpu.memory_space<semaphore_mem>>)
      %dma_wait3A_227 = arith.constant 0 : i32
      %dma_wait3A_228 = tpu.memref_slice %arg2[%mul3A_2, %dma_wait3A_227] : memref<512x128xi32, #tpu.memory_space<hbm>> -> memref<1x128xi32, #tpu.memory_space<hbm>>
      %dma_wait3A_229 = tpu.memref_squeeze %dma_wait3A_228 : memref<1x128xi32, #tpu.memory_space<hbm>> -> memref<128xi32, #tpu.memory_space<hbm>>
      %dma_wait3A_230 = arith.constant 0 : i32
      %dma_wait3A_231 = tpu.memref_slice %arg2[%mul3A_2, %dma_wait3A_230] : memref<512x128xi32, #tpu.memory_space<hbm>> -> memref<1x128xi32, #tpu.memory_space<hbm>>
      %dma_wait3A_232 = tpu.memref_squeeze %dma_wait3A_231 : memref<1x128xi32, #tpu.memory_space<hbm>> -> memref<128xi32, #tpu.memory_space<hbm>>
      tpu.wait_dma2 semaphore(%run_scoped3A : memref<!tpu.dma_semaphore, #tpu.memory_space<semaphore_mem>>) src(%dma_wait3A_232 : memref<128xi32, #tpu.memory_space<hbm>>) dst(%arg5 : memref<128xi32, #tpu.memory_space<vmem>>)
      tpu.yield
    }) : () -> ()
    %dma_start3A = arith.constant 0 : i32
    %dma_start3A_3 = arith.constant 0 : i32
    %dma_start3A_4 = tpu.memref_slice %arg3[%dma_start3A, %dma_start3A_3] : memref<262144x128xf32, #tpu.memory_space<hbm>> -> memref<262144x128xf32, #tpu.memory_space<hbm>>
    tpu.enqueue_indirect_dma source(%dma_start3A_4 : memref<262144x128xf32, #tpu.memory_space<hbm>>) target(%arg7 : memref<128x128xf32, #tpu.memory_space<vmem>>) offsets(%arg5 : memref<128xi32, #tpu.memory_space<vmem>>) semaphore(%arg9 : memref<!tpu.dma_semaphore, #tpu.memory_space<semaphore_mem>>)
    %add3A_5 = arith.constant 0 : i32
    %add3A_6 = arith.addi %mul3A_2, %add3A_5 : i32
    %add3A_7 = arith.constant 1 : i32
    %add3A_8 = arith.addi %add3A_6, %add3A_7 : i32
    "tpu.region"() ({
      %run_scoped3A = tpu.sem_alloc : memref<!tpu.dma_semaphore, #tpu.memory_space<semaphore_mem>>
      %dma_start3A_221 = arith.constant 0 : i32
      %dma_start3A_222 = tpu.memref_slice %arg2[%add3A_8, %dma_start3A_221] : memref<512x128xi32, #tpu.memory_space<hbm>> -> memref<1x128xi32, #tpu.memory_space<hbm>>
      %dma_start3A_223 = tpu.memref_squeeze %dma_start3A_222 : memref<1x128xi32, #tpu.memory_space<hbm>> -> memref<128xi32, #tpu.memory_space<hbm>>
      %dma_start3A_224 = arith.constant 0 : i32
      %dma_start3A_225 = tpu.memref_slice %arg2[%add3A_8, %dma_start3A_224] : memref<512x128xi32, #tpu.memory_space<hbm>> -> memref<1x128xi32, #tpu.memory_space<hbm>>
      %dma_start3A_226 = tpu.memref_squeeze %dma_start3A_225 : memref<1x128xi32, #tpu.memory_space<hbm>> -> memref<128xi32, #tpu.memory_space<hbm>>
      tpu.enqueue_dma source(%dma_start3A_226 : memref<128xi32, #tpu.memory_space<hbm>>) target(%arg6 : memref<128xi32, #tpu.memory_space<vmem>>) target_semaphore(%run_scoped3A : memref<!tpu.dma_semaphore, #tpu.memory_space<semaphore_mem>>)
      %dma_wait3A_227 = arith.constant 0 : i32
      %dma_wait3A_228 = tpu.memref_slice %arg2[%add3A_8, %dma_wait3A_227] : memref<512x128xi32, #tpu.memory_space<hbm>> -> memref<1x128xi32, #tpu.memory_space<hbm>>
      %dma_wait3A_229 = tpu.memref_squeeze %dma_wait3A_228 : memref<1x128xi32, #tpu.memory_space<hbm>> -> memref<128xi32, #tpu.memory_space<hbm>>
      %dma_wait3A_230 = arith.constant 0 : i32
      %dma_wait3A_231 = tpu.memref_slice %arg2[%add3A_8, %dma_wait3A_230] : memref<512x128xi32, #tpu.memory_space<hbm>> -> memref<1x128xi32, #tpu.memory_space<hbm>>
      %dma_wait3A_232 = tpu.memref_squeeze %dma_wait3A_231 : memref<1x128xi32, #tpu.memory_space<hbm>> -> memref<128xi32, #tpu.memory_space<hbm>>
      tpu.wait_dma2 semaphore(%run_scoped3A : memref<!tpu.dma_semaphore, #tpu.memory_space<semaphore_mem>>) src(%dma_wait3A_232 : memref<128xi32, #tpu.memory_space<hbm>>) dst(%arg6 : memref<128xi32, #tpu.memory_space<vmem>>)
      tpu.yield
    }) : () -> ()
    %dma_start3A_9 = arith.constant 0 : i32
    %dma_start3A_10 = arith.constant 0 : i32
    %dma_start3A_11 = tpu.memref_slice %arg3[%dma_start3A_9, %dma_start3A_10] : memref<262144x128xf32, #tpu.memory_space<hbm>> -> memref<262144x128xf32, #tpu.memory_space<hbm>>
    tpu.enqueue_indirect_dma source(%dma_start3A_11 : memref<262144x128xf32, #tpu.memory_space<hbm>>) target(%arg8 : memref<128x128xf32, #tpu.memory_space<vmem>>) offsets(%arg6 : memref<128xi32, #tpu.memory_space<vmem>>) semaphore(%arg10 : memref<!tpu.dma_semaphore, #tpu.memory_space<semaphore_mem>>)
    %dma_wait3A = arith.constant 0 : i32
    %dma_wait3A_12 = arith.constant 0 : i32
    %dma_wait3A_13 = tpu.memref_slice %arg3[%dma_wait3A, %dma_wait3A_12] : memref<262144x128xf32, #tpu.memory_space<hbm>> -> memref<262144x128xf32, #tpu.memory_space<hbm>>
    tpu.wait_indirect_dma semaphore(%arg9 : memref<!tpu.dma_semaphore, #tpu.memory_space<semaphore_mem>>) src(%dma_wait3A_13 : memref<262144x128xf32, #tpu.memory_space<hbm>>) dst(%arg7 : memref<128x128xf32, #tpu.memory_space<vmem>>)
    %add3A_14 = arith.constant 0 : i32
    %add3A_15 = arith.addi %mul3A_2, %add3A_14 : i32
    %mul3A_16 = arith.constant 128 : i32
    %mul3A_17 = arith.muli %add3A_15, %mul3A_16 : i32
    "tpu.region"() ({
      %run_scoped3A = tpu.sem_alloc : memref<!tpu.dma_semaphore, #tpu.memory_space<semaphore_mem>>
      %dma_start3A_221 = arith.constant 0 : i32
      %dma_start3A_222 = tpu.memref_slice %arg4[%mul3A_17, %dma_start3A_221] : memref<65536x128xf32, #tpu.memory_space<hbm>> -> memref<128x128xf32, #tpu.memory_space<hbm>>
      %dma_start3A_223 = arith.constant 0 : i32
      %dma_start3A_224 = tpu.memref_slice %arg4[%mul3A_17, %dma_start3A_223] : memref<65536x128xf32, #tpu.memory_space<hbm>> -> memref<128x128xf32, #tpu.memory_space<hbm>>
      tpu.enqueue_dma source(%arg7 : memref<128x128xf32, #tpu.memory_space<vmem>>) target(%dma_start3A_224 : memref<128x128xf32, #tpu.memory_space<hbm>>) target_semaphore(%run_scoped3A : memref<!tpu.dma_semaphore, #tpu.memory_space<semaphore_mem>>)
      %dma_wait3A_225 = arith.constant 0 : i32
      %dma_wait3A_226 = tpu.memref_slice %arg4[%mul3A_17, %dma_wait3A_225] : memref<65536x128xf32, #tpu.memory_space<hbm>> -> memref<128x128xf32, #tpu.memory_space<hbm>>
      %dma_wait3A_227 = arith.constant 0 : i32
      %dma_wait3A_228 = tpu.memref_slice %arg4[%mul3A_17, %dma_wait3A_227] : memref<65536x128xf32, #tpu.memory_space<hbm>> -> memref<128x128xf32, #tpu.memory_space<hbm>>
      tpu.wait_dma2 semaphore(%run_scoped3A : memref<!tpu.dma_semaphore, #tpu.memory_space<semaphore_mem>>) src(%arg7 : memref<128x128xf32, #tpu.memory_space<vmem>>) dst(%dma_wait3A_228 : memref<128x128xf32, #tpu.memory_space<hbm>>)
      tpu.yield
    }) : () -> ()
    %add3A_18 = arith.constant 1 : i32
    %add3A_19 = arith.addi %mul3A_2, %add3A_18 : i32
    %add3A_20 = arith.constant 1 : i32
    %add3A_21 = arith.addi %add3A_19, %add3A_20 : i32
    "tpu.region"() ({
      %run_scoped3A = tpu.sem_alloc : memref<!tpu.dma_semaphore, #tpu.memory_space<semaphore_mem>>
      %dma_start3A_221 = arith.constant 0 : i32
      %dma_start3A_222 = tpu.memref_slice %arg2[%add3A_21, %dma_start3A_221] : memref<512x128xi32, #tpu.memory_space<hbm>> -> memref<1x128xi32, #tpu.memory_space<hbm>>
      %dma_start3A_223 = tpu.memref_squeeze %dma_start3A_222 : memref<1x128xi32, #tpu.memory_space<hbm>> -> memref<128xi32, #tpu.memory_space<hbm>>
      %dma_start3A_224 = arith.constant 0 : i32
      %dma_start3A_225 = tpu.memref_slice %arg2[%add3A_21, %dma_start3A_224] : memref<512x128xi32, #tpu.memory_space<hbm>> -> memref<1x128xi32, #tpu.memory_space<hbm>>
      %dma_start3A_226 = tpu.memref_squeeze %dma_start3A_225 : memref<1x128xi32, #tpu.memory_space<hbm>> -> memref<128xi32, #tpu.memory_space<hbm>>
      tpu.enqueue_dma source(%dma_start3A_226 : memref<128xi32, #tpu.memory_space<hbm>>) target(%arg5 : memref<128xi32, #tpu.memory_space<vmem>>) target_semaphore(%run_scoped3A : memref<!tpu.dma_semaphore, #tpu.memory_space<semaphore_mem>>)
      %dma_wait3A_227 = arith.constant 0 : i32
      %dma_wait3A_228 = tpu.memref_slice %arg2[%add3A_21, %dma_wait3A_227] : memref<512x128xi32, #tpu.memory_space<hbm>> -> memref<1x128xi32, #tpu.memory_space<hbm>>
      %dma_wait3A_229 = tpu.memref_squeeze %dma_wait3A_228 : memref<1x128xi32, #tpu.memory_space<hbm>> -> memref<128xi32, #tpu.memory_space<hbm>>
      %dma_wait3A_230 = arith.constant 0 : i32
      %dma_wait3A_231 = tpu.memref_slice %arg2[%add3A_21, %dma_wait3A_230] : memref<512x128xi32, #tpu.memory_space<hbm>> -> memref<1x128xi32, #tpu.memory_space<hbm>>
      %dma_wait3A_232 = tpu.memref_squeeze %dma_wait3A_231 : memref<1x128xi32, #tpu.memory_space<hbm>> -> memref<128xi32, #tpu.memory_space<hbm>>
      tpu.wait_dma2 semaphore(%run_scoped3A : memref<!tpu.dma_semaphore, #tpu.memory_space<semaphore_mem>>) src(%dma_wait3A_232 : memref<128xi32, #tpu.memory_space<hbm>>) dst(%arg5 : memref<128xi32, #tpu.memory_space<vmem>>)
      tpu.yield
    }) : () -> ()
    %dma_start3A_22 = arith.constant 0 : i32
    %dma_start3A_23 = arith.constant 0 : i32
    %dma_start3A_24 = tpu.memref_slice %arg3[%dma_start3A_22, %dma_start3A_23] : memref<262144x128xf32, #tpu.memory_space<hbm>> -> memref<262144x128xf32, #tpu.memory_space<hbm>>
    tpu.enqueue_indirect_dma source(%dma_start3A_24 : memref<262144x128xf32, #tpu.memory_space<hbm>>) target(%arg7 : memref<128x128xf32, #tpu.memory_space<vmem>>) offsets(%arg5 : memref<128xi32, #tpu.memory_space<vmem>>) semaphore(%arg9 : memref<!tpu.dma_semaphore, #tpu.memory_space<semaphore_mem>>)
    %dma_wait3A_25 = arith.constant 0 : i32
    %dma_wait3A_26 = arith.constant 0 : i32
    %dma_wait3A_27 = tpu.memref_slice %arg3[%dma_wait3A_25, %dma_wait3A_26] : memref<262144x128xf32, #tpu.memory_space<hbm>> -> memref<262144x128xf32, #tpu.memory_space<hbm>>
    tpu.wait_indirect_dma semaphore(%arg10 : memref<!tpu.dma_semaphore, #tpu.memory_space<semaphore_mem>>) src(%dma_wait3A_27 : memref<262144x128xf32, #tpu.memory_space<hbm>>) dst(%arg8 : memref<128x128xf32, #tpu.memory_space<vmem>>)
    %add3A_28 = arith.constant 1 : i32
    %add3A_29 = arith.addi %mul3A_2, %add3A_28 : i32
    %mul3A_30 = arith.constant 128 : i32
    %mul3A_31 = arith.muli %add3A_29, %mul3A_30 : i32
    "tpu.region"() ({
      %run_scoped3A = tpu.sem_alloc : memref<!tpu.dma_semaphore, #tpu.memory_space<semaphore_mem>>
      %dma_start3A_221 = arith.constant 0 : i32
      %dma_start3A_222 = tpu.memref_slice %arg4[%mul3A_31, %dma_start3A_221] : memref<65536x128xf32, #tpu.memory_space<hbm>> -> memref<128x128xf32, #tpu.memory_space<hbm>>
      %dma_start3A_223 = arith.constant 0 : i32
      %dma_start3A_224 = tpu.memref_slice %arg4[%mul3A_31, %dma_start3A_223] : memref<65536x128xf32, #tpu.memory_space<hbm>> -> memref<128x128xf32, #tpu.memory_space<hbm>>
      tpu.enqueue_dma source(%arg8 : memref<128x128xf32, #tpu.memory_space<vmem>>) target(%dma_start3A_224 : memref<128x128xf32, #tpu.memory_space<hbm>>) target_semaphore(%run_scoped3A : memref<!tpu.dma_semaphore, #tpu.memory_space<semaphore_mem>>)
      %dma_wait3A_225 = arith.constant 0 : i32
      %dma_wait3A_226 = tpu.memref_slice %arg4[%mul3A_31, %dma_wait3A_225] : memref<65536x128xf32, #tpu.memory_space<hbm>> -> memref<128x128xf32, #tpu.memory_space<hbm>>
      %dma_wait3A_227 = arith.constant 0 : i32
      %dma_wait3A_228 = tpu.memref_slice %arg4[%mul3A_31, %dma_wait3A_227] : memref<65536x128xf32, #tpu.memory_space<hbm>> -> memref<128x128xf32, #tpu.memory_space<hbm>>
      tpu.wait_dma2 semaphore(%run_scoped3A : memref<!tpu.dma_semaphore, #tpu.memory_space<semaphore_mem>>) src(%arg8 : memref<128x128xf32, #tpu.memory_space<vmem>>) dst(%dma_wait3A_228 : memref<128x128xf32, #tpu.memory_space<hbm>>)
      tpu.yield
    }) : () -> ()
    %add3A_32 = arith.constant 2 : i32
    %add3A_33 = arith.addi %mul3A_2, %add3A_32 : i32
    %add3A_34 = arith.constant 1 : i32
    %add3A_35 = arith.addi %add3A_33, %add3A_34 : i32
    "tpu.region"() ({
      %run_scoped3A = tpu.sem_alloc : memref<!tpu.dma_semaphore, #tpu.memory_space<semaphore_mem>>
      %dma_start3A_221 = arith.constant 0 : i32
      %dma_start3A_222 = tpu.memref_slice %arg2[%add3A_35, %dma_start3A_221] : memref<512x128xi32, #tpu.memory_space<hbm>> -> memref<1x128xi32, #tpu.memory_space<hbm>>
      %dma_start3A_223 = tpu.memref_squeeze %dma_start3A_222 : memref<1x128xi32, #tpu.memory_space<hbm>> -> memref<128xi32, #tpu.memory_space<hbm>>
      %dma_start3A_224 = arith.constant 0 : i32
      %dma_start3A_225 = tpu.memref_slice %arg2[%add3A_35, %dma_start3A_224] : memref<512x128xi32, #tpu.memory_space<hbm>> -> memref<1x128xi32, #tpu.memory_space<hbm>>
      %dma_start3A_226 = tpu.memref_squeeze %dma_start3A_225 : memref<1x128xi32, #tpu.memory_space<hbm>> -> memref<128xi32, #tpu.memory_space<hbm>>
      tpu.enqueue_dma source(%dma_start3A_226 : memref<128xi32, #tpu.memory_space<hbm>>) target(%arg6 : memref<128xi32, #tpu.memory_space<vmem>>) target_semaphore(%run_scoped3A : memref<!tpu.dma_semaphore, #tpu.memory_space<semaphore_mem>>)
      %dma_wait3A_227 = arith.constant 0 : i32
      %dma_wait3A_228 = tpu.memref_slice %arg2[%add3A_35, %dma_wait3A_227] : memref<512x128xi32, #tpu.memory_space<hbm>> -> memref<1x128xi32, #tpu.memory_space<hbm>>
      %dma_wait3A_229 = tpu.memref_squeeze %dma_wait3A_228 : memref<1x128xi32, #tpu.memory_space<hbm>> -> memref<128xi32, #tpu.memory_space<hbm>>
      %dma_wait3A_230 = arith.constant 0 : i32
      %dma_wait3A_231 = tpu.memref_slice %arg2[%add3A_35, %dma_wait3A_230] : memref<512x128xi32, #tpu.memory_space<hbm>> -> memref<1x128xi32, #tpu.memory_space<hbm>>
      %dma_wait3A_232 = tpu.memref_squeeze %dma_wait3A_231 : memref<1x128xi32, #tpu.memory_space<hbm>> -> memref<128xi32, #tpu.memory_space<hbm>>
      tpu.wait_dma2 semaphore(%run_scoped3A : memref<!tpu.dma_semaphore, #tpu.memory_space<semaphore_mem>>) src(%dma_wait3A_232 : memref<128xi32, #tpu.memory_space<hbm>>) dst(%arg6 : memref<128xi32, #tpu.memory_space<vmem>>)
      tpu.yield
    }) : () -> ()
    %dma_start3A_36 = arith.constant 0 : i32
    %dma_start3A_37 = arith.constant 0 : i32
    %dma_start3A_38 = tpu.memref_slice %arg3[%dma_start3A_36, %dma_start3A_37] : memref<262144x128xf32, #tpu.memory_space<hbm>> -> memref<262144x128xf32, #tpu.memory_space<hbm>>
    tpu.enqueue_indirect_dma source(%dma_start3A_38 : memref<262144x128xf32, #tpu.memory_space<hbm>>) target(%arg8 : memref<128x128xf32, #tpu.memory_space<vmem>>) offsets(%arg6 : memref<128xi32, #tpu.memory_space<vmem>>) semaphore(%arg10 : memref<!tpu.dma_semaphore, #tpu.memory_space<semaphore_mem>>)
    %dma_wait3A_39 = arith.constant 0 : i32
    %dma_wait3A_40 = arith.constant 0 : i32
    %dma_wait3A_41 = tpu.memref_slice %arg3[%dma_wait3A_39, %dma_wait3A_40] : memref<262144x128xf32, #tpu.memory_space<hbm>> -> memref<262144x128xf32, #tpu.memory_space<hbm>>
    tpu.wait_indirect_dma semaphore(%arg9 : memref<!tpu.dma_semaphore, #tpu.memory_space<semaphore_mem>>) src(%dma_wait3A_41 : memref<262144x128xf32, #tpu.memory_space<hbm>>) dst(%arg7 : memref<128x128xf32, #tpu.memory_space<vmem>>)
    %add3A_42 = arith.constant 2 : i32
    %add3A_43 = arith.addi %mul3A_2, %add3A_42 : i32
    %mul3A_44 = arith.constant 128 : i32
    %mul3A_45 = arith.muli %add3A_43, %mul3A_44 : i32
    "tpu.region"() ({
      %run_scoped3A = tpu.sem_alloc : memref<!tpu.dma_semaphore, #tpu.memory_space<semaphore_mem>>
      %dma_start3A_221 = arith.constant 0 : i32
      %dma_start3A_222 = tpu.memref_slice %arg4[%mul3A_45, %dma_start3A_221] : memref<65536x128xf32, #tpu.memory_space<hbm>> -> memref<128x128xf32, #tpu.memory_space<hbm>>
      %dma_start3A_223 = arith.constant 0 : i32
      %dma_start3A_224 = tpu.memref_slice %arg4[%mul3A_45, %dma_start3A_223] : memref<65536x128xf32, #tpu.memory_space<hbm>> -> memref<128x128xf32, #tpu.memory_space<hbm>>
      tpu.enqueue_dma source(%arg7 : memref<128x128xf32, #tpu.memory_space<vmem>>) target(%dma_start3A_224 : memref<128x128xf32, #tpu.memory_space<hbm>>) target_semaphore(%run_scoped3A : memref<!tpu.dma_semaphore, #tpu.memory_space<semaphore_mem>>)
      %dma_wait3A_225 = arith.constant 0 : i32
      %dma_wait3A_226 = tpu.memref_slice %arg4[%mul3A_45, %dma_wait3A_225] : memref<65536x128xf32, #tpu.memory_space<hbm>> -> memref<128x128xf32, #tpu.memory_space<hbm>>
      %dma_wait3A_227 = arith.constant 0 : i32
      %dma_wait3A_228 = tpu.memref_slice %arg4[%mul3A_45, %dma_wait3A_227] : memref<65536x128xf32, #tpu.memory_space<hbm>> -> memref<128x128xf32, #tpu.memory_space<hbm>>
      tpu.wait_dma2 semaphore(%run_scoped3A : memref<!tpu.dma_semaphore, #tpu.memory_space<semaphore_mem>>) src(%arg7 : memref<128x128xf32, #tpu.memory_space<vmem>>) dst(%dma_wait3A_228 : memref<128x128xf32, #tpu.memory_space<hbm>>)
      tpu.yield
    }) : () -> ()
    %add3A_46 = arith.constant 3 : i32
    %add3A_47 = arith.addi %mul3A_2, %add3A_46 : i32
    %add3A_48 = arith.constant 1 : i32
    %add3A_49 = arith.addi %add3A_47, %add3A_48 : i32
    "tpu.region"() ({
      %run_scoped3A = tpu.sem_alloc : memref<!tpu.dma_semaphore, #tpu.memory_space<semaphore_mem>>
      %dma_start3A_221 = arith.constant 0 : i32
      %dma_start3A_222 = tpu.memref_slice %arg2[%add3A_49, %dma_start3A_221] : memref<512x128xi32, #tpu.memory_space<hbm>> -> memref<1x128xi32, #tpu.memory_space<hbm>>
      %dma_start3A_223 = tpu.memref_squeeze %dma_start3A_222 : memref<1x128xi32, #tpu.memory_space<hbm>> -> memref<128xi32, #tpu.memory_space<hbm>>
      %dma_start3A_224 = arith.constant 0 : i32
      %dma_start3A_225 = tpu.memref_slice %arg2[%add3A_49, %dma_start3A_224] : memref<512x128xi32, #tpu.memory_space<hbm>> -> memref<1x128xi32, #tpu.memory_space<hbm>>
      %dma_start3A_226 = tpu.memref_squeeze %dma_start3A_225 : memref<1x128xi32, #tpu.memory_space<hbm>> -> memref<128xi32, #tpu.memory_space<hbm>>
      tpu.enqueue_dma source(%dma_start3A_226 : memref<128xi32, #tpu.memory_space<hbm>>) target(%arg5 : memref<128xi32, #tpu.memory_space<vmem>>) target_semaphore(%run_scoped3A : memref<!tpu.dma_semaphore, #tpu.memory_space<semaphore_mem>>)
      %dma_wait3A_227 = arith.constant 0 : i32
      %dma_wait3A_228 = tpu.memref_slice %arg2[%add3A_49, %dma_wait3A_227] : memref<512x128xi32, #tpu.memory_space<hbm>> -> memref<1x128xi32, #tpu.memory_space<hbm>>
      %dma_wait3A_229 = tpu.memref_squeeze %dma_wait3A_228 : memref<1x128xi32, #tpu.memory_space<hbm>> -> memref<128xi32, #tpu.memory_space<hbm>>
      %dma_wait3A_230 = arith.constant 0 : i32
      %dma_wait3A_231 = tpu.memref_slice %arg2[%add3A_49, %dma_wait3A_230] : memref<512x128xi32, #tpu.memory_space<hbm>> -> memref<1x128xi32, #tpu.memory_space<hbm>>
      %dma_wait3A_232 = tpu.memref_squeeze %dma_wait3A_231 : memref<1x128xi32, #tpu.memory_space<hbm>> -> memref<128xi32, #tpu.memory_space<hbm>>
      tpu.wait_dma2 semaphore(%run_scoped3A : memref<!tpu.dma_semaphore, #tpu.memory_space<semaphore_mem>>) src(%dma_wait3A_232 : memref<128xi32, #tpu.memory_space<hbm>>) dst(%arg5 : memref<128xi32, #tpu.memory_space<vmem>>)
      tpu.yield
    }) : () -> ()
    %dma_start3A_50 = arith.constant 0 : i32
    %dma_start3A_51 = arith.constant 0 : i32
    %dma_start3A_52 = tpu.memref_slice %arg3[%dma_start3A_50, %dma_start3A_51] : memref<262144x128xf32, #tpu.memory_space<hbm>> -> memref<262144x128xf32, #tpu.memory_space<hbm>>
    tpu.enqueue_indirect_dma source(%dma_start3A_52 : memref<262144x128xf32, #tpu.memory_space<hbm>>) target(%arg7 : memref<128x128xf32, #tpu.memory_space<vmem>>) offsets(%arg5 : memref<128xi32, #tpu.memory_space<vmem>>) semaphore(%arg9 : memref<!tpu.dma_semaphore, #tpu.memory_space<semaphore_mem>>)
    %dma_wait3A_53 = arith.constant 0 : i32
    %dma_wait3A_54 = arith.constant 0 : i32
    %dma_wait3A_55 = tpu.memref_slice %arg3[%dma_wait3A_53, %dma_wait3A_54] : memref<262144x128xf32, #tpu.memory_space<hbm>> -> memref<262144x128xf32, #tpu.memory_space<hbm>>
    tpu.wait_indirect_dma semaphore(%arg10 : memref<!tpu.dma_semaphore, #tpu.memory_space<semaphore_mem>>) src(%dma_wait3A_55 : memref<262144x128xf32, #tpu.memory_space<hbm>>) dst(%arg8 : memref<128x128xf32, #tpu.memory_space<vmem>>)
    %add3A_56 = arith.constant 3 : i32
    %add3A_57 = arith.addi %mul3A_2, %add3A_56 : i32
    %mul3A_58 = arith.constant 128 : i32
    %mul3A_59 = arith.muli %add3A_57, %mul3A_58 : i32
    "tpu.region"() ({
      %run_scoped3A = tpu.sem_alloc : memref<!tpu.dma_semaphore, #tpu.memory_space<semaphore_mem>>
      %dma_start3A_221 = arith.constant 0 : i32
      %dma_start3A_222 = tpu.memref_slice %arg4[%mul3A_59, %dma_start3A_221] : memref<65536x128xf32, #tpu.memory_space<hbm>> -> memref<128x128xf32, #tpu.memory_space<hbm>>
      %dma_start3A_223 = arith.constant 0 : i32
      %dma_start3A_224 = tpu.memref_slice %arg4[%mul3A_59, %dma_start3A_223] : memref<65536x128xf32, #tpu.memory_space<hbm>> -> memref<128x128xf32, #tpu.memory_space<hbm>>
      tpu.enqueue_dma source(%arg8 : memref<128x128xf32, #tpu.memory_space<vmem>>) target(%dma_start3A_224 : memref<128x128xf32, #tpu.memory_space<hbm>>) target_semaphore(%run_scoped3A : memref<!tpu.dma_semaphore, #tpu.memory_space<semaphore_mem>>)
      %dma_wait3A_225 = arith.constant 0 : i32
      %dma_wait3A_226 = tpu.memref_slice %arg4[%mul3A_59, %dma_wait3A_225] : memref<65536x128xf32, #tpu.memory_space<hbm>> -> memref<128x128xf32, #tpu.memory_space<hbm>>
      %dma_wait3A_227 = arith.constant 0 : i32
      %dma_wait3A_228 = tpu.memref_slice %arg4[%mul3A_59, %dma_wait3A_227] : memref<65536x128xf32, #tpu.memory_space<hbm>> -> memref<128x128xf32, #tpu.memory_space<hbm>>
      tpu.wait_dma2 semaphore(%run_scoped3A : memref<!tpu.dma_semaphore, #tpu.memory_space<semaphore_mem>>) src(%arg8 : memref<128x128xf32, #tpu.memory_space<vmem>>) dst(%dma_wait3A_228 : memref<128x128xf32, #tpu.memory_space<hbm>>)
      tpu.yield
    }) : () -> ()
    %add3A_60 = arith.constant 4 : i32
    %add3A_61 = arith.addi %mul3A_2, %add3A_60 : i32
    %add3A_62 = arith.constant 1 : i32
    %add3A_63 = arith.addi %add3A_61, %add3A_62 : i32
    "tpu.region"() ({
      %run_scoped3A = tpu.sem_alloc : memref<!tpu.dma_semaphore, #tpu.memory_space<semaphore_mem>>
      %dma_start3A_221 = arith.constant 0 : i32
      %dma_start3A_222 = tpu.memref_slice %arg2[%add3A_63, %dma_start3A_221] : memref<512x128xi32, #tpu.memory_space<hbm>> -> memref<1x128xi32, #tpu.memory_space<hbm>>
      %dma_start3A_223 = tpu.memref_squeeze %dma_start3A_222 : memref<1x128xi32, #tpu.memory_space<hbm>> -> memref<128xi32, #tpu.memory_space<hbm>>
      %dma_start3A_224 = arith.constant 0 : i32
      %dma_start3A_225 = tpu.memref_slice %arg2[%add3A_63, %dma_start3A_224] : memref<512x128xi32, #tpu.memory_space<hbm>> -> memref<1x128xi32, #tpu.memory_space<hbm>>
      %dma_start3A_226 = tpu.memref_squeeze %dma_start3A_225 : memref<1x128xi32, #tpu.memory_space<hbm>> -> memref<128xi32, #tpu.memory_space<hbm>>
      tpu.enqueue_dma source(%dma_start3A_226 : memref<128xi32, #tpu.memory_space<hbm>>) target(%arg6 : memref<128xi32, #tpu.memory_space<vmem>>) target_semaphore(%run_scoped3A : memref<!tpu.dma_semaphore, #tpu.memory_space<semaphore_mem>>)
      %dma_wait3A_227 = arith.constant 0 : i32
      %dma_wait3A_228 = tpu.memref_slice %arg2[%add3A_63, %dma_wait3A_227] : memref<512x128xi32, #tpu.memory_space<hbm>> -> memref<1x128xi32, #tpu.memory_space<hbm>>
      %dma_wait3A_229 = tpu.memref_squeeze %dma_wait3A_228 : memref<1x128xi32, #tpu.memory_space<hbm>> -> memref<128xi32, #tpu.memory_space<hbm>>
      %dma_wait3A_230 = arith.constant 0 : i32
      %dma_wait3A_231 = tpu.memref_slice %arg2[%add3A_63, %dma_wait3A_230] : memref<512x128xi32, #tpu.memory_space<hbm>> -> memref<1x128xi32, #tpu.memory_space<hbm>>
      %dma_wait3A_232 = tpu.memref_squeeze %dma_wait3A_231 : memref<1x128xi32, #tpu.memory_space<hbm>> -> memref<128xi32, #tpu.memory_space<hbm>>
      tpu.wait_dma2 semaphore(%run_scoped3A : memref<!tpu.dma_semaphore, #tpu.memory_space<semaphore_mem>>) src(%dma_wait3A_232 : memref<128xi32, #tpu.memory_space<hbm>>) dst(%arg6 : memref<128xi32, #tpu.memory_space<vmem>>)
      tpu.yield
    }) : () -> ()
    %dma_start3A_64 = arith.constant 0 : i32
    %dma_start3A_65 = arith.constant 0 : i32
    %dma_start3A_66 = tpu.memref_slice %arg3[%dma_start3A_64, %dma_start3A_65] : memref<262144x128xf32, #tpu.memory_space<hbm>> -> memref<262144x128xf32, #tpu.memory_space<hbm>>
    tpu.enqueue_indirect_dma source(%dma_start3A_66 : memref<262144x128xf32, #tpu.memory_space<hbm>>) target(%arg8 : memref<128x128xf32, #tpu.memory_space<vmem>>) offsets(%arg6 : memref<128xi32, #tpu.memory_space<vmem>>) semaphore(%arg10 : memref<!tpu.dma_semaphore, #tpu.memory_space<semaphore_mem>>)
    %dma_wait3A_67 = arith.constant 0 : i32
    %dma_wait3A_68 = arith.constant 0 : i32
    %dma_wait3A_69 = tpu.memref_slice %arg3[%dma_wait3A_67, %dma_wait3A_68] : memref<262144x128xf32, #tpu.memory_space<hbm>> -> memref<262144x128xf32, #tpu.memory_space<hbm>>
    tpu.wait_indirect_dma semaphore(%arg9 : memref<!tpu.dma_semaphore, #tpu.memory_space<semaphore_mem>>) src(%dma_wait3A_69 : memref<262144x128xf32, #tpu.memory_space<hbm>>) dst(%arg7 : memref<128x128xf32, #tpu.memory_space<vmem>>)
    %add3A_70 = arith.constant 4 : i32
    %add3A_71 = arith.addi %mul3A_2, %add3A_70 : i32
    %mul3A_72 = arith.constant 128 : i32
    %mul3A_73 = arith.muli %add3A_71, %mul3A_72 : i32
    "tpu.region"() ({
      %run_scoped3A = tpu.sem_alloc : memref<!tpu.dma_semaphore, #tpu.memory_space<semaphore_mem>>
      %dma_start3A_221 = arith.constant 0 : i32
      %dma_start3A_222 = tpu.memref_slice %arg4[%mul3A_73, %dma_start3A_221] : memref<65536x128xf32, #tpu.memory_space<hbm>> -> memref<128x128xf32, #tpu.memory_space<hbm>>
      %dma_start3A_223 = arith.constant 0 : i32
      %dma_start3A_224 = tpu.memref_slice %arg4[%mul3A_73, %dma_start3A_223] : memref<65536x128xf32, #tpu.memory_space<hbm>> -> memref<128x128xf32, #tpu.memory_space<hbm>>
      tpu.enqueue_dma source(%arg7 : memref<128x128xf32, #tpu.memory_space<vmem>>) target(%dma_start3A_224 : memref<128x128xf32, #tpu.memory_space<hbm>>) target_semaphore(%run_scoped3A : memref<!tpu.dma_semaphore, #tpu.memory_space<semaphore_mem>>)
      %dma_wait3A_225 = arith.constant 0 : i32
      %dma_wait3A_226 = tpu.memref_slice %arg4[%mul3A_73, %dma_wait3A_225] : memref<65536x128xf32, #tpu.memory_space<hbm>> -> memref<128x128xf32, #tpu.memory_space<hbm>>
      %dma_wait3A_227 = arith.constant 0 : i32
      %dma_wait3A_228 = tpu.memref_slice %arg4[%mul3A_73, %dma_wait3A_227] : memref<65536x128xf32, #tpu.memory_space<hbm>> -> memref<128x128xf32, #tpu.memory_space<hbm>>
      tpu.wait_dma2 semaphore(%run_scoped3A : memref<!tpu.dma_semaphore, #tpu.memory_space<semaphore_mem>>) src(%arg7 : memref<128x128xf32, #tpu.memory_space<vmem>>) dst(%dma_wait3A_228 : memref<128x128xf32, #tpu.memory_space<hbm>>)
      tpu.yield
    }) : () -> ()
    %add3A_74 = arith.constant 5 : i32
    %add3A_75 = arith.addi %mul3A_2, %add3A_74 : i32
    %add3A_76 = arith.constant 1 : i32
    %add3A_77 = arith.addi %add3A_75, %add3A_76 : i32
    "tpu.region"() ({
      %run_scoped3A = tpu.sem_alloc : memref<!tpu.dma_semaphore, #tpu.memory_space<semaphore_mem>>
      %dma_start3A_221 = arith.constant 0 : i32
      %dma_start3A_222 = tpu.memref_slice %arg2[%add3A_77, %dma_start3A_221] : memref<512x128xi32, #tpu.memory_space<hbm>> -> memref<1x128xi32, #tpu.memory_space<hbm>>
      %dma_start3A_223 = tpu.memref_squeeze %dma_start3A_222 : memref<1x128xi32, #tpu.memory_space<hbm>> -> memref<128xi32, #tpu.memory_space<hbm>>
      %dma_start3A_224 = arith.constant 0 : i32
      %dma_start3A_225 = tpu.memref_slice %arg2[%add3A_77, %dma_start3A_224] : memref<512x128xi32, #tpu.memory_space<hbm>> -> memref<1x128xi32, #tpu.memory_space<hbm>>
      %dma_start3A_226 = tpu.memref_squeeze %dma_start3A_225 : memref<1x128xi32, #tpu.memory_space<hbm>> -> memref<128xi32, #tpu.memory_space<hbm>>
      tpu.enqueue_dma source(%dma_start3A_226 : memref<128xi32, #tpu.memory_space<hbm>>) target(%arg5 : memref<128xi32, #tpu.memory_space<vmem>>) target_semaphore(%run_scoped3A : memref<!tpu.dma_semaphore, #tpu.memory_space<semaphore_mem>>)
      %dma_wait3A_227 = arith.constant 0 : i32
      %dma_wait3A_228 = tpu.memref_slice %arg2[%add3A_77, %dma_wait3A_227] : memref<512x128xi32, #tpu.memory_space<hbm>> -> memref<1x128xi32, #tpu.memory_space<hbm>>
      %dma_wait3A_229 = tpu.memref_squeeze %dma_wait3A_228 : memref<1x128xi32, #tpu.memory_space<hbm>> -> memref<128xi32, #tpu.memory_space<hbm>>
      %dma_wait3A_230 = arith.constant 0 : i32
      %dma_wait3A_231 = tpu.memref_slice %arg2[%add3A_77, %dma_wait3A_230] : memref<512x128xi32, #tpu.memory_space<hbm>> -> memref<1x128xi32, #tpu.memory_space<hbm>>
      %dma_wait3A_232 = tpu.memref_squeeze %dma_wait3A_231 : memref<1x128xi32, #tpu.memory_space<hbm>> -> memref<128xi32, #tpu.memory_space<hbm>>
      tpu.wait_dma2 semaphore(%run_scoped3A : memref<!tpu.dma_semaphore, #tpu.memory_space<semaphore_mem>>) src(%dma_wait3A_232 : memref<128xi32, #tpu.memory_space<hbm>>) dst(%arg5 : memref<128xi32, #tpu.memory_space<vmem>>)
      tpu.yield
    }) : () -> ()
    %dma_start3A_78 = arith.constant 0 : i32
    %dma_start3A_79 = arith.constant 0 : i32
    %dma_start3A_80 = tpu.memref_slice %arg3[%dma_start3A_78, %dma_start3A_79] : memref<262144x128xf32, #tpu.memory_space<hbm>> -> memref<262144x128xf32, #tpu.memory_space<hbm>>
    tpu.enqueue_indirect_dma source(%dma_start3A_80 : memref<262144x128xf32, #tpu.memory_space<hbm>>) target(%arg7 : memref<128x128xf32, #tpu.memory_space<vmem>>) offsets(%arg5 : memref<128xi32, #tpu.memory_space<vmem>>) semaphore(%arg9 : memref<!tpu.dma_semaphore, #tpu.memory_space<semaphore_mem>>)
    %dma_wait3A_81 = arith.constant 0 : i32
    %dma_wait3A_82 = arith.constant 0 : i32
    %dma_wait3A_83 = tpu.memref_slice %arg3[%dma_wait3A_81, %dma_wait3A_82] : memref<262144x128xf32, #tpu.memory_space<hbm>> -> memref<262144x128xf32, #tpu.memory_space<hbm>>
    tpu.wait_indirect_dma semaphore(%arg10 : memref<!tpu.dma_semaphore, #tpu.memory_space<semaphore_mem>>) src(%dma_wait3A_83 : memref<262144x128xf32, #tpu.memory_space<hbm>>) dst(%arg8 : memref<128x128xf32, #tpu.memory_space<vmem>>)
    %add3A_84 = arith.constant 5 : i32
    %add3A_85 = arith.addi %mul3A_2, %add3A_84 : i32
    %mul3A_86 = arith.constant 128 : i32
    %mul3A_87 = arith.muli %add3A_85, %mul3A_86 : i32
    "tpu.region"() ({
      %run_scoped3A = tpu.sem_alloc : memref<!tpu.dma_semaphore, #tpu.memory_space<semaphore_mem>>
      %dma_start3A_221 = arith.constant 0 : i32
      %dma_start3A_222 = tpu.memref_slice %arg4[%mul3A_87, %dma_start3A_221] : memref<65536x128xf32, #tpu.memory_space<hbm>> -> memref<128x128xf32, #tpu.memory_space<hbm>>
      %dma_start3A_223 = arith.constant 0 : i32
      %dma_start3A_224 = tpu.memref_slice %arg4[%mul3A_87, %dma_start3A_223] : memref<65536x128xf32, #tpu.memory_space<hbm>> -> memref<128x128xf32, #tpu.memory_space<hbm>>
      tpu.enqueue_dma source(%arg8 : memref<128x128xf32, #tpu.memory_space<vmem>>) target(%dma_start3A_224 : memref<128x128xf32, #tpu.memory_space<hbm>>) target_semaphore(%run_scoped3A : memref<!tpu.dma_semaphore, #tpu.memory_space<semaphore_mem>>)
      %dma_wait3A_225 = arith.constant 0 : i32
      %dma_wait3A_226 = tpu.memref_slice %arg4[%mul3A_87, %dma_wait3A_225] : memref<65536x128xf32, #tpu.memory_space<hbm>> -> memref<128x128xf32, #tpu.memory_space<hbm>>
      %dma_wait3A_227 = arith.constant 0 : i32
      %dma_wait3A_228 = tpu.memref_slice %arg4[%mul3A_87, %dma_wait3A_227] : memref<65536x128xf32, #tpu.memory_space<hbm>> -> memref<128x128xf32, #tpu.memory_space<hbm>>
      tpu.wait_dma2 semaphore(%run_scoped3A : memref<!tpu.dma_semaphore, #tpu.memory_space<semaphore_mem>>) src(%arg8 : memref<128x128xf32, #tpu.memory_space<vmem>>) dst(%dma_wait3A_228 : memref<128x128xf32, #tpu.memory_space<hbm>>)
      tpu.yield
    }) : () -> ()
    %add3A_88 = arith.constant 6 : i32
    %add3A_89 = arith.addi %mul3A_2, %add3A_88 : i32
    %add3A_90 = arith.constant 1 : i32
    %add3A_91 = arith.addi %add3A_89, %add3A_90 : i32
    "tpu.region"() ({
      %run_scoped3A = tpu.sem_alloc : memref<!tpu.dma_semaphore, #tpu.memory_space<semaphore_mem>>
      %dma_start3A_221 = arith.constant 0 : i32
      %dma_start3A_222 = tpu.memref_slice %arg2[%add3A_91, %dma_start3A_221] : memref<512x128xi32, #tpu.memory_space<hbm>> -> memref<1x128xi32, #tpu.memory_space<hbm>>
      %dma_start3A_223 = tpu.memref_squeeze %dma_start3A_222 : memref<1x128xi32, #tpu.memory_space<hbm>> -> memref<128xi32, #tpu.memory_space<hbm>>
      %dma_start3A_224 = arith.constant 0 : i32
      %dma_start3A_225 = tpu.memref_slice %arg2[%add3A_91, %dma_start3A_224] : memref<512x128xi32, #tpu.memory_space<hbm>> -> memref<1x128xi32, #tpu.memory_space<hbm>>
      %dma_start3A_226 = tpu.memref_squeeze %dma_start3A_225 : memref<1x128xi32, #tpu.memory_space<hbm>> -> memref<128xi32, #tpu.memory_space<hbm>>
      tpu.enqueue_dma source(%dma_start3A_226 : memref<128xi32, #tpu.memory_space<hbm>>) target(%arg6 : memref<128xi32, #tpu.memory_space<vmem>>) target_semaphore(%run_scoped3A : memref<!tpu.dma_semaphore, #tpu.memory_space<semaphore_mem>>)
      %dma_wait3A_227 = arith.constant 0 : i32
      %dma_wait3A_228 = tpu.memref_slice %arg2[%add3A_91, %dma_wait3A_227] : memref<512x128xi32, #tpu.memory_space<hbm>> -> memref<1x128xi32, #tpu.memory_space<hbm>>
      %dma_wait3A_229 = tpu.memref_squeeze %dma_wait3A_228 : memref<1x128xi32, #tpu.memory_space<hbm>> -> memref<128xi32, #tpu.memory_space<hbm>>
      %dma_wait3A_230 = arith.constant 0 : i32
      %dma_wait3A_231 = tpu.memref_slice %arg2[%add3A_91, %dma_wait3A_230] : memref<512x128xi32, #tpu.memory_space<hbm>> -> memref<1x128xi32, #tpu.memory_space<hbm>>
      %dma_wait3A_232 = tpu.memref_squeeze %dma_wait3A_231 : memref<1x128xi32, #tpu.memory_space<hbm>> -> memref<128xi32, #tpu.memory_space<hbm>>
      tpu.wait_dma2 semaphore(%run_scoped3A : memref<!tpu.dma_semaphore, #tpu.memory_space<semaphore_mem>>) src(%dma_wait3A_232 : memref<128xi32, #tpu.memory_space<hbm>>) dst(%arg6 : memref<128xi32, #tpu.memory_space<vmem>>)
      tpu.yield
    }) : () -> ()
    %dma_start3A_92 = arith.constant 0 : i32
    %dma_start3A_93 = arith.constant 0 : i32
    %dma_start3A_94 = tpu.memref_slice %arg3[%dma_start3A_92, %dma_start3A_93] : memref<262144x128xf32, #tpu.memory_space<hbm>> -> memref<262144x128xf32, #tpu.memory_space<hbm>>
    tpu.enqueue_indirect_dma source(%dma_start3A_94 : memref<262144x128xf32, #tpu.memory_space<hbm>>) target(%arg8 : memref<128x128xf32, #tpu.memory_space<vmem>>) offsets(%arg6 : memref<128xi32, #tpu.memory_space<vmem>>) semaphore(%arg10 : memref<!tpu.dma_semaphore, #tpu.memory_space<semaphore_mem>>)
    %dma_wait3A_95 = arith.constant 0 : i32
    %dma_wait3A_96 = arith.constant 0 : i32
    %dma_wait3A_97 = tpu.memref_slice %arg3[%dma_wait3A_95, %dma_wait3A_96] : memref<262144x128xf32, #tpu.memory_space<hbm>> -> memref<262144x128xf32, #tpu.memory_space<hbm>>
    tpu.wait_indirect_dma semaphore(%arg9 : memref<!tpu.dma_semaphore, #tpu.memory_space<semaphore_mem>>) src(%dma_wait3A_97 : memref<262144x128xf32, #tpu.memory_space<hbm>>) dst(%arg7 : memref<128x128xf32, #tpu.memory_space<vmem>>)
    %add3A_98 = arith.constant 6 : i32
    %add3A_99 = arith.addi %mul3A_2, %add3A_98 : i32
    %mul3A_100 = arith.constant 128 : i32
    %mul3A_101 = arith.muli %add3A_99, %mul3A_100 : i32
    "tpu.region"() ({
      %run_scoped3A = tpu.sem_alloc : memref<!tpu.dma_semaphore, #tpu.memory_space<semaphore_mem>>
      %dma_start3A_221 = arith.constant 0 : i32
      %dma_start3A_222 = tpu.memref_slice %arg4[%mul3A_101, %dma_start3A_221] : memref<65536x128xf32, #tpu.memory_space<hbm>> -> memref<128x128xf32, #tpu.memory_space<hbm>>
      %dma_start3A_223 = arith.constant 0 : i32
      %dma_start3A_224 = tpu.memref_slice %arg4[%mul3A_101, %dma_start3A_223] : memref<65536x128xf32, #tpu.memory_space<hbm>> -> memref<128x128xf32, #tpu.memory_space<hbm>>
      tpu.enqueue_dma source(%arg7 : memref<128x128xf32, #tpu.memory_space<vmem>>) target(%dma_start3A_224 : memref<128x128xf32, #tpu.memory_space<hbm>>) target_semaphore(%run_scoped3A : memref<!tpu.dma_semaphore, #tpu.memory_space<semaphore_mem>>)
      %dma_wait3A_225 = arith.constant 0 : i32
      %dma_wait3A_226 = tpu.memref_slice %arg4[%mul3A_101, %dma_wait3A_225] : memref<65536x128xf32, #tpu.memory_space<hbm>> -> memref<128x128xf32, #tpu.memory_space<hbm>>
      %dma_wait3A_227 = arith.constant 0 : i32
      %dma_wait3A_228 = tpu.memref_slice %arg4[%mul3A_101, %dma_wait3A_227] : memref<65536x128xf32, #tpu.memory_space<hbm>> -> memref<128x128xf32, #tpu.memory_space<hbm>>
      tpu.wait_dma2 semaphore(%run_scoped3A : memref<!tpu.dma_semaphore, #tpu.memory_space<semaphore_mem>>) src(%arg7 : memref<128x128xf32, #tpu.memory_space<vmem>>) dst(%dma_wait3A_228 : memref<128x128xf32, #tpu.memory_space<hbm>>)
      tpu.yield
    }) : () -> ()
    %add3A_102 = arith.constant 7 : i32
    %add3A_103 = arith.addi %mul3A_2, %add3A_102 : i32
    %add3A_104 = arith.constant 1 : i32
    %add3A_105 = arith.addi %add3A_103, %add3A_104 : i32
    "tpu.region"() ({
      %run_scoped3A = tpu.sem_alloc : memref<!tpu.dma_semaphore, #tpu.memory_space<semaphore_mem>>
      %dma_start3A_221 = arith.constant 0 : i32
      %dma_start3A_222 = tpu.memref_slice %arg2[%add3A_105, %dma_start3A_221] : memref<512x128xi32, #tpu.memory_space<hbm>> -> memref<1x128xi32, #tpu.memory_space<hbm>>
      %dma_start3A_223 = tpu.memref_squeeze %dma_start3A_222 : memref<1x128xi32, #tpu.memory_space<hbm>> -> memref<128xi32, #tpu.memory_space<hbm>>
      %dma_start3A_224 = arith.constant 0 : i32
      %dma_start3A_225 = tpu.memref_slice %arg2[%add3A_105, %dma_start3A_224] : memref<512x128xi32, #tpu.memory_space<hbm>> -> memref<1x128xi32, #tpu.memory_space<hbm>>
      %dma_start3A_226 = tpu.memref_squeeze %dma_start3A_225 : memref<1x128xi32, #tpu.memory_space<hbm>> -> memref<128xi32, #tpu.memory_space<hbm>>
      tpu.enqueue_dma source(%dma_start3A_226 : memref<128xi32, #tpu.memory_space<hbm>>) target(%arg5 : memref<128xi32, #tpu.memory_space<vmem>>) target_semaphore(%run_scoped3A : memref<!tpu.dma_semaphore, #tpu.memory_space<semaphore_mem>>)
      %dma_wait3A_227 = arith.constant 0 : i32
      %dma_wait3A_228 = tpu.memref_slice %arg2[%add3A_105, %dma_wait3A_227] : memref<512x128xi32, #tpu.memory_space<hbm>> -> memref<1x128xi32, #tpu.memory_space<hbm>>
      %dma_wait3A_229 = tpu.memref_squeeze %dma_wait3A_228 : memref<1x128xi32, #tpu.memory_space<hbm>> -> memref<128xi32, #tpu.memory_space<hbm>>
      %dma_wait3A_230 = arith.constant 0 : i32
      %dma_wait3A_231 = tpu.memref_slice %arg2[%add3A_105, %dma_wait3A_230] : memref<512x128xi32, #tpu.memory_space<hbm>> -> memref<1x128xi32, #tpu.memory_space<hbm>>
      %dma_wait3A_232 = tpu.memref_squeeze %dma_wait3A_231 : memref<1x128xi32, #tpu.memory_space<hbm>> -> memref<128xi32, #tpu.memory_space<hbm>>
      tpu.wait_dma2 semaphore(%run_scoped3A : memref<!tpu.dma_semaphore, #tpu.memory_space<semaphore_mem>>) src(%dma_wait3A_232 : memref<128xi32, #tpu.memory_space<hbm>>) dst(%arg5 : memref<128xi32, #tpu.memory_space<vmem>>)
      tpu.yield
    }) : () -> ()
    %dma_start3A_106 = arith.constant 0 : i32
    %dma_start3A_107 = arith.constant 0 : i32
    %dma_start3A_108 = tpu.memref_slice %arg3[%dma_start3A_106, %dma_start3A_107] : memref<262144x128xf32, #tpu.memory_space<hbm>> -> memref<262144x128xf32, #tpu.memory_space<hbm>>
    tpu.enqueue_indirect_dma source(%dma_start3A_108 : memref<262144x128xf32, #tpu.memory_space<hbm>>) target(%arg7 : memref<128x128xf32, #tpu.memory_space<vmem>>) offsets(%arg5 : memref<128xi32, #tpu.memory_space<vmem>>) semaphore(%arg9 : memref<!tpu.dma_semaphore, #tpu.memory_space<semaphore_mem>>)
    %dma_wait3A_109 = arith.constant 0 : i32
    %dma_wait3A_110 = arith.constant 0 : i32
    %dma_wait3A_111 = tpu.memref_slice %arg3[%dma_wait3A_109, %dma_wait3A_110] : memref<262144x128xf32, #tpu.memory_space<hbm>> -> memref<262144x128xf32, #tpu.memory_space<hbm>>
    tpu.wait_indirect_dma semaphore(%arg10 : memref<!tpu.dma_semaphore, #tpu.memory_space<semaphore_mem>>) src(%dma_wait3A_111 : memref<262144x128xf32, #tpu.memory_space<hbm>>) dst(%arg8 : memref<128x128xf32, #tpu.memory_space<vmem>>)
    %add3A_112 = arith.constant 7 : i32
    %add3A_113 = arith.addi %mul3A_2, %add3A_112 : i32
    %mul3A_114 = arith.constant 128 : i32
    %mul3A_115 = arith.muli %add3A_113, %mul3A_114 : i32
    "tpu.region"() ({
      %run_scoped3A = tpu.sem_alloc : memref<!tpu.dma_semaphore, #tpu.memory_space<semaphore_mem>>
      %dma_start3A_221 = arith.constant 0 : i32
      %dma_start3A_222 = tpu.memref_slice %arg4[%mul3A_115, %dma_start3A_221] : memref<65536x128xf32, #tpu.memory_space<hbm>> -> memref<128x128xf32, #tpu.memory_space<hbm>>
      %dma_start3A_223 = arith.constant 0 : i32
      %dma_start3A_224 = tpu.memref_slice %arg4[%mul3A_115, %dma_start3A_223] : memref<65536x128xf32, #tpu.memory_space<hbm>> -> memref<128x128xf32, #tpu.memory_space<hbm>>
      tpu.enqueue_dma source(%arg8 : memref<128x128xf32, #tpu.memory_space<vmem>>) target(%dma_start3A_224 : memref<128x128xf32, #tpu.memory_space<hbm>>) target_semaphore(%run_scoped3A : memref<!tpu.dma_semaphore, #tpu.memory_space<semaphore_mem>>)
      %dma_wait3A_225 = arith.constant 0 : i32
      %dma_wait3A_226 = tpu.memref_slice %arg4[%mul3A_115, %dma_wait3A_225] : memref<65536x128xf32, #tpu.memory_space<hbm>> -> memref<128x128xf32, #tpu.memory_space<hbm>>
      %dma_wait3A_227 = arith.constant 0 : i32
      %dma_wait3A_228 = tpu.memref_slice %arg4[%mul3A_115, %dma_wait3A_227] : memref<65536x128xf32, #tpu.memory_space<hbm>> -> memref<128x128xf32, #tpu.memory_space<hbm>>
      tpu.wait_dma2 semaphore(%run_scoped3A : memref<!tpu.dma_semaphore, #tpu.memory_space<semaphore_mem>>) src(%arg8 : memref<128x128xf32, #tpu.memory_space<vmem>>) dst(%dma_wait3A_228 : memref<128x128xf32, #tpu.memory_space<hbm>>)
      tpu.yield
    }) : () -> ()
    %add3A_116 = arith.constant 8 : i32
    %add3A_117 = arith.addi %mul3A_2, %add3A_116 : i32
    %add3A_118 = arith.constant 1 : i32
    %add3A_119 = arith.addi %add3A_117, %add3A_118 : i32
    "tpu.region"() ({
      %run_scoped3A = tpu.sem_alloc : memref<!tpu.dma_semaphore, #tpu.memory_space<semaphore_mem>>
      %dma_start3A_221 = arith.constant 0 : i32
      %dma_start3A_222 = tpu.memref_slice %arg2[%add3A_119, %dma_start3A_221] : memref<512x128xi32, #tpu.memory_space<hbm>> -> memref<1x128xi32, #tpu.memory_space<hbm>>
      %dma_start3A_223 = tpu.memref_squeeze %dma_start3A_222 : memref<1x128xi32, #tpu.memory_space<hbm>> -> memref<128xi32, #tpu.memory_space<hbm>>
      %dma_start3A_224 = arith.constant 0 : i32
      %dma_start3A_225 = tpu.memref_slice %arg2[%add3A_119, %dma_start3A_224] : memref<512x128xi32, #tpu.memory_space<hbm>> -> memref<1x128xi32, #tpu.memory_space<hbm>>
      %dma_start3A_226 = tpu.memref_squeeze %dma_start3A_225 : memref<1x128xi32, #tpu.memory_space<hbm>> -> memref<128xi32, #tpu.memory_space<hbm>>
      tpu.enqueue_dma source(%dma_start3A_226 : memref<128xi32, #tpu.memory_space<hbm>>) target(%arg6 : memref<128xi32, #tpu.memory_space<vmem>>) target_semaphore(%run_scoped3A : memref<!tpu.dma_semaphore, #tpu.memory_space<semaphore_mem>>)
      %dma_wait3A_227 = arith.constant 0 : i32
      %dma_wait3A_228 = tpu.memref_slice %arg2[%add3A_119, %dma_wait3A_227] : memref<512x128xi32, #tpu.memory_space<hbm>> -> memref<1x128xi32, #tpu.memory_space<hbm>>
      %dma_wait3A_229 = tpu.memref_squeeze %dma_wait3A_228 : memref<1x128xi32, #tpu.memory_space<hbm>> -> memref<128xi32, #tpu.memory_space<hbm>>
      %dma_wait3A_230 = arith.constant 0 : i32
      %dma_wait3A_231 = tpu.memref_slice %arg2[%add3A_119, %dma_wait3A_230] : memref<512x128xi32, #tpu.memory_space<hbm>> -> memref<1x128xi32, #tpu.memory_space<hbm>>
      %dma_wait3A_232 = tpu.memref_squeeze %dma_wait3A_231 : memref<1x128xi32, #tpu.memory_space<hbm>> -> memref<128xi32, #tpu.memory_space<hbm>>
      tpu.wait_dma2 semaphore(%run_scoped3A : memref<!tpu.dma_semaphore, #tpu.memory_space<semaphore_mem>>) src(%dma_wait3A_232 : memref<128xi32, #tpu.memory_space<hbm>>) dst(%arg6 : memref<128xi32, #tpu.memory_space<vmem>>)
      tpu.yield
    }) : () -> ()
    %dma_start3A_120 = arith.constant 0 : i32
    %dma_start3A_121 = arith.constant 0 : i32
    %dma_start3A_122 = tpu.memref_slice %arg3[%dma_start3A_120, %dma_start3A_121] : memref<262144x128xf32, #tpu.memory_space<hbm>> -> memref<262144x128xf32, #tpu.memory_space<hbm>>
    tpu.enqueue_indirect_dma source(%dma_start3A_122 : memref<262144x128xf32, #tpu.memory_space<hbm>>) target(%arg8 : memref<128x128xf32, #tpu.memory_space<vmem>>) offsets(%arg6 : memref<128xi32, #tpu.memory_space<vmem>>) semaphore(%arg10 : memref<!tpu.dma_semaphore, #tpu.memory_space<semaphore_mem>>)
    %dma_wait3A_123 = arith.constant 0 : i32
    %dma_wait3A_124 = arith.constant 0 : i32
    %dma_wait3A_125 = tpu.memref_slice %arg3[%dma_wait3A_123, %dma_wait3A_124] : memref<262144x128xf32, #tpu.memory_space<hbm>> -> memref<262144x128xf32, #tpu.memory_space<hbm>>
    tpu.wait_indirect_dma semaphore(%arg9 : memref<!tpu.dma_semaphore, #tpu.memory_space<semaphore_mem>>) src(%dma_wait3A_125 : memref<262144x128xf32, #tpu.memory_space<hbm>>) dst(%arg7 : memref<128x128xf32, #tpu.memory_space<vmem>>)
    %add3A_126 = arith.constant 8 : i32
    %add3A_127 = arith.addi %mul3A_2, %add3A_126 : i32
    %mul3A_128 = arith.constant 128 : i32
    %mul3A_129 = arith.muli %add3A_127, %mul3A_128 : i32
    "tpu.region"() ({
      %run_scoped3A = tpu.sem_alloc : memref<!tpu.dma_semaphore, #tpu.memory_space<semaphore_mem>>
      %dma_start3A_221 = arith.constant 0 : i32
      %dma_start3A_222 = tpu.memref_slice %arg4[%mul3A_129, %dma_start3A_221] : memref<65536x128xf32, #tpu.memory_space<hbm>> -> memref<128x128xf32, #tpu.memory_space<hbm>>
      %dma_start3A_223 = arith.constant 0 : i32
      %dma_start3A_224 = tpu.memref_slice %arg4[%mul3A_129, %dma_start3A_223] : memref<65536x128xf32, #tpu.memory_space<hbm>> -> memref<128x128xf32, #tpu.memory_space<hbm>>
      tpu.enqueue_dma source(%arg7 : memref<128x128xf32, #tpu.memory_space<vmem>>) target(%dma_start3A_224 : memref<128x128xf32, #tpu.memory_space<hbm>>) target_semaphore(%run_scoped3A : memref<!tpu.dma_semaphore, #tpu.memory_space<semaphore_mem>>)
      %dma_wait3A_225 = arith.constant 0 : i32
      %dma_wait3A_226 = tpu.memref_slice %arg4[%mul3A_129, %dma_wait3A_225] : memref<65536x128xf32, #tpu.memory_space<hbm>> -> memref<128x128xf32, #tpu.memory_space<hbm>>
      %dma_wait3A_227 = arith.constant 0 : i32
      %dma_wait3A_228 = tpu.memref_slice %arg4[%mul3A_129, %dma_wait3A_227] : memref<65536x128xf32, #tpu.memory_space<hbm>> -> memref<128x128xf32, #tpu.memory_space<hbm>>
      tpu.wait_dma2 semaphore(%run_scoped3A : memref<!tpu.dma_semaphore, #tpu.memory_space<semaphore_mem>>) src(%arg7 : memref<128x128xf32, #tpu.memory_space<vmem>>) dst(%dma_wait3A_228 : memref<128x128xf32, #tpu.memory_space<hbm>>)
      tpu.yield
    }) : () -> ()
    %add3A_130 = arith.constant 9 : i32
    %add3A_131 = arith.addi %mul3A_2, %add3A_130 : i32
    %add3A_132 = arith.constant 1 : i32
    %add3A_133 = arith.addi %add3A_131, %add3A_132 : i32
    "tpu.region"() ({
      %run_scoped3A = tpu.sem_alloc : memref<!tpu.dma_semaphore, #tpu.memory_space<semaphore_mem>>
      %dma_start3A_221 = arith.constant 0 : i32
      %dma_start3A_222 = tpu.memref_slice %arg2[%add3A_133, %dma_start3A_221] : memref<512x128xi32, #tpu.memory_space<hbm>> -> memref<1x128xi32, #tpu.memory_space<hbm>>
      %dma_start3A_223 = tpu.memref_squeeze %dma_start3A_222 : memref<1x128xi32, #tpu.memory_space<hbm>> -> memref<128xi32, #tpu.memory_space<hbm>>
      %dma_start3A_224 = arith.constant 0 : i32
      %dma_start3A_225 = tpu.memref_slice %arg2[%add3A_133, %dma_start3A_224] : memref<512x128xi32, #tpu.memory_space<hbm>> -> memref<1x128xi32, #tpu.memory_space<hbm>>
      %dma_start3A_226 = tpu.memref_squeeze %dma_start3A_225 : memref<1x128xi32, #tpu.memory_space<hbm>> -> memref<128xi32, #tpu.memory_space<hbm>>
      tpu.enqueue_dma source(%dma_start3A_226 : memref<128xi32, #tpu.memory_space<hbm>>) target(%arg5 : memref<128xi32, #tpu.memory_space<vmem>>) target_semaphore(%run_scoped3A : memref<!tpu.dma_semaphore, #tpu.memory_space<semaphore_mem>>)
      %dma_wait3A_227 = arith.constant 0 : i32
      %dma_wait3A_228 = tpu.memref_slice %arg2[%add3A_133, %dma_wait3A_227] : memref<512x128xi32, #tpu.memory_space<hbm>> -> memref<1x128xi32, #tpu.memory_space<hbm>>
      %dma_wait3A_229 = tpu.memref_squeeze %dma_wait3A_228 : memref<1x128xi32, #tpu.memory_space<hbm>> -> memref<128xi32, #tpu.memory_space<hbm>>
      %dma_wait3A_230 = arith.constant 0 : i32
      %dma_wait3A_231 = tpu.memref_slice %arg2[%add3A_133, %dma_wait3A_230] : memref<512x128xi32, #tpu.memory_space<hbm>> -> memref<1x128xi32, #tpu.memory_space<hbm>>
      %dma_wait3A_232 = tpu.memref_squeeze %dma_wait3A_231 : memref<1x128xi32, #tpu.memory_space<hbm>> -> memref<128xi32, #tpu.memory_space<hbm>>
      tpu.wait_dma2 semaphore(%run_scoped3A : memref<!tpu.dma_semaphore, #tpu.memory_space<semaphore_mem>>) src(%dma_wait3A_232 : memref<128xi32, #tpu.memory_space<hbm>>) dst(%arg5 : memref<128xi32, #tpu.memory_space<vmem>>)
      tpu.yield
    }) : () -> ()
    %dma_start3A_134 = arith.constant 0 : i32
    %dma_start3A_135 = arith.constant 0 : i32
    %dma_start3A_136 = tpu.memref_slice %arg3[%dma_start3A_134, %dma_start3A_135] : memref<262144x128xf32, #tpu.memory_space<hbm>> -> memref<262144x128xf32, #tpu.memory_space<hbm>>
    tpu.enqueue_indirect_dma source(%dma_start3A_136 : memref<262144x128xf32, #tpu.memory_space<hbm>>) target(%arg7 : memref<128x128xf32, #tpu.memory_space<vmem>>) offsets(%arg5 : memref<128xi32, #tpu.memory_space<vmem>>) semaphore(%arg9 : memref<!tpu.dma_semaphore, #tpu.memory_space<semaphore_mem>>)
    %dma_wait3A_137 = arith.constant 0 : i32
    %dma_wait3A_138 = arith.constant 0 : i32
    %dma_wait3A_139 = tpu.memref_slice %arg3[%dma_wait3A_137, %dma_wait3A_138] : memref<262144x128xf32, #tpu.memory_space<hbm>> -> memref<262144x128xf32, #tpu.memory_space<hbm>>
    tpu.wait_indirect_dma semaphore(%arg10 : memref<!tpu.dma_semaphore, #tpu.memory_space<semaphore_mem>>) src(%dma_wait3A_139 : memref<262144x128xf32, #tpu.memory_space<hbm>>) dst(%arg8 : memref<128x128xf32, #tpu.memory_space<vmem>>)
    %add3A_140 = arith.constant 9 : i32
    %add3A_141 = arith.addi %mul3A_2, %add3A_140 : i32
    %mul3A_142 = arith.constant 128 : i32
    %mul3A_143 = arith.muli %add3A_141, %mul3A_142 : i32
    "tpu.region"() ({
      %run_scoped3A = tpu.sem_alloc : memref<!tpu.dma_semaphore, #tpu.memory_space<semaphore_mem>>
      %dma_start3A_221 = arith.constant 0 : i32
      %dma_start3A_222 = tpu.memref_slice %arg4[%mul3A_143, %dma_start3A_221] : memref<65536x128xf32, #tpu.memory_space<hbm>> -> memref<128x128xf32, #tpu.memory_space<hbm>>
      %dma_start3A_223 = arith.constant 0 : i32
      %dma_start3A_224 = tpu.memref_slice %arg4[%mul3A_143, %dma_start3A_223] : memref<65536x128xf32, #tpu.memory_space<hbm>> -> memref<128x128xf32, #tpu.memory_space<hbm>>
      tpu.enqueue_dma source(%arg8 : memref<128x128xf32, #tpu.memory_space<vmem>>) target(%dma_start3A_224 : memref<128x128xf32, #tpu.memory_space<hbm>>) target_semaphore(%run_scoped3A : memref<!tpu.dma_semaphore, #tpu.memory_space<semaphore_mem>>)
      %dma_wait3A_225 = arith.constant 0 : i32
      %dma_wait3A_226 = tpu.memref_slice %arg4[%mul3A_143, %dma_wait3A_225] : memref<65536x128xf32, #tpu.memory_space<hbm>> -> memref<128x128xf32, #tpu.memory_space<hbm>>
      %dma_wait3A_227 = arith.constant 0 : i32
      %dma_wait3A_228 = tpu.memref_slice %arg4[%mul3A_143, %dma_wait3A_227] : memref<65536x128xf32, #tpu.memory_space<hbm>> -> memref<128x128xf32, #tpu.memory_space<hbm>>
      tpu.wait_dma2 semaphore(%run_scoped3A : memref<!tpu.dma_semaphore, #tpu.memory_space<semaphore_mem>>) src(%arg8 : memref<128x128xf32, #tpu.memory_space<vmem>>) dst(%dma_wait3A_228 : memref<128x128xf32, #tpu.memory_space<hbm>>)
      tpu.yield
    }) : () -> ()
    %add3A_144 = arith.constant 10 : i32
    %add3A_145 = arith.addi %mul3A_2, %add3A_144 : i32
    %add3A_146 = arith.constant 1 : i32
    %add3A_147 = arith.addi %add3A_145, %add3A_146 : i32
    "tpu.region"() ({
      %run_scoped3A = tpu.sem_alloc : memref<!tpu.dma_semaphore, #tpu.memory_space<semaphore_mem>>
      %dma_start3A_221 = arith.constant 0 : i32
      %dma_start3A_222 = tpu.memref_slice %arg2[%add3A_147, %dma_start3A_221] : memref<512x128xi32, #tpu.memory_space<hbm>> -> memref<1x128xi32, #tpu.memory_space<hbm>>
      %dma_start3A_223 = tpu.memref_squeeze %dma_start3A_222 : memref<1x128xi32, #tpu.memory_space<hbm>> -> memref<128xi32, #tpu.memory_space<hbm>>
      %dma_start3A_224 = arith.constant 0 : i32
      %dma_start3A_225 = tpu.memref_slice %arg2[%add3A_147, %dma_start3A_224] : memref<512x128xi32, #tpu.memory_space<hbm>> -> memref<1x128xi32, #tpu.memory_space<hbm>>
      %dma_start3A_226 = tpu.memref_squeeze %dma_start3A_225 : memref<1x128xi32, #tpu.memory_space<hbm>> -> memref<128xi32, #tpu.memory_space<hbm>>
      tpu.enqueue_dma source(%dma_start3A_226 : memref<128xi32, #tpu.memory_space<hbm>>) target(%arg6 : memref<128xi32, #tpu.memory_space<vmem>>) target_semaphore(%run_scoped3A : memref<!tpu.dma_semaphore, #tpu.memory_space<semaphore_mem>>)
      %dma_wait3A_227 = arith.constant 0 : i32
      %dma_wait3A_228 = tpu.memref_slice %arg2[%add3A_147, %dma_wait3A_227] : memref<512x128xi32, #tpu.memory_space<hbm>> -> memref<1x128xi32, #tpu.memory_space<hbm>>
      %dma_wait3A_229 = tpu.memref_squeeze %dma_wait3A_228 : memref<1x128xi32, #tpu.memory_space<hbm>> -> memref<128xi32, #tpu.memory_space<hbm>>
      %dma_wait3A_230 = arith.constant 0 : i32
      %dma_wait3A_231 = tpu.memref_slice %arg2[%add3A_147, %dma_wait3A_230] : memref<512x128xi32, #tpu.memory_space<hbm>> -> memref<1x128xi32, #tpu.memory_space<hbm>>
      %dma_wait3A_232 = tpu.memref_squeeze %dma_wait3A_231 : memref<1x128xi32, #tpu.memory_space<hbm>> -> memref<128xi32, #tpu.memory_space<hbm>>
      tpu.wait_dma2 semaphore(%run_scoped3A : memref<!tpu.dma_semaphore, #tpu.memory_space<semaphore_mem>>) src(%dma_wait3A_232 : memref<128xi32, #tpu.memory_space<hbm>>) dst(%arg6 : memref<128xi32, #tpu.memory_space<vmem>>)
      tpu.yield
    }) : () -> ()
    %dma_start3A_148 = arith.constant 0 : i32
    %dma_start3A_149 = arith.constant 0 : i32
    %dma_start3A_150 = tpu.memref_slice %arg3[%dma_start3A_148, %dma_start3A_149] : memref<262144x128xf32, #tpu.memory_space<hbm>> -> memref<262144x128xf32, #tpu.memory_space<hbm>>
    tpu.enqueue_indirect_dma source(%dma_start3A_150 : memref<262144x128xf32, #tpu.memory_space<hbm>>) target(%arg8 : memref<128x128xf32, #tpu.memory_space<vmem>>) offsets(%arg6 : memref<128xi32, #tpu.memory_space<vmem>>) semaphore(%arg10 : memref<!tpu.dma_semaphore, #tpu.memory_space<semaphore_mem>>)
    %dma_wait3A_151 = arith.constant 0 : i32
    %dma_wait3A_152 = arith.constant 0 : i32
    %dma_wait3A_153 = tpu.memref_slice %arg3[%dma_wait3A_151, %dma_wait3A_152] : memref<262144x128xf32, #tpu.memory_space<hbm>> -> memref<262144x128xf32, #tpu.memory_space<hbm>>
    tpu.wait_indirect_dma semaphore(%arg9 : memref<!tpu.dma_semaphore, #tpu.memory_space<semaphore_mem>>) src(%dma_wait3A_153 : memref<262144x128xf32, #tpu.memory_space<hbm>>) dst(%arg7 : memref<128x128xf32, #tpu.memory_space<vmem>>)
    %add3A_154 = arith.constant 10 : i32
    %add3A_155 = arith.addi %mul3A_2, %add3A_154 : i32
    %mul3A_156 = arith.constant 128 : i32
    %mul3A_157 = arith.muli %add3A_155, %mul3A_156 : i32
    "tpu.region"() ({
      %run_scoped3A = tpu.sem_alloc : memref<!tpu.dma_semaphore, #tpu.memory_space<semaphore_mem>>
      %dma_start3A_221 = arith.constant 0 : i32
      %dma_start3A_222 = tpu.memref_slice %arg4[%mul3A_157, %dma_start3A_221] : memref<65536x128xf32, #tpu.memory_space<hbm>> -> memref<128x128xf32, #tpu.memory_space<hbm>>
      %dma_start3A_223 = arith.constant 0 : i32
      %dma_start3A_224 = tpu.memref_slice %arg4[%mul3A_157, %dma_start3A_223] : memref<65536x128xf32, #tpu.memory_space<hbm>> -> memref<128x128xf32, #tpu.memory_space<hbm>>
      tpu.enqueue_dma source(%arg7 : memref<128x128xf32, #tpu.memory_space<vmem>>) target(%dma_start3A_224 : memref<128x128xf32, #tpu.memory_space<hbm>>) target_semaphore(%run_scoped3A : memref<!tpu.dma_semaphore, #tpu.memory_space<semaphore_mem>>)
      %dma_wait3A_225 = arith.constant 0 : i32
      %dma_wait3A_226 = tpu.memref_slice %arg4[%mul3A_157, %dma_wait3A_225] : memref<65536x128xf32, #tpu.memory_space<hbm>> -> memref<128x128xf32, #tpu.memory_space<hbm>>
      %dma_wait3A_227 = arith.constant 0 : i32
      %dma_wait3A_228 = tpu.memref_slice %arg4[%mul3A_157, %dma_wait3A_227] : memref<65536x128xf32, #tpu.memory_space<hbm>> -> memref<128x128xf32, #tpu.memory_space<hbm>>
      tpu.wait_dma2 semaphore(%run_scoped3A : memref<!tpu.dma_semaphore, #tpu.memory_space<semaphore_mem>>) src(%arg7 : memref<128x128xf32, #tpu.memory_space<vmem>>) dst(%dma_wait3A_228 : memref<128x128xf32, #tpu.memory_space<hbm>>)
      tpu.yield
    }) : () -> ()
    %add3A_158 = arith.constant 11 : i32
    %add3A_159 = arith.addi %mul3A_2, %add3A_158 : i32
    %add3A_160 = arith.constant 1 : i32
    %add3A_161 = arith.addi %add3A_159, %add3A_160 : i32
    "tpu.region"() ({
      %run_scoped3A = tpu.sem_alloc : memref<!tpu.dma_semaphore, #tpu.memory_space<semaphore_mem>>
      %dma_start3A_221 = arith.constant 0 : i32
      %dma_start3A_222 = tpu.memref_slice %arg2[%add3A_161, %dma_start3A_221] : memref<512x128xi32, #tpu.memory_space<hbm>> -> memref<1x128xi32, #tpu.memory_space<hbm>>
      %dma_start3A_223 = tpu.memref_squeeze %dma_start3A_222 : memref<1x128xi32, #tpu.memory_space<hbm>> -> memref<128xi32, #tpu.memory_space<hbm>>
      %dma_start3A_224 = arith.constant 0 : i32
      %dma_start3A_225 = tpu.memref_slice %arg2[%add3A_161, %dma_start3A_224] : memref<512x128xi32, #tpu.memory_space<hbm>> -> memref<1x128xi32, #tpu.memory_space<hbm>>
      %dma_start3A_226 = tpu.memref_squeeze %dma_start3A_225 : memref<1x128xi32, #tpu.memory_space<hbm>> -> memref<128xi32, #tpu.memory_space<hbm>>
      tpu.enqueue_dma source(%dma_start3A_226 : memref<128xi32, #tpu.memory_space<hbm>>) target(%arg5 : memref<128xi32, #tpu.memory_space<vmem>>) target_semaphore(%run_scoped3A : memref<!tpu.dma_semaphore, #tpu.memory_space<semaphore_mem>>)
      %dma_wait3A_227 = arith.constant 0 : i32
      %dma_wait3A_228 = tpu.memref_slice %arg2[%add3A_161, %dma_wait3A_227] : memref<512x128xi32, #tpu.memory_space<hbm>> -> memref<1x128xi32, #tpu.memory_space<hbm>>
      %dma_wait3A_229 = tpu.memref_squeeze %dma_wait3A_228 : memref<1x128xi32, #tpu.memory_space<hbm>> -> memref<128xi32, #tpu.memory_space<hbm>>
      %dma_wait3A_230 = arith.constant 0 : i32
      %dma_wait3A_231 = tpu.memref_slice %arg2[%add3A_161, %dma_wait3A_230] : memref<512x128xi32, #tpu.memory_space<hbm>> -> memref<1x128xi32, #tpu.memory_space<hbm>>
      %dma_wait3A_232 = tpu.memref_squeeze %dma_wait3A_231 : memref<1x128xi32, #tpu.memory_space<hbm>> -> memref<128xi32, #tpu.memory_space<hbm>>
      tpu.wait_dma2 semaphore(%run_scoped3A : memref<!tpu.dma_semaphore, #tpu.memory_space<semaphore_mem>>) src(%dma_wait3A_232 : memref<128xi32, #tpu.memory_space<hbm>>) dst(%arg5 : memref<128xi32, #tpu.memory_space<vmem>>)
      tpu.yield
    }) : () -> ()
    %dma_start3A_162 = arith.constant 0 : i32
    %dma_start3A_163 = arith.constant 0 : i32
    %dma_start3A_164 = tpu.memref_slice %arg3[%dma_start3A_162, %dma_start3A_163] : memref<262144x128xf32, #tpu.memory_space<hbm>> -> memref<262144x128xf32, #tpu.memory_space<hbm>>
    tpu.enqueue_indirect_dma source(%dma_start3A_164 : memref<262144x128xf32, #tpu.memory_space<hbm>>) target(%arg7 : memref<128x128xf32, #tpu.memory_space<vmem>>) offsets(%arg5 : memref<128xi32, #tpu.memory_space<vmem>>) semaphore(%arg9 : memref<!tpu.dma_semaphore, #tpu.memory_space<semaphore_mem>>)
    %dma_wait3A_165 = arith.constant 0 : i32
    %dma_wait3A_166 = arith.constant 0 : i32
    %dma_wait3A_167 = tpu.memref_slice %arg3[%dma_wait3A_165, %dma_wait3A_166] : memref<262144x128xf32, #tpu.memory_space<hbm>> -> memref<262144x128xf32, #tpu.memory_space<hbm>>
    tpu.wait_indirect_dma semaphore(%arg10 : memref<!tpu.dma_semaphore, #tpu.memory_space<semaphore_mem>>) src(%dma_wait3A_167 : memref<262144x128xf32, #tpu.memory_space<hbm>>) dst(%arg8 : memref<128x128xf32, #tpu.memory_space<vmem>>)
    %add3A_168 = arith.constant 11 : i32
    %add3A_169 = arith.addi %mul3A_2, %add3A_168 : i32
    %mul3A_170 = arith.constant 128 : i32
    %mul3A_171 = arith.muli %add3A_169, %mul3A_170 : i32
    "tpu.region"() ({
      %run_scoped3A = tpu.sem_alloc : memref<!tpu.dma_semaphore, #tpu.memory_space<semaphore_mem>>
      %dma_start3A_221 = arith.constant 0 : i32
      %dma_start3A_222 = tpu.memref_slice %arg4[%mul3A_171, %dma_start3A_221] : memref<65536x128xf32, #tpu.memory_space<hbm>> -> memref<128x128xf32, #tpu.memory_space<hbm>>
      %dma_start3A_223 = arith.constant 0 : i32
      %dma_start3A_224 = tpu.memref_slice %arg4[%mul3A_171, %dma_start3A_223] : memref<65536x128xf32, #tpu.memory_space<hbm>> -> memref<128x128xf32, #tpu.memory_space<hbm>>
      tpu.enqueue_dma source(%arg8 : memref<128x128xf32, #tpu.memory_space<vmem>>) target(%dma_start3A_224 : memref<128x128xf32, #tpu.memory_space<hbm>>) target_semaphore(%run_scoped3A : memref<!tpu.dma_semaphore, #tpu.memory_space<semaphore_mem>>)
      %dma_wait3A_225 = arith.constant 0 : i32
      %dma_wait3A_226 = tpu.memref_slice %arg4[%mul3A_171, %dma_wait3A_225] : memref<65536x128xf32, #tpu.memory_space<hbm>> -> memref<128x128xf32, #tpu.memory_space<hbm>>
      %dma_wait3A_227 = arith.constant 0 : i32
      %dma_wait3A_228 = tpu.memref_slice %arg4[%mul3A_171, %dma_wait3A_227] : memref<65536x128xf32, #tpu.memory_space<hbm>> -> memref<128x128xf32, #tpu.memory_space<hbm>>
      tpu.wait_dma2 semaphore(%run_scoped3A : memref<!tpu.dma_semaphore, #tpu.memory_space<semaphore_mem>>) src(%arg8 : memref<128x128xf32, #tpu.memory_space<vmem>>) dst(%dma_wait3A_228 : memref<128x128xf32, #tpu.memory_space<hbm>>)
      tpu.yield
    }) : () -> ()
    %add3A_172 = arith.constant 12 : i32
    %add3A_173 = arith.addi %mul3A_2, %add3A_172 : i32
    %add3A_174 = arith.constant 1 : i32
    %add3A_175 = arith.addi %add3A_173, %add3A_174 : i32
    "tpu.region"() ({
      %run_scoped3A = tpu.sem_alloc : memref<!tpu.dma_semaphore, #tpu.memory_space<semaphore_mem>>
      %dma_start3A_221 = arith.constant 0 : i32
      %dma_start3A_222 = tpu.memref_slice %arg2[%add3A_175, %dma_start3A_221] : memref<512x128xi32, #tpu.memory_space<hbm>> -> memref<1x128xi32, #tpu.memory_space<hbm>>
      %dma_start3A_223 = tpu.memref_squeeze %dma_start3A_222 : memref<1x128xi32, #tpu.memory_space<hbm>> -> memref<128xi32, #tpu.memory_space<hbm>>
      %dma_start3A_224 = arith.constant 0 : i32
      %dma_start3A_225 = tpu.memref_slice %arg2[%add3A_175, %dma_start3A_224] : memref<512x128xi32, #tpu.memory_space<hbm>> -> memref<1x128xi32, #tpu.memory_space<hbm>>
      %dma_start3A_226 = tpu.memref_squeeze %dma_start3A_225 : memref<1x128xi32, #tpu.memory_space<hbm>> -> memref<128xi32, #tpu.memory_space<hbm>>
      tpu.enqueue_dma source(%dma_start3A_226 : memref<128xi32, #tpu.memory_space<hbm>>) target(%arg6 : memref<128xi32, #tpu.memory_space<vmem>>) target_semaphore(%run_scoped3A : memref<!tpu.dma_semaphore, #tpu.memory_space<semaphore_mem>>)
      %dma_wait3A_227 = arith.constant 0 : i32
      %dma_wait3A_228 = tpu.memref_slice %arg2[%add3A_175, %dma_wait3A_227] : memref<512x128xi32, #tpu.memory_space<hbm>> -> memref<1x128xi32, #tpu.memory_space<hbm>>
      %dma_wait3A_229 = tpu.memref_squeeze %dma_wait3A_228 : memref<1x128xi32, #tpu.memory_space<hbm>> -> memref<128xi32, #tpu.memory_space<hbm>>
      %dma_wait3A_230 = arith.constant 0 : i32
      %dma_wait3A_231 = tpu.memref_slice %arg2[%add3A_175, %dma_wait3A_230] : memref<512x128xi32, #tpu.memory_space<hbm>> -> memref<1x128xi32, #tpu.memory_space<hbm>>
      %dma_wait3A_232 = tpu.memref_squeeze %dma_wait3A_231 : memref<1x128xi32, #tpu.memory_space<hbm>> -> memref<128xi32, #tpu.memory_space<hbm>>
      tpu.wait_dma2 semaphore(%run_scoped3A : memref<!tpu.dma_semaphore, #tpu.memory_space<semaphore_mem>>) src(%dma_wait3A_232 : memref<128xi32, #tpu.memory_space<hbm>>) dst(%arg6 : memref<128xi32, #tpu.memory_space<vmem>>)
      tpu.yield
    }) : () -> ()
    %dma_start3A_176 = arith.constant 0 : i32
    %dma_start3A_177 = arith.constant 0 : i32
    %dma_start3A_178 = tpu.memref_slice %arg3[%dma_start3A_176, %dma_start3A_177] : memref<262144x128xf32, #tpu.memory_space<hbm>> -> memref<262144x128xf32, #tpu.memory_space<hbm>>
    tpu.enqueue_indirect_dma source(%dma_start3A_178 : memref<262144x128xf32, #tpu.memory_space<hbm>>) target(%arg8 : memref<128x128xf32, #tpu.memory_space<vmem>>) offsets(%arg6 : memref<128xi32, #tpu.memory_space<vmem>>) semaphore(%arg10 : memref<!tpu.dma_semaphore, #tpu.memory_space<semaphore_mem>>)
    %dma_wait3A_179 = arith.constant 0 : i32
    %dma_wait3A_180 = arith.constant 0 : i32
    %dma_wait3A_181 = tpu.memref_slice %arg3[%dma_wait3A_179, %dma_wait3A_180] : memref<262144x128xf32, #tpu.memory_space<hbm>> -> memref<262144x128xf32, #tpu.memory_space<hbm>>
    tpu.wait_indirect_dma semaphore(%arg9 : memref<!tpu.dma_semaphore, #tpu.memory_space<semaphore_mem>>) src(%dma_wait3A_181 : memref<262144x128xf32, #tpu.memory_space<hbm>>) dst(%arg7 : memref<128x128xf32, #tpu.memory_space<vmem>>)
    %add3A_182 = arith.constant 12 : i32
    %add3A_183 = arith.addi %mul3A_2, %add3A_182 : i32
    %mul3A_184 = arith.constant 128 : i32
    %mul3A_185 = arith.muli %add3A_183, %mul3A_184 : i32
    "tpu.region"() ({
      %run_scoped3A = tpu.sem_alloc : memref<!tpu.dma_semaphore, #tpu.memory_space<semaphore_mem>>
      %dma_start3A_221 = arith.constant 0 : i32
      %dma_start3A_222 = tpu.memref_slice %arg4[%mul3A_185, %dma_start3A_221] : memref<65536x128xf32, #tpu.memory_space<hbm>> -> memref<128x128xf32, #tpu.memory_space<hbm>>
      %dma_start3A_223 = arith.constant 0 : i32
      %dma_start3A_224 = tpu.memref_slice %arg4[%mul3A_185, %dma_start3A_223] : memref<65536x128xf32, #tpu.memory_space<hbm>> -> memref<128x128xf32, #tpu.memory_space<hbm>>
      tpu.enqueue_dma source(%arg7 : memref<128x128xf32, #tpu.memory_space<vmem>>) target(%dma_start3A_224 : memref<128x128xf32, #tpu.memory_space<hbm>>) target_semaphore(%run_scoped3A : memref<!tpu.dma_semaphore, #tpu.memory_space<semaphore_mem>>)
      %dma_wait3A_225 = arith.constant 0 : i32
      %dma_wait3A_226 = tpu.memref_slice %arg4[%mul3A_185, %dma_wait3A_225] : memref<65536x128xf32, #tpu.memory_space<hbm>> -> memref<128x128xf32, #tpu.memory_space<hbm>>
      %dma_wait3A_227 = arith.constant 0 : i32
      %dma_wait3A_228 = tpu.memref_slice %arg4[%mul3A_185, %dma_wait3A_227] : memref<65536x128xf32, #tpu.memory_space<hbm>> -> memref<128x128xf32, #tpu.memory_space<hbm>>
      tpu.wait_dma2 semaphore(%run_scoped3A : memref<!tpu.dma_semaphore, #tpu.memory_space<semaphore_mem>>) src(%arg7 : memref<128x128xf32, #tpu.memory_space<vmem>>) dst(%dma_wait3A_228 : memref<128x128xf32, #tpu.memory_space<hbm>>)
      tpu.yield
    }) : () -> ()
    %add3A_186 = arith.constant 13 : i32
    %add3A_187 = arith.addi %mul3A_2, %add3A_186 : i32
    %add3A_188 = arith.constant 1 : i32
    %add3A_189 = arith.addi %add3A_187, %add3A_188 : i32
    "tpu.region"() ({
      %run_scoped3A = tpu.sem_alloc : memref<!tpu.dma_semaphore, #tpu.memory_space<semaphore_mem>>
      %dma_start3A_221 = arith.constant 0 : i32
      %dma_start3A_222 = tpu.memref_slice %arg2[%add3A_189, %dma_start3A_221] : memref<512x128xi32, #tpu.memory_space<hbm>> -> memref<1x128xi32, #tpu.memory_space<hbm>>
      %dma_start3A_223 = tpu.memref_squeeze %dma_start3A_222 : memref<1x128xi32, #tpu.memory_space<hbm>> -> memref<128xi32, #tpu.memory_space<hbm>>
      %dma_start3A_224 = arith.constant 0 : i32
      %dma_start3A_225 = tpu.memref_slice %arg2[%add3A_189, %dma_start3A_224] : memref<512x128xi32, #tpu.memory_space<hbm>> -> memref<1x128xi32, #tpu.memory_space<hbm>>
      %dma_start3A_226 = tpu.memref_squeeze %dma_start3A_225 : memref<1x128xi32, #tpu.memory_space<hbm>> -> memref<128xi32, #tpu.memory_space<hbm>>
      tpu.enqueue_dma source(%dma_start3A_226 : memref<128xi32, #tpu.memory_space<hbm>>) target(%arg5 : memref<128xi32, #tpu.memory_space<vmem>>) target_semaphore(%run_scoped3A : memref<!tpu.dma_semaphore, #tpu.memory_space<semaphore_mem>>)
      %dma_wait3A_227 = arith.constant 0 : i32
      %dma_wait3A_228 = tpu.memref_slice %arg2[%add3A_189, %dma_wait3A_227] : memref<512x128xi32, #tpu.memory_space<hbm>> -> memref<1x128xi32, #tpu.memory_space<hbm>>
      %dma_wait3A_229 = tpu.memref_squeeze %dma_wait3A_228 : memref<1x128xi32, #tpu.memory_space<hbm>> -> memref<128xi32, #tpu.memory_space<hbm>>
      %dma_wait3A_230 = arith.constant 0 : i32
      %dma_wait3A_231 = tpu.memref_slice %arg2[%add3A_189, %dma_wait3A_230] : memref<512x128xi32, #tpu.memory_space<hbm>> -> memref<1x128xi32, #tpu.memory_space<hbm>>
      %dma_wait3A_232 = tpu.memref_squeeze %dma_wait3A_231 : memref<1x128xi32, #tpu.memory_space<hbm>> -> memref<128xi32, #tpu.memory_space<hbm>>
      tpu.wait_dma2 semaphore(%run_scoped3A : memref<!tpu.dma_semaphore, #tpu.memory_space<semaphore_mem>>) src(%dma_wait3A_232 : memref<128xi32, #tpu.memory_space<hbm>>) dst(%arg5 : memref<128xi32, #tpu.memory_space<vmem>>)
      tpu.yield
    }) : () -> ()
    %dma_start3A_190 = arith.constant 0 : i32
    %dma_start3A_191 = arith.constant 0 : i32
    %dma_start3A_192 = tpu.memref_slice %arg3[%dma_start3A_190, %dma_start3A_191] : memref<262144x128xf32, #tpu.memory_space<hbm>> -> memref<262144x128xf32, #tpu.memory_space<hbm>>
    tpu.enqueue_indirect_dma source(%dma_start3A_192 : memref<262144x128xf32, #tpu.memory_space<hbm>>) target(%arg7 : memref<128x128xf32, #tpu.memory_space<vmem>>) offsets(%arg5 : memref<128xi32, #tpu.memory_space<vmem>>) semaphore(%arg9 : memref<!tpu.dma_semaphore, #tpu.memory_space<semaphore_mem>>)
    %dma_wait3A_193 = arith.constant 0 : i32
    %dma_wait3A_194 = arith.constant 0 : i32
    %dma_wait3A_195 = tpu.memref_slice %arg3[%dma_wait3A_193, %dma_wait3A_194] : memref<262144x128xf32, #tpu.memory_space<hbm>> -> memref<262144x128xf32, #tpu.memory_space<hbm>>
    tpu.wait_indirect_dma semaphore(%arg10 : memref<!tpu.dma_semaphore, #tpu.memory_space<semaphore_mem>>) src(%dma_wait3A_195 : memref<262144x128xf32, #tpu.memory_space<hbm>>) dst(%arg8 : memref<128x128xf32, #tpu.memory_space<vmem>>)
    %add3A_196 = arith.constant 13 : i32
    %add3A_197 = arith.addi %mul3A_2, %add3A_196 : i32
    %mul3A_198 = arith.constant 128 : i32
    %mul3A_199 = arith.muli %add3A_197, %mul3A_198 : i32
    "tpu.region"() ({
      %run_scoped3A = tpu.sem_alloc : memref<!tpu.dma_semaphore, #tpu.memory_space<semaphore_mem>>
      %dma_start3A_221 = arith.constant 0 : i32
      %dma_start3A_222 = tpu.memref_slice %arg4[%mul3A_199, %dma_start3A_221] : memref<65536x128xf32, #tpu.memory_space<hbm>> -> memref<128x128xf32, #tpu.memory_space<hbm>>
      %dma_start3A_223 = arith.constant 0 : i32
      %dma_start3A_224 = tpu.memref_slice %arg4[%mul3A_199, %dma_start3A_223] : memref<65536x128xf32, #tpu.memory_space<hbm>> -> memref<128x128xf32, #tpu.memory_space<hbm>>
      tpu.enqueue_dma source(%arg8 : memref<128x128xf32, #tpu.memory_space<vmem>>) target(%dma_start3A_224 : memref<128x128xf32, #tpu.memory_space<hbm>>) target_semaphore(%run_scoped3A : memref<!tpu.dma_semaphore, #tpu.memory_space<semaphore_mem>>)
      %dma_wait3A_225 = arith.constant 0 : i32
      %dma_wait3A_226 = tpu.memref_slice %arg4[%mul3A_199, %dma_wait3A_225] : memref<65536x128xf32, #tpu.memory_space<hbm>> -> memref<128x128xf32, #tpu.memory_space<hbm>>
      %dma_wait3A_227 = arith.constant 0 : i32
      %dma_wait3A_228 = tpu.memref_slice %arg4[%mul3A_199, %dma_wait3A_227] : memref<65536x128xf32, #tpu.memory_space<hbm>> -> memref<128x128xf32, #tpu.memory_space<hbm>>
      tpu.wait_dma2 semaphore(%run_scoped3A : memref<!tpu.dma_semaphore, #tpu.memory_space<semaphore_mem>>) src(%arg8 : memref<128x128xf32, #tpu.memory_space<vmem>>) dst(%dma_wait3A_228 : memref<128x128xf32, #tpu.memory_space<hbm>>)
      tpu.yield
    }) : () -> ()
    %add3A_200 = arith.constant 14 : i32
    %add3A_201 = arith.addi %mul3A_2, %add3A_200 : i32
    %add3A_202 = arith.constant 1 : i32
    %add3A_203 = arith.addi %add3A_201, %add3A_202 : i32
    "tpu.region"() ({
      %run_scoped3A = tpu.sem_alloc : memref<!tpu.dma_semaphore, #tpu.memory_space<semaphore_mem>>
      %dma_start3A_221 = arith.constant 0 : i32
      %dma_start3A_222 = tpu.memref_slice %arg2[%add3A_203, %dma_start3A_221] : memref<512x128xi32, #tpu.memory_space<hbm>> -> memref<1x128xi32, #tpu.memory_space<hbm>>
      %dma_start3A_223 = tpu.memref_squeeze %dma_start3A_222 : memref<1x128xi32, #tpu.memory_space<hbm>> -> memref<128xi32, #tpu.memory_space<hbm>>
      %dma_start3A_224 = arith.constant 0 : i32
      %dma_start3A_225 = tpu.memref_slice %arg2[%add3A_203, %dma_start3A_224] : memref<512x128xi32, #tpu.memory_space<hbm>> -> memref<1x128xi32, #tpu.memory_space<hbm>>
      %dma_start3A_226 = tpu.memref_squeeze %dma_start3A_225 : memref<1x128xi32, #tpu.memory_space<hbm>> -> memref<128xi32, #tpu.memory_space<hbm>>
      tpu.enqueue_dma source(%dma_start3A_226 : memref<128xi32, #tpu.memory_space<hbm>>) target(%arg6 : memref<128xi32, #tpu.memory_space<vmem>>) target_semaphore(%run_scoped3A : memref<!tpu.dma_semaphore, #tpu.memory_space<semaphore_mem>>)
      %dma_wait3A_227 = arith.constant 0 : i32
      %dma_wait3A_228 = tpu.memref_slice %arg2[%add3A_203, %dma_wait3A_227] : memref<512x128xi32, #tpu.memory_space<hbm>> -> memref<1x128xi32, #tpu.memory_space<hbm>>
      %dma_wait3A_229 = tpu.memref_squeeze %dma_wait3A_228 : memref<1x128xi32, #tpu.memory_space<hbm>> -> memref<128xi32, #tpu.memory_space<hbm>>
      %dma_wait3A_230 = arith.constant 0 : i32
      %dma_wait3A_231 = tpu.memref_slice %arg2[%add3A_203, %dma_wait3A_230] : memref<512x128xi32, #tpu.memory_space<hbm>> -> memref<1x128xi32, #tpu.memory_space<hbm>>
      %dma_wait3A_232 = tpu.memref_squeeze %dma_wait3A_231 : memref<1x128xi32, #tpu.memory_space<hbm>> -> memref<128xi32, #tpu.memory_space<hbm>>
      tpu.wait_dma2 semaphore(%run_scoped3A : memref<!tpu.dma_semaphore, #tpu.memory_space<semaphore_mem>>) src(%dma_wait3A_232 : memref<128xi32, #tpu.memory_space<hbm>>) dst(%arg6 : memref<128xi32, #tpu.memory_space<vmem>>)
      tpu.yield
    }) : () -> ()
    %dma_start3A_204 = arith.constant 0 : i32
    %dma_start3A_205 = arith.constant 0 : i32
    %dma_start3A_206 = tpu.memref_slice %arg3[%dma_start3A_204, %dma_start3A_205] : memref<262144x128xf32, #tpu.memory_space<hbm>> -> memref<262144x128xf32, #tpu.memory_space<hbm>>
    tpu.enqueue_indirect_dma source(%dma_start3A_206 : memref<262144x128xf32, #tpu.memory_space<hbm>>) target(%arg8 : memref<128x128xf32, #tpu.memory_space<vmem>>) offsets(%arg6 : memref<128xi32, #tpu.memory_space<vmem>>) semaphore(%arg10 : memref<!tpu.dma_semaphore, #tpu.memory_space<semaphore_mem>>)
    %dma_wait3A_207 = arith.constant 0 : i32
    %dma_wait3A_208 = arith.constant 0 : i32
    %dma_wait3A_209 = tpu.memref_slice %arg3[%dma_wait3A_207, %dma_wait3A_208] : memref<262144x128xf32, #tpu.memory_space<hbm>> -> memref<262144x128xf32, #tpu.memory_space<hbm>>
    tpu.wait_indirect_dma semaphore(%arg9 : memref<!tpu.dma_semaphore, #tpu.memory_space<semaphore_mem>>) src(%dma_wait3A_209 : memref<262144x128xf32, #tpu.memory_space<hbm>>) dst(%arg7 : memref<128x128xf32, #tpu.memory_space<vmem>>)
    %add3A_210 = arith.constant 14 : i32
    %add3A_211 = arith.addi %mul3A_2, %add3A_210 : i32
    %mul3A_212 = arith.constant 128 : i32
    %mul3A_213 = arith.muli %add3A_211, %mul3A_212 : i32
    "tpu.region"() ({
      %run_scoped3A = tpu.sem_alloc : memref<!tpu.dma_semaphore, #tpu.memory_space<semaphore_mem>>
      %dma_start3A_221 = arith.constant 0 : i32
      %dma_start3A_222 = tpu.memref_slice %arg4[%mul3A_213, %dma_start3A_221] : memref<65536x128xf32, #tpu.memory_space<hbm>> -> memref<128x128xf32, #tpu.memory_space<hbm>>
      %dma_start3A_223 = arith.constant 0 : i32
      %dma_start3A_224 = tpu.memref_slice %arg4[%mul3A_213, %dma_start3A_223] : memref<65536x128xf32, #tpu.memory_space<hbm>> -> memref<128x128xf32, #tpu.memory_space<hbm>>
      tpu.enqueue_dma source(%arg7 : memref<128x128xf32, #tpu.memory_space<vmem>>) target(%dma_start3A_224 : memref<128x128xf32, #tpu.memory_space<hbm>>) target_semaphore(%run_scoped3A : memref<!tpu.dma_semaphore, #tpu.memory_space<semaphore_mem>>)
      %dma_wait3A_225 = arith.constant 0 : i32
      %dma_wait3A_226 = tpu.memref_slice %arg4[%mul3A_213, %dma_wait3A_225] : memref<65536x128xf32, #tpu.memory_space<hbm>> -> memref<128x128xf32, #tpu.memory_space<hbm>>
      %dma_wait3A_227 = arith.constant 0 : i32
      %dma_wait3A_228 = tpu.memref_slice %arg4[%mul3A_213, %dma_wait3A_227] : memref<65536x128xf32, #tpu.memory_space<hbm>> -> memref<128x128xf32, #tpu.memory_space<hbm>>
      tpu.wait_dma2 semaphore(%run_scoped3A : memref<!tpu.dma_semaphore, #tpu.memory_space<semaphore_mem>>) src(%arg7 : memref<128x128xf32, #tpu.memory_space<vmem>>) dst(%dma_wait3A_228 : memref<128x128xf32, #tpu.memory_space<hbm>>)
      tpu.yield
    }) : () -> ()
    %dma_wait3A_214 = arith.constant 0 : i32
    %dma_wait3A_215 = arith.constant 0 : i32
    %dma_wait3A_216 = tpu.memref_slice %arg3[%dma_wait3A_214, %dma_wait3A_215] : memref<262144x128xf32, #tpu.memory_space<hbm>> -> memref<262144x128xf32, #tpu.memory_space<hbm>>
    tpu.wait_indirect_dma semaphore(%arg10 : memref<!tpu.dma_semaphore, #tpu.memory_space<semaphore_mem>>) src(%dma_wait3A_216 : memref<262144x128xf32, #tpu.memory_space<hbm>>) dst(%arg8 : memref<128x128xf32, #tpu.memory_space<vmem>>)
    %add3A_217 = arith.constant 15 : i32
    %add3A_218 = arith.addi %mul3A_2, %add3A_217 : i32
    %mul3A_219 = arith.constant 128 : i32
    %mul3A_220 = arith.muli %add3A_218, %mul3A_219 : i32
    "tpu.region"() ({
      %run_scoped3A = tpu.sem_alloc : memref<!tpu.dma_semaphore, #tpu.memory_space<semaphore_mem>>
      %dma_start3A_221 = arith.constant 0 : i32
      %dma_start3A_222 = tpu.memref_slice %arg4[%mul3A_220, %dma_start3A_221] : memref<65536x128xf32, #tpu.memory_space<hbm>> -> memref<128x128xf32, #tpu.memory_space<hbm>>
      %dma_start3A_223 = arith.constant 0 : i32
      %dma_start3A_224 = tpu.memref_slice %arg4[%mul3A_220, %dma_start3A_223] : memref<65536x128xf32, #tpu.memory_space<hbm>> -> memref<128x128xf32, #tpu.memory_space<hbm>>
      tpu.enqueue_dma source(%arg8 : memref<128x128xf32, #tpu.memory_space<vmem>>) target(%dma_start3A_224 : memref<128x128xf32, #tpu.memory_space<hbm>>) target_semaphore(%run_scoped3A : memref<!tpu.dma_semaphore, #tpu.memory_space<semaphore_mem>>)
      %dma_wait3A_225 = arith.constant 0 : i32
      %dma_wait3A_226 = tpu.memref_slice %arg4[%mul3A_220, %dma_wait3A_225] : memref<65536x128xf32, #tpu.memory_space<hbm>> -> memref<128x128xf32, #tpu.memory_space<hbm>>
      %dma_wait3A_227 = arith.constant 0 : i32
      %dma_wait3A_228 = tpu.memref_slice %arg4[%mul3A_220, %dma_wait3A_227] : memref<65536x128xf32, #tpu.memory_space<hbm>> -> memref<128x128xf32, #tpu.memory_space<hbm>>
      tpu.wait_dma2 semaphore(%run_scoped3A : memref<!tpu.dma_semaphore, #tpu.memory_space<semaphore_mem>>) src(%arg8 : memref<128x128xf32, #tpu.memory_space<vmem>>) dst(%dma_wait3A_228 : memref<128x128xf32, #tpu.memory_space<hbm>>)
      tpu.yield
    }) : () -> ()
    return
  }
}

module attributes {stable_mosaic.version = 14 : i64} {
  func.func @_prep_body(%arg0: memref<512x256xf32, #tpu.memory_space<vmem>>, %arg1: memref<512x16xf32, #tpu.memory_space<vmem>>, %arg2: memref<512x9xf32, #tpu.memory_space<vmem>>, %arg3: memref<9x512xf32, #tpu.memory_space<vmem>>, %arg4: memref<1x256xf32, #tpu.memory_space<vmem>>, %arg5: memref<1x256xf32, #tpu.memory_space<vmem>>, %arg6: memref<1x16xf32, #tpu.memory_space<vmem>>, %arg7: memref<1x16xf32, #tpu.memory_space<vmem>>, %arg8: memref<272x32xf32, #tpu.memory_space<vmem>>, %arg9: memref<1x32xf32, #tpu.memory_space<vmem>>, %arg10: memref<1x32xf32, #tpu.memory_space<vmem>>, %arg11: memref<1x32xf32, #tpu.memory_space<vmem>>, %arg12: memref<97x64xf32, #tpu.memory_space<vmem>>, %arg13: memref<512x32xf32, #tpu.memory_space<vmem>>, %arg14: memref<512x64xf32, #tpu.memory_space<vmem>>, %arg15: memref<512x64xf32, #tpu.memory_space<vmem>>, %arg16: memref<512x512xf32, #tpu.memory_space<vmem>>, %arg17: memref<512x512xf32, #tpu.memory_space<vmem>>, %arg18: memref<512x9xf32, #tpu.memory_space<vmem>>, %arg19: memref<512x128xi32, #tpu.memory_space<vmem>>) attributes {dimension_semantics = [], scalar_prefetch = 0 : i64, scratch_operands = 0 : i64, tpu.core_type = #tpu.core_type<tc>} {
    %get3A = arith.constant 0 : index
    %get3A_0 = arith.constant 0 : index
    %get3A_1 = vector.load %arg0[%get3A, %get3A_0] : memref<512x256xf32, #tpu.memory_space<vmem>>, vector<512x256xf32>
    %get3A_2 = arith.constant 0 : index
    %get3A_3 = arith.constant 0 : index
    %get3A_4 = vector.load %arg4[%get3A_2, %get3A_3] : memref<1x256xf32, #tpu.memory_space<vmem>>, vector<1x256xf32>
    %get3A_5 = arith.constant 0 : index
    %get3A_6 = arith.constant 0 : index
    %get3A_7 = vector.load %arg5[%get3A_5, %get3A_6] : memref<1x256xf32, #tpu.memory_space<vmem>>, vector<1x256xf32>
    %reduce_sum3A = arith.constant dense<0.000000e+00> : vector<512xf32>
    %reduce_sum3A_8 = vector.multi_reduction <add>, %get3A_1, %reduce_sum3A [1] : vector<512x256xf32> to vector<512xf32>
    %broadcast_in_dim3A = vector.shape_cast %reduce_sum3A_8 : vector<512xf32> to vector<512x1xf32>
    %div3A = arith.constant 2.560000e+02 : f32
    %div3A_9 = vector.broadcast %div3A : f32 to vector<512x1xf32>
    %div3A_10 = arith.divf %broadcast_in_dim3A, %div3A_9 : vector<512x1xf32>
    %sub3A = vector.broadcast %div3A_10 : vector<512x1xf32> to vector<512x256xf32>
    %sub3A_11 = arith.subf %get3A_1, %sub3A : vector<512x256xf32>
    %integer_pow3A = arith.mulf %sub3A_11, %sub3A_11 : vector<512x256xf32>
    %reduce_sum3A_12 = arith.constant dense<0.000000e+00> : vector<512xf32>
    %reduce_sum3A_13 = vector.multi_reduction <add>, %integer_pow3A, %reduce_sum3A_12 [1] : vector<512x256xf32> to vector<512xf32>
    %broadcast_in_dim3A_14 = vector.shape_cast %reduce_sum3A_13 : vector<512xf32> to vector<512x1xf32>
    %div3A_15 = arith.constant 2.560000e+02 : f32
    %div3A_16 = vector.broadcast %div3A_15 : f32 to vector<512x1xf32>
    %div3A_17 = arith.divf %broadcast_in_dim3A_14, %div3A_16 : vector<512x1xf32>
    %sub3A_18 = vector.broadcast %div3A_10 : vector<512x1xf32> to vector<512x256xf32>
    %sub3A_19 = arith.subf %get3A_1, %sub3A_18 : vector<512x256xf32>
    %add3A = arith.constant 9.99999974E-6 : f32
    %add3A_20 = vector.broadcast %add3A : f32 to vector<512x1xf32>
    %add3A_21 = arith.addf %div3A_17, %add3A_20 : vector<512x1xf32>
    %rsqrt3A = math.rsqrt %add3A_21 : vector<512x1xf32>
    %mul3A = vector.broadcast %rsqrt3A : vector<512x1xf32> to vector<512x256xf32>
    %mul3A_22 = arith.mulf %sub3A_19, %mul3A : vector<512x256xf32>
    %mul3A_23 = vector.broadcast %get3A_4 : vector<1x256xf32> to vector<512x256xf32>
    %mul3A_24 = arith.mulf %mul3A_22, %mul3A_23 : vector<512x256xf32>
    %add3A_25 = vector.broadcast %get3A_7 : vector<1x256xf32> to vector<512x256xf32>
    %add3A_26 = arith.addf %mul3A_24, %add3A_25 : vector<512x256xf32>
    %get3A_27 = arith.constant 0 : index
    %get3A_28 = arith.constant 0 : index
    %get3A_29 = vector.load %arg1[%get3A_27, %get3A_28] : memref<512x16xf32, #tpu.memory_space<vmem>>, vector<512x16xf32>
    %get3A_30 = arith.constant 0 : index
    %get3A_31 = arith.constant 0 : index
    %get3A_32 = vector.load %arg6[%get3A_30, %get3A_31] : memref<1x16xf32, #tpu.memory_space<vmem>>, vector<1x16xf32>
    %get3A_33 = arith.constant 0 : index
    %get3A_34 = arith.constant 0 : index
    %get3A_35 = vector.load %arg7[%get3A_33, %get3A_34] : memref<1x16xf32, #tpu.memory_space<vmem>>, vector<1x16xf32>
    %reduce_sum3A_36 = arith.constant dense<0.000000e+00> : vector<512xf32>
    %reduce_sum3A_37 = vector.multi_reduction <add>, %get3A_29, %reduce_sum3A_36 [1] : vector<512x16xf32> to vector<512xf32>
    %broadcast_in_dim3A_38 = vector.shape_cast %reduce_sum3A_37 : vector<512xf32> to vector<512x1xf32>
    %div3A_39 = arith.constant 1.600000e+01 : f32
    %div3A_40 = vector.broadcast %div3A_39 : f32 to vector<512x1xf32>
    %div3A_41 = arith.divf %broadcast_in_dim3A_38, %div3A_40 : vector<512x1xf32>
    %sub3A_42 = vector.broadcast %div3A_41 : vector<512x1xf32> to vector<512x16xf32>
    %sub3A_43 = arith.subf %get3A_29, %sub3A_42 : vector<512x16xf32>
    %integer_pow3A_44 = arith.mulf %sub3A_43, %sub3A_43 : vector<512x16xf32>
    %reduce_sum3A_45 = arith.constant dense<0.000000e+00> : vector<512xf32>
    %reduce_sum3A_46 = vector.multi_reduction <add>, %integer_pow3A_44, %reduce_sum3A_45 [1] : vector<512x16xf32> to vector<512xf32>
    %broadcast_in_dim3A_47 = vector.shape_cast %reduce_sum3A_46 : vector<512xf32> to vector<512x1xf32>
    %div3A_48 = arith.constant 1.600000e+01 : f32
    %div3A_49 = vector.broadcast %div3A_48 : f32 to vector<512x1xf32>
    %div3A_50 = arith.divf %broadcast_in_dim3A_47, %div3A_49 : vector<512x1xf32>
    %sub3A_51 = vector.broadcast %div3A_41 : vector<512x1xf32> to vector<512x16xf32>
    %sub3A_52 = arith.subf %get3A_29, %sub3A_51 : vector<512x16xf32>
    %add3A_53 = arith.constant 9.99999974E-6 : f32
    %add3A_54 = vector.broadcast %add3A_53 : f32 to vector<512x1xf32>
    %add3A_55 = arith.addf %div3A_50, %add3A_54 : vector<512x1xf32>
    %rsqrt3A_56 = math.rsqrt %add3A_55 : vector<512x1xf32>
    %mul3A_57 = vector.broadcast %rsqrt3A_56 : vector<512x1xf32> to vector<512x16xf32>
    %mul3A_58 = arith.mulf %sub3A_52, %mul3A_57 : vector<512x16xf32>
    %mul3A_59 = vector.broadcast %get3A_32 : vector<1x16xf32> to vector<512x16xf32>
    %mul3A_60 = arith.mulf %mul3A_58, %mul3A_59 : vector<512x16xf32>
    %add3A_61 = vector.broadcast %get3A_35 : vector<1x16xf32> to vector<512x16xf32>
    %add3A_62 = arith.addf %mul3A_60, %add3A_61 : vector<512x16xf32>
    %concatenate3A = tpu.concatenate %add3A_26, %add3A_62 in 1 : vector<512x256xf32>, vector<512x16xf32> -> vector<512x272xf32>
    %get3A_63 = arith.constant 0 : index
    %get3A_64 = arith.constant 0 : index
    %get3A_65 = vector.load %arg8[%get3A_63, %get3A_64] : memref<272x32xf32, #tpu.memory_space<vmem>>, vector<272x32xf32>
    %dot_general3A = arith.constant dense<0.000000e+00> : vector<512x32xf32>
    %dot_general3A_66 = tpu.matmul %concatenate3A, %get3A_65, %dot_general3A {dimension_numbers = #tpu.dot_dimension_numbers<[1], [0], [0], [1], [0, 0, 1, 1], [], []>, transpose_lhs_hint = false} : vector<512x272xf32>, vector<272x32xf32>, vector<512x32xf32> -> vector<512x32xf32>
    %get3A_67 = arith.constant 0 : index
    %get3A_68 = arith.constant 0 : index
    %get3A_69 = vector.load %arg9[%get3A_67, %get3A_68] : memref<1x32xf32, #tpu.memory_space<vmem>>, vector<1x32xf32>
    %add3A_70 = vector.broadcast %get3A_69 : vector<1x32xf32> to vector<512x32xf32>
    %add3A_71 = arith.addf %dot_general3A_66, %add3A_70 : vector<512x32xf32>
    %get3A_72 = arith.constant 0 : index
    %get3A_73 = arith.constant 0 : index
    %get3A_74 = vector.load %arg10[%get3A_72, %get3A_73] : memref<1x32xf32, #tpu.memory_space<vmem>>, vector<1x32xf32>
    %get3A_75 = arith.constant 0 : index
    %get3A_76 = arith.constant 0 : index
    %get3A_77 = vector.load %arg11[%get3A_75, %get3A_76] : memref<1x32xf32, #tpu.memory_space<vmem>>, vector<1x32xf32>
    %reduce_sum3A_78 = arith.constant dense<0.000000e+00> : vector<512xf32>
    %reduce_sum3A_79 = vector.multi_reduction <add>, %add3A_71, %reduce_sum3A_78 [1] : vector<512x32xf32> to vector<512xf32>
    %broadcast_in_dim3A_80 = vector.shape_cast %reduce_sum3A_79 : vector<512xf32> to vector<512x1xf32>
    %div3A_81 = arith.constant 3.200000e+01 : f32
    %div3A_82 = vector.broadcast %div3A_81 : f32 to vector<512x1xf32>
    %div3A_83 = arith.divf %broadcast_in_dim3A_80, %div3A_82 : vector<512x1xf32>
    %sub3A_84 = vector.broadcast %div3A_83 : vector<512x1xf32> to vector<512x32xf32>
    %sub3A_85 = arith.subf %add3A_71, %sub3A_84 : vector<512x32xf32>
    %integer_pow3A_86 = arith.mulf %sub3A_85, %sub3A_85 : vector<512x32xf32>
    %reduce_sum3A_87 = arith.constant dense<0.000000e+00> : vector<512xf32>
    %reduce_sum3A_88 = vector.multi_reduction <add>, %integer_pow3A_86, %reduce_sum3A_87 [1] : vector<512x32xf32> to vector<512xf32>
    %broadcast_in_dim3A_89 = vector.shape_cast %reduce_sum3A_88 : vector<512xf32> to vector<512x1xf32>
    %div3A_90 = arith.constant 3.200000e+01 : f32
    %div3A_91 = vector.broadcast %div3A_90 : f32 to vector<512x1xf32>
    %div3A_92 = arith.divf %broadcast_in_dim3A_89, %div3A_91 : vector<512x1xf32>
    %sub3A_93 = vector.broadcast %div3A_83 : vector<512x1xf32> to vector<512x32xf32>
    %sub3A_94 = arith.subf %add3A_71, %sub3A_93 : vector<512x32xf32>
    %add3A_95 = arith.constant 9.99999974E-6 : f32
    %add3A_96 = vector.broadcast %add3A_95 : f32 to vector<512x1xf32>
    %add3A_97 = arith.addf %div3A_92, %add3A_96 : vector<512x1xf32>
    %rsqrt3A_98 = math.rsqrt %add3A_97 : vector<512x1xf32>
    %mul3A_99 = vector.broadcast %rsqrt3A_98 : vector<512x1xf32> to vector<512x32xf32>
    %mul3A_100 = arith.mulf %sub3A_94, %mul3A_99 : vector<512x32xf32>
    %mul3A_101 = vector.broadcast %get3A_74 : vector<1x32xf32> to vector<512x32xf32>
    %mul3A_102 = arith.mulf %mul3A_100, %mul3A_101 : vector<512x32xf32>
    %add3A_103 = vector.broadcast %get3A_77 : vector<1x32xf32> to vector<512x32xf32>
    %add3A_104 = arith.addf %mul3A_102, %add3A_103 : vector<512x32xf32>
    %swap3A = arith.constant 0 : index
    %swap3A_105 = arith.constant 0 : index
    %swap3A_106 = vector.load %arg13[%swap3A, %swap3A_105] : memref<512x32xf32, #tpu.memory_space<vmem>>, vector<512x32xf32>
    tpu.vector_store %arg13[%swap3A, %swap3A_105], %add3A_104 {strides = array<i32>} : memref<512x32xf32, #tpu.memory_space<vmem>>, vector<512x32xf32>,
    %get3A_107 = arith.constant 0 : index
    %get3A_108 = arith.constant 0 : index
    %get3A_109 = vector.load %arg12[%get3A_107, %get3A_108] : memref<97x64xf32, #tpu.memory_space<vmem>>, vector<97x64xf32>
    %slice3A = vector.extract_strided_slice %get3A_109 {offsets = [0, 0], sizes = [32, 64], strides = [1, 1]} : vector<97x64xf32> to vector<32x64xf32>
    %dot_general3A_110 = arith.constant dense<0.000000e+00> : vector<512x64xf32>
    %dot_general3A_111 = tpu.matmul %add3A_104, %slice3A, %dot_general3A_110 {dimension_numbers = #tpu.dot_dimension_numbers<[1], [0], [0], [1], [0, 0, 1, 1], [], []>, transpose_lhs_hint = false} : vector<512x32xf32>, vector<32x64xf32>, vector<512x64xf32> -> vector<512x64xf32>
    %swap3A_112 = arith.constant 0 : index
    %swap3A_113 = arith.constant 0 : index
    %swap3A_114 = vector.load %arg14[%swap3A_112, %swap3A_113] : memref<512x64xf32, #tpu.memory_space<vmem>>, vector<512x64xf32>
    tpu.vector_store %arg14[%swap3A_112, %swap3A_113], %dot_general3A_111 {strides = array<i32>} : memref<512x64xf32, #tpu.memory_space<vmem>>, vector<512x64xf32>,
    %slice3A_115 = vector.extract_strided_slice %get3A_109 {offsets = [32, 0], sizes = [32, 64], strides = [1, 1]} : vector<97x64xf32> to vector<32x64xf32>
    %dot_general3A_116 = arith.constant dense<0.000000e+00> : vector<512x64xf32>
    %dot_general3A_117 = tpu.matmul %add3A_104, %slice3A_115, %dot_general3A_116 {dimension_numbers = #tpu.dot_dimension_numbers<[1], [0], [0], [1], [0, 0, 1, 1], [], []>, transpose_lhs_hint = false} : vector<512x32xf32>, vector<32x64xf32>, vector<512x64xf32> -> vector<512x64xf32>
    %swap3A_118 = arith.constant 0 : index
    %swap3A_119 = arith.constant 0 : index
    %swap3A_120 = vector.load %arg15[%swap3A_118, %swap3A_119] : memref<512x64xf32, #tpu.memory_space<vmem>>, vector<512x64xf32>
    tpu.vector_store %arg15[%swap3A_118, %swap3A_119], %dot_general3A_117 {strides = array<i32>} : memref<512x64xf32, #tpu.memory_space<vmem>>, vector<512x64xf32>,
    %get3A_121 = arith.constant 0 : index
    %get3A_122 = arith.constant 0 : index
    %get3A_123 = vector.load %arg2[%get3A_121, %get3A_122] : memref<512x9xf32, #tpu.memory_space<vmem>>, vector<512x9xf32>
    %slice3A_124 = vector.extract_strided_slice %get3A_123 {offsets = [0, 3], sizes = [512, 3], strides = [1, 1]} : vector<512x9xf32> to vector<512x3xf32>
    %concatenate3A_125 = tpu.concatenate %slice3A_124, %slice3A_124, %slice3A_124 in 1 : vector<512x3xf32>, vector<512x3xf32>, vector<512x3xf32> -> vector<512x9xf32>
    %sub3A_126 = arith.subf %get3A_123, %concatenate3A_125 : vector<512x9xf32>
    %swap3A_127 = arith.constant 0 : index
    %swap3A_128 = arith.constant 0 : index
    %swap3A_129 = vector.load %arg18[%swap3A_127, %swap3A_128] : memref<512x9xf32, #tpu.memory_space<vmem>>, vector<512x9xf32>
    tpu.vector_store %arg18[%swap3A_127, %swap3A_128], %sub3A_126 {strides = array<i32>} : memref<512x9xf32, #tpu.memory_space<vmem>>, vector<512x9xf32>,
    %broadcast_in_dim3A_130 = arith.constant 0.000000e+00 : f32
    %broadcast_in_dim3A_131 = vector.broadcast %broadcast_in_dim3A_130 : f32 to vector<512x512xf32>
    %slice3A_132 = vector.extract_strided_slice %get3A_123 {offsets = [0, 3], sizes = [512, 1], strides = [1, 1]} : vector<512x9xf32> to vector<512x1xf32>
    %get3A_133 = arith.constant 3 : index
    %get3A_134 = arith.constant 0 : index
    %get3A_135 = vector.load %arg3[%get3A_133, %get3A_134] : memref<9x512xf32, #tpu.memory_space<vmem>>, vector<1x512xf32>
    %sub3A_136 = vector.broadcast %slice3A_132 : vector<512x1xf32> to vector<512x512xf32>
    %sub3A_137 = vector.broadcast %get3A_135 : vector<1x512xf32> to vector<512x512xf32>
    %sub3A_138 = arith.subf %sub3A_136, %sub3A_137 : vector<512x512xf32>
    %mul3A_139 = arith.mulf %sub3A_138, %sub3A_138 : vector<512x512xf32>
    %add3A_140 = arith.addf %broadcast_in_dim3A_131, %mul3A_139 : vector<512x512xf32>
    %slice3A_141 = vector.extract_strided_slice %get3A_123 {offsets = [0, 4], sizes = [512, 1], strides = [1, 1]} : vector<512x9xf32> to vector<512x1xf32>
    %get3A_142 = arith.constant 4 : index
    %get3A_143 = arith.constant 0 : index
    %get3A_144 = vector.load %arg3[%get3A_142, %get3A_143] : memref<9x512xf32, #tpu.memory_space<vmem>>, vector<1x512xf32>
    %sub3A_145 = vector.broadcast %slice3A_141 : vector<512x1xf32> to vector<512x512xf32>
    %sub3A_146 = vector.broadcast %get3A_144 : vector<1x512xf32> to vector<512x512xf32>
    %sub3A_147 = arith.subf %sub3A_145, %sub3A_146 : vector<512x512xf32>
    %mul3A_148 = arith.mulf %sub3A_147, %sub3A_147 : vector<512x512xf32>
    %add3A_149 = arith.addf %add3A_140, %mul3A_148 : vector<512x512xf32>
    %slice3A_150 = vector.extract_strided_slice %get3A_123 {offsets = [0, 5], sizes = [512, 1], strides = [1, 1]} : vector<512x9xf32> to vector<512x1xf32>
    %get3A_151 = arith.constant 5 : index
    %get3A_152 = arith.constant 0 : index
    %get3A_153 = vector.load %arg3[%get3A_151, %get3A_152] : memref<9x512xf32, #tpu.memory_space<vmem>>, vector<1x512xf32>
    %sub3A_154 = vector.broadcast %slice3A_150 : vector<512x1xf32> to vector<512x512xf32>
    %sub3A_155 = vector.broadcast %get3A_153 : vector<1x512xf32> to vector<512x512xf32>
    %sub3A_156 = arith.subf %sub3A_154, %sub3A_155 : vector<512x512xf32>
    %mul3A_157 = arith.mulf %sub3A_156, %sub3A_156 : vector<512x512xf32>
    %add3A_158 = arith.addf %add3A_149, %mul3A_157 : vector<512x512xf32>
    %add3A_159 = arith.constant 9.99999993E-9 : f32
    %add3A_160 = vector.broadcast %add3A_159 : f32 to vector<512x512xf32>
    %add3A_161 = arith.addf %add3A_158, %add3A_160 : vector<512x512xf32>
    %sqrt3A = math.sqrt %add3A_161 : vector<512x512xf32>
    %swap3A_162 = arith.constant 0 : index
    %swap3A_163 = arith.constant 0 : index
    %swap3A_164 = vector.load %arg16[%swap3A_162, %swap3A_163] : memref<512x512xf32, #tpu.memory_space<vmem>>, vector<512x512xf32>
    tpu.vector_store %arg16[%swap3A_162, %swap3A_163], %sqrt3A {strides = array<i32>} : memref<512x512xf32, #tpu.memory_space<vmem>>, vector<512x512xf32>,
    %iota3A = tpu.iota {dimensions = array<i32: 0>} : vector<512x512xi32>
    %iota3A_165 = tpu.iota {dimensions = array<i32: 1>} : vector<512x512xi32>
    %eq3A = arith.cmpi eq, %iota3A, %iota3A_165 : vector<512x512xi32>
    %jit3A = arith.constant 9.999000e+02 : f32
    %jit3A_166 = arith.constant 0.000000e+00 : f32
    %broadcast_in_dim3A_167 = vector.broadcast %jit3A : f32 to vector<512x512xf32>
    %broadcast_in_dim3A_168 = vector.broadcast %jit3A_166 : f32 to vector<512x512xf32>
    %select_n3A = arith.select %eq3A, %broadcast_in_dim3A_167, %broadcast_in_dim3A_168 : vector<512x512xi1>, vector<512x512xf32>
    %add3A_169 = arith.addf %sqrt3A, %select_n3A : vector<512x512xf32>
    %bitcast_convert_type3A = tpu.bitcast %add3A_169 : vector<512x512xf32> -> vector<512x512xi32>
    %broadcast_in_dim3A_170 = arith.constant 0 : i32
    %broadcast_in_dim3A_171 = vector.broadcast %broadcast_in_dim3A_170 : i32 to vector<512x1xi32>
    %broadcast_in_dim3A_172 = arith.constant 2139095039 : i32
    %broadcast_in_dim3A_173 = vector.broadcast %broadcast_in_dim3A_172 : i32 to vector<512x1xi32>
    %scan3A = arith.constant 0 : i32
    %scan3A_174 = arith.constant 31 : i32
    %scan3A_175 = arith.addi %scan3A, %scan3A_174 : i32
    %scan3A_176 = arith.constant 1 : i32
    %scan3A_177:2 = scf.for %scan3A_478 = %scan3A to %scan3A_175 step %scan3A_176 iter_args(%scan3A_479 = %broadcast_in_dim3A_171, %scan3A_480 = %broadcast_in_dim3A_173) -> (vector<512x1xi32>, vector<512x1xi32>)  : i32 {
      %sub3A_481 = arith.subi %scan3A_480, %scan3A_479 : vector<512x1xi32>
      %jit3A_482 = arith.constant 2 : i32
      %div3A_483 = vector.broadcast %jit3A_482 : i32 to vector<512x1xi32>
      %div3A_484 = arith.divsi %sub3A_481, %div3A_483 : vector<512x1xi32>
      %sign3A = arith.constant 0 : i32
      %sign3A_485 = vector.broadcast %sign3A : i32 to vector<512x1xi32>
      %sign3A_486 = arith.cmpi sgt, %sub3A_481, %sign3A_485 : vector<512x1xi32>
      %sign3A_487 = arith.extui %sign3A_486 : vector<512x1xi1> to vector<512x1xi32>
      %sign3A_488 = arith.constant 0 : i32
      %sign3A_489 = vector.broadcast %sign3A_488 : i32 to vector<512x1xi32>
      %sign3A_490 = arith.cmpi slt, %sub3A_481, %sign3A_489 : vector<512x1xi32>
      %sign3A_491 = arith.extui %sign3A_490 : vector<512x1xi1> to vector<512x1xi32>
      %sign3A_492 = arith.subi %sign3A_487, %sign3A_491 : vector<512x1xi32>
      %sign3A_493 = arith.constant 0 : i32
      %sign3A_494 = arith.cmpi sgt, %jit3A_482, %sign3A_493 : i32
      %sign3A_495 = arith.extui %sign3A_494 : i1 to i32
      %sign3A_496 = arith.constant 0 : i32
      %sign3A_497 = arith.cmpi slt, %jit3A_482, %sign3A_496 : i32
      %sign3A_498 = arith.extui %sign3A_497 : i1 to i32
      %sign3A_499 = arith.subi %sign3A_495, %sign3A_498 : i32
      %ne3A_500 = vector.broadcast %sign3A_499 : i32 to vector<512x1xi32>
      %ne3A_501 = arith.cmpi ne, %sign3A_492, %ne3A_500 : vector<512x1xi32>
      %rem3A = vector.broadcast %jit3A_482 : i32 to vector<512x1xi32>
      %rem3A_502 = arith.remsi %sub3A_481, %rem3A : vector<512x1xi32>
      %ne3A_503 = arith.constant 0 : i32
      %ne3A_504 = vector.broadcast %ne3A_503 : i32 to vector<512x1xi32>
      %ne3A_505 = arith.cmpi ne, %rem3A_502, %ne3A_504 : vector<512x1xi32>
      %and3A_506 = arith.andi %ne3A_501, %ne3A_505 : vector<512x1xi1>
      %sub3A_507 = arith.constant 1 : i32
      %sub3A_508 = vector.broadcast %sub3A_507 : i32 to vector<512x1xi32>
      %sub3A_509 = arith.subi %div3A_484, %sub3A_508 : vector<512x1xi32>
      %select_n3A_510 = arith.select %and3A_506, %sub3A_509, %div3A_484 : vector<512x1xi1>, vector<512x1xi32>
      %add3A_511 = arith.addi %scan3A_479, %select_n3A_510 : vector<512x1xi32>
      %le3A_512 = vector.broadcast %add3A_511 : vector<512x1xi32> to vector<512x512xi32>
      %le3A_513 = arith.cmpi sle, %bitcast_convert_type3A, %le3A_512 : vector<512x512xi32>
      %convert_element_type3A_514 = arith.extui %le3A_513 : vector<512x512xi1> to vector<512x512xi32>
      %reduce_sum3A_515 = arith.constant dense<0> : vector<512xi32>
      %reduce_sum3A_516 = vector.multi_reduction <add>, %convert_element_type3A_514, %reduce_sum3A_515 [1] : vector<512x512xi32> to vector<512xi32>
      %broadcast_in_dim3A_517 = vector.shape_cast %reduce_sum3A_516 : vector<512xi32> to vector<512x1xi32>
      %ge3A = arith.constant 128 : i32
      %ge3A_518 = vector.broadcast %ge3A : i32 to vector<512x1xi32>
      %ge3A_519 = arith.cmpi sge, %broadcast_in_dim3A_517, %ge3A_518 : vector<512x1xi32>
      %add3A_520 = arith.constant 1 : i32
      %add3A_521 = vector.broadcast %add3A_520 : i32 to vector<512x1xi32>
      %add3A_522 = arith.addi %add3A_511, %add3A_521 : vector<512x1xi32>
      %select_n3A_523 = arith.select %ge3A_519, %scan3A_479, %add3A_522 : vector<512x1xi1>, vector<512x1xi32>
      %select_n3A_524 = arith.select %ge3A_519, %add3A_511, %scan3A_480 : vector<512x1xi1>, vector<512x1xi32>
      scf.yield %select_n3A_523, %select_n3A_524 : vector<512x1xi32>, vector<512x1xi32>
    }
    %lt3A = vector.broadcast %scan3A_177#1 : vector<512x1xi32> to vector<512x512xi32>
    %lt3A_178 = arith.cmpi slt, %bitcast_convert_type3A, %lt3A : vector<512x512xi32>
    %eq3A_179 = vector.broadcast %scan3A_177#1 : vector<512x1xi32> to vector<512x512xi32>
    %eq3A_180 = arith.cmpi eq, %bitcast_convert_type3A, %eq3A_179 : vector<512x512xi32>
    %convert_element_type3A = arith.extui %lt3A_178 : vector<512x512xi1> to vector<512x512xi32>
    %convert_element_type3A_181 = arith.sitofp %convert_element_type3A : vector<512x512xi32> to vector<512x512xf32>
    %reduce_sum3A_182 = arith.constant dense<0.000000e+00> : vector<512xf32>
    %reduce_sum3A_183 = vector.multi_reduction <add>, %convert_element_type3A_181, %reduce_sum3A_182 [1] : vector<512x512xf32> to vector<512xf32>
    %broadcast_in_dim3A_184 = vector.shape_cast %reduce_sum3A_183 : vector<512xf32> to vector<512x1xf32>
    %sub3A_185 = arith.constant 1.280000e+02 : f32
    %sub3A_186 = vector.broadcast %sub3A_185 : f32 to vector<512x1xf32>
    %sub3A_187 = arith.subf %sub3A_186, %broadcast_in_dim3A_184 : vector<512x1xf32>
    %convert_element_type3A_188 = arith.extui %eq3A_180 : vector<512x512xi1> to vector<512x512xi32>
    %convert_element_type3A_189 = arith.sitofp %convert_element_type3A_188 : vector<512x512xi32> to vector<512x512xf32>
    %le3A = arith.cmpi sle, %iota3A, %iota3A_165 : vector<512x512xi32>
    %convert_element_type3A_190 = arith.extui %le3A : vector<512x512xi1> to vector<512x512xi32>
    %convert_element_type3A_191 = arith.sitofp %convert_element_type3A_190 : vector<512x512xi32> to vector<512x512xf32>
    %dot_general3A_192 = arith.constant dense<0.000000e+00> : vector<512x512xf32>
    %dot_general3A_193 = tpu.matmul %convert_element_type3A_189, %convert_element_type3A_191, %dot_general3A_192 {dimension_numbers = #tpu.dot_dimension_numbers<[1], [0], [0], [1], [0, 0, 1, 1], [], []>, transpose_lhs_hint = false} : vector<512x512xf32>, vector<512x512xf32>, vector<512x512xf32> -> vector<512x512xf32>
    %le3A_194 = vector.broadcast %sub3A_187 : vector<512x1xf32> to vector<512x512xf32>
    %le3A_195 = arith.cmpf ole, %dot_general3A_193, %le3A_194 : vector<512x512xf32>
    %and3A = arith.andi %eq3A_180, %le3A_195 : vector<512x512xi1>
    %or3A = arith.ori %lt3A_178, %and3A : vector<512x512xi1>
    %jit3A_196 = arith.constant 1.000000e+00 : f32
    %jit3A_197 = arith.constant 0.000000e+00 : f32
    %broadcast_in_dim3A_198 = vector.broadcast %jit3A_196 : f32 to vector<512x512xf32>
    %broadcast_in_dim3A_199 = vector.broadcast %jit3A_197 : f32 to vector<512x512xf32>
    %select_n3A_200 = arith.select %or3A, %broadcast_in_dim3A_198, %broadcast_in_dim3A_199 : vector<512x512xi1>, vector<512x512xf32>
    %swap3A_201 = arith.constant 0 : index
    %swap3A_202 = arith.constant 0 : index
    %swap3A_203 = vector.load %arg17[%swap3A_201, %swap3A_202] : memref<512x512xf32, #tpu.memory_space<vmem>>, vector<512x512xf32>
    tpu.vector_store %arg17[%swap3A_201, %swap3A_202], %select_n3A_200 {strides = array<i32>} : memref<512x512xf32, #tpu.memory_space<vmem>>, vector<512x512xf32>,
    %dot_general3A_204 = arith.constant dense<0.000000e+00> : vector<512x512xf32>
    %dot_general3A_205 = tpu.matmul %select_n3A_200, %convert_element_type3A_191, %dot_general3A_204 {dimension_numbers = #tpu.dot_dimension_numbers<[1], [0], [0], [1], [0, 0, 1, 1], [], []>, transpose_lhs_hint = false} : vector<512x512xf32>, vector<512x512xf32>, vector<512x512xf32> -> vector<512x512xf32>
    %gt3A = arith.constant 5.000000e-01 : f32
    %gt3A_206 = vector.broadcast %gt3A : f32 to vector<512x512xf32>
    %gt3A_207 = arith.cmpf ogt, %select_n3A_200, %gt3A_206 : vector<512x512xf32>
    %jit3A_208 = arith.constant 512 : i32
    %broadcast_in_dim3A_209 = vector.broadcast %jit3A_208 : i32 to vector<512x512xi32>
    %select_n3A_210 = arith.select %gt3A_207, %iota3A_165, %broadcast_in_dim3A_209 : vector<512x512xi1>, vector<512x512xi32>
    %convert_element_type3A_211 = arith.fptosi %dot_general3A_205 : vector<512x512xf32> to vector<512x512xi32>
    %sub3A_212 = arith.constant 1 : i32
    %sub3A_213 = vector.broadcast %sub3A_212 : i32 to vector<512x512xi32>
    %sub3A_214 = arith.subi %convert_element_type3A_211, %sub3A_213 : vector<512x512xi32>
    %sub3A_215 = arith.subi %iota3A_165, %sub3A_214 : vector<512x512xi32>
    %jit3A_216 = arith.constant 0 : i32
    %broadcast_in_dim3A_217 = vector.broadcast %jit3A_216 : i32 to vector<512x512xi32>
    %select_n3A_218 = arith.select %gt3A_207, %sub3A_215, %broadcast_in_dim3A_217 : vector<512x512xi1>, vector<512x512xi32>
    %and3A_219 = arith.constant 1 : i32
    %and3A_220 = vector.broadcast %and3A_219 : i32 to vector<512x512xi32>
    %and3A_221 = arith.andi %select_n3A_218, %and3A_220 : vector<512x512xi32>
    %slice3A_222 = vector.extract_strided_slice %select_n3A_210 {offsets = [0, 1], sizes = [512, 511], strides = [1, 1]} : vector<512x512xi32> to vector<512x511xi32>
    %slice3A_223 = vector.extract_strided_slice %select_n3A_210 {offsets = [0, 0], sizes = [512, 1], strides = [1, 1]} : vector<512x512xi32> to vector<512x1xi32>
    %concatenate3A_224 = tpu.concatenate %slice3A_222, %slice3A_223 in 1 : vector<512x511xi32>, vector<512x1xi32> -> vector<512x512xi32>
    %slice3A_225 = vector.extract_strided_slice %select_n3A_218 {offsets = [0, 1], sizes = [512, 511], strides = [1, 1]} : vector<512x512xi32> to vector<512x511xi32>
    %slice3A_226 = vector.extract_strided_slice %select_n3A_218 {offsets = [0, 0], sizes = [512, 1], strides = [1, 1]} : vector<512x512xi32> to vector<512x1xi32>
    %concatenate3A_227 = tpu.concatenate %slice3A_225, %slice3A_226 in 1 : vector<512x511xi32>, vector<512x1xi32> -> vector<512x512xi32>
    %slice3A_228 = vector.extract_strided_slice %and3A_221 {offsets = [0, 1], sizes = [512, 511], strides = [1, 1]} : vector<512x512xi32> to vector<512x511xi32>
    %slice3A_229 = vector.extract_strided_slice %and3A_221 {offsets = [0, 0], sizes = [512, 1], strides = [1, 1]} : vector<512x512xi32> to vector<512x1xi32>
    %concatenate3A_230 = tpu.concatenate %slice3A_228, %slice3A_229 in 1 : vector<512x511xi32>, vector<512x1xi32> -> vector<512x512xi32>
    %ne3A = arith.constant 0 : i32
    %ne3A_231 = vector.broadcast %ne3A : i32 to vector<512x512xi32>
    %ne3A_232 = arith.cmpi ne, %and3A_221, %ne3A_231 : vector<512x512xi32>
    %ne3A_233 = arith.constant 0 : i32
    %ne3A_234 = vector.broadcast %ne3A_233 : i32 to vector<512x512xi32>
    %ne3A_235 = arith.cmpi ne, %concatenate3A_230, %ne3A_234 : vector<512x512xi32>
    %jit3A_236 = arith.constant 512 : i32
    %broadcast_in_dim3A_237 = vector.broadcast %jit3A_236 : i32 to vector<512x512xi32>
    %select_n3A_238 = arith.select %ne3A_232, %broadcast_in_dim3A_237, %select_n3A_210 : vector<512x512xi1>, vector<512x512xi32>
    %select_n3A_239 = arith.select %ne3A_235, %concatenate3A_224, %select_n3A_238 : vector<512x512xi1>, vector<512x512xi32>
    %sub3A_240 = arith.constant 1 : i32
    %sub3A_241 = vector.broadcast %sub3A_240 : i32 to vector<512x512xi32>
    %sub3A_242 = arith.subi %concatenate3A_227, %sub3A_241 : vector<512x512xi32>
    %jit3A_243 = arith.constant 0 : i32
    %broadcast_in_dim3A_244 = vector.broadcast %jit3A_243 : i32 to vector<512x512xi32>
    %select_n3A_245 = arith.select %ne3A_232, %broadcast_in_dim3A_244, %select_n3A_218 : vector<512x512xi1>, vector<512x512xi32>
    %select_n3A_246 = arith.select %ne3A_235, %sub3A_242, %select_n3A_245 : vector<512x512xi1>, vector<512x512xi32>
    %and3A_247 = arith.constant 2 : i32
    %and3A_248 = vector.broadcast %and3A_247 : i32 to vector<512x512xi32>
    %and3A_249 = arith.andi %select_n3A_246, %and3A_248 : vector<512x512xi32>
    %slice3A_250 = vector.extract_strided_slice %select_n3A_239 {offsets = [0, 2], sizes = [512, 510], strides = [1, 1]} : vector<512x512xi32> to vector<512x510xi32>
    %slice3A_251 = vector.extract_strided_slice %select_n3A_239 {offsets = [0, 0], sizes = [512, 2], strides = [1, 1]} : vector<512x512xi32> to vector<512x2xi32>
    %concatenate3A_252 = tpu.concatenate %slice3A_250, %slice3A_251 in 1 : vector<512x510xi32>, vector<512x2xi32> -> vector<512x512xi32>
    %slice3A_253 = vector.extract_strided_slice %select_n3A_246 {offsets = [0, 2], sizes = [512, 510], strides = [1, 1]} : vector<512x512xi32> to vector<512x510xi32>
    %slice3A_254 = vector.extract_strided_slice %select_n3A_246 {offsets = [0, 0], sizes = [512, 2], strides = [1, 1]} : vector<512x512xi32> to vector<512x2xi32>
    %concatenate3A_255 = tpu.concatenate %slice3A_253, %slice3A_254 in 1 : vector<512x510xi32>, vector<512x2xi32> -> vector<512x512xi32>
    %slice3A_256 = vector.extract_strided_slice %and3A_249 {offsets = [0, 2], sizes = [512, 510], strides = [1, 1]} : vector<512x512xi32> to vector<512x510xi32>
    %slice3A_257 = vector.extract_strided_slice %and3A_249 {offsets = [0, 0], sizes = [512, 2], strides = [1, 1]} : vector<512x512xi32> to vector<512x2xi32>
    %concatenate3A_258 = tpu.concatenate %slice3A_256, %slice3A_257 in 1 : vector<512x510xi32>, vector<512x2xi32> -> vector<512x512xi32>
    %ne3A_259 = arith.constant 0 : i32
    %ne3A_260 = vector.broadcast %ne3A_259 : i32 to vector<512x512xi32>
    %ne3A_261 = arith.cmpi ne, %and3A_249, %ne3A_260 : vector<512x512xi32>
    %ne3A_262 = arith.constant 0 : i32
    %ne3A_263 = vector.broadcast %ne3A_262 : i32 to vector<512x512xi32>
    %ne3A_264 = arith.cmpi ne, %concatenate3A_258, %ne3A_263 : vector<512x512xi32>
    %jit3A_265 = arith.constant 512 : i32
    %broadcast_in_dim3A_266 = vector.broadcast %jit3A_265 : i32 to vector<512x512xi32>
    %select_n3A_267 = arith.select %ne3A_261, %broadcast_in_dim3A_266, %select_n3A_239 : vector<512x512xi1>, vector<512x512xi32>
    %select_n3A_268 = arith.select %ne3A_264, %concatenate3A_252, %select_n3A_267 : vector<512x512xi1>, vector<512x512xi32>
    %sub3A_269 = arith.constant 2 : i32
    %sub3A_270 = vector.broadcast %sub3A_269 : i32 to vector<512x512xi32>
    %sub3A_271 = arith.subi %concatenate3A_255, %sub3A_270 : vector<512x512xi32>
    %jit3A_272 = arith.constant 0 : i32
    %broadcast_in_dim3A_273 = vector.broadcast %jit3A_272 : i32 to vector<512x512xi32>
    %select_n3A_274 = arith.select %ne3A_261, %broadcast_in_dim3A_273, %select_n3A_246 : vector<512x512xi1>, vector<512x512xi32>
    %select_n3A_275 = arith.select %ne3A_264, %sub3A_271, %select_n3A_274 : vector<512x512xi1>, vector<512x512xi32>
    %and3A_276 = arith.constant 4 : i32
    %and3A_277 = vector.broadcast %and3A_276 : i32 to vector<512x512xi32>
    %and3A_278 = arith.andi %select_n3A_275, %and3A_277 : vector<512x512xi32>
    %slice3A_279 = vector.extract_strided_slice %select_n3A_268 {offsets = [0, 4], sizes = [512, 508], strides = [1, 1]} : vector<512x512xi32> to vector<512x508xi32>
    %slice3A_280 = vector.extract_strided_slice %select_n3A_268 {offsets = [0, 0], sizes = [512, 4], strides = [1, 1]} : vector<512x512xi32> to vector<512x4xi32>
    %concatenate3A_281 = tpu.concatenate %slice3A_279, %slice3A_280 in 1 : vector<512x508xi32>, vector<512x4xi32> -> vector<512x512xi32>
    %slice3A_282 = vector.extract_strided_slice %select_n3A_275 {offsets = [0, 4], sizes = [512, 508], strides = [1, 1]} : vector<512x512xi32> to vector<512x508xi32>
    %slice3A_283 = vector.extract_strided_slice %select_n3A_275 {offsets = [0, 0], sizes = [512, 4], strides = [1, 1]} : vector<512x512xi32> to vector<512x4xi32>
    %concatenate3A_284 = tpu.concatenate %slice3A_282, %slice3A_283 in 1 : vector<512x508xi32>, vector<512x4xi32> -> vector<512x512xi32>
    %slice3A_285 = vector.extract_strided_slice %and3A_278 {offsets = [0, 4], sizes = [512, 508], strides = [1, 1]} : vector<512x512xi32> to vector<512x508xi32>
    %slice3A_286 = vector.extract_strided_slice %and3A_278 {offsets = [0, 0], sizes = [512, 4], strides = [1, 1]} : vector<512x512xi32> to vector<512x4xi32>
    %concatenate3A_287 = tpu.concatenate %slice3A_285, %slice3A_286 in 1 : vector<512x508xi32>, vector<512x4xi32> -> vector<512x512xi32>
    %ne3A_288 = arith.constant 0 : i32
    %ne3A_289 = vector.broadcast %ne3A_288 : i32 to vector<512x512xi32>
    %ne3A_290 = arith.cmpi ne, %and3A_278, %ne3A_289 : vector<512x512xi32>
    %ne3A_291 = arith.constant 0 : i32
    %ne3A_292 = vector.broadcast %ne3A_291 : i32 to vector<512x512xi32>
    %ne3A_293 = arith.cmpi ne, %concatenate3A_287, %ne3A_292 : vector<512x512xi32>
    %jit3A_294 = arith.constant 512 : i32
    %broadcast_in_dim3A_295 = vector.broadcast %jit3A_294 : i32 to vector<512x512xi32>
    %select_n3A_296 = arith.select %ne3A_290, %broadcast_in_dim3A_295, %select_n3A_268 : vector<512x512xi1>, vector<512x512xi32>
    %select_n3A_297 = arith.select %ne3A_293, %concatenate3A_281, %select_n3A_296 : vector<512x512xi1>, vector<512x512xi32>
    %sub3A_298 = arith.constant 4 : i32
    %sub3A_299 = vector.broadcast %sub3A_298 : i32 to vector<512x512xi32>
    %sub3A_300 = arith.subi %concatenate3A_284, %sub3A_299 : vector<512x512xi32>
    %jit3A_301 = arith.constant 0 : i32
    %broadcast_in_dim3A_302 = vector.broadcast %jit3A_301 : i32 to vector<512x512xi32>
    %select_n3A_303 = arith.select %ne3A_290, %broadcast_in_dim3A_302, %select_n3A_275 : vector<512x512xi1>, vector<512x512xi32>
    %select_n3A_304 = arith.select %ne3A_293, %sub3A_300, %select_n3A_303 : vector<512x512xi1>, vector<512x512xi32>
    %and3A_305 = arith.constant 8 : i32
    %and3A_306 = vector.broadcast %and3A_305 : i32 to vector<512x512xi32>
    %and3A_307 = arith.andi %select_n3A_304, %and3A_306 : vector<512x512xi32>
    %slice3A_308 = vector.extract_strided_slice %select_n3A_297 {offsets = [0, 8], sizes = [512, 504], strides = [1, 1]} : vector<512x512xi32> to vector<512x504xi32>
    %slice3A_309 = vector.extract_strided_slice %select_n3A_297 {offsets = [0, 0], sizes = [512, 8], strides = [1, 1]} : vector<512x512xi32> to vector<512x8xi32>
    %concatenate3A_310 = tpu.concatenate %slice3A_308, %slice3A_309 in 1 : vector<512x504xi32>, vector<512x8xi32> -> vector<512x512xi32>
    %slice3A_311 = vector.extract_strided_slice %select_n3A_304 {offsets = [0, 8], sizes = [512, 504], strides = [1, 1]} : vector<512x512xi32> to vector<512x504xi32>
    %slice3A_312 = vector.extract_strided_slice %select_n3A_304 {offsets = [0, 0], sizes = [512, 8], strides = [1, 1]} : vector<512x512xi32> to vector<512x8xi32>
    %concatenate3A_313 = tpu.concatenate %slice3A_311, %slice3A_312 in 1 : vector<512x504xi32>, vector<512x8xi32> -> vector<512x512xi32>
    %slice3A_314 = vector.extract_strided_slice %and3A_307 {offsets = [0, 8], sizes = [512, 504], strides = [1, 1]} : vector<512x512xi32> to vector<512x504xi32>
    %slice3A_315 = vector.extract_strided_slice %and3A_307 {offsets = [0, 0], sizes = [512, 8], strides = [1, 1]} : vector<512x512xi32> to vector<512x8xi32>
    %concatenate3A_316 = tpu.concatenate %slice3A_314, %slice3A_315 in 1 : vector<512x504xi32>, vector<512x8xi32> -> vector<512x512xi32>
    %ne3A_317 = arith.constant 0 : i32
    %ne3A_318 = vector.broadcast %ne3A_317 : i32 to vector<512x512xi32>
    %ne3A_319 = arith.cmpi ne, %and3A_307, %ne3A_318 : vector<512x512xi32>
    %ne3A_320 = arith.constant 0 : i32
    %ne3A_321 = vector.broadcast %ne3A_320 : i32 to vector<512x512xi32>
    %ne3A_322 = arith.cmpi ne, %concatenate3A_316, %ne3A_321 : vector<512x512xi32>
    %jit3A_323 = arith.constant 512 : i32
    %broadcast_in_dim3A_324 = vector.broadcast %jit3A_323 : i32 to vector<512x512xi32>
    %select_n3A_325 = arith.select %ne3A_319, %broadcast_in_dim3A_324, %select_n3A_297 : vector<512x512xi1>, vector<512x512xi32>
    %select_n3A_326 = arith.select %ne3A_322, %concatenate3A_310, %select_n3A_325 : vector<512x512xi1>, vector<512x512xi32>
    %sub3A_327 = arith.constant 8 : i32
    %sub3A_328 = vector.broadcast %sub3A_327 : i32 to vector<512x512xi32>
    %sub3A_329 = arith.subi %concatenate3A_313, %sub3A_328 : vector<512x512xi32>
    %jit3A_330 = arith.constant 0 : i32
    %broadcast_in_dim3A_331 = vector.broadcast %jit3A_330 : i32 to vector<512x512xi32>
    %select_n3A_332 = arith.select %ne3A_319, %broadcast_in_dim3A_331, %select_n3A_304 : vector<512x512xi1>, vector<512x512xi32>
    %select_n3A_333 = arith.select %ne3A_322, %sub3A_329, %select_n3A_332 : vector<512x512xi1>, vector<512x512xi32>
    %and3A_334 = arith.constant 16 : i32
    %and3A_335 = vector.broadcast %and3A_334 : i32 to vector<512x512xi32>
    %and3A_336 = arith.andi %select_n3A_333, %and3A_335 : vector<512x512xi32>
    %slice3A_337 = vector.extract_strided_slice %select_n3A_326 {offsets = [0, 16], sizes = [512, 496], strides = [1, 1]} : vector<512x512xi32> to vector<512x496xi32>
    %slice3A_338 = vector.extract_strided_slice %select_n3A_326 {offsets = [0, 0], sizes = [512, 16], strides = [1, 1]} : vector<512x512xi32> to vector<512x16xi32>
    %concatenate3A_339 = tpu.concatenate %slice3A_337, %slice3A_338 in 1 : vector<512x496xi32>, vector<512x16xi32> -> vector<512x512xi32>
    %slice3A_340 = vector.extract_strided_slice %select_n3A_333 {offsets = [0, 16], sizes = [512, 496], strides = [1, 1]} : vector<512x512xi32> to vector<512x496xi32>
    %slice3A_341 = vector.extract_strided_slice %select_n3A_333 {offsets = [0, 0], sizes = [512, 16], strides = [1, 1]} : vector<512x512xi32> to vector<512x16xi32>
    %concatenate3A_342 = tpu.concatenate %slice3A_340, %slice3A_341 in 1 : vector<512x496xi32>, vector<512x16xi32> -> vector<512x512xi32>
    %slice3A_343 = vector.extract_strided_slice %and3A_336 {offsets = [0, 16], sizes = [512, 496], strides = [1, 1]} : vector<512x512xi32> to vector<512x496xi32>
    %slice3A_344 = vector.extract_strided_slice %and3A_336 {offsets = [0, 0], sizes = [512, 16], strides = [1, 1]} : vector<512x512xi32> to vector<512x16xi32>
    %concatenate3A_345 = tpu.concatenate %slice3A_343, %slice3A_344 in 1 : vector<512x496xi32>, vector<512x16xi32> -> vector<512x512xi32>
    %ne3A_346 = arith.constant 0 : i32
    %ne3A_347 = vector.broadcast %ne3A_346 : i32 to vector<512x512xi32>
    %ne3A_348 = arith.cmpi ne, %and3A_336, %ne3A_347 : vector<512x512xi32>
    %ne3A_349 = arith.constant 0 : i32
    %ne3A_350 = vector.broadcast %ne3A_349 : i32 to vector<512x512xi32>
    %ne3A_351 = arith.cmpi ne, %concatenate3A_345, %ne3A_350 : vector<512x512xi32>
    %jit3A_352 = arith.constant 512 : i32
    %broadcast_in_dim3A_353 = vector.broadcast %jit3A_352 : i32 to vector<512x512xi32>
    %select_n3A_354 = arith.select %ne3A_348, %broadcast_in_dim3A_353, %select_n3A_326 : vector<512x512xi1>, vector<512x512xi32>
    %select_n3A_355 = arith.select %ne3A_351, %concatenate3A_339, %select_n3A_354 : vector<512x512xi1>, vector<512x512xi32>
    %sub3A_356 = arith.constant 16 : i32
    %sub3A_357 = vector.broadcast %sub3A_356 : i32 to vector<512x512xi32>
    %sub3A_358 = arith.subi %concatenate3A_342, %sub3A_357 : vector<512x512xi32>
    %jit3A_359 = arith.constant 0 : i32
    %broadcast_in_dim3A_360 = vector.broadcast %jit3A_359 : i32 to vector<512x512xi32>
    %select_n3A_361 = arith.select %ne3A_348, %broadcast_in_dim3A_360, %select_n3A_333 : vector<512x512xi1>, vector<512x512xi32>
    %select_n3A_362 = arith.select %ne3A_351, %sub3A_358, %select_n3A_361 : vector<512x512xi1>, vector<512x512xi32>
    %and3A_363 = arith.constant 32 : i32
    %and3A_364 = vector.broadcast %and3A_363 : i32 to vector<512x512xi32>
    %and3A_365 = arith.andi %select_n3A_362, %and3A_364 : vector<512x512xi32>
    %slice3A_366 = vector.extract_strided_slice %select_n3A_355 {offsets = [0, 32], sizes = [512, 480], strides = [1, 1]} : vector<512x512xi32> to vector<512x480xi32>
    %slice3A_367 = vector.extract_strided_slice %select_n3A_355 {offsets = [0, 0], sizes = [512, 32], strides = [1, 1]} : vector<512x512xi32> to vector<512x32xi32>
    %concatenate3A_368 = tpu.concatenate %slice3A_366, %slice3A_367 in 1 : vector<512x480xi32>, vector<512x32xi32> -> vector<512x512xi32>
    %slice3A_369 = vector.extract_strided_slice %select_n3A_362 {offsets = [0, 32], sizes = [512, 480], strides = [1, 1]} : vector<512x512xi32> to vector<512x480xi32>
    %slice3A_370 = vector.extract_strided_slice %select_n3A_362 {offsets = [0, 0], sizes = [512, 32], strides = [1, 1]} : vector<512x512xi32> to vector<512x32xi32>
    %concatenate3A_371 = tpu.concatenate %slice3A_369, %slice3A_370 in 1 : vector<512x480xi32>, vector<512x32xi32> -> vector<512x512xi32>
    %slice3A_372 = vector.extract_strided_slice %and3A_365 {offsets = [0, 32], sizes = [512, 480], strides = [1, 1]} : vector<512x512xi32> to vector<512x480xi32>
    %slice3A_373 = vector.extract_strided_slice %and3A_365 {offsets = [0, 0], sizes = [512, 32], strides = [1, 1]} : vector<512x512xi32> to vector<512x32xi32>
    %concatenate3A_374 = tpu.concatenate %slice3A_372, %slice3A_373 in 1 : vector<512x480xi32>, vector<512x32xi32> -> vector<512x512xi32>
    %ne3A_375 = arith.constant 0 : i32
    %ne3A_376 = vector.broadcast %ne3A_375 : i32 to vector<512x512xi32>
    %ne3A_377 = arith.cmpi ne, %and3A_365, %ne3A_376 : vector<512x512xi32>
    %ne3A_378 = arith.constant 0 : i32
    %ne3A_379 = vector.broadcast %ne3A_378 : i32 to vector<512x512xi32>
    %ne3A_380 = arith.cmpi ne, %concatenate3A_374, %ne3A_379 : vector<512x512xi32>
    %jit3A_381 = arith.constant 512 : i32
    %broadcast_in_dim3A_382 = vector.broadcast %jit3A_381 : i32 to vector<512x512xi32>
    %select_n3A_383 = arith.select %ne3A_377, %broadcast_in_dim3A_382, %select_n3A_355 : vector<512x512xi1>, vector<512x512xi32>
    %select_n3A_384 = arith.select %ne3A_380, %concatenate3A_368, %select_n3A_383 : vector<512x512xi1>, vector<512x512xi32>
    %sub3A_385 = arith.constant 32 : i32
    %sub3A_386 = vector.broadcast %sub3A_385 : i32 to vector<512x512xi32>
    %sub3A_387 = arith.subi %concatenate3A_371, %sub3A_386 : vector<512x512xi32>
    %jit3A_388 = arith.constant 0 : i32
    %broadcast_in_dim3A_389 = vector.broadcast %jit3A_388 : i32 to vector<512x512xi32>
    %select_n3A_390 = arith.select %ne3A_377, %broadcast_in_dim3A_389, %select_n3A_362 : vector<512x512xi1>, vector<512x512xi32>
    %select_n3A_391 = arith.select %ne3A_380, %sub3A_387, %select_n3A_390 : vector<512x512xi1>, vector<512x512xi32>
    %and3A_392 = arith.constant 64 : i32
    %and3A_393 = vector.broadcast %and3A_392 : i32 to vector<512x512xi32>
    %and3A_394 = arith.andi %select_n3A_391, %and3A_393 : vector<512x512xi32>
    %slice3A_395 = vector.extract_strided_slice %select_n3A_384 {offsets = [0, 64], sizes = [512, 448], strides = [1, 1]} : vector<512x512xi32> to vector<512x448xi32>
    %slice3A_396 = vector.extract_strided_slice %select_n3A_384 {offsets = [0, 0], sizes = [512, 64], strides = [1, 1]} : vector<512x512xi32> to vector<512x64xi32>
    %concatenate3A_397 = tpu.concatenate %slice3A_395, %slice3A_396 in 1 : vector<512x448xi32>, vector<512x64xi32> -> vector<512x512xi32>
    %slice3A_398 = vector.extract_strided_slice %select_n3A_391 {offsets = [0, 64], sizes = [512, 448], strides = [1, 1]} : vector<512x512xi32> to vector<512x448xi32>
    %slice3A_399 = vector.extract_strided_slice %select_n3A_391 {offsets = [0, 0], sizes = [512, 64], strides = [1, 1]} : vector<512x512xi32> to vector<512x64xi32>
    %concatenate3A_400 = tpu.concatenate %slice3A_398, %slice3A_399 in 1 : vector<512x448xi32>, vector<512x64xi32> -> vector<512x512xi32>
    %slice3A_401 = vector.extract_strided_slice %and3A_394 {offsets = [0, 64], sizes = [512, 448], strides = [1, 1]} : vector<512x512xi32> to vector<512x448xi32>
    %slice3A_402 = vector.extract_strided_slice %and3A_394 {offsets = [0, 0], sizes = [512, 64], strides = [1, 1]} : vector<512x512xi32> to vector<512x64xi32>
    %concatenate3A_403 = tpu.concatenate %slice3A_401, %slice3A_402 in 1 : vector<512x448xi32>, vector<512x64xi32> -> vector<512x512xi32>
    %ne3A_404 = arith.constant 0 : i32
    %ne3A_405 = vector.broadcast %ne3A_404 : i32 to vector<512x512xi32>
    %ne3A_406 = arith.cmpi ne, %and3A_394, %ne3A_405 : vector<512x512xi32>
    %ne3A_407 = arith.constant 0 : i32
    %ne3A_408 = vector.broadcast %ne3A_407 : i32 to vector<512x512xi32>
    %ne3A_409 = arith.cmpi ne, %concatenate3A_403, %ne3A_408 : vector<512x512xi32>
    %jit3A_410 = arith.constant 512 : i32
    %broadcast_in_dim3A_411 = vector.broadcast %jit3A_410 : i32 to vector<512x512xi32>
    %select_n3A_412 = arith.select %ne3A_406, %broadcast_in_dim3A_411, %select_n3A_384 : vector<512x512xi1>, vector<512x512xi32>
    %select_n3A_413 = arith.select %ne3A_409, %concatenate3A_397, %select_n3A_412 : vector<512x512xi1>, vector<512x512xi32>
    %sub3A_414 = arith.constant 64 : i32
    %sub3A_415 = vector.broadcast %sub3A_414 : i32 to vector<512x512xi32>
    %sub3A_416 = arith.subi %concatenate3A_400, %sub3A_415 : vector<512x512xi32>
    %jit3A_417 = arith.constant 0 : i32
    %broadcast_in_dim3A_418 = vector.broadcast %jit3A_417 : i32 to vector<512x512xi32>
    %select_n3A_419 = arith.select %ne3A_406, %broadcast_in_dim3A_418, %select_n3A_391 : vector<512x512xi1>, vector<512x512xi32>
    %select_n3A_420 = arith.select %ne3A_409, %sub3A_416, %select_n3A_419 : vector<512x512xi1>, vector<512x512xi32>
    %and3A_421 = arith.constant 128 : i32
    %and3A_422 = vector.broadcast %and3A_421 : i32 to vector<512x512xi32>
    %and3A_423 = arith.andi %select_n3A_420, %and3A_422 : vector<512x512xi32>
    %slice3A_424 = vector.extract_strided_slice %select_n3A_413 {offsets = [0, 128], sizes = [512, 384], strides = [1, 1]} : vector<512x512xi32> to vector<512x384xi32>
    %slice3A_425 = vector.extract_strided_slice %select_n3A_413 {offsets = [0, 0], sizes = [512, 128], strides = [1, 1]} : vector<512x512xi32> to vector<512x128xi32>
    %concatenate3A_426 = tpu.concatenate %slice3A_424, %slice3A_425 in 1 : vector<512x384xi32>, vector<512x128xi32> -> vector<512x512xi32>
    %slice3A_427 = vector.extract_strided_slice %select_n3A_420 {offsets = [0, 128], sizes = [512, 384], strides = [1, 1]} : vector<512x512xi32> to vector<512x384xi32>
    %slice3A_428 = vector.extract_strided_slice %select_n3A_420 {offsets = [0, 0], sizes = [512, 128], strides = [1, 1]} : vector<512x512xi32> to vector<512x128xi32>
    %concatenate3A_429 = tpu.concatenate %slice3A_427, %slice3A_428 in 1 : vector<512x384xi32>, vector<512x128xi32> -> vector<512x512xi32>
    %slice3A_430 = vector.extract_strided_slice %and3A_423 {offsets = [0, 128], sizes = [512, 384], strides = [1, 1]} : vector<512x512xi32> to vector<512x384xi32>
    %slice3A_431 = vector.extract_strided_slice %and3A_423 {offsets = [0, 0], sizes = [512, 128], strides = [1, 1]} : vector<512x512xi32> to vector<512x128xi32>
    %concatenate3A_432 = tpu.concatenate %slice3A_430, %slice3A_431 in 1 : vector<512x384xi32>, vector<512x128xi32> -> vector<512x512xi32>
    %ne3A_433 = arith.constant 0 : i32
    %ne3A_434 = vector.broadcast %ne3A_433 : i32 to vector<512x512xi32>
    %ne3A_435 = arith.cmpi ne, %and3A_423, %ne3A_434 : vector<512x512xi32>
    %ne3A_436 = arith.constant 0 : i32
    %ne3A_437 = vector.broadcast %ne3A_436 : i32 to vector<512x512xi32>
    %ne3A_438 = arith.cmpi ne, %concatenate3A_432, %ne3A_437 : vector<512x512xi32>
    %jit3A_439 = arith.constant 512 : i32
    %broadcast_in_dim3A_440 = vector.broadcast %jit3A_439 : i32 to vector<512x512xi32>
    %select_n3A_441 = arith.select %ne3A_435, %broadcast_in_dim3A_440, %select_n3A_413 : vector<512x512xi1>, vector<512x512xi32>
    %select_n3A_442 = arith.select %ne3A_438, %concatenate3A_426, %select_n3A_441 : vector<512x512xi1>, vector<512x512xi32>
    %sub3A_443 = arith.constant 128 : i32
    %sub3A_444 = vector.broadcast %sub3A_443 : i32 to vector<512x512xi32>
    %sub3A_445 = arith.subi %concatenate3A_429, %sub3A_444 : vector<512x512xi32>
    %jit3A_446 = arith.constant 0 : i32
    %broadcast_in_dim3A_447 = vector.broadcast %jit3A_446 : i32 to vector<512x512xi32>
    %select_n3A_448 = arith.select %ne3A_435, %broadcast_in_dim3A_447, %select_n3A_420 : vector<512x512xi1>, vector<512x512xi32>
    %select_n3A_449 = arith.select %ne3A_438, %sub3A_445, %select_n3A_448 : vector<512x512xi1>, vector<512x512xi32>
    %and3A_450 = arith.constant 256 : i32
    %and3A_451 = vector.broadcast %and3A_450 : i32 to vector<512x512xi32>
    %and3A_452 = arith.andi %select_n3A_449, %and3A_451 : vector<512x512xi32>
    %slice3A_453 = vector.extract_strided_slice %select_n3A_442 {offsets = [0, 256], sizes = [512, 256], strides = [1, 1]} : vector<512x512xi32> to vector<512x256xi32>
    %slice3A_454 = vector.extract_strided_slice %select_n3A_442 {offsets = [0, 0], sizes = [512, 256], strides = [1, 1]} : vector<512x512xi32> to vector<512x256xi32>
    %concatenate3A_455 = tpu.concatenate %slice3A_453, %slice3A_454 in 1 : vector<512x256xi32>, vector<512x256xi32> -> vector<512x512xi32>
    %slice3A_456 = vector.extract_strided_slice %and3A_452 {offsets = [0, 256], sizes = [512, 256], strides = [1, 1]} : vector<512x512xi32> to vector<512x256xi32>
    %slice3A_457 = vector.extract_strided_slice %and3A_452 {offsets = [0, 0], sizes = [512, 256], strides = [1, 1]} : vector<512x512xi32> to vector<512x256xi32>
    %concatenate3A_458 = tpu.concatenate %slice3A_456, %slice3A_457 in 1 : vector<512x256xi32>, vector<512x256xi32> -> vector<512x512xi32>
    %ne3A_459 = arith.constant 0 : i32
    %ne3A_460 = vector.broadcast %ne3A_459 : i32 to vector<512x512xi32>
    %ne3A_461 = arith.cmpi ne, %and3A_452, %ne3A_460 : vector<512x512xi32>
    %ne3A_462 = arith.constant 0 : i32
    %ne3A_463 = vector.broadcast %ne3A_462 : i32 to vector<512x512xi32>
    %ne3A_464 = arith.cmpi ne, %concatenate3A_458, %ne3A_463 : vector<512x512xi32>
    %jit3A_465 = arith.constant 512 : i32
    %broadcast_in_dim3A_466 = vector.broadcast %jit3A_465 : i32 to vector<512x512xi32>
    %select_n3A_467 = arith.select %ne3A_461, %broadcast_in_dim3A_466, %select_n3A_442 : vector<512x512xi1>, vector<512x512xi32>
    %select_n3A_468 = arith.select %ne3A_464, %concatenate3A_455, %select_n3A_467 : vector<512x512xi1>, vector<512x512xi32>
    %slice3A_469 = vector.extract_strided_slice %select_n3A_468 {offsets = [0, 0], sizes = [512, 128], strides = [1, 1]} : vector<512x512xi32> to vector<512x128xi32>
    %slice3A_470 = vector.extract_strided_slice %iota3A {offsets = [0, 0], sizes = [512, 128], strides = [1, 1]} : vector<512x512xi32> to vector<512x128xi32>
    %mul3A_471 = arith.constant 512 : i32
    %mul3A_472 = vector.broadcast %mul3A_471 : i32 to vector<512x128xi32>
    %mul3A_473 = arith.muli %slice3A_470, %mul3A_472 : vector<512x128xi32>
    %add3A_474 = arith.addi %slice3A_469, %mul3A_473 : vector<512x128xi32>
    %swap3A_475 = arith.constant 0 : index
    %swap3A_476 = arith.constant 0 : index
    %swap3A_477 = vector.load %arg19[%swap3A_475, %swap3A_476] : memref<512x128xi32, #tpu.memory_space<vmem>>, vector<512x128xi32>
    tpu.vector_store %arg19[%swap3A_475, %swap3A_476], %add3A_474 {strides = array<i32>} : memref<512x128xi32, #tpu.memory_space<vmem>>, vector<512x128xi32>,
    return
  }
}

module attributes {stable_mosaic.version = 14 : i64} {
  func.func @_finish_body(%arg0: memref<512x32xf32, #tpu.memory_space<vmem>>, %arg1: memref<512x38xf32, #tpu.memory_space<vmem>>, %arg2: memref<512x9xf32, #tpu.memory_space<vmem>>, %arg3: memref<512x9xf32, #tpu.memory_space<vmem>>, %arg4: memref<64x16xf32, #tpu.memory_space<vmem>>, %arg5: memref<1x16xf32, #tpu.memory_space<vmem>>, %arg6: memref<512x16xf32, #tpu.memory_space<vmem>>, %arg7: memref<512x9xf32, #tpu.memory_space<vmem>>) attributes {dimension_semantics = [], scalar_prefetch = 0 : i64, scratch_operands = 0 : i64, tpu.core_type = #tpu.core_type<tc>} {
    %get3A = arith.constant 0 : index
    %get3A_0 = arith.constant 0 : index
    %get3A_1 = vector.load %arg4[%get3A, %get3A_0] : memref<64x16xf32, #tpu.memory_space<vmem>>, vector<64x16xf32>
    %get3A_2 = arith.constant 0 : index
    %get3A_3 = arith.constant 0 : index
    %get3A_4 = vector.load %arg0[%get3A_2, %get3A_3] : memref<512x32xf32, #tpu.memory_space<vmem>>, vector<512x32xf32>
    %slice3A = vector.extract_strided_slice %get3A_1 {offsets = [0, 0], sizes = [32, 16], strides = [1, 1]} : vector<64x16xf32> to vector<32x16xf32>
    %dot_general3A = arith.constant dense<0.000000e+00> : vector<512x16xf32>
    %dot_general3A_5 = tpu.matmul %get3A_4, %slice3A, %dot_general3A {dimension_numbers = #tpu.dot_dimension_numbers<[1], [0], [0], [1], [0, 0, 1, 1], [], []>, transpose_lhs_hint = false} : vector<512x32xf32>, vector<32x16xf32>, vector<512x16xf32> -> vector<512x16xf32>
    %get3A_6 = arith.constant 0 : index
    %get3A_7 = arith.constant 0 : index
    %get3A_8 = vector.load %arg1[%get3A_6, %get3A_7] : memref<512x38xf32, #tpu.memory_space<vmem>>, vector<512x38xf32>
    %slice3A_9 = vector.extract_strided_slice %get3A_8 {offsets = [0, 0], sizes = [512, 32], strides = [1, 1]} : vector<512x38xf32> to vector<512x32xf32>
    %slice3A_10 = vector.extract_strided_slice %get3A_1 {offsets = [32, 0], sizes = [32, 16], strides = [1, 1]} : vector<64x16xf32> to vector<32x16xf32>
    %dot_general3A_11 = arith.constant dense<0.000000e+00> : vector<512x16xf32>
    %dot_general3A_12 = tpu.matmul %slice3A_9, %slice3A_10, %dot_general3A_11 {dimension_numbers = #tpu.dot_dimension_numbers<[1], [0], [0], [1], [0, 0, 1, 1], [], []>, transpose_lhs_hint = false} : vector<512x32xf32>, vector<32x16xf32>, vector<512x16xf32> -> vector<512x16xf32>
    %add3A = arith.addf %dot_general3A_5, %dot_general3A_12 : vector<512x16xf32>
    %get3A_13 = arith.constant 0 : index
    %get3A_14 = arith.constant 0 : index
    %get3A_15 = vector.load %arg5[%get3A_13, %get3A_14] : memref<1x16xf32, #tpu.memory_space<vmem>>, vector<1x16xf32>
    %add3A_16 = vector.broadcast %get3A_15 : vector<1x16xf32> to vector<512x16xf32>
    %add3A_17 = arith.addf %add3A, %add3A_16 : vector<512x16xf32>
    %swap3A = arith.constant 0 : index
    %swap3A_18 = arith.constant 0 : index
    %swap3A_19 = vector.load %arg6[%swap3A, %swap3A_18] : memref<512x16xf32, #tpu.memory_space<vmem>>, vector<512x16xf32>
    tpu.vector_store %arg6[%swap3A, %swap3A_18], %add3A_17 {strides = array<i32>} : memref<512x16xf32, #tpu.memory_space<vmem>>, vector<512x16xf32>,
    %get3A_20 = arith.constant 0 : index
    %get3A_21 = arith.constant 0 : index
    %get3A_22 = vector.load %arg1[%get3A_20, %get3A_21] : memref<512x38xf32, #tpu.memory_space<vmem>>, vector<512x38xf32>
    %slice3A_23 = vector.extract_strided_slice %get3A_22 {offsets = [0, 32], sizes = [512, 6], strides = [1, 1]} : vector<512x38xf32> to vector<512x6xf32>
    %mul3A = arith.constant 0.00999999977 : f32
    %mul3A_24 = vector.broadcast %mul3A : f32 to vector<512x6xf32>
    %mul3A_25 = arith.mulf %slice3A_23, %mul3A_24 : vector<512x6xf32>
    %slice3A_26 = vector.extract_strided_slice %mul3A_25 {offsets = [0, 0], sizes = [512, 3], strides = [1, 1]} : vector<512x6xf32> to vector<512x3xf32>
    %slice3A_27 = vector.extract_strided_slice %mul3A_25 {offsets = [0, 3], sizes = [512, 3], strides = [1, 1]} : vector<512x6xf32> to vector<512x3xf32>
    %mul3A_28 = arith.mulf %slice3A_27, %slice3A_27 : vector<512x3xf32>
    %reduce_sum3A = arith.constant dense<0.000000e+00> : vector<512xf32>
    %reduce_sum3A_29 = vector.multi_reduction <add>, %mul3A_28, %reduce_sum3A [1] : vector<512x3xf32> to vector<512xf32>
    %broadcast_in_dim3A = vector.shape_cast %reduce_sum3A_29 : vector<512xf32> to vector<512x1xf32>
    %add3A_30 = arith.constant 9.99999996E-13 : f32
    %add3A_31 = vector.broadcast %add3A_30 : f32 to vector<512x1xf32>
    %add3A_32 = arith.addf %broadcast_in_dim3A, %add3A_31 : vector<512x1xf32>
    %sqrt3A = math.sqrt %add3A_32 : vector<512x1xf32>
    %add3A_33 = arith.constant 9.99999974E-6 : f32
    %add3A_34 = vector.broadcast %add3A_33 : f32 to vector<512x1xf32>
    %add3A_35 = arith.addf %sqrt3A, %add3A_34 : vector<512x1xf32>
    %div3A = vector.broadcast %add3A_35 : vector<512x1xf32> to vector<512x3xf32>
    %div3A_36 = arith.divf %slice3A_27, %div3A : vector<512x3xf32>
    %cos3A = math.cos %sqrt3A : vector<512x1xf32>
    %sin3A = math.sin %sqrt3A : vector<512x1xf32>
    %get3A_37 = arith.constant 0 : index
    %get3A_38 = arith.constant 0 : index
    %get3A_39 = vector.load %arg3[%get3A_37, %get3A_38] : memref<512x9xf32, #tpu.memory_space<vmem>>, vector<512x9xf32>
    %slice3A_40 = vector.extract_strided_slice %get3A_39 {offsets = [0, 3], sizes = [512, 3], strides = [1, 1]} : vector<512x9xf32> to vector<512x3xf32>
    %get3A_41 = arith.constant 0 : index
    %get3A_42 = arith.constant 0 : index
    %get3A_43 = vector.load %arg2[%get3A_41, %get3A_42] : memref<512x9xf32, #tpu.memory_space<vmem>>, vector<512x9xf32>
    %add3A_44 = arith.addf %slice3A_40, %slice3A_26 : vector<512x3xf32>
    %slice3A_45 = vector.extract_strided_slice %get3A_43 {offsets = [0, 0], sizes = [512, 3], strides = [1, 1]} : vector<512x9xf32> to vector<512x3xf32>
    %mul3A_46 = arith.mulf %div3A_36, %slice3A_45 : vector<512x3xf32>
    %reduce_sum3A_47 = arith.constant dense<0.000000e+00> : vector<512xf32>
    %reduce_sum3A_48 = vector.multi_reduction <add>, %mul3A_46, %reduce_sum3A_47 [1] : vector<512x3xf32> to vector<512xf32>
    %broadcast_in_dim3A_49 = vector.shape_cast %reduce_sum3A_48 : vector<512xf32> to vector<512x1xf32>
    %slice3A_50 = vector.extract_strided_slice %div3A_36 {offsets = [0, 1], sizes = [512, 1], strides = [1, 1]} : vector<512x3xf32> to vector<512x1xf32>
    %slice3A_51 = vector.extract_strided_slice %slice3A_45 {offsets = [0, 2], sizes = [512, 1], strides = [1, 1]} : vector<512x3xf32> to vector<512x1xf32>
    %mul3A_52 = arith.mulf %slice3A_50, %slice3A_51 : vector<512x1xf32>
    %slice3A_53 = vector.extract_strided_slice %div3A_36 {offsets = [0, 2], sizes = [512, 1], strides = [1, 1]} : vector<512x3xf32> to vector<512x1xf32>
    %slice3A_54 = vector.extract_strided_slice %slice3A_45 {offsets = [0, 1], sizes = [512, 1], strides = [1, 1]} : vector<512x3xf32> to vector<512x1xf32>
    %mul3A_55 = arith.mulf %slice3A_53, %slice3A_54 : vector<512x1xf32>
    %sub3A = arith.subf %mul3A_52, %mul3A_55 : vector<512x1xf32>
    %slice3A_56 = vector.extract_strided_slice %div3A_36 {offsets = [0, 2], sizes = [512, 1], strides = [1, 1]} : vector<512x3xf32> to vector<512x1xf32>
    %slice3A_57 = vector.extract_strided_slice %slice3A_45 {offsets = [0, 0], sizes = [512, 1], strides = [1, 1]} : vector<512x3xf32> to vector<512x1xf32>
    %mul3A_58 = arith.mulf %slice3A_56, %slice3A_57 : vector<512x1xf32>
    %slice3A_59 = vector.extract_strided_slice %div3A_36 {offsets = [0, 0], sizes = [512, 1], strides = [1, 1]} : vector<512x3xf32> to vector<512x1xf32>
    %slice3A_60 = vector.extract_strided_slice %slice3A_45 {offsets = [0, 2], sizes = [512, 1], strides = [1, 1]} : vector<512x3xf32> to vector<512x1xf32>
    %mul3A_61 = arith.mulf %slice3A_59, %slice3A_60 : vector<512x1xf32>
    %sub3A_62 = arith.subf %mul3A_58, %mul3A_61 : vector<512x1xf32>
    %slice3A_63 = vector.extract_strided_slice %div3A_36 {offsets = [0, 0], sizes = [512, 1], strides = [1, 1]} : vector<512x3xf32> to vector<512x1xf32>
    %slice3A_64 = vector.extract_strided_slice %slice3A_45 {offsets = [0, 1], sizes = [512, 1], strides = [1, 1]} : vector<512x3xf32> to vector<512x1xf32>
    %mul3A_65 = arith.mulf %slice3A_63, %slice3A_64 : vector<512x1xf32>
    %slice3A_66 = vector.extract_strided_slice %div3A_36 {offsets = [0, 1], sizes = [512, 1], strides = [1, 1]} : vector<512x3xf32> to vector<512x1xf32>
    %slice3A_67 = vector.extract_strided_slice %slice3A_45 {offsets = [0, 0], sizes = [512, 1], strides = [1, 1]} : vector<512x3xf32> to vector<512x1xf32>
    %mul3A_68 = arith.mulf %slice3A_66, %slice3A_67 : vector<512x1xf32>
    %sub3A_69 = arith.subf %mul3A_65, %mul3A_68 : vector<512x1xf32>
    %concatenate3A = tpu.concatenate %sub3A, %sub3A_62, %sub3A_69 in 1 : vector<512x1xf32>, vector<512x1xf32>, vector<512x1xf32> -> vector<512x3xf32>
    %mul3A_70 = vector.broadcast %broadcast_in_dim3A_49 : vector<512x1xf32> to vector<512x3xf32>
    %mul3A_71 = arith.mulf %div3A_36, %mul3A_70 : vector<512x3xf32>
    %sub3A_72 = arith.subf %slice3A_45, %mul3A_71 : vector<512x3xf32>
    %mul3A_73 = vector.broadcast %cos3A : vector<512x1xf32> to vector<512x3xf32>
    %mul3A_74 = arith.mulf %sub3A_72, %mul3A_73 : vector<512x3xf32>
    %mul3A_75 = vector.broadcast %sin3A : vector<512x1xf32> to vector<512x3xf32>
    %mul3A_76 = arith.mulf %concatenate3A, %mul3A_75 : vector<512x3xf32>
    %add3A_77 = arith.addf %mul3A_74, %mul3A_76 : vector<512x3xf32>
    %add3A_78 = arith.addf %add3A_77, %mul3A_71 : vector<512x3xf32>
    %add3A_79 = arith.addf %add3A_78, %add3A_44 : vector<512x3xf32>
    %slice3A_80 = vector.extract_strided_slice %get3A_43 {offsets = [0, 3], sizes = [512, 3], strides = [1, 1]} : vector<512x9xf32> to vector<512x3xf32>
    %mul3A_81 = arith.mulf %div3A_36, %slice3A_80 : vector<512x3xf32>
    %reduce_sum3A_82 = arith.constant dense<0.000000e+00> : vector<512xf32>
    %reduce_sum3A_83 = vector.multi_reduction <add>, %mul3A_81, %reduce_sum3A_82 [1] : vector<512x3xf32> to vector<512xf32>
    %broadcast_in_dim3A_84 = vector.shape_cast %reduce_sum3A_83 : vector<512xf32> to vector<512x1xf32>
    %slice3A_85 = vector.extract_strided_slice %div3A_36 {offsets = [0, 1], sizes = [512, 1], strides = [1, 1]} : vector<512x3xf32> to vector<512x1xf32>
    %slice3A_86 = vector.extract_strided_slice %slice3A_80 {offsets = [0, 2], sizes = [512, 1], strides = [1, 1]} : vector<512x3xf32> to vector<512x1xf32>
    %mul3A_87 = arith.mulf %slice3A_85, %slice3A_86 : vector<512x1xf32>
    %slice3A_88 = vector.extract_strided_slice %div3A_36 {offsets = [0, 2], sizes = [512, 1], strides = [1, 1]} : vector<512x3xf32> to vector<512x1xf32>
    %slice3A_89 = vector.extract_strided_slice %slice3A_80 {offsets = [0, 1], sizes = [512, 1], strides = [1, 1]} : vector<512x3xf32> to vector<512x1xf32>
    %mul3A_90 = arith.mulf %slice3A_88, %slice3A_89 : vector<512x1xf32>
    %sub3A_91 = arith.subf %mul3A_87, %mul3A_90 : vector<512x1xf32>
    %slice3A_92 = vector.extract_strided_slice %div3A_36 {offsets = [0, 2], sizes = [512, 1], strides = [1, 1]} : vector<512x3xf32> to vector<512x1xf32>
    %slice3A_93 = vector.extract_strided_slice %slice3A_80 {offsets = [0, 0], sizes = [512, 1], strides = [1, 1]} : vector<512x3xf32> to vector<512x1xf32>
    %mul3A_94 = arith.mulf %slice3A_92, %slice3A_93 : vector<512x1xf32>
    %slice3A_95 = vector.extract_strided_slice %div3A_36 {offsets = [0, 0], sizes = [512, 1], strides = [1, 1]} : vector<512x3xf32> to vector<512x1xf32>
    %slice3A_96 = vector.extract_strided_slice %slice3A_80 {offsets = [0, 2], sizes = [512, 1], strides = [1, 1]} : vector<512x3xf32> to vector<512x1xf32>
    %mul3A_97 = arith.mulf %slice3A_95, %slice3A_96 : vector<512x1xf32>
    %sub3A_98 = arith.subf %mul3A_94, %mul3A_97 : vector<512x1xf32>
    %slice3A_99 = vector.extract_strided_slice %div3A_36 {offsets = [0, 0], sizes = [512, 1], strides = [1, 1]} : vector<512x3xf32> to vector<512x1xf32>
    %slice3A_100 = vector.extract_strided_slice %slice3A_80 {offsets = [0, 1], sizes = [512, 1], strides = [1, 1]} : vector<512x3xf32> to vector<512x1xf32>
    %mul3A_101 = arith.mulf %slice3A_99, %slice3A_100 : vector<512x1xf32>
    %slice3A_102 = vector.extract_strided_slice %div3A_36 {offsets = [0, 1], sizes = [512, 1], strides = [1, 1]} : vector<512x3xf32> to vector<512x1xf32>
    %slice3A_103 = vector.extract_strided_slice %slice3A_80 {offsets = [0, 0], sizes = [512, 1], strides = [1, 1]} : vector<512x3xf32> to vector<512x1xf32>
    %mul3A_104 = arith.mulf %slice3A_102, %slice3A_103 : vector<512x1xf32>
    %sub3A_105 = arith.subf %mul3A_101, %mul3A_104 : vector<512x1xf32>
    %concatenate3A_106 = tpu.concatenate %sub3A_91, %sub3A_98, %sub3A_105 in 1 : vector<512x1xf32>, vector<512x1xf32>, vector<512x1xf32> -> vector<512x3xf32>
    %mul3A_107 = vector.broadcast %broadcast_in_dim3A_84 : vector<512x1xf32> to vector<512x3xf32>
    %mul3A_108 = arith.mulf %div3A_36, %mul3A_107 : vector<512x3xf32>
    %sub3A_109 = arith.subf %slice3A_80, %mul3A_108 : vector<512x3xf32>
    %mul3A_110 = vector.broadcast %cos3A : vector<512x1xf32> to vector<512x3xf32>
    %mul3A_111 = arith.mulf %sub3A_109, %mul3A_110 : vector<512x3xf32>
    %mul3A_112 = vector.broadcast %sin3A : vector<512x1xf32> to vector<512x3xf32>
    %mul3A_113 = arith.mulf %concatenate3A_106, %mul3A_112 : vector<512x3xf32>
    %add3A_114 = arith.addf %mul3A_111, %mul3A_113 : vector<512x3xf32>
    %add3A_115 = arith.addf %add3A_114, %mul3A_108 : vector<512x3xf32>
    %add3A_116 = arith.addf %add3A_115, %add3A_44 : vector<512x3xf32>
    %slice3A_117 = vector.extract_strided_slice %get3A_43 {offsets = [0, 6], sizes = [512, 3], strides = [1, 1]} : vector<512x9xf32> to vector<512x3xf32>
    %mul3A_118 = arith.mulf %div3A_36, %slice3A_117 : vector<512x3xf32>
    %reduce_sum3A_119 = arith.constant dense<0.000000e+00> : vector<512xf32>
    %reduce_sum3A_120 = vector.multi_reduction <add>, %mul3A_118, %reduce_sum3A_119 [1] : vector<512x3xf32> to vector<512xf32>
    %broadcast_in_dim3A_121 = vector.shape_cast %reduce_sum3A_120 : vector<512xf32> to vector<512x1xf32>
    %slice3A_122 = vector.extract_strided_slice %div3A_36 {offsets = [0, 1], sizes = [512, 1], strides = [1, 1]} : vector<512x3xf32> to vector<512x1xf32>
    %slice3A_123 = vector.extract_strided_slice %slice3A_117 {offsets = [0, 2], sizes = [512, 1], strides = [1, 1]} : vector<512x3xf32> to vector<512x1xf32>
    %mul3A_124 = arith.mulf %slice3A_122, %slice3A_123 : vector<512x1xf32>
    %slice3A_125 = vector.extract_strided_slice %div3A_36 {offsets = [0, 2], sizes = [512, 1], strides = [1, 1]} : vector<512x3xf32> to vector<512x1xf32>
    %slice3A_126 = vector.extract_strided_slice %slice3A_117 {offsets = [0, 1], sizes = [512, 1], strides = [1, 1]} : vector<512x3xf32> to vector<512x1xf32>
    %mul3A_127 = arith.mulf %slice3A_125, %slice3A_126 : vector<512x1xf32>
    %sub3A_128 = arith.subf %mul3A_124, %mul3A_127 : vector<512x1xf32>
    %slice3A_129 = vector.extract_strided_slice %div3A_36 {offsets = [0, 2], sizes = [512, 1], strides = [1, 1]} : vector<512x3xf32> to vector<512x1xf32>
    %slice3A_130 = vector.extract_strided_slice %slice3A_117 {offsets = [0, 0], sizes = [512, 1], strides = [1, 1]} : vector<512x3xf32> to vector<512x1xf32>
    %mul3A_131 = arith.mulf %slice3A_129, %slice3A_130 : vector<512x1xf32>
    %slice3A_132 = vector.extract_strided_slice %div3A_36 {offsets = [0, 0], sizes = [512, 1], strides = [1, 1]} : vector<512x3xf32> to vector<512x1xf32>
    %slice3A_133 = vector.extract_strided_slice %slice3A_117 {offsets = [0, 2], sizes = [512, 1], strides = [1, 1]} : vector<512x3xf32> to vector<512x1xf32>
    %mul3A_134 = arith.mulf %slice3A_132, %slice3A_133 : vector<512x1xf32>
    %sub3A_135 = arith.subf %mul3A_131, %mul3A_134 : vector<512x1xf32>
    %slice3A_136 = vector.extract_strided_slice %div3A_36 {offsets = [0, 0], sizes = [512, 1], strides = [1, 1]} : vector<512x3xf32> to vector<512x1xf32>
    %slice3A_137 = vector.extract_strided_slice %slice3A_117 {offsets = [0, 1], sizes = [512, 1], strides = [1, 1]} : vector<512x3xf32> to vector<512x1xf32>
    %mul3A_138 = arith.mulf %slice3A_136, %slice3A_137 : vector<512x1xf32>
    %slice3A_139 = vector.extract_strided_slice %div3A_36 {offsets = [0, 1], sizes = [512, 1], strides = [1, 1]} : vector<512x3xf32> to vector<512x1xf32>
    %slice3A_140 = vector.extract_strided_slice %slice3A_117 {offsets = [0, 0], sizes = [512, 1], strides = [1, 1]} : vector<512x3xf32> to vector<512x1xf32>
    %mul3A_141 = arith.mulf %slice3A_139, %slice3A_140 : vector<512x1xf32>
    %sub3A_142 = arith.subf %mul3A_138, %mul3A_141 : vector<512x1xf32>
    %concatenate3A_143 = tpu.concatenate %sub3A_128, %sub3A_135, %sub3A_142 in 1 : vector<512x1xf32>, vector<512x1xf32>, vector<512x1xf32> -> vector<512x3xf32>
    %mul3A_144 = vector.broadcast %broadcast_in_dim3A_121 : vector<512x1xf32> to vector<512x3xf32>
    %mul3A_145 = arith.mulf %div3A_36, %mul3A_144 : vector<512x3xf32>
    %sub3A_146 = arith.subf %slice3A_117, %mul3A_145 : vector<512x3xf32>
    %mul3A_147 = vector.broadcast %cos3A : vector<512x1xf32> to vector<512x3xf32>
    %mul3A_148 = arith.mulf %sub3A_146, %mul3A_147 : vector<512x3xf32>
    %mul3A_149 = vector.broadcast %sin3A : vector<512x1xf32> to vector<512x3xf32>
    %mul3A_150 = arith.mulf %concatenate3A_143, %mul3A_149 : vector<512x3xf32>
    %add3A_151 = arith.addf %mul3A_148, %mul3A_150 : vector<512x3xf32>
    %add3A_152 = arith.addf %add3A_151, %mul3A_145 : vector<512x3xf32>
    %add3A_153 = arith.addf %add3A_152, %add3A_44 : vector<512x3xf32>
    %concatenate3A_154 = tpu.concatenate %add3A_79, %add3A_116, %add3A_153 in 1 : vector<512x3xf32>, vector<512x3xf32>, vector<512x3xf32> -> vector<512x9xf32>
    %swap3A_155 = arith.constant 0 : index
    %swap3A_156 = arith.constant 0 : index
    %swap3A_157 = vector.load %arg7[%swap3A_155, %swap3A_156] : memref<512x9xf32, #tpu.memory_space<vmem>>, vector<512x9xf32>
    tpu.vector_store %arg7[%swap3A_155, %swap3A_156], %concatenate3A_154 {strides = array<i32>} : memref<512x9xf32, #tpu.memory_space<vmem>>, vector<512x9xf32>,
    return
  }
}

module attributes {stable_mosaic.version = 14 : i64} {
  func.func @_edge_body(%arg0: i32, %arg1: memref<1024x128xf32, #tpu.memory_space<vmem>>, %arg2: memref<1x128x8xi32, #tpu.memory_space<vmem>>, %arg3: memref<512x40xf32, #tpu.memory_space<vmem>>, %arg4: memref<8x9xf32, #tpu.memory_space<vmem>>, %arg5: memref<1x1x8xf32, #tpu.memory_space<vmem>>, %arg6: memref<8x64xf32, #tpu.memory_space<vmem>>, %arg7: memref<8x3x3xf32, #tpu.memory_space<vmem>>, %arg8: memref<128x32xf32, #tpu.memory_space<vmem>>, %arg9: memref<1x32xf32, #tpu.memory_space<vmem>>, %arg10: memref<1x32xf32, #tpu.memory_space<vmem>>, %arg11: memref<128x32xf32, #tpu.memory_space<vmem>>, %arg12: memref<32x32xf32, #tpu.memory_space<vmem>>, %arg13: memref<1x32xf32, #tpu.memory_space<vmem>>, %arg14: memref<36x32xf32, #tpu.memory_space<vmem>>, %arg15: memref<1x32xf32, #tpu.memory_space<vmem>>, %arg16: memref<1x32xf32, #tpu.memory_space<vmem>>, %arg17: memref<32x32xf32, #tpu.memory_space<vmem>>, %arg18: memref<32x64xf32, #tpu.memory_space<vmem>>, %arg19: memref<1x64xf32, #tpu.memory_space<vmem>>, %arg20: memref<1x64xf32, #tpu.memory_space<vmem>>, %arg21: memref<1x64xf32, #tpu.memory_space<vmem>>, %arg22: memref<32x64xf32, #tpu.memory_space<vmem>>, %arg23: memref<64x40xf32, #tpu.memory_space<vmem>>, %arg24: memref<1x40xf32, #tpu.memory_space<vmem>>, %arg25: memref<32x64xf32, #tpu.memory_space<vmem>>, %arg26: memref<1x36xf32, #tpu.memory_space<vmem>>, %arg27: memref<512x38xf32, #tpu.memory_space<vmem>>) attributes {dimension_semantics = [#tpu.dimension_semantics<arbitrary>], iteration_bounds = array<i64: 64>, scalar_prefetch = 0 : i64, scratch_operands = 0 : i64, tpu.core_type = #tpu.core_type<tc>, window_params = [{transform_indices = @transform_0, window_bounds = array<i64: 1024, 128>}, {transform_indices = @transform_1, window_bounds = array<i64: 1, 128, 8>}, {pipeline_mode = #tpu.pipeline_mode<synchronous>, transform_indices = @transform_2, window_bounds = array<i64: 512, 40>}, {transform_indices = @transform_3, window_bounds = array<i64: 8, 9>}, {transform_indices = @transform_4, window_bounds = array<i64: 1, 1, 8>}, {transform_indices = @transform_5, window_bounds = array<i64: 8, 64>}, {transform_indices = @transform_6, window_bounds = array<i64: 8, 3, 3>}, {pipeline_mode = #tpu.pipeline_mode<synchronous>, transform_indices = @transform_7, window_bounds = array<i64: 128, 32>}, {pipeline_mode = #tpu.pipeline_mode<synchronous>, transform_indices = @transform_8, window_bounds = array<i64: 1, 32>}, {pipeline_mode = #tpu.pipeline_mode<synchronous>, transform_indices = @transform_9, window_bounds = array<i64: 1, 32>}, {pipeline_mode = #tpu.pipeline_mode<synchronous>, transform_indices = @transform_10, window_bounds = array<i64: 128, 32>}, {pipeline_mode = #tpu.pipeline_mode<synchronous>, transform_indices = @transform_11, window_bounds = array<i64: 32, 32>}, {pipeline_mode = #tpu.pipeline_mode<synchronous>, transform_indices = @transform_12, window_bounds = array<i64: 1, 32>}, {pipeline_mode = #tpu.pipeline_mode<synchronous>, transform_indices = @transform_13, window_bounds = array<i64: 36, 32>}, {pipeline_mode = #tpu.pipeline_mode<synchronous>, transform_indices = @transform_14, window_bounds = array<i64: 1, 32>}, {pipeline_mode = #tpu.pipeline_mode<synchronous>, transform_indices = @transform_15, window_bounds = array<i64: 1, 32>}, {pipeline_mode = #tpu.pipeline_mode<synchronous>, transform_indices = @transform_16, window_bounds = array<i64: 32, 32>}, {pipeline_mode = #tpu.pipeline_mode<synchronous>, transform_indices = @transform_17, window_bounds = array<i64: 32, 64>}, {pipeline_mode = #tpu.pipeline_mode<synchronous>, transform_indices = @transform_18, window_bounds = array<i64: 1, 64>}, {pipeline_mode = #tpu.pipeline_mode<synchronous>, transform_indices = @transform_19, window_bounds = array<i64: 1, 64>}, {pipeline_mode = #tpu.pipeline_mode<synchronous>, transform_indices = @transform_20, window_bounds = array<i64: 1, 64>}, {pipeline_mode = #tpu.pipeline_mode<synchronous>, transform_indices = @transform_21, window_bounds = array<i64: 32, 64>}, {pipeline_mode = #tpu.pipeline_mode<synchronous>, transform_indices = @transform_22, window_bounds = array<i64: 64, 40>}, {pipeline_mode = #tpu.pipeline_mode<synchronous>, transform_indices = @transform_23, window_bounds = array<i64: 1, 40>}, {pipeline_mode = #tpu.pipeline_mode<synchronous>, transform_indices = @transform_24, window_bounds = array<i64: 32, 64>}, {pipeline_mode = #tpu.pipeline_mode<synchronous>, transform_indices = @transform_25, window_bounds = array<i64: 1, 36>}, {pipeline_mode = #tpu.pipeline_mode<synchronous>, transform_indices = @transform_26, window_bounds = array<i64: 512, 38>}]} {
    %eq3A = arith.constant 0 : i32
    %eq3A_0 = arith.cmpi eq, %arg0, %eq3A : i32
    %convert_element_type3A = arith.extui %eq3A_0 : i1 to i32
    %cond3A = arith.constant 0 : i32
    %cond3A_1 = arith.cmpi ne, %convert_element_type3A, %cond3A : i32
    scf.if %cond3A_1 {
      %broadcast_in_dim3A_2058 = arith.constant 0.000000e+00 : f32
      %broadcast_in_dim3A_2059 = vector.broadcast %broadcast_in_dim3A_2058 : f32 to vector<512x38xf32>
      %swap3A_2060 = arith.constant 0 : index
      %swap3A_2061 = arith.constant 0 : index
      %swap3A_2062 = vector.load %arg27[%swap3A_2060, %swap3A_2061] : memref<512x38xf32, #tpu.memory_space<vmem>>, vector<512x38xf32>
      tpu.vector_store %arg27[%swap3A_2060, %swap3A_2061], %broadcast_in_dim3A_2059 {strides = array<i32>} : memref<512x38xf32, #tpu.memory_space<vmem>>, vector<512x38xf32>,
    } else {
    }
    %get3A = arith.constant 0 : index
    %get3A_2 = arith.constant 0 : index
    %get3A_3 = vector.load %arg26[%get3A, %get3A_2] : memref<1x36xf32, #tpu.memory_space<vmem>>, vector<1x36xf32>
    %iota3A = tpu.iota {dimensions = array<i32: 1>} : vector<128x512xi32>
    %broadcast_in_dim3A = arith.constant 0.000000e+00 : f32
    %broadcast_in_dim3A_4 = vector.broadcast %broadcast_in_dim3A : f32 to vector<512x38xf32>
    %mul3A = arith.constant 8 : i32
    %mul3A_5 = arith.muli %arg0, %mul3A : i32
    %get3A_6 = arith.constant 0 : index
    %get3A_7 = arith.constant 0 : index
    %get3A_8 = vector.load %arg1[%get3A_6, %get3A_7] : memref<1024x128xf32, #tpu.memory_space<vmem>>, vector<128x128xf32>
    %get3A_9 = arith.constant 0 : index
    %get3A_10 = arith.constant 0 : index
    %get3A_11 = arith.constant 0 : index
    %get3A_12 = vector.load %arg2[%get3A_9, %get3A_10, %get3A_11] : memref<1x128x8xi32, #tpu.memory_space<vmem>>, vector<1x128x8xi32>
    %get3A_13 = vector.shape_cast %get3A_12 : vector<1x128x8xi32> to vector<128x8xi32>
    %slice3A = vector.extract_strided_slice %get3A_13 {offsets = [0, 0], sizes = [128, 1], strides = [1, 1]} : vector<128x8xi32> to vector<128x1xi32>
    %add3A = arith.constant 0 : i32
    %add3A_14 = arith.addi %mul3A_5, %add3A : i32
    %mul3A_15 = arith.constant 512 : i32
    %mul3A_16 = arith.muli %add3A_14, %mul3A_15 : i32
    %sub3A = vector.broadcast %mul3A_16 : i32 to vector<128x1xi32>
    %sub3A_17 = arith.subi %slice3A, %sub3A : vector<128x1xi32>
    %eq3A_18 = vector.broadcast %sub3A_17 : vector<128x1xi32> to vector<128x512xi32>
    %eq3A_19 = arith.cmpi eq, %eq3A_18, %iota3A : vector<128x512xi32>
    %jit3A = arith.constant 1.000000e+00 : f32
    %jit3A_20 = arith.constant 0.000000e+00 : f32
    %broadcast_in_dim3A_21 = vector.broadcast %jit3A : f32 to vector<128x512xf32>
    %broadcast_in_dim3A_22 = vector.broadcast %jit3A_20 : f32 to vector<128x512xf32>
    %select_n3A = arith.select %eq3A_19, %broadcast_in_dim3A_21, %broadcast_in_dim3A_22 : vector<128x512xi1>, vector<128x512xf32>
    %get3A_23 = arith.constant 0 : index
    %get3A_24 = arith.constant 0 : index
    %get3A_25 = vector.load %arg3[%get3A_23, %get3A_24] : memref<512x40xf32, #tpu.memory_space<vmem>>, vector<512x40xf32>
    %dot_general3A = arith.constant dense<0.000000e+00> : vector<128x40xf32>
    %dot_general3A_26 = tpu.matmul %select_n3A, %get3A_25, %dot_general3A {dimension_numbers = #tpu.dot_dimension_numbers<[1], [0], [0], [1], [0, 0, 1, 1], [], []>, transpose_lhs_hint = false} : vector<128x512xf32>, vector<512x40xf32>, vector<128x40xf32> -> vector<128x40xf32>
    %slice3A_27 = vector.extract_strided_slice %dot_general3A_26 {offsets = [0, 0], sizes = [128, 32], strides = [1, 1]} : vector<128x40xf32> to vector<128x32xf32>
    %slice3A_28 = vector.extract_strided_slice %dot_general3A_26 {offsets = [0, 32], sizes = [128, 3], strides = [1, 1]} : vector<128x40xf32> to vector<128x3xf32>
    %slice3A_29 = vector.extract_strided_slice %dot_general3A_26 {offsets = [0, 35], sizes = [128, 1], strides = [1, 1]} : vector<128x40xf32> to vector<128x1xf32>
    %get3A_30 = arith.constant 0 : index
    %get3A_31 = arith.constant 0 : index
    %get3A_32 = vector.load %arg25[%get3A_30, %get3A_31] : memref<32x64xf32, #tpu.memory_space<vmem>>, vector<32x64xf32>
    %dot_general3A_33 = arith.constant dense<0.000000e+00> : vector<128x64xf32>
    %dot_general3A_34 = tpu.matmul %slice3A_27, %get3A_32, %dot_general3A_33 {dimension_numbers = #tpu.dot_dimension_numbers<[1], [0], [0], [1], [0, 0, 1, 1], [], []>, transpose_lhs_hint = false} : vector<128x32xf32>, vector<32x64xf32>, vector<128x64xf32> -> vector<128x64xf32>
    %get3A_35 = arith.constant 0 : index
    %get3A_36 = arith.constant 3 : index
    %get3A_37 = vector.load %arg4[%get3A_35, %get3A_36] : memref<8x9xf32, #tpu.memory_space<vmem>>, vector<1x3xf32>
    %sub3A_38 = vector.broadcast %get3A_37 : vector<1x3xf32> to vector<128x3xf32>
    %sub3A_39 = arith.subf %slice3A_28, %sub3A_38 : vector<128x3xf32>
    %mul3A_40 = arith.mulf %sub3A_39, %sub3A_39 : vector<128x3xf32>
    %reduce_sum3A = arith.constant dense<0.000000e+00> : vector<128xf32>
    %reduce_sum3A_41 = vector.multi_reduction <add>, %mul3A_40, %reduce_sum3A [1] : vector<128x3xf32> to vector<128xf32>
    %broadcast_in_dim3A_42 = vector.shape_cast %reduce_sum3A_41 : vector<128xf32> to vector<128x1xf32>
    %add3A_43 = arith.constant 9.99999993E-9 : f32
    %add3A_44 = vector.broadcast %add3A_43 : f32 to vector<128x1xf32>
    %add3A_45 = arith.addf %broadcast_in_dim3A_42, %add3A_44 : vector<128x1xf32>
    %sqrt3A = math.sqrt %add3A_45 : vector<128x1xf32>
    %add3A_46 = arith.constant 9.99999997E-7 : f32
    %add3A_47 = vector.broadcast %add3A_46 : f32 to vector<128x1xf32>
    %add3A_48 = arith.addf %sqrt3A, %add3A_47 : vector<128x1xf32>
    %div3A = vector.broadcast %add3A_48 : vector<128x1xf32> to vector<128x3xf32>
    %div3A_49 = arith.divf %sub3A_39, %div3A : vector<128x3xf32>
    %get3A_50 = arith.constant 0 : index
    %get3A_51 = arith.constant 0 : index
    %get3A_52 = arith.constant 0 : index
    %get3A_53 = vector.load %arg5[%get3A_50, %get3A_51, %get3A_52] : memref<1x1x8xf32, #tpu.memory_space<vmem>>, vector<1x1x8xf32>
    %get3A_54 = vector.shape_cast %get3A_53 : vector<1x1x8xf32> to vector<1x8xf32>
    %slice3A_55 = vector.extract_strided_slice %get3A_54 {offsets = [0, 0], sizes = [1, 1], strides = [1, 1]} : vector<1x8xf32> to vector<1x1xf32>
    %sub3A_56 = vector.broadcast %slice3A_55 : vector<1x1xf32> to vector<128x1xf32>
    %sub3A_57 = arith.subf %slice3A_29, %sub3A_56 : vector<128x1xf32>
    %abs3A = math.absf %sub3A_57 : vector<128x1xf32>
    %sign3A = tpu.bitcast %sub3A_57 : vector<128x1xf32> -> vector<128x1xi32>
    %sign3A_58 = arith.constant -2147483648 : i32
    %sign3A_59 = vector.broadcast %sign3A_58 : i32 to vector<128x1xi32>
    %sign3A_60 = arith.andi %sign3A, %sign3A_59 : vector<128x1xi32>
    %sign3A_61 = arith.constant 1065353216 : i32
    %sign3A_62 = vector.broadcast %sign3A_61 : i32 to vector<128x1xi32>
    %sign3A_63 = arith.ori %sign3A_62, %sign3A_60 : vector<128x1xi32>
    %sign3A_64 = tpu.bitcast %sign3A_63 : vector<128x1xi32> -> vector<128x1xf32>
    %sign3A_65 = math.absf %sub3A_57 : vector<128x1xf32>
    %sign3A_66 = arith.constant 0.000000e+00 : f32
    %sign3A_67 = vector.broadcast %sign3A_66 : f32 to vector<128x1xf32>
    %sign3A_68 = arith.cmpf ogt, %sign3A_65, %sign3A_67 : vector<128x1xf32>
    %sign3A_69 = arith.select %sign3A_68, %sign3A_64, %sub3A_57 : vector<128x1xi1>, vector<128x1xf32>
    %gt3A = arith.constant 1.000000e+00 : f32
    %gt3A_70 = vector.broadcast %gt3A : f32 to vector<128x1xf32>
    %gt3A_71 = arith.cmpf ogt, %abs3A, %gt3A_70 : vector<128x1xf32>
    %jit3A_72 = arith.constant 0.000000e+00 : f32
    %broadcast_in_dim3A_73 = vector.broadcast %jit3A_72 : f32 to vector<128x1xf32>
    %select_n3A_74 = arith.select %gt3A_71, %broadcast_in_dim3A_73, %abs3A : vector<128x1xi1>, vector<128x1xf32>
    %mul3A_75 = arith.mulf %sign3A_69, %select_n3A_74 : vector<128x1xf32>
    %get3A_76 = arith.constant 0 : index
    %get3A_77 = arith.constant 0 : index
    %get3A_78 = vector.load %arg11[%get3A_76, %get3A_77] : memref<128x32xf32, #tpu.memory_space<vmem>>, vector<128x32xf32>
    %dot_general3A_79 = arith.constant dense<0.000000e+00> : vector<128x32xf32>
    %dot_general3A_80 = tpu.matmul %get3A_8, %get3A_78, %dot_general3A_79 {dimension_numbers = #tpu.dot_dimension_numbers<[1], [0], [0], [1], [0, 0, 1, 1], [], []>, transpose_lhs_hint = false} : vector<128x128xf32>, vector<128x32xf32>, vector<128x32xf32> -> vector<128x32xf32>
    %mul3A_81 = arith.mulf %get3A_8, %get3A_8 : vector<128x128xf32>
    %get3A_82 = arith.constant 0 : index
    %get3A_83 = arith.constant 0 : index
    %get3A_84 = vector.load %arg11[%get3A_82, %get3A_83] : memref<128x32xf32, #tpu.memory_space<vmem>>, vector<128x32xf32>
    %dot_general3A_85 = arith.constant dense<0.000000e+00> : vector<128x32xf32>
    %dot_general3A_86 = tpu.matmul %mul3A_81, %get3A_84, %dot_general3A_85 {dimension_numbers = #tpu.dot_dimension_numbers<[1], [0], [0], [1], [0, 0, 1, 1], [], []>, transpose_lhs_hint = false} : vector<128x128xf32>, vector<128x32xf32>, vector<128x32xf32> -> vector<128x32xf32>
    %mul3A_87 = arith.mulf %dot_general3A_80, %dot_general3A_80 : vector<128x32xf32>
    %sub3A_88 = arith.subf %dot_general3A_86, %mul3A_87 : vector<128x32xf32>
    %add3A_89 = arith.constant 9.99999974E-6 : f32
    %add3A_90 = vector.broadcast %add3A_89 : f32 to vector<128x32xf32>
    %add3A_91 = arith.addf %sub3A_88, %add3A_90 : vector<128x32xf32>
    %rsqrt3A = math.rsqrt %add3A_91 : vector<128x32xf32>
    %get3A_92 = arith.constant 0 : index
    %get3A_93 = arith.constant 0 : index
    %get3A_94 = vector.load %arg8[%get3A_92, %get3A_93] : memref<128x32xf32, #tpu.memory_space<vmem>>, vector<128x32xf32>
    %dot_general3A_95 = arith.constant dense<0.000000e+00> : vector<128x32xf32>
    %dot_general3A_96 = tpu.matmul %get3A_8, %get3A_94, %dot_general3A_95 {dimension_numbers = #tpu.dot_dimension_numbers<[1], [0], [0], [1], [0, 0, 1, 1], [], []>, transpose_lhs_hint = false} : vector<128x128xf32>, vector<128x32xf32>, vector<128x32xf32> -> vector<128x32xf32>
    %get3A_97 = arith.constant 0 : index
    %get3A_98 = arith.constant 0 : index
    %get3A_99 = vector.load %arg9[%get3A_97, %get3A_98] : memref<1x32xf32, #tpu.memory_space<vmem>>, vector<1x32xf32>
    %mul3A_100 = vector.broadcast %get3A_99 : vector<1x32xf32> to vector<128x32xf32>
    %mul3A_101 = arith.mulf %dot_general3A_80, %mul3A_100 : vector<128x32xf32>
    %sub3A_102 = arith.subf %dot_general3A_96, %mul3A_101 : vector<128x32xf32>
    %mul3A_103 = arith.mulf %rsqrt3A, %sub3A_102 : vector<128x32xf32>
    %get3A_104 = arith.constant 0 : index
    %get3A_105 = arith.constant 0 : index
    %get3A_106 = vector.load %arg10[%get3A_104, %get3A_105] : memref<1x32xf32, #tpu.memory_space<vmem>>, vector<1x32xf32>
    %add3A_107 = vector.broadcast %get3A_106 : vector<1x32xf32> to vector<128x32xf32>
    %add3A_108 = arith.addf %mul3A_103, %add3A_107 : vector<128x32xf32>
    %get3A_109 = arith.constant 0 : index
    %get3A_110 = arith.constant 0 : index
    %get3A_111 = vector.load %arg17[%get3A_109, %get3A_110] : memref<32x32xf32, #tpu.memory_space<vmem>>, vector<32x32xf32>
    %dot_general3A_112 = arith.constant dense<0.000000e+00> : vector<128x32xf32>
    %dot_general3A_113 = tpu.matmul %add3A_108, %get3A_111, %dot_general3A_112 {dimension_numbers = #tpu.dot_dimension_numbers<[1], [0], [0], [1], [0, 0, 1, 1], [], []>, transpose_lhs_hint = false} : vector<128x32xf32>, vector<32x32xf32>, vector<128x32xf32> -> vector<128x32xf32>
    %mul3A_114 = arith.mulf %add3A_108, %add3A_108 : vector<128x32xf32>
    %get3A_115 = arith.constant 0 : index
    %get3A_116 = arith.constant 0 : index
    %get3A_117 = vector.load %arg17[%get3A_115, %get3A_116] : memref<32x32xf32, #tpu.memory_space<vmem>>, vector<32x32xf32>
    %dot_general3A_118 = arith.constant dense<0.000000e+00> : vector<128x32xf32>
    %dot_general3A_119 = tpu.matmul %mul3A_114, %get3A_117, %dot_general3A_118 {dimension_numbers = #tpu.dot_dimension_numbers<[1], [0], [0], [1], [0, 0, 1, 1], [], []>, transpose_lhs_hint = false} : vector<128x32xf32>, vector<32x32xf32>, vector<128x32xf32> -> vector<128x32xf32>
    %mul3A_120 = arith.mulf %dot_general3A_113, %dot_general3A_113 : vector<128x32xf32>
    %sub3A_121 = arith.subf %dot_general3A_119, %mul3A_120 : vector<128x32xf32>
    %add3A_122 = arith.constant 9.99999974E-6 : f32
    %add3A_123 = vector.broadcast %add3A_122 : f32 to vector<128x32xf32>
    %add3A_124 = arith.addf %sub3A_121, %add3A_123 : vector<128x32xf32>
    %rsqrt3A_125 = math.rsqrt %add3A_124 : vector<128x32xf32>
    %sub3A_126 = vector.broadcast %sqrt3A : vector<128x1xf32> to vector<128x36xf32>
    %sub3A_127 = vector.broadcast %get3A_3 : vector<1x36xf32> to vector<128x36xf32>
    %sub3A_128 = arith.subf %sub3A_126, %sub3A_127 : vector<128x36xf32>
    %div3A_129 = arith.constant 0.555555582 : f32
    %div3A_130 = vector.broadcast %div3A_129 : f32 to vector<128x36xf32>
    %div3A_131 = arith.divf %sub3A_128, %div3A_130 : vector<128x36xf32>
    %integer_pow3A = arith.mulf %div3A_131, %div3A_131 : vector<128x36xf32>
    %neg3A = arith.constant 0.000000e+00 : f32
    %neg3A_132 = vector.broadcast %neg3A : f32 to vector<128x36xf32>
    %neg3A_133 = arith.subf %neg3A_132, %integer_pow3A : vector<128x36xf32>
    %exp3A = math.exp %neg3A_133 : vector<128x36xf32>
    %get3A_134 = arith.constant 0 : index
    %get3A_135 = arith.constant 0 : index
    %get3A_136 = vector.load %arg12[%get3A_134, %get3A_135] : memref<32x32xf32, #tpu.memory_space<vmem>>, vector<32x32xf32>
    %dot_general3A_137 = arith.constant dense<0.000000e+00> : vector<128x32xf32>
    %dot_general3A_138 = tpu.matmul %add3A_108, %get3A_136, %dot_general3A_137 {dimension_numbers = #tpu.dot_dimension_numbers<[1], [0], [0], [1], [0, 0, 1, 1], [], []>, transpose_lhs_hint = false} : vector<128x32xf32>, vector<32x32xf32>, vector<128x32xf32> -> vector<128x32xf32>
    %get3A_139 = arith.constant 0 : index
    %get3A_140 = arith.constant 0 : index
    %get3A_141 = vector.load %arg13[%get3A_139, %get3A_140] : memref<1x32xf32, #tpu.memory_space<vmem>>, vector<1x32xf32>
    %mul3A_142 = vector.broadcast %get3A_141 : vector<1x32xf32> to vector<128x32xf32>
    %mul3A_143 = arith.mulf %dot_general3A_113, %mul3A_142 : vector<128x32xf32>
    %sub3A_144 = arith.subf %dot_general3A_138, %mul3A_143 : vector<128x32xf32>
    %mul3A_145 = arith.mulf %rsqrt3A_125, %sub3A_144 : vector<128x32xf32>
    %get3A_146 = arith.constant 0 : index
    %get3A_147 = arith.constant 0 : index
    %get3A_148 = vector.load %arg14[%get3A_146, %get3A_147] : memref<36x32xf32, #tpu.memory_space<vmem>>, vector<36x32xf32>
    %dot_general3A_149 = arith.constant dense<0.000000e+00> : vector<128x32xf32>
    %dot_general3A_150 = tpu.matmul %exp3A, %get3A_148, %dot_general3A_149 {dimension_numbers = #tpu.dot_dimension_numbers<[1], [0], [0], [1], [0, 0, 1, 1], [], []>, transpose_lhs_hint = false} : vector<128x36xf32>, vector<36x32xf32>, vector<128x32xf32> -> vector<128x32xf32>
    %add3A_151 = arith.addf %mul3A_145, %dot_general3A_150 : vector<128x32xf32>
    %get3A_152 = arith.constant 0 : index
    %get3A_153 = arith.constant 0 : index
    %get3A_154 = vector.load %arg15[%get3A_152, %get3A_153] : memref<1x32xf32, #tpu.memory_space<vmem>>, vector<1x32xf32>
    %mul3A_155 = vector.broadcast %mul3A_75 : vector<128x1xf32> to vector<128x32xf32>
    %mul3A_156 = vector.broadcast %get3A_154 : vector<1x32xf32> to vector<128x32xf32>
    %mul3A_157 = arith.mulf %mul3A_155, %mul3A_156 : vector<128x32xf32>
    %add3A_158 = arith.addf %add3A_151, %mul3A_157 : vector<128x32xf32>
    %get3A_159 = arith.constant 0 : index
    %get3A_160 = arith.constant 0 : index
    %get3A_161 = vector.load %arg16[%get3A_159, %get3A_160] : memref<1x32xf32, #tpu.memory_space<vmem>>, vector<1x32xf32>
    %add3A_162 = vector.broadcast %get3A_161 : vector<1x32xf32> to vector<128x32xf32>
    %add3A_163 = arith.addf %add3A_158, %add3A_162 : vector<128x32xf32>
    %get3A_164 = arith.constant 0 : index
    %get3A_165 = arith.constant 0 : index
    %get3A_166 = vector.load %arg22[%get3A_164, %get3A_165] : memref<32x64xf32, #tpu.memory_space<vmem>>, vector<32x64xf32>
    %dot_general3A_167 = arith.constant dense<0.000000e+00> : vector<128x64xf32>
    %dot_general3A_168 = tpu.matmul %add3A_163, %get3A_166, %dot_general3A_167 {dimension_numbers = #tpu.dot_dimension_numbers<[1], [0], [0], [1], [0, 0, 1, 1], [], []>, transpose_lhs_hint = false} : vector<128x32xf32>, vector<32x64xf32>, vector<128x64xf32> -> vector<128x64xf32>
    %mul3A_169 = arith.mulf %add3A_163, %add3A_163 : vector<128x32xf32>
    %get3A_170 = arith.constant 0 : index
    %get3A_171 = arith.constant 0 : index
    %get3A_172 = vector.load %arg22[%get3A_170, %get3A_171] : memref<32x64xf32, #tpu.memory_space<vmem>>, vector<32x64xf32>
    %dot_general3A_173 = arith.constant dense<0.000000e+00> : vector<128x64xf32>
    %dot_general3A_174 = tpu.matmul %mul3A_169, %get3A_172, %dot_general3A_173 {dimension_numbers = #tpu.dot_dimension_numbers<[1], [0], [0], [1], [0, 0, 1, 1], [], []>, transpose_lhs_hint = false} : vector<128x32xf32>, vector<32x64xf32>, vector<128x64xf32> -> vector<128x64xf32>
    %mul3A_175 = arith.mulf %dot_general3A_168, %dot_general3A_168 : vector<128x64xf32>
    %sub3A_176 = arith.subf %dot_general3A_174, %mul3A_175 : vector<128x64xf32>
    %add3A_177 = arith.constant 9.99999974E-6 : f32
    %add3A_178 = vector.broadcast %add3A_177 : f32 to vector<128x64xf32>
    %add3A_179 = arith.addf %sub3A_176, %add3A_178 : vector<128x64xf32>
    %rsqrt3A_180 = math.rsqrt %add3A_179 : vector<128x64xf32>
    %get3A_181 = arith.constant 0 : index
    %get3A_182 = arith.constant 0 : index
    %get3A_183 = vector.load %arg18[%get3A_181, %get3A_182] : memref<32x64xf32, #tpu.memory_space<vmem>>, vector<32x64xf32>
    %dot_general3A_184 = arith.constant dense<0.000000e+00> : vector<128x64xf32>
    %dot_general3A_185 = tpu.matmul %add3A_163, %get3A_183, %dot_general3A_184 {dimension_numbers = #tpu.dot_dimension_numbers<[1], [0], [0], [1], [0, 0, 1, 1], [], []>, transpose_lhs_hint = false} : vector<128x32xf32>, vector<32x64xf32>, vector<128x64xf32> -> vector<128x64xf32>
    %get3A_186 = arith.constant 0 : index
    %get3A_187 = arith.constant 0 : index
    %get3A_188 = vector.load %arg19[%get3A_186, %get3A_187] : memref<1x64xf32, #tpu.memory_space<vmem>>, vector<1x64xf32>
    %mul3A_189 = vector.broadcast %get3A_188 : vector<1x64xf32> to vector<128x64xf32>
    %mul3A_190 = arith.mulf %dot_general3A_168, %mul3A_189 : vector<128x64xf32>
    %sub3A_191 = arith.subf %dot_general3A_185, %mul3A_190 : vector<128x64xf32>
    %mul3A_192 = arith.mulf %rsqrt3A_180, %sub3A_191 : vector<128x64xf32>
    %get3A_193 = arith.constant 0 : index
    %get3A_194 = arith.constant 0 : index
    %get3A_195 = vector.load %arg20[%get3A_193, %get3A_194] : memref<1x64xf32, #tpu.memory_space<vmem>>, vector<1x64xf32>
    %mul3A_196 = vector.broadcast %sqrt3A : vector<128x1xf32> to vector<128x64xf32>
    %mul3A_197 = vector.broadcast %get3A_195 : vector<1x64xf32> to vector<128x64xf32>
    %mul3A_198 = arith.mulf %mul3A_196, %mul3A_197 : vector<128x64xf32>
    %add3A_199 = arith.addf %mul3A_192, %mul3A_198 : vector<128x64xf32>
    %get3A_200 = arith.constant 0 : index
    %get3A_201 = arith.constant 0 : index
    %get3A_202 = vector.load %arg21[%get3A_200, %get3A_201] : memref<1x64xf32, #tpu.memory_space<vmem>>, vector<1x64xf32>
    %add3A_203 = vector.broadcast %get3A_202 : vector<1x64xf32> to vector<128x64xf32>
    %add3A_204 = arith.addf %add3A_199, %add3A_203 : vector<128x64xf32>
    %get3A_205 = arith.constant 0 : index
    %get3A_206 = arith.constant 0 : index
    %get3A_207 = vector.load %arg6[%get3A_205, %get3A_206] : memref<8x64xf32, #tpu.memory_space<vmem>>, vector<1x64xf32>
    %add3A_208 = vector.broadcast %get3A_207 : vector<1x64xf32> to vector<128x64xf32>
    %add3A_209 = arith.addf %add3A_204, %add3A_208 : vector<128x64xf32>
    %add3A_210 = arith.addf %add3A_209, %dot_general3A_34 : vector<128x64xf32>
    %max3A = arith.constant 0.000000e+00 : f32
    %max3A_211 = vector.broadcast %max3A : f32 to vector<128x64xf32>
    %max3A_212 = arith.maximumf %add3A_210, %max3A_211 : vector<128x64xf32>
    %get3A_213 = arith.constant 0 : index
    %get3A_214 = arith.constant 0 : index
    %get3A_215 = vector.load %arg23[%get3A_213, %get3A_214] : memref<64x40xf32, #tpu.memory_space<vmem>>, vector<64x40xf32>
    %dot_general3A_216 = arith.constant dense<0.000000e+00> : vector<128x40xf32>
    %dot_general3A_217 = tpu.matmul %max3A_212, %get3A_215, %dot_general3A_216 {dimension_numbers = #tpu.dot_dimension_numbers<[1], [0], [0], [1], [0, 0, 1, 1], [], []>, transpose_lhs_hint = false} : vector<128x64xf32>, vector<64x40xf32>, vector<128x40xf32> -> vector<128x40xf32>
    %get3A_218 = arith.constant 0 : index
    %get3A_219 = arith.constant 0 : index
    %get3A_220 = vector.load %arg24[%get3A_218, %get3A_219] : memref<1x40xf32, #tpu.memory_space<vmem>>, vector<1x40xf32>
    %add3A_221 = vector.broadcast %get3A_220 : vector<1x40xf32> to vector<128x40xf32>
    %add3A_222 = arith.addf %dot_general3A_217, %add3A_221 : vector<128x40xf32>
    %get3A_223 = arith.constant 0 : index
    %get3A_224 = arith.constant 0 : index
    %get3A_225 = arith.constant 0 : index
    %get3A_226 = vector.load %arg7[%get3A_223, %get3A_224, %get3A_225] : memref<8x3x3xf32, #tpu.memory_space<vmem>>, vector<1x3x3xf32>
    %get3A_227 = vector.shape_cast %get3A_226 : vector<1x3x3xf32> to vector<3x3xf32>
    %slice3A_228 = vector.extract_strided_slice %add3A_222 {offsets = [0, 32], sizes = [128, 1], strides = [1, 1]} : vector<128x40xf32> to vector<128x1xf32>
    %mul3A_229 = vector.broadcast %slice3A_228 : vector<128x1xf32> to vector<128x3xf32>
    %mul3A_230 = arith.mulf %mul3A_229, %div3A_49 : vector<128x3xf32>
    %slice3A_231 = vector.extract_strided_slice %add3A_222 {offsets = [0, 33], sizes = [128, 3], strides = [1, 1]} : vector<128x40xf32> to vector<128x3xf32>
    %dot_general3A_232 = arith.constant dense<0.000000e+00> : vector<128x3xf32>
    %dot_general3A_233 = tpu.matmul %slice3A_231, %get3A_227, %dot_general3A_232 {dimension_numbers = #tpu.dot_dimension_numbers<[1], [0], [0], [1], [0, 0, 1, 1], [], []>, transpose_lhs_hint = false} : vector<128x3xf32>, vector<3x3xf32>, vector<128x3xf32> -> vector<128x3xf32>
    %add3A_234 = arith.addf %mul3A_230, %dot_general3A_233 : vector<128x3xf32>
    %slice3A_235 = vector.extract_strided_slice %add3A_222 {offsets = [0, 36], sizes = [128, 1], strides = [1, 1]} : vector<128x40xf32> to vector<128x1xf32>
    %mul3A_236 = vector.broadcast %slice3A_235 : vector<128x1xf32> to vector<128x3xf32>
    %mul3A_237 = arith.mulf %mul3A_236, %div3A_49 : vector<128x3xf32>
    %slice3A_238 = vector.extract_strided_slice %add3A_222 {offsets = [0, 37], sizes = [128, 3], strides = [1, 1]} : vector<128x40xf32> to vector<128x3xf32>
    %dot_general3A_239 = arith.constant dense<0.000000e+00> : vector<128x3xf32>
    %dot_general3A_240 = tpu.matmul %slice3A_238, %get3A_227, %dot_general3A_239 {dimension_numbers = #tpu.dot_dimension_numbers<[1], [0], [0], [1], [0, 0, 1, 1], [], []>, transpose_lhs_hint = false} : vector<128x3xf32>, vector<3x3xf32>, vector<128x3xf32> -> vector<128x3xf32>
    %add3A_241 = arith.addf %mul3A_237, %dot_general3A_240 : vector<128x3xf32>
    %slice3A_242 = vector.extract_strided_slice %add3A_222 {offsets = [0, 0], sizes = [128, 32], strides = [1, 1]} : vector<128x40xf32> to vector<128x32xf32>
    %concatenate3A = tpu.concatenate %slice3A_242, %add3A_234, %add3A_241 in 1 : vector<128x32xf32>, vector<128x3xf32>, vector<128x3xf32> -> vector<128x38xf32>
    %dot_general3A_243 = arith.constant dense<0.000000e+00> : vector<512x38xf32>
    %dot_general3A_244 = tpu.matmul %select_n3A, %concatenate3A, %dot_general3A_243 {dimension_numbers = #tpu.dot_dimension_numbers<[0], [0], [1], [1], [0, 1, 1, 1], [], []>, transpose_lhs_hint = false} : vector<128x512xf32>, vector<128x38xf32>, vector<512x38xf32> -> vector<512x38xf32>
    %add3A_245 = arith.addf %broadcast_in_dim3A_4, %dot_general3A_244 : vector<512x38xf32>
    %get3A_246 = arith.constant 128 : index
    %get3A_247 = arith.constant 0 : index
    %get3A_248 = vector.load %arg1[%get3A_246, %get3A_247] : memref<1024x128xf32, #tpu.memory_space<vmem>>, vector<128x128xf32>
    %get3A_249 = arith.constant 0 : index
    %get3A_250 = arith.constant 0 : index
    %get3A_251 = arith.constant 0 : index
    %get3A_252 = vector.load %arg2[%get3A_249, %get3A_250, %get3A_251] : memref<1x128x8xi32, #tpu.memory_space<vmem>>, vector<1x128x8xi32>
    %get3A_253 = vector.shape_cast %get3A_252 : vector<1x128x8xi32> to vector<128x8xi32>
    %slice3A_254 = vector.extract_strided_slice %get3A_253 {offsets = [0, 1], sizes = [128, 1], strides = [1, 1]} : vector<128x8xi32> to vector<128x1xi32>
    %add3A_255 = arith.constant 1 : i32
    %add3A_256 = arith.addi %mul3A_5, %add3A_255 : i32
    %mul3A_257 = arith.constant 512 : i32
    %mul3A_258 = arith.muli %add3A_256, %mul3A_257 : i32
    %sub3A_259 = vector.broadcast %mul3A_258 : i32 to vector<128x1xi32>
    %sub3A_260 = arith.subi %slice3A_254, %sub3A_259 : vector<128x1xi32>
    %eq3A_261 = vector.broadcast %sub3A_260 : vector<128x1xi32> to vector<128x512xi32>
    %eq3A_262 = arith.cmpi eq, %eq3A_261, %iota3A : vector<128x512xi32>
    %jit3A_263 = arith.constant 1.000000e+00 : f32
    %jit3A_264 = arith.constant 0.000000e+00 : f32
    %broadcast_in_dim3A_265 = vector.broadcast %jit3A_263 : f32 to vector<128x512xf32>
    %broadcast_in_dim3A_266 = vector.broadcast %jit3A_264 : f32 to vector<128x512xf32>
    %select_n3A_267 = arith.select %eq3A_262, %broadcast_in_dim3A_265, %broadcast_in_dim3A_266 : vector<128x512xi1>, vector<128x512xf32>
    %get3A_268 = arith.constant 0 : index
    %get3A_269 = arith.constant 0 : index
    %get3A_270 = vector.load %arg3[%get3A_268, %get3A_269] : memref<512x40xf32, #tpu.memory_space<vmem>>, vector<512x40xf32>
    %dot_general3A_271 = arith.constant dense<0.000000e+00> : vector<128x40xf32>
    %dot_general3A_272 = tpu.matmul %select_n3A_267, %get3A_270, %dot_general3A_271 {dimension_numbers = #tpu.dot_dimension_numbers<[1], [0], [0], [1], [0, 0, 1, 1], [], []>, transpose_lhs_hint = false} : vector<128x512xf32>, vector<512x40xf32>, vector<128x40xf32> -> vector<128x40xf32>
    %slice3A_273 = vector.extract_strided_slice %dot_general3A_272 {offsets = [0, 0], sizes = [128, 32], strides = [1, 1]} : vector<128x40xf32> to vector<128x32xf32>
    %slice3A_274 = vector.extract_strided_slice %dot_general3A_272 {offsets = [0, 32], sizes = [128, 3], strides = [1, 1]} : vector<128x40xf32> to vector<128x3xf32>
    %slice3A_275 = vector.extract_strided_slice %dot_general3A_272 {offsets = [0, 35], sizes = [128, 1], strides = [1, 1]} : vector<128x40xf32> to vector<128x1xf32>
    %get3A_276 = arith.constant 0 : index
    %get3A_277 = arith.constant 0 : index
    %get3A_278 = vector.load %arg25[%get3A_276, %get3A_277] : memref<32x64xf32, #tpu.memory_space<vmem>>, vector<32x64xf32>
    %dot_general3A_279 = arith.constant dense<0.000000e+00> : vector<128x64xf32>
    %dot_general3A_280 = tpu.matmul %slice3A_273, %get3A_278, %dot_general3A_279 {dimension_numbers = #tpu.dot_dimension_numbers<[1], [0], [0], [1], [0, 0, 1, 1], [], []>, transpose_lhs_hint = false} : vector<128x32xf32>, vector<32x64xf32>, vector<128x64xf32> -> vector<128x64xf32>
    %get3A_281 = arith.constant 1 : index
    %get3A_282 = arith.constant 3 : index
    %get3A_283 = vector.load %arg4[%get3A_281, %get3A_282] : memref<8x9xf32, #tpu.memory_space<vmem>>, vector<1x3xf32>
    %sub3A_284 = vector.broadcast %get3A_283 : vector<1x3xf32> to vector<128x3xf32>
    %sub3A_285 = arith.subf %slice3A_274, %sub3A_284 : vector<128x3xf32>
    %mul3A_286 = arith.mulf %sub3A_285, %sub3A_285 : vector<128x3xf32>
    %reduce_sum3A_287 = arith.constant dense<0.000000e+00> : vector<128xf32>
    %reduce_sum3A_288 = vector.multi_reduction <add>, %mul3A_286, %reduce_sum3A_287 [1] : vector<128x3xf32> to vector<128xf32>
    %broadcast_in_dim3A_289 = vector.shape_cast %reduce_sum3A_288 : vector<128xf32> to vector<128x1xf32>
    %add3A_290 = arith.constant 9.99999993E-9 : f32
    %add3A_291 = vector.broadcast %add3A_290 : f32 to vector<128x1xf32>
    %add3A_292 = arith.addf %broadcast_in_dim3A_289, %add3A_291 : vector<128x1xf32>
    %sqrt3A_293 = math.sqrt %add3A_292 : vector<128x1xf32>
    %add3A_294 = arith.constant 9.99999997E-7 : f32
    %add3A_295 = vector.broadcast %add3A_294 : f32 to vector<128x1xf32>
    %add3A_296 = arith.addf %sqrt3A_293, %add3A_295 : vector<128x1xf32>
    %div3A_297 = vector.broadcast %add3A_296 : vector<128x1xf32> to vector<128x3xf32>
    %div3A_298 = arith.divf %sub3A_285, %div3A_297 : vector<128x3xf32>
    %get3A_299 = arith.constant 0 : index
    %get3A_300 = arith.constant 0 : index
    %get3A_301 = arith.constant 0 : index
    %get3A_302 = vector.load %arg5[%get3A_299, %get3A_300, %get3A_301] : memref<1x1x8xf32, #tpu.memory_space<vmem>>, vector<1x1x8xf32>
    %get3A_303 = vector.shape_cast %get3A_302 : vector<1x1x8xf32> to vector<1x8xf32>
    %slice3A_304 = vector.extract_strided_slice %get3A_303 {offsets = [0, 1], sizes = [1, 1], strides = [1, 1]} : vector<1x8xf32> to vector<1x1xf32>
    %sub3A_305 = vector.broadcast %slice3A_304 : vector<1x1xf32> to vector<128x1xf32>
    %sub3A_306 = arith.subf %slice3A_275, %sub3A_305 : vector<128x1xf32>
    %abs3A_307 = math.absf %sub3A_306 : vector<128x1xf32>
    %sign3A_308 = tpu.bitcast %sub3A_306 : vector<128x1xf32> -> vector<128x1xi32>
    %sign3A_309 = arith.constant -2147483648 : i32
    %sign3A_310 = vector.broadcast %sign3A_309 : i32 to vector<128x1xi32>
    %sign3A_311 = arith.andi %sign3A_308, %sign3A_310 : vector<128x1xi32>
    %sign3A_312 = arith.constant 1065353216 : i32
    %sign3A_313 = vector.broadcast %sign3A_312 : i32 to vector<128x1xi32>
    %sign3A_314 = arith.ori %sign3A_313, %sign3A_311 : vector<128x1xi32>
    %sign3A_315 = tpu.bitcast %sign3A_314 : vector<128x1xi32> -> vector<128x1xf32>
    %sign3A_316 = math.absf %sub3A_306 : vector<128x1xf32>
    %sign3A_317 = arith.constant 0.000000e+00 : f32
    %sign3A_318 = vector.broadcast %sign3A_317 : f32 to vector<128x1xf32>
    %sign3A_319 = arith.cmpf ogt, %sign3A_316, %sign3A_318 : vector<128x1xf32>
    %sign3A_320 = arith.select %sign3A_319, %sign3A_315, %sub3A_306 : vector<128x1xi1>, vector<128x1xf32>
    %gt3A_321 = arith.constant 1.000000e+00 : f32
    %gt3A_322 = vector.broadcast %gt3A_321 : f32 to vector<128x1xf32>
    %gt3A_323 = arith.cmpf ogt, %abs3A_307, %gt3A_322 : vector<128x1xf32>
    %jit3A_324 = arith.constant 0.000000e+00 : f32
    %broadcast_in_dim3A_325 = vector.broadcast %jit3A_324 : f32 to vector<128x1xf32>
    %select_n3A_326 = arith.select %gt3A_323, %broadcast_in_dim3A_325, %abs3A_307 : vector<128x1xi1>, vector<128x1xf32>
    %mul3A_327 = arith.mulf %sign3A_320, %select_n3A_326 : vector<128x1xf32>
    %get3A_328 = arith.constant 0 : index
    %get3A_329 = arith.constant 0 : index
    %get3A_330 = vector.load %arg11[%get3A_328, %get3A_329] : memref<128x32xf32, #tpu.memory_space<vmem>>, vector<128x32xf32>
    %dot_general3A_331 = arith.constant dense<0.000000e+00> : vector<128x32xf32>
    %dot_general3A_332 = tpu.matmul %get3A_248, %get3A_330, %dot_general3A_331 {dimension_numbers = #tpu.dot_dimension_numbers<[1], [0], [0], [1], [0, 0, 1, 1], [], []>, transpose_lhs_hint = false} : vector<128x128xf32>, vector<128x32xf32>, vector<128x32xf32> -> vector<128x32xf32>
    %mul3A_333 = arith.mulf %get3A_248, %get3A_248 : vector<128x128xf32>
    %get3A_334 = arith.constant 0 : index
    %get3A_335 = arith.constant 0 : index
    %get3A_336 = vector.load %arg11[%get3A_334, %get3A_335] : memref<128x32xf32, #tpu.memory_space<vmem>>, vector<128x32xf32>
    %dot_general3A_337 = arith.constant dense<0.000000e+00> : vector<128x32xf32>
    %dot_general3A_338 = tpu.matmul %mul3A_333, %get3A_336, %dot_general3A_337 {dimension_numbers = #tpu.dot_dimension_numbers<[1], [0], [0], [1], [0, 0, 1, 1], [], []>, transpose_lhs_hint = false} : vector<128x128xf32>, vector<128x32xf32>, vector<128x32xf32> -> vector<128x32xf32>
    %mul3A_339 = arith.mulf %dot_general3A_332, %dot_general3A_332 : vector<128x32xf32>
    %sub3A_340 = arith.subf %dot_general3A_338, %mul3A_339 : vector<128x32xf32>
    %add3A_341 = arith.constant 9.99999974E-6 : f32
    %add3A_342 = vector.broadcast %add3A_341 : f32 to vector<128x32xf32>
    %add3A_343 = arith.addf %sub3A_340, %add3A_342 : vector<128x32xf32>
    %rsqrt3A_344 = math.rsqrt %add3A_343 : vector<128x32xf32>
    %get3A_345 = arith.constant 0 : index
    %get3A_346 = arith.constant 0 : index
    %get3A_347 = vector.load %arg8[%get3A_345, %get3A_346] : memref<128x32xf32, #tpu.memory_space<vmem>>, vector<128x32xf32>
    %dot_general3A_348 = arith.constant dense<0.000000e+00> : vector<128x32xf32>
    %dot_general3A_349 = tpu.matmul %get3A_248, %get3A_347, %dot_general3A_348 {dimension_numbers = #tpu.dot_dimension_numbers<[1], [0], [0], [1], [0, 0, 1, 1], [], []>, transpose_lhs_hint = false} : vector<128x128xf32>, vector<128x32xf32>, vector<128x32xf32> -> vector<128x32xf32>
    %get3A_350 = arith.constant 0 : index
    %get3A_351 = arith.constant 0 : index
    %get3A_352 = vector.load %arg9[%get3A_350, %get3A_351] : memref<1x32xf32, #tpu.memory_space<vmem>>, vector<1x32xf32>
    %mul3A_353 = vector.broadcast %get3A_352 : vector<1x32xf32> to vector<128x32xf32>
    %mul3A_354 = arith.mulf %dot_general3A_332, %mul3A_353 : vector<128x32xf32>
    %sub3A_355 = arith.subf %dot_general3A_349, %mul3A_354 : vector<128x32xf32>
    %mul3A_356 = arith.mulf %rsqrt3A_344, %sub3A_355 : vector<128x32xf32>
    %get3A_357 = arith.constant 0 : index
    %get3A_358 = arith.constant 0 : index
    %get3A_359 = vector.load %arg10[%get3A_357, %get3A_358] : memref<1x32xf32, #tpu.memory_space<vmem>>, vector<1x32xf32>
    %add3A_360 = vector.broadcast %get3A_359 : vector<1x32xf32> to vector<128x32xf32>
    %add3A_361 = arith.addf %mul3A_356, %add3A_360 : vector<128x32xf32>
    %get3A_362 = arith.constant 0 : index
    %get3A_363 = arith.constant 0 : index
    %get3A_364 = vector.load %arg17[%get3A_362, %get3A_363] : memref<32x32xf32, #tpu.memory_space<vmem>>, vector<32x32xf32>
    %dot_general3A_365 = arith.constant dense<0.000000e+00> : vector<128x32xf32>
    %dot_general3A_366 = tpu.matmul %add3A_361, %get3A_364, %dot_general3A_365 {dimension_numbers = #tpu.dot_dimension_numbers<[1], [0], [0], [1], [0, 0, 1, 1], [], []>, transpose_lhs_hint = false} : vector<128x32xf32>, vector<32x32xf32>, vector<128x32xf32> -> vector<128x32xf32>
    %mul3A_367 = arith.mulf %add3A_361, %add3A_361 : vector<128x32xf32>
    %get3A_368 = arith.constant 0 : index
    %get3A_369 = arith.constant 0 : index
    %get3A_370 = vector.load %arg17[%get3A_368, %get3A_369] : memref<32x32xf32, #tpu.memory_space<vmem>>, vector<32x32xf32>
    %dot_general3A_371 = arith.constant dense<0.000000e+00> : vector<128x32xf32>
    %dot_general3A_372 = tpu.matmul %mul3A_367, %get3A_370, %dot_general3A_371 {dimension_numbers = #tpu.dot_dimension_numbers<[1], [0], [0], [1], [0, 0, 1, 1], [], []>, transpose_lhs_hint = false} : vector<128x32xf32>, vector<32x32xf32>, vector<128x32xf32> -> vector<128x32xf32>
    %mul3A_373 = arith.mulf %dot_general3A_366, %dot_general3A_366 : vector<128x32xf32>
    %sub3A_374 = arith.subf %dot_general3A_372, %mul3A_373 : vector<128x32xf32>
    %add3A_375 = arith.constant 9.99999974E-6 : f32
    %add3A_376 = vector.broadcast %add3A_375 : f32 to vector<128x32xf32>
    %add3A_377 = arith.addf %sub3A_374, %add3A_376 : vector<128x32xf32>
    %rsqrt3A_378 = math.rsqrt %add3A_377 : vector<128x32xf32>
    %sub3A_379 = vector.broadcast %sqrt3A_293 : vector<128x1xf32> to vector<128x36xf32>
    %sub3A_380 = vector.broadcast %get3A_3 : vector<1x36xf32> to vector<128x36xf32>
    %sub3A_381 = arith.subf %sub3A_379, %sub3A_380 : vector<128x36xf32>
    %div3A_382 = arith.constant 0.555555582 : f32
    %div3A_383 = vector.broadcast %div3A_382 : f32 to vector<128x36xf32>
    %div3A_384 = arith.divf %sub3A_381, %div3A_383 : vector<128x36xf32>
    %integer_pow3A_385 = arith.mulf %div3A_384, %div3A_384 : vector<128x36xf32>
    %neg3A_386 = arith.constant 0.000000e+00 : f32
    %neg3A_387 = vector.broadcast %neg3A_386 : f32 to vector<128x36xf32>
    %neg3A_388 = arith.subf %neg3A_387, %integer_pow3A_385 : vector<128x36xf32>
    %exp3A_389 = math.exp %neg3A_388 : vector<128x36xf32>
    %get3A_390 = arith.constant 0 : index
    %get3A_391 = arith.constant 0 : index
    %get3A_392 = vector.load %arg12[%get3A_390, %get3A_391] : memref<32x32xf32, #tpu.memory_space<vmem>>, vector<32x32xf32>
    %dot_general3A_393 = arith.constant dense<0.000000e+00> : vector<128x32xf32>
    %dot_general3A_394 = tpu.matmul %add3A_361, %get3A_392, %dot_general3A_393 {dimension_numbers = #tpu.dot_dimension_numbers<[1], [0], [0], [1], [0, 0, 1, 1], [], []>, transpose_lhs_hint = false} : vector<128x32xf32>, vector<32x32xf32>, vector<128x32xf32> -> vector<128x32xf32>
    %get3A_395 = arith.constant 0 : index
    %get3A_396 = arith.constant 0 : index
    %get3A_397 = vector.load %arg13[%get3A_395, %get3A_396] : memref<1x32xf32, #tpu.memory_space<vmem>>, vector<1x32xf32>
    %mul3A_398 = vector.broadcast %get3A_397 : vector<1x32xf32> to vector<128x32xf32>
    %mul3A_399 = arith.mulf %dot_general3A_366, %mul3A_398 : vector<128x32xf32>
    %sub3A_400 = arith.subf %dot_general3A_394, %mul3A_399 : vector<128x32xf32>
    %mul3A_401 = arith.mulf %rsqrt3A_378, %sub3A_400 : vector<128x32xf32>
    %get3A_402 = arith.constant 0 : index
    %get3A_403 = arith.constant 0 : index
    %get3A_404 = vector.load %arg14[%get3A_402, %get3A_403] : memref<36x32xf32, #tpu.memory_space<vmem>>, vector<36x32xf32>
    %dot_general3A_405 = arith.constant dense<0.000000e+00> : vector<128x32xf32>
    %dot_general3A_406 = tpu.matmul %exp3A_389, %get3A_404, %dot_general3A_405 {dimension_numbers = #tpu.dot_dimension_numbers<[1], [0], [0], [1], [0, 0, 1, 1], [], []>, transpose_lhs_hint = false} : vector<128x36xf32>, vector<36x32xf32>, vector<128x32xf32> -> vector<128x32xf32>
    %add3A_407 = arith.addf %mul3A_401, %dot_general3A_406 : vector<128x32xf32>
    %get3A_408 = arith.constant 0 : index
    %get3A_409 = arith.constant 0 : index
    %get3A_410 = vector.load %arg15[%get3A_408, %get3A_409] : memref<1x32xf32, #tpu.memory_space<vmem>>, vector<1x32xf32>
    %mul3A_411 = vector.broadcast %mul3A_327 : vector<128x1xf32> to vector<128x32xf32>
    %mul3A_412 = vector.broadcast %get3A_410 : vector<1x32xf32> to vector<128x32xf32>
    %mul3A_413 = arith.mulf %mul3A_411, %mul3A_412 : vector<128x32xf32>
    %add3A_414 = arith.addf %add3A_407, %mul3A_413 : vector<128x32xf32>
    %get3A_415 = arith.constant 0 : index
    %get3A_416 = arith.constant 0 : index
    %get3A_417 = vector.load %arg16[%get3A_415, %get3A_416] : memref<1x32xf32, #tpu.memory_space<vmem>>, vector<1x32xf32>
    %add3A_418 = vector.broadcast %get3A_417 : vector<1x32xf32> to vector<128x32xf32>
    %add3A_419 = arith.addf %add3A_414, %add3A_418 : vector<128x32xf32>
    %get3A_420 = arith.constant 0 : index
    %get3A_421 = arith.constant 0 : index
    %get3A_422 = vector.load %arg22[%get3A_420, %get3A_421] : memref<32x64xf32, #tpu.memory_space<vmem>>, vector<32x64xf32>
    %dot_general3A_423 = arith.constant dense<0.000000e+00> : vector<128x64xf32>
    %dot_general3A_424 = tpu.matmul %add3A_419, %get3A_422, %dot_general3A_423 {dimension_numbers = #tpu.dot_dimension_numbers<[1], [0], [0], [1], [0, 0, 1, 1], [], []>, transpose_lhs_hint = false} : vector<128x32xf32>, vector<32x64xf32>, vector<128x64xf32> -> vector<128x64xf32>
    %mul3A_425 = arith.mulf %add3A_419, %add3A_419 : vector<128x32xf32>
    %get3A_426 = arith.constant 0 : index
    %get3A_427 = arith.constant 0 : index
    %get3A_428 = vector.load %arg22[%get3A_426, %get3A_427] : memref<32x64xf32, #tpu.memory_space<vmem>>, vector<32x64xf32>
    %dot_general3A_429 = arith.constant dense<0.000000e+00> : vector<128x64xf32>
    %dot_general3A_430 = tpu.matmul %mul3A_425, %get3A_428, %dot_general3A_429 {dimension_numbers = #tpu.dot_dimension_numbers<[1], [0], [0], [1], [0, 0, 1, 1], [], []>, transpose_lhs_hint = false} : vector<128x32xf32>, vector<32x64xf32>, vector<128x64xf32> -> vector<128x64xf32>
    %mul3A_431 = arith.mulf %dot_general3A_424, %dot_general3A_424 : vector<128x64xf32>
    %sub3A_432 = arith.subf %dot_general3A_430, %mul3A_431 : vector<128x64xf32>
    %add3A_433 = arith.constant 9.99999974E-6 : f32
    %add3A_434 = vector.broadcast %add3A_433 : f32 to vector<128x64xf32>
    %add3A_435 = arith.addf %sub3A_432, %add3A_434 : vector<128x64xf32>
    %rsqrt3A_436 = math.rsqrt %add3A_435 : vector<128x64xf32>
    %get3A_437 = arith.constant 0 : index
    %get3A_438 = arith.constant 0 : index
    %get3A_439 = vector.load %arg18[%get3A_437, %get3A_438] : memref<32x64xf32, #tpu.memory_space<vmem>>, vector<32x64xf32>
    %dot_general3A_440 = arith.constant dense<0.000000e+00> : vector<128x64xf32>
    %dot_general3A_441 = tpu.matmul %add3A_419, %get3A_439, %dot_general3A_440 {dimension_numbers = #tpu.dot_dimension_numbers<[1], [0], [0], [1], [0, 0, 1, 1], [], []>, transpose_lhs_hint = false} : vector<128x32xf32>, vector<32x64xf32>, vector<128x64xf32> -> vector<128x64xf32>
    %get3A_442 = arith.constant 0 : index
    %get3A_443 = arith.constant 0 : index
    %get3A_444 = vector.load %arg19[%get3A_442, %get3A_443] : memref<1x64xf32, #tpu.memory_space<vmem>>, vector<1x64xf32>
    %mul3A_445 = vector.broadcast %get3A_444 : vector<1x64xf32> to vector<128x64xf32>
    %mul3A_446 = arith.mulf %dot_general3A_424, %mul3A_445 : vector<128x64xf32>
    %sub3A_447 = arith.subf %dot_general3A_441, %mul3A_446 : vector<128x64xf32>
    %mul3A_448 = arith.mulf %rsqrt3A_436, %sub3A_447 : vector<128x64xf32>
    %get3A_449 = arith.constant 0 : index
    %get3A_450 = arith.constant 0 : index
    %get3A_451 = vector.load %arg20[%get3A_449, %get3A_450] : memref<1x64xf32, #tpu.memory_space<vmem>>, vector<1x64xf32>
    %mul3A_452 = vector.broadcast %sqrt3A_293 : vector<128x1xf32> to vector<128x64xf32>
    %mul3A_453 = vector.broadcast %get3A_451 : vector<1x64xf32> to vector<128x64xf32>
    %mul3A_454 = arith.mulf %mul3A_452, %mul3A_453 : vector<128x64xf32>
    %add3A_455 = arith.addf %mul3A_448, %mul3A_454 : vector<128x64xf32>
    %get3A_456 = arith.constant 0 : index
    %get3A_457 = arith.constant 0 : index
    %get3A_458 = vector.load %arg21[%get3A_456, %get3A_457] : memref<1x64xf32, #tpu.memory_space<vmem>>, vector<1x64xf32>
    %add3A_459 = vector.broadcast %get3A_458 : vector<1x64xf32> to vector<128x64xf32>
    %add3A_460 = arith.addf %add3A_455, %add3A_459 : vector<128x64xf32>
    %get3A_461 = arith.constant 1 : index
    %get3A_462 = arith.constant 0 : index
    %get3A_463 = vector.load %arg6[%get3A_461, %get3A_462] : memref<8x64xf32, #tpu.memory_space<vmem>>, vector<1x64xf32>
    %add3A_464 = vector.broadcast %get3A_463 : vector<1x64xf32> to vector<128x64xf32>
    %add3A_465 = arith.addf %add3A_460, %add3A_464 : vector<128x64xf32>
    %add3A_466 = arith.addf %add3A_465, %dot_general3A_280 : vector<128x64xf32>
    %max3A_467 = arith.constant 0.000000e+00 : f32
    %max3A_468 = vector.broadcast %max3A_467 : f32 to vector<128x64xf32>
    %max3A_469 = arith.maximumf %add3A_466, %max3A_468 : vector<128x64xf32>
    %get3A_470 = arith.constant 0 : index
    %get3A_471 = arith.constant 0 : index
    %get3A_472 = vector.load %arg23[%get3A_470, %get3A_471] : memref<64x40xf32, #tpu.memory_space<vmem>>, vector<64x40xf32>
    %dot_general3A_473 = arith.constant dense<0.000000e+00> : vector<128x40xf32>
    %dot_general3A_474 = tpu.matmul %max3A_469, %get3A_472, %dot_general3A_473 {dimension_numbers = #tpu.dot_dimension_numbers<[1], [0], [0], [1], [0, 0, 1, 1], [], []>, transpose_lhs_hint = false} : vector<128x64xf32>, vector<64x40xf32>, vector<128x40xf32> -> vector<128x40xf32>
    %get3A_475 = arith.constant 0 : index
    %get3A_476 = arith.constant 0 : index
    %get3A_477 = vector.load %arg24[%get3A_475, %get3A_476] : memref<1x40xf32, #tpu.memory_space<vmem>>, vector<1x40xf32>
    %add3A_478 = vector.broadcast %get3A_477 : vector<1x40xf32> to vector<128x40xf32>
    %add3A_479 = arith.addf %dot_general3A_474, %add3A_478 : vector<128x40xf32>
    %get3A_480 = arith.constant 1 : index
    %get3A_481 = arith.constant 0 : index
    %get3A_482 = arith.constant 0 : index
    %get3A_483 = vector.load %arg7[%get3A_480, %get3A_481, %get3A_482] : memref<8x3x3xf32, #tpu.memory_space<vmem>>, vector<1x3x3xf32>
    %get3A_484 = vector.shape_cast %get3A_483 : vector<1x3x3xf32> to vector<3x3xf32>
    %slice3A_485 = vector.extract_strided_slice %add3A_479 {offsets = [0, 32], sizes = [128, 1], strides = [1, 1]} : vector<128x40xf32> to vector<128x1xf32>
    %mul3A_486 = vector.broadcast %slice3A_485 : vector<128x1xf32> to vector<128x3xf32>
    %mul3A_487 = arith.mulf %mul3A_486, %div3A_298 : vector<128x3xf32>
    %slice3A_488 = vector.extract_strided_slice %add3A_479 {offsets = [0, 33], sizes = [128, 3], strides = [1, 1]} : vector<128x40xf32> to vector<128x3xf32>
    %dot_general3A_489 = arith.constant dense<0.000000e+00> : vector<128x3xf32>
    %dot_general3A_490 = tpu.matmul %slice3A_488, %get3A_484, %dot_general3A_489 {dimension_numbers = #tpu.dot_dimension_numbers<[1], [0], [0], [1], [0, 0, 1, 1], [], []>, transpose_lhs_hint = false} : vector<128x3xf32>, vector<3x3xf32>, vector<128x3xf32> -> vector<128x3xf32>
    %add3A_491 = arith.addf %mul3A_487, %dot_general3A_490 : vector<128x3xf32>
    %slice3A_492 = vector.extract_strided_slice %add3A_479 {offsets = [0, 36], sizes = [128, 1], strides = [1, 1]} : vector<128x40xf32> to vector<128x1xf32>
    %mul3A_493 = vector.broadcast %slice3A_492 : vector<128x1xf32> to vector<128x3xf32>
    %mul3A_494 = arith.mulf %mul3A_493, %div3A_298 : vector<128x3xf32>
    %slice3A_495 = vector.extract_strided_slice %add3A_479 {offsets = [0, 37], sizes = [128, 3], strides = [1, 1]} : vector<128x40xf32> to vector<128x3xf32>
    %dot_general3A_496 = arith.constant dense<0.000000e+00> : vector<128x3xf32>
    %dot_general3A_497 = tpu.matmul %slice3A_495, %get3A_484, %dot_general3A_496 {dimension_numbers = #tpu.dot_dimension_numbers<[1], [0], [0], [1], [0, 0, 1, 1], [], []>, transpose_lhs_hint = false} : vector<128x3xf32>, vector<3x3xf32>, vector<128x3xf32> -> vector<128x3xf32>
    %add3A_498 = arith.addf %mul3A_494, %dot_general3A_497 : vector<128x3xf32>
    %slice3A_499 = vector.extract_strided_slice %add3A_479 {offsets = [0, 0], sizes = [128, 32], strides = [1, 1]} : vector<128x40xf32> to vector<128x32xf32>
    %concatenate3A_500 = tpu.concatenate %slice3A_499, %add3A_491, %add3A_498 in 1 : vector<128x32xf32>, vector<128x3xf32>, vector<128x3xf32> -> vector<128x38xf32>
    %dot_general3A_501 = arith.constant dense<0.000000e+00> : vector<512x38xf32>
    %dot_general3A_502 = tpu.matmul %select_n3A_267, %concatenate3A_500, %dot_general3A_501 {dimension_numbers = #tpu.dot_dimension_numbers<[0], [0], [1], [1], [0, 1, 1, 1], [], []>, transpose_lhs_hint = false} : vector<128x512xf32>, vector<128x38xf32>, vector<512x38xf32> -> vector<512x38xf32>
    %add3A_503 = arith.addf %add3A_245, %dot_general3A_502 : vector<512x38xf32>
    %get3A_504 = arith.constant 256 : index
    %get3A_505 = arith.constant 0 : index
    %get3A_506 = vector.load %arg1[%get3A_504, %get3A_505] : memref<1024x128xf32, #tpu.memory_space<vmem>>, vector<128x128xf32>
    %get3A_507 = arith.constant 0 : index
    %get3A_508 = arith.constant 0 : index
    %get3A_509 = arith.constant 0 : index
    %get3A_510 = vector.load %arg2[%get3A_507, %get3A_508, %get3A_509] : memref<1x128x8xi32, #tpu.memory_space<vmem>>, vector<1x128x8xi32>
    %get3A_511 = vector.shape_cast %get3A_510 : vector<1x128x8xi32> to vector<128x8xi32>
    %slice3A_512 = vector.extract_strided_slice %get3A_511 {offsets = [0, 2], sizes = [128, 1], strides = [1, 1]} : vector<128x8xi32> to vector<128x1xi32>
    %add3A_513 = arith.constant 2 : i32
    %add3A_514 = arith.addi %mul3A_5, %add3A_513 : i32
    %mul3A_515 = arith.constant 512 : i32
    %mul3A_516 = arith.muli %add3A_514, %mul3A_515 : i32
    %sub3A_517 = vector.broadcast %mul3A_516 : i32 to vector<128x1xi32>
    %sub3A_518 = arith.subi %slice3A_512, %sub3A_517 : vector<128x1xi32>
    %eq3A_519 = vector.broadcast %sub3A_518 : vector<128x1xi32> to vector<128x512xi32>
    %eq3A_520 = arith.cmpi eq, %eq3A_519, %iota3A : vector<128x512xi32>
    %jit3A_521 = arith.constant 1.000000e+00 : f32
    %jit3A_522 = arith.constant 0.000000e+00 : f32
    %broadcast_in_dim3A_523 = vector.broadcast %jit3A_521 : f32 to vector<128x512xf32>
    %broadcast_in_dim3A_524 = vector.broadcast %jit3A_522 : f32 to vector<128x512xf32>
    %select_n3A_525 = arith.select %eq3A_520, %broadcast_in_dim3A_523, %broadcast_in_dim3A_524 : vector<128x512xi1>, vector<128x512xf32>
    %get3A_526 = arith.constant 0 : index
    %get3A_527 = arith.constant 0 : index
    %get3A_528 = vector.load %arg3[%get3A_526, %get3A_527] : memref<512x40xf32, #tpu.memory_space<vmem>>, vector<512x40xf32>
    %dot_general3A_529 = arith.constant dense<0.000000e+00> : vector<128x40xf32>
    %dot_general3A_530 = tpu.matmul %select_n3A_525, %get3A_528, %dot_general3A_529 {dimension_numbers = #tpu.dot_dimension_numbers<[1], [0], [0], [1], [0, 0, 1, 1], [], []>, transpose_lhs_hint = false} : vector<128x512xf32>, vector<512x40xf32>, vector<128x40xf32> -> vector<128x40xf32>
    %slice3A_531 = vector.extract_strided_slice %dot_general3A_530 {offsets = [0, 0], sizes = [128, 32], strides = [1, 1]} : vector<128x40xf32> to vector<128x32xf32>
    %slice3A_532 = vector.extract_strided_slice %dot_general3A_530 {offsets = [0, 32], sizes = [128, 3], strides = [1, 1]} : vector<128x40xf32> to vector<128x3xf32>
    %slice3A_533 = vector.extract_strided_slice %dot_general3A_530 {offsets = [0, 35], sizes = [128, 1], strides = [1, 1]} : vector<128x40xf32> to vector<128x1xf32>
    %get3A_534 = arith.constant 0 : index
    %get3A_535 = arith.constant 0 : index
    %get3A_536 = vector.load %arg25[%get3A_534, %get3A_535] : memref<32x64xf32, #tpu.memory_space<vmem>>, vector<32x64xf32>
    %dot_general3A_537 = arith.constant dense<0.000000e+00> : vector<128x64xf32>
    %dot_general3A_538 = tpu.matmul %slice3A_531, %get3A_536, %dot_general3A_537 {dimension_numbers = #tpu.dot_dimension_numbers<[1], [0], [0], [1], [0, 0, 1, 1], [], []>, transpose_lhs_hint = false} : vector<128x32xf32>, vector<32x64xf32>, vector<128x64xf32> -> vector<128x64xf32>
    %get3A_539 = arith.constant 2 : index
    %get3A_540 = arith.constant 3 : index
    %get3A_541 = vector.load %arg4[%get3A_539, %get3A_540] : memref<8x9xf32, #tpu.memory_space<vmem>>, vector<1x3xf32>
    %sub3A_542 = vector.broadcast %get3A_541 : vector<1x3xf32> to vector<128x3xf32>
    %sub3A_543 = arith.subf %slice3A_532, %sub3A_542 : vector<128x3xf32>
    %mul3A_544 = arith.mulf %sub3A_543, %sub3A_543 : vector<128x3xf32>
    %reduce_sum3A_545 = arith.constant dense<0.000000e+00> : vector<128xf32>
    %reduce_sum3A_546 = vector.multi_reduction <add>, %mul3A_544, %reduce_sum3A_545 [1] : vector<128x3xf32> to vector<128xf32>
    %broadcast_in_dim3A_547 = vector.shape_cast %reduce_sum3A_546 : vector<128xf32> to vector<128x1xf32>
    %add3A_548 = arith.constant 9.99999993E-9 : f32
    %add3A_549 = vector.broadcast %add3A_548 : f32 to vector<128x1xf32>
    %add3A_550 = arith.addf %broadcast_in_dim3A_547, %add3A_549 : vector<128x1xf32>
    %sqrt3A_551 = math.sqrt %add3A_550 : vector<128x1xf32>
    %add3A_552 = arith.constant 9.99999997E-7 : f32
    %add3A_553 = vector.broadcast %add3A_552 : f32 to vector<128x1xf32>
    %add3A_554 = arith.addf %sqrt3A_551, %add3A_553 : vector<128x1xf32>
    %div3A_555 = vector.broadcast %add3A_554 : vector<128x1xf32> to vector<128x3xf32>
    %div3A_556 = arith.divf %sub3A_543, %div3A_555 : vector<128x3xf32>
    %get3A_557 = arith.constant 0 : index
    %get3A_558 = arith.constant 0 : index
    %get3A_559 = arith.constant 0 : index
    %get3A_560 = vector.load %arg5[%get3A_557, %get3A_558, %get3A_559] : memref<1x1x8xf32, #tpu.memory_space<vmem>>, vector<1x1x8xf32>
    %get3A_561 = vector.shape_cast %get3A_560 : vector<1x1x8xf32> to vector<1x8xf32>
    %slice3A_562 = vector.extract_strided_slice %get3A_561 {offsets = [0, 2], sizes = [1, 1], strides = [1, 1]} : vector<1x8xf32> to vector<1x1xf32>
    %sub3A_563 = vector.broadcast %slice3A_562 : vector<1x1xf32> to vector<128x1xf32>
    %sub3A_564 = arith.subf %slice3A_533, %sub3A_563 : vector<128x1xf32>
    %abs3A_565 = math.absf %sub3A_564 : vector<128x1xf32>
    %sign3A_566 = tpu.bitcast %sub3A_564 : vector<128x1xf32> -> vector<128x1xi32>
    %sign3A_567 = arith.constant -2147483648 : i32
    %sign3A_568 = vector.broadcast %sign3A_567 : i32 to vector<128x1xi32>
    %sign3A_569 = arith.andi %sign3A_566, %sign3A_568 : vector<128x1xi32>
    %sign3A_570 = arith.constant 1065353216 : i32
    %sign3A_571 = vector.broadcast %sign3A_570 : i32 to vector<128x1xi32>
    %sign3A_572 = arith.ori %sign3A_571, %sign3A_569 : vector<128x1xi32>
    %sign3A_573 = tpu.bitcast %sign3A_572 : vector<128x1xi32> -> vector<128x1xf32>
    %sign3A_574 = math.absf %sub3A_564 : vector<128x1xf32>
    %sign3A_575 = arith.constant 0.000000e+00 : f32
    %sign3A_576 = vector.broadcast %sign3A_575 : f32 to vector<128x1xf32>
    %sign3A_577 = arith.cmpf ogt, %sign3A_574, %sign3A_576 : vector<128x1xf32>
    %sign3A_578 = arith.select %sign3A_577, %sign3A_573, %sub3A_564 : vector<128x1xi1>, vector<128x1xf32>
    %gt3A_579 = arith.constant 1.000000e+00 : f32
    %gt3A_580 = vector.broadcast %gt3A_579 : f32 to vector<128x1xf32>
    %gt3A_581 = arith.cmpf ogt, %abs3A_565, %gt3A_580 : vector<128x1xf32>
    %jit3A_582 = arith.constant 0.000000e+00 : f32
    %broadcast_in_dim3A_583 = vector.broadcast %jit3A_582 : f32 to vector<128x1xf32>
    %select_n3A_584 = arith.select %gt3A_581, %broadcast_in_dim3A_583, %abs3A_565 : vector<128x1xi1>, vector<128x1xf32>
    %mul3A_585 = arith.mulf %sign3A_578, %select_n3A_584 : vector<128x1xf32>
    %get3A_586 = arith.constant 0 : index
    %get3A_587 = arith.constant 0 : index
    %get3A_588 = vector.load %arg11[%get3A_586, %get3A_587] : memref<128x32xf32, #tpu.memory_space<vmem>>, vector<128x32xf32>
    %dot_general3A_589 = arith.constant dense<0.000000e+00> : vector<128x32xf32>
    %dot_general3A_590 = tpu.matmul %get3A_506, %get3A_588, %dot_general3A_589 {dimension_numbers = #tpu.dot_dimension_numbers<[1], [0], [0], [1], [0, 0, 1, 1], [], []>, transpose_lhs_hint = false} : vector<128x128xf32>, vector<128x32xf32>, vector<128x32xf32> -> vector<128x32xf32>
    %mul3A_591 = arith.mulf %get3A_506, %get3A_506 : vector<128x128xf32>
    %get3A_592 = arith.constant 0 : index
    %get3A_593 = arith.constant 0 : index
    %get3A_594 = vector.load %arg11[%get3A_592, %get3A_593] : memref<128x32xf32, #tpu.memory_space<vmem>>, vector<128x32xf32>
    %dot_general3A_595 = arith.constant dense<0.000000e+00> : vector<128x32xf32>
    %dot_general3A_596 = tpu.matmul %mul3A_591, %get3A_594, %dot_general3A_595 {dimension_numbers = #tpu.dot_dimension_numbers<[1], [0], [0], [1], [0, 0, 1, 1], [], []>, transpose_lhs_hint = false} : vector<128x128xf32>, vector<128x32xf32>, vector<128x32xf32> -> vector<128x32xf32>
    %mul3A_597 = arith.mulf %dot_general3A_590, %dot_general3A_590 : vector<128x32xf32>
    %sub3A_598 = arith.subf %dot_general3A_596, %mul3A_597 : vector<128x32xf32>
    %add3A_599 = arith.constant 9.99999974E-6 : f32
    %add3A_600 = vector.broadcast %add3A_599 : f32 to vector<128x32xf32>
    %add3A_601 = arith.addf %sub3A_598, %add3A_600 : vector<128x32xf32>
    %rsqrt3A_602 = math.rsqrt %add3A_601 : vector<128x32xf32>
    %get3A_603 = arith.constant 0 : index
    %get3A_604 = arith.constant 0 : index
    %get3A_605 = vector.load %arg8[%get3A_603, %get3A_604] : memref<128x32xf32, #tpu.memory_space<vmem>>, vector<128x32xf32>
    %dot_general3A_606 = arith.constant dense<0.000000e+00> : vector<128x32xf32>
    %dot_general3A_607 = tpu.matmul %get3A_506, %get3A_605, %dot_general3A_606 {dimension_numbers = #tpu.dot_dimension_numbers<[1], [0], [0], [1], [0, 0, 1, 1], [], []>, transpose_lhs_hint = false} : vector<128x128xf32>, vector<128x32xf32>, vector<128x32xf32> -> vector<128x32xf32>
    %get3A_608 = arith.constant 0 : index
    %get3A_609 = arith.constant 0 : index
    %get3A_610 = vector.load %arg9[%get3A_608, %get3A_609] : memref<1x32xf32, #tpu.memory_space<vmem>>, vector<1x32xf32>
    %mul3A_611 = vector.broadcast %get3A_610 : vector<1x32xf32> to vector<128x32xf32>
    %mul3A_612 = arith.mulf %dot_general3A_590, %mul3A_611 : vector<128x32xf32>
    %sub3A_613 = arith.subf %dot_general3A_607, %mul3A_612 : vector<128x32xf32>
    %mul3A_614 = arith.mulf %rsqrt3A_602, %sub3A_613 : vector<128x32xf32>
    %get3A_615 = arith.constant 0 : index
    %get3A_616 = arith.constant 0 : index
    %get3A_617 = vector.load %arg10[%get3A_615, %get3A_616] : memref<1x32xf32, #tpu.memory_space<vmem>>, vector<1x32xf32>
    %add3A_618 = vector.broadcast %get3A_617 : vector<1x32xf32> to vector<128x32xf32>
    %add3A_619 = arith.addf %mul3A_614, %add3A_618 : vector<128x32xf32>
    %get3A_620 = arith.constant 0 : index
    %get3A_621 = arith.constant 0 : index
    %get3A_622 = vector.load %arg17[%get3A_620, %get3A_621] : memref<32x32xf32, #tpu.memory_space<vmem>>, vector<32x32xf32>
    %dot_general3A_623 = arith.constant dense<0.000000e+00> : vector<128x32xf32>
    %dot_general3A_624 = tpu.matmul %add3A_619, %get3A_622, %dot_general3A_623 {dimension_numbers = #tpu.dot_dimension_numbers<[1], [0], [0], [1], [0, 0, 1, 1], [], []>, transpose_lhs_hint = false} : vector<128x32xf32>, vector<32x32xf32>, vector<128x32xf32> -> vector<128x32xf32>
    %mul3A_625 = arith.mulf %add3A_619, %add3A_619 : vector<128x32xf32>
    %get3A_626 = arith.constant 0 : index
    %get3A_627 = arith.constant 0 : index
    %get3A_628 = vector.load %arg17[%get3A_626, %get3A_627] : memref<32x32xf32, #tpu.memory_space<vmem>>, vector<32x32xf32>
    %dot_general3A_629 = arith.constant dense<0.000000e+00> : vector<128x32xf32>
    %dot_general3A_630 = tpu.matmul %mul3A_625, %get3A_628, %dot_general3A_629 {dimension_numbers = #tpu.dot_dimension_numbers<[1], [0], [0], [1], [0, 0, 1, 1], [], []>, transpose_lhs_hint = false} : vector<128x32xf32>, vector<32x32xf32>, vector<128x32xf32> -> vector<128x32xf32>
    %mul3A_631 = arith.mulf %dot_general3A_624, %dot_general3A_624 : vector<128x32xf32>
    %sub3A_632 = arith.subf %dot_general3A_630, %mul3A_631 : vector<128x32xf32>
    %add3A_633 = arith.constant 9.99999974E-6 : f32
    %add3A_634 = vector.broadcast %add3A_633 : f32 to vector<128x32xf32>
    %add3A_635 = arith.addf %sub3A_632, %add3A_634 : vector<128x32xf32>
    %rsqrt3A_636 = math.rsqrt %add3A_635 : vector<128x32xf32>
    %sub3A_637 = vector.broadcast %sqrt3A_551 : vector<128x1xf32> to vector<128x36xf32>
    %sub3A_638 = vector.broadcast %get3A_3 : vector<1x36xf32> to vector<128x36xf32>
    %sub3A_639 = arith.subf %sub3A_637, %sub3A_638 : vector<128x36xf32>
    %div3A_640 = arith.constant 0.555555582 : f32
    %div3A_641 = vector.broadcast %div3A_640 : f32 to vector<128x36xf32>
    %div3A_642 = arith.divf %sub3A_639, %div3A_641 : vector<128x36xf32>
    %integer_pow3A_643 = arith.mulf %div3A_642, %div3A_642 : vector<128x36xf32>
    %neg3A_644 = arith.constant 0.000000e+00 : f32
    %neg3A_645 = vector.broadcast %neg3A_644 : f32 to vector<128x36xf32>
    %neg3A_646 = arith.subf %neg3A_645, %integer_pow3A_643 : vector<128x36xf32>
    %exp3A_647 = math.exp %neg3A_646 : vector<128x36xf32>
    %get3A_648 = arith.constant 0 : index
    %get3A_649 = arith.constant 0 : index
    %get3A_650 = vector.load %arg12[%get3A_648, %get3A_649] : memref<32x32xf32, #tpu.memory_space<vmem>>, vector<32x32xf32>
    %dot_general3A_651 = arith.constant dense<0.000000e+00> : vector<128x32xf32>
    %dot_general3A_652 = tpu.matmul %add3A_619, %get3A_650, %dot_general3A_651 {dimension_numbers = #tpu.dot_dimension_numbers<[1], [0], [0], [1], [0, 0, 1, 1], [], []>, transpose_lhs_hint = false} : vector<128x32xf32>, vector<32x32xf32>, vector<128x32xf32> -> vector<128x32xf32>
    %get3A_653 = arith.constant 0 : index
    %get3A_654 = arith.constant 0 : index
    %get3A_655 = vector.load %arg13[%get3A_653, %get3A_654] : memref<1x32xf32, #tpu.memory_space<vmem>>, vector<1x32xf32>
    %mul3A_656 = vector.broadcast %get3A_655 : vector<1x32xf32> to vector<128x32xf32>
    %mul3A_657 = arith.mulf %dot_general3A_624, %mul3A_656 : vector<128x32xf32>
    %sub3A_658 = arith.subf %dot_general3A_652, %mul3A_657 : vector<128x32xf32>
    %mul3A_659 = arith.mulf %rsqrt3A_636, %sub3A_658 : vector<128x32xf32>
    %get3A_660 = arith.constant 0 : index
    %get3A_661 = arith.constant 0 : index
    %get3A_662 = vector.load %arg14[%get3A_660, %get3A_661] : memref<36x32xf32, #tpu.memory_space<vmem>>, vector<36x32xf32>
    %dot_general3A_663 = arith.constant dense<0.000000e+00> : vector<128x32xf32>
    %dot_general3A_664 = tpu.matmul %exp3A_647, %get3A_662, %dot_general3A_663 {dimension_numbers = #tpu.dot_dimension_numbers<[1], [0], [0], [1], [0, 0, 1, 1], [], []>, transpose_lhs_hint = false} : vector<128x36xf32>, vector<36x32xf32>, vector<128x32xf32> -> vector<128x32xf32>
    %add3A_665 = arith.addf %mul3A_659, %dot_general3A_664 : vector<128x32xf32>
    %get3A_666 = arith.constant 0 : index
    %get3A_667 = arith.constant 0 : index
    %get3A_668 = vector.load %arg15[%get3A_666, %get3A_667] : memref<1x32xf32, #tpu.memory_space<vmem>>, vector<1x32xf32>
    %mul3A_669 = vector.broadcast %mul3A_585 : vector<128x1xf32> to vector<128x32xf32>
    %mul3A_670 = vector.broadcast %get3A_668 : vector<1x32xf32> to vector<128x32xf32>
    %mul3A_671 = arith.mulf %mul3A_669, %mul3A_670 : vector<128x32xf32>
    %add3A_672 = arith.addf %add3A_665, %mul3A_671 : vector<128x32xf32>
    %get3A_673 = arith.constant 0 : index
    %get3A_674 = arith.constant 0 : index
    %get3A_675 = vector.load %arg16[%get3A_673, %get3A_674] : memref<1x32xf32, #tpu.memory_space<vmem>>, vector<1x32xf32>
    %add3A_676 = vector.broadcast %get3A_675 : vector<1x32xf32> to vector<128x32xf32>
    %add3A_677 = arith.addf %add3A_672, %add3A_676 : vector<128x32xf32>
    %get3A_678 = arith.constant 0 : index
    %get3A_679 = arith.constant 0 : index
    %get3A_680 = vector.load %arg22[%get3A_678, %get3A_679] : memref<32x64xf32, #tpu.memory_space<vmem>>, vector<32x64xf32>
    %dot_general3A_681 = arith.constant dense<0.000000e+00> : vector<128x64xf32>
    %dot_general3A_682 = tpu.matmul %add3A_677, %get3A_680, %dot_general3A_681 {dimension_numbers = #tpu.dot_dimension_numbers<[1], [0], [0], [1], [0, 0, 1, 1], [], []>, transpose_lhs_hint = false} : vector<128x32xf32>, vector<32x64xf32>, vector<128x64xf32> -> vector<128x64xf32>
    %mul3A_683 = arith.mulf %add3A_677, %add3A_677 : vector<128x32xf32>
    %get3A_684 = arith.constant 0 : index
    %get3A_685 = arith.constant 0 : index
    %get3A_686 = vector.load %arg22[%get3A_684, %get3A_685] : memref<32x64xf32, #tpu.memory_space<vmem>>, vector<32x64xf32>
    %dot_general3A_687 = arith.constant dense<0.000000e+00> : vector<128x64xf32>
    %dot_general3A_688 = tpu.matmul %mul3A_683, %get3A_686, %dot_general3A_687 {dimension_numbers = #tpu.dot_dimension_numbers<[1], [0], [0], [1], [0, 0, 1, 1], [], []>, transpose_lhs_hint = false} : vector<128x32xf32>, vector<32x64xf32>, vector<128x64xf32> -> vector<128x64xf32>
    %mul3A_689 = arith.mulf %dot_general3A_682, %dot_general3A_682 : vector<128x64xf32>
    %sub3A_690 = arith.subf %dot_general3A_688, %mul3A_689 : vector<128x64xf32>
    %add3A_691 = arith.constant 9.99999974E-6 : f32
    %add3A_692 = vector.broadcast %add3A_691 : f32 to vector<128x64xf32>
    %add3A_693 = arith.addf %sub3A_690, %add3A_692 : vector<128x64xf32>
    %rsqrt3A_694 = math.rsqrt %add3A_693 : vector<128x64xf32>
    %get3A_695 = arith.constant 0 : index
    %get3A_696 = arith.constant 0 : index
    %get3A_697 = vector.load %arg18[%get3A_695, %get3A_696] : memref<32x64xf32, #tpu.memory_space<vmem>>, vector<32x64xf32>
    %dot_general3A_698 = arith.constant dense<0.000000e+00> : vector<128x64xf32>
    %dot_general3A_699 = tpu.matmul %add3A_677, %get3A_697, %dot_general3A_698 {dimension_numbers = #tpu.dot_dimension_numbers<[1], [0], [0], [1], [0, 0, 1, 1], [], []>, transpose_lhs_hint = false} : vector<128x32xf32>, vector<32x64xf32>, vector<128x64xf32> -> vector<128x64xf32>
    %get3A_700 = arith.constant 0 : index
    %get3A_701 = arith.constant 0 : index
    %get3A_702 = vector.load %arg19[%get3A_700, %get3A_701] : memref<1x64xf32, #tpu.memory_space<vmem>>, vector<1x64xf32>
    %mul3A_703 = vector.broadcast %get3A_702 : vector<1x64xf32> to vector<128x64xf32>
    %mul3A_704 = arith.mulf %dot_general3A_682, %mul3A_703 : vector<128x64xf32>
    %sub3A_705 = arith.subf %dot_general3A_699, %mul3A_704 : vector<128x64xf32>
    %mul3A_706 = arith.mulf %rsqrt3A_694, %sub3A_705 : vector<128x64xf32>
    %get3A_707 = arith.constant 0 : index
    %get3A_708 = arith.constant 0 : index
    %get3A_709 = vector.load %arg20[%get3A_707, %get3A_708] : memref<1x64xf32, #tpu.memory_space<vmem>>, vector<1x64xf32>
    %mul3A_710 = vector.broadcast %sqrt3A_551 : vector<128x1xf32> to vector<128x64xf32>
    %mul3A_711 = vector.broadcast %get3A_709 : vector<1x64xf32> to vector<128x64xf32>
    %mul3A_712 = arith.mulf %mul3A_710, %mul3A_711 : vector<128x64xf32>
    %add3A_713 = arith.addf %mul3A_706, %mul3A_712 : vector<128x64xf32>
    %get3A_714 = arith.constant 0 : index
    %get3A_715 = arith.constant 0 : index
    %get3A_716 = vector.load %arg21[%get3A_714, %get3A_715] : memref<1x64xf32, #tpu.memory_space<vmem>>, vector<1x64xf32>
    %add3A_717 = vector.broadcast %get3A_716 : vector<1x64xf32> to vector<128x64xf32>
    %add3A_718 = arith.addf %add3A_713, %add3A_717 : vector<128x64xf32>
    %get3A_719 = arith.constant 2 : index
    %get3A_720 = arith.constant 0 : index
    %get3A_721 = vector.load %arg6[%get3A_719, %get3A_720] : memref<8x64xf32, #tpu.memory_space<vmem>>, vector<1x64xf32>
    %add3A_722 = vector.broadcast %get3A_721 : vector<1x64xf32> to vector<128x64xf32>
    %add3A_723 = arith.addf %add3A_718, %add3A_722 : vector<128x64xf32>
    %add3A_724 = arith.addf %add3A_723, %dot_general3A_538 : vector<128x64xf32>
    %max3A_725 = arith.constant 0.000000e+00 : f32
    %max3A_726 = vector.broadcast %max3A_725 : f32 to vector<128x64xf32>
    %max3A_727 = arith.maximumf %add3A_724, %max3A_726 : vector<128x64xf32>
    %get3A_728 = arith.constant 0 : index
    %get3A_729 = arith.constant 0 : index
    %get3A_730 = vector.load %arg23[%get3A_728, %get3A_729] : memref<64x40xf32, #tpu.memory_space<vmem>>, vector<64x40xf32>
    %dot_general3A_731 = arith.constant dense<0.000000e+00> : vector<128x40xf32>
    %dot_general3A_732 = tpu.matmul %max3A_727, %get3A_730, %dot_general3A_731 {dimension_numbers = #tpu.dot_dimension_numbers<[1], [0], [0], [1], [0, 0, 1, 1], [], []>, transpose_lhs_hint = false} : vector<128x64xf32>, vector<64x40xf32>, vector<128x40xf32> -> vector<128x40xf32>
    %get3A_733 = arith.constant 0 : index
    %get3A_734 = arith.constant 0 : index
    %get3A_735 = vector.load %arg24[%get3A_733, %get3A_734] : memref<1x40xf32, #tpu.memory_space<vmem>>, vector<1x40xf32>
    %add3A_736 = vector.broadcast %get3A_735 : vector<1x40xf32> to vector<128x40xf32>
    %add3A_737 = arith.addf %dot_general3A_732, %add3A_736 : vector<128x40xf32>
    %get3A_738 = arith.constant 2 : index
    %get3A_739 = arith.constant 0 : index
    %get3A_740 = arith.constant 0 : index
    %get3A_741 = vector.load %arg7[%get3A_738, %get3A_739, %get3A_740] : memref<8x3x3xf32, #tpu.memory_space<vmem>>, vector<1x3x3xf32>
    %get3A_742 = vector.shape_cast %get3A_741 : vector<1x3x3xf32> to vector<3x3xf32>
    %slice3A_743 = vector.extract_strided_slice %add3A_737 {offsets = [0, 32], sizes = [128, 1], strides = [1, 1]} : vector<128x40xf32> to vector<128x1xf32>
    %mul3A_744 = vector.broadcast %slice3A_743 : vector<128x1xf32> to vector<128x3xf32>
    %mul3A_745 = arith.mulf %mul3A_744, %div3A_556 : vector<128x3xf32>
    %slice3A_746 = vector.extract_strided_slice %add3A_737 {offsets = [0, 33], sizes = [128, 3], strides = [1, 1]} : vector<128x40xf32> to vector<128x3xf32>
    %dot_general3A_747 = arith.constant dense<0.000000e+00> : vector<128x3xf32>
    %dot_general3A_748 = tpu.matmul %slice3A_746, %get3A_742, %dot_general3A_747 {dimension_numbers = #tpu.dot_dimension_numbers<[1], [0], [0], [1], [0, 0, 1, 1], [], []>, transpose_lhs_hint = false} : vector<128x3xf32>, vector<3x3xf32>, vector<128x3xf32> -> vector<128x3xf32>
    %add3A_749 = arith.addf %mul3A_745, %dot_general3A_748 : vector<128x3xf32>
    %slice3A_750 = vector.extract_strided_slice %add3A_737 {offsets = [0, 36], sizes = [128, 1], strides = [1, 1]} : vector<128x40xf32> to vector<128x1xf32>
    %mul3A_751 = vector.broadcast %slice3A_750 : vector<128x1xf32> to vector<128x3xf32>
    %mul3A_752 = arith.mulf %mul3A_751, %div3A_556 : vector<128x3xf32>
    %slice3A_753 = vector.extract_strided_slice %add3A_737 {offsets = [0, 37], sizes = [128, 3], strides = [1, 1]} : vector<128x40xf32> to vector<128x3xf32>
    %dot_general3A_754 = arith.constant dense<0.000000e+00> : vector<128x3xf32>
    %dot_general3A_755 = tpu.matmul %slice3A_753, %get3A_742, %dot_general3A_754 {dimension_numbers = #tpu.dot_dimension_numbers<[1], [0], [0], [1], [0, 0, 1, 1], [], []>, transpose_lhs_hint = false} : vector<128x3xf32>, vector<3x3xf32>, vector<128x3xf32> -> vector<128x3xf32>
    %add3A_756 = arith.addf %mul3A_752, %dot_general3A_755 : vector<128x3xf32>
    %slice3A_757 = vector.extract_strided_slice %add3A_737 {offsets = [0, 0], sizes = [128, 32], strides = [1, 1]} : vector<128x40xf32> to vector<128x32xf32>
    %concatenate3A_758 = tpu.concatenate %slice3A_757, %add3A_749, %add3A_756 in 1 : vector<128x32xf32>, vector<128x3xf32>, vector<128x3xf32> -> vector<128x38xf32>
    %dot_general3A_759 = arith.constant dense<0.000000e+00> : vector<512x38xf32>
    %dot_general3A_760 = tpu.matmul %select_n3A_525, %concatenate3A_758, %dot_general3A_759 {dimension_numbers = #tpu.dot_dimension_numbers<[0], [0], [1], [1], [0, 1, 1, 1], [], []>, transpose_lhs_hint = false} : vector<128x512xf32>, vector<128x38xf32>, vector<512x38xf32> -> vector<512x38xf32>
    %add3A_761 = arith.addf %add3A_503, %dot_general3A_760 : vector<512x38xf32>
    %get3A_762 = arith.constant 384 : index
    %get3A_763 = arith.constant 0 : index
    %get3A_764 = vector.load %arg1[%get3A_762, %get3A_763] : memref<1024x128xf32, #tpu.memory_space<vmem>>, vector<128x128xf32>
    %get3A_765 = arith.constant 0 : index
    %get3A_766 = arith.constant 0 : index
    %get3A_767 = arith.constant 0 : index
    %get3A_768 = vector.load %arg2[%get3A_765, %get3A_766, %get3A_767] : memref<1x128x8xi32, #tpu.memory_space<vmem>>, vector<1x128x8xi32>
    %get3A_769 = vector.shape_cast %get3A_768 : vector<1x128x8xi32> to vector<128x8xi32>
    %slice3A_770 = vector.extract_strided_slice %get3A_769 {offsets = [0, 3], sizes = [128, 1], strides = [1, 1]} : vector<128x8xi32> to vector<128x1xi32>
    %add3A_771 = arith.constant 3 : i32
    %add3A_772 = arith.addi %mul3A_5, %add3A_771 : i32
    %mul3A_773 = arith.constant 512 : i32
    %mul3A_774 = arith.muli %add3A_772, %mul3A_773 : i32
    %sub3A_775 = vector.broadcast %mul3A_774 : i32 to vector<128x1xi32>
    %sub3A_776 = arith.subi %slice3A_770, %sub3A_775 : vector<128x1xi32>
    %eq3A_777 = vector.broadcast %sub3A_776 : vector<128x1xi32> to vector<128x512xi32>
    %eq3A_778 = arith.cmpi eq, %eq3A_777, %iota3A : vector<128x512xi32>
    %jit3A_779 = arith.constant 1.000000e+00 : f32
    %jit3A_780 = arith.constant 0.000000e+00 : f32
    %broadcast_in_dim3A_781 = vector.broadcast %jit3A_779 : f32 to vector<128x512xf32>
    %broadcast_in_dim3A_782 = vector.broadcast %jit3A_780 : f32 to vector<128x512xf32>
    %select_n3A_783 = arith.select %eq3A_778, %broadcast_in_dim3A_781, %broadcast_in_dim3A_782 : vector<128x512xi1>, vector<128x512xf32>
    %get3A_784 = arith.constant 0 : index
    %get3A_785 = arith.constant 0 : index
    %get3A_786 = vector.load %arg3[%get3A_784, %get3A_785] : memref<512x40xf32, #tpu.memory_space<vmem>>, vector<512x40xf32>
    %dot_general3A_787 = arith.constant dense<0.000000e+00> : vector<128x40xf32>
    %dot_general3A_788 = tpu.matmul %select_n3A_783, %get3A_786, %dot_general3A_787 {dimension_numbers = #tpu.dot_dimension_numbers<[1], [0], [0], [1], [0, 0, 1, 1], [], []>, transpose_lhs_hint = false} : vector<128x512xf32>, vector<512x40xf32>, vector<128x40xf32> -> vector<128x40xf32>
    %slice3A_789 = vector.extract_strided_slice %dot_general3A_788 {offsets = [0, 0], sizes = [128, 32], strides = [1, 1]} : vector<128x40xf32> to vector<128x32xf32>
    %slice3A_790 = vector.extract_strided_slice %dot_general3A_788 {offsets = [0, 32], sizes = [128, 3], strides = [1, 1]} : vector<128x40xf32> to vector<128x3xf32>
    %slice3A_791 = vector.extract_strided_slice %dot_general3A_788 {offsets = [0, 35], sizes = [128, 1], strides = [1, 1]} : vector<128x40xf32> to vector<128x1xf32>
    %get3A_792 = arith.constant 0 : index
    %get3A_793 = arith.constant 0 : index
    %get3A_794 = vector.load %arg25[%get3A_792, %get3A_793] : memref<32x64xf32, #tpu.memory_space<vmem>>, vector<32x64xf32>
    %dot_general3A_795 = arith.constant dense<0.000000e+00> : vector<128x64xf32>
    %dot_general3A_796 = tpu.matmul %slice3A_789, %get3A_794, %dot_general3A_795 {dimension_numbers = #tpu.dot_dimension_numbers<[1], [0], [0], [1], [0, 0, 1, 1], [], []>, transpose_lhs_hint = false} : vector<128x32xf32>, vector<32x64xf32>, vector<128x64xf32> -> vector<128x64xf32>
    %get3A_797 = arith.constant 3 : index
    %get3A_798 = arith.constant 3 : index
    %get3A_799 = vector.load %arg4[%get3A_797, %get3A_798] : memref<8x9xf32, #tpu.memory_space<vmem>>, vector<1x3xf32>
    %sub3A_800 = vector.broadcast %get3A_799 : vector<1x3xf32> to vector<128x3xf32>
    %sub3A_801 = arith.subf %slice3A_790, %sub3A_800 : vector<128x3xf32>
    %mul3A_802 = arith.mulf %sub3A_801, %sub3A_801 : vector<128x3xf32>
    %reduce_sum3A_803 = arith.constant dense<0.000000e+00> : vector<128xf32>
    %reduce_sum3A_804 = vector.multi_reduction <add>, %mul3A_802, %reduce_sum3A_803 [1] : vector<128x3xf32> to vector<128xf32>
    %broadcast_in_dim3A_805 = vector.shape_cast %reduce_sum3A_804 : vector<128xf32> to vector<128x1xf32>
    %add3A_806 = arith.constant 9.99999993E-9 : f32
    %add3A_807 = vector.broadcast %add3A_806 : f32 to vector<128x1xf32>
    %add3A_808 = arith.addf %broadcast_in_dim3A_805, %add3A_807 : vector<128x1xf32>
    %sqrt3A_809 = math.sqrt %add3A_808 : vector<128x1xf32>
    %add3A_810 = arith.constant 9.99999997E-7 : f32
    %add3A_811 = vector.broadcast %add3A_810 : f32 to vector<128x1xf32>
    %add3A_812 = arith.addf %sqrt3A_809, %add3A_811 : vector<128x1xf32>
    %div3A_813 = vector.broadcast %add3A_812 : vector<128x1xf32> to vector<128x3xf32>
    %div3A_814 = arith.divf %sub3A_801, %div3A_813 : vector<128x3xf32>
    %get3A_815 = arith.constant 0 : index
    %get3A_816 = arith.constant 0 : index
    %get3A_817 = arith.constant 0 : index
    %get3A_818 = vector.load %arg5[%get3A_815, %get3A_816, %get3A_817] : memref<1x1x8xf32, #tpu.memory_space<vmem>>, vector<1x1x8xf32>
    %get3A_819 = vector.shape_cast %get3A_818 : vector<1x1x8xf32> to vector<1x8xf32>
    %slice3A_820 = vector.extract_strided_slice %get3A_819 {offsets = [0, 3], sizes = [1, 1], strides = [1, 1]} : vector<1x8xf32> to vector<1x1xf32>
    %sub3A_821 = vector.broadcast %slice3A_820 : vector<1x1xf32> to vector<128x1xf32>
    %sub3A_822 = arith.subf %slice3A_791, %sub3A_821 : vector<128x1xf32>
    %abs3A_823 = math.absf %sub3A_822 : vector<128x1xf32>
    %sign3A_824 = tpu.bitcast %sub3A_822 : vector<128x1xf32> -> vector<128x1xi32>
    %sign3A_825 = arith.constant -2147483648 : i32
    %sign3A_826 = vector.broadcast %sign3A_825 : i32 to vector<128x1xi32>
    %sign3A_827 = arith.andi %sign3A_824, %sign3A_826 : vector<128x1xi32>
    %sign3A_828 = arith.constant 1065353216 : i32
    %sign3A_829 = vector.broadcast %sign3A_828 : i32 to vector<128x1xi32>
    %sign3A_830 = arith.ori %sign3A_829, %sign3A_827 : vector<128x1xi32>
    %sign3A_831 = tpu.bitcast %sign3A_830 : vector<128x1xi32> -> vector<128x1xf32>
    %sign3A_832 = math.absf %sub3A_822 : vector<128x1xf32>
    %sign3A_833 = arith.constant 0.000000e+00 : f32
    %sign3A_834 = vector.broadcast %sign3A_833 : f32 to vector<128x1xf32>
    %sign3A_835 = arith.cmpf ogt, %sign3A_832, %sign3A_834 : vector<128x1xf32>
    %sign3A_836 = arith.select %sign3A_835, %sign3A_831, %sub3A_822 : vector<128x1xi1>, vector<128x1xf32>
    %gt3A_837 = arith.constant 1.000000e+00 : f32
    %gt3A_838 = vector.broadcast %gt3A_837 : f32 to vector<128x1xf32>
    %gt3A_839 = arith.cmpf ogt, %abs3A_823, %gt3A_838 : vector<128x1xf32>
    %jit3A_840 = arith.constant 0.000000e+00 : f32
    %broadcast_in_dim3A_841 = vector.broadcast %jit3A_840 : f32 to vector<128x1xf32>
    %select_n3A_842 = arith.select %gt3A_839, %broadcast_in_dim3A_841, %abs3A_823 : vector<128x1xi1>, vector<128x1xf32>
    %mul3A_843 = arith.mulf %sign3A_836, %select_n3A_842 : vector<128x1xf32>
    %get3A_844 = arith.constant 0 : index
    %get3A_845 = arith.constant 0 : index
    %get3A_846 = vector.load %arg11[%get3A_844, %get3A_845] : memref<128x32xf32, #tpu.memory_space<vmem>>, vector<128x32xf32>
    %dot_general3A_847 = arith.constant dense<0.000000e+00> : vector<128x32xf32>
    %dot_general3A_848 = tpu.matmul %get3A_764, %get3A_846, %dot_general3A_847 {dimension_numbers = #tpu.dot_dimension_numbers<[1], [0], [0], [1], [0, 0, 1, 1], [], []>, transpose_lhs_hint = false} : vector<128x128xf32>, vector<128x32xf32>, vector<128x32xf32> -> vector<128x32xf32>
    %mul3A_849 = arith.mulf %get3A_764, %get3A_764 : vector<128x128xf32>
    %get3A_850 = arith.constant 0 : index
    %get3A_851 = arith.constant 0 : index
    %get3A_852 = vector.load %arg11[%get3A_850, %get3A_851] : memref<128x32xf32, #tpu.memory_space<vmem>>, vector<128x32xf32>
    %dot_general3A_853 = arith.constant dense<0.000000e+00> : vector<128x32xf32>
    %dot_general3A_854 = tpu.matmul %mul3A_849, %get3A_852, %dot_general3A_853 {dimension_numbers = #tpu.dot_dimension_numbers<[1], [0], [0], [1], [0, 0, 1, 1], [], []>, transpose_lhs_hint = false} : vector<128x128xf32>, vector<128x32xf32>, vector<128x32xf32> -> vector<128x32xf32>
    %mul3A_855 = arith.mulf %dot_general3A_848, %dot_general3A_848 : vector<128x32xf32>
    %sub3A_856 = arith.subf %dot_general3A_854, %mul3A_855 : vector<128x32xf32>
    %add3A_857 = arith.constant 9.99999974E-6 : f32
    %add3A_858 = vector.broadcast %add3A_857 : f32 to vector<128x32xf32>
    %add3A_859 = arith.addf %sub3A_856, %add3A_858 : vector<128x32xf32>
    %rsqrt3A_860 = math.rsqrt %add3A_859 : vector<128x32xf32>
    %get3A_861 = arith.constant 0 : index
    %get3A_862 = arith.constant 0 : index
    %get3A_863 = vector.load %arg8[%get3A_861, %get3A_862] : memref<128x32xf32, #tpu.memory_space<vmem>>, vector<128x32xf32>
    %dot_general3A_864 = arith.constant dense<0.000000e+00> : vector<128x32xf32>
    %dot_general3A_865 = tpu.matmul %get3A_764, %get3A_863, %dot_general3A_864 {dimension_numbers = #tpu.dot_dimension_numbers<[1], [0], [0], [1], [0, 0, 1, 1], [], []>, transpose_lhs_hint = false} : vector<128x128xf32>, vector<128x32xf32>, vector<128x32xf32> -> vector<128x32xf32>
    %get3A_866 = arith.constant 0 : index
    %get3A_867 = arith.constant 0 : index
    %get3A_868 = vector.load %arg9[%get3A_866, %get3A_867] : memref<1x32xf32, #tpu.memory_space<vmem>>, vector<1x32xf32>
    %mul3A_869 = vector.broadcast %get3A_868 : vector<1x32xf32> to vector<128x32xf32>
    %mul3A_870 = arith.mulf %dot_general3A_848, %mul3A_869 : vector<128x32xf32>
    %sub3A_871 = arith.subf %dot_general3A_865, %mul3A_870 : vector<128x32xf32>
    %mul3A_872 = arith.mulf %rsqrt3A_860, %sub3A_871 : vector<128x32xf32>
    %get3A_873 = arith.constant 0 : index
    %get3A_874 = arith.constant 0 : index
    %get3A_875 = vector.load %arg10[%get3A_873, %get3A_874] : memref<1x32xf32, #tpu.memory_space<vmem>>, vector<1x32xf32>
    %add3A_876 = vector.broadcast %get3A_875 : vector<1x32xf32> to vector<128x32xf32>
    %add3A_877 = arith.addf %mul3A_872, %add3A_876 : vector<128x32xf32>
    %get3A_878 = arith.constant 0 : index
    %get3A_879 = arith.constant 0 : index
    %get3A_880 = vector.load %arg17[%get3A_878, %get3A_879] : memref<32x32xf32, #tpu.memory_space<vmem>>, vector<32x32xf32>
    %dot_general3A_881 = arith.constant dense<0.000000e+00> : vector<128x32xf32>
    %dot_general3A_882 = tpu.matmul %add3A_877, %get3A_880, %dot_general3A_881 {dimension_numbers = #tpu.dot_dimension_numbers<[1], [0], [0], [1], [0, 0, 1, 1], [], []>, transpose_lhs_hint = false} : vector<128x32xf32>, vector<32x32xf32>, vector<128x32xf32> -> vector<128x32xf32>
    %mul3A_883 = arith.mulf %add3A_877, %add3A_877 : vector<128x32xf32>
    %get3A_884 = arith.constant 0 : index
    %get3A_885 = arith.constant 0 : index
    %get3A_886 = vector.load %arg17[%get3A_884, %get3A_885] : memref<32x32xf32, #tpu.memory_space<vmem>>, vector<32x32xf32>
    %dot_general3A_887 = arith.constant dense<0.000000e+00> : vector<128x32xf32>
    %dot_general3A_888 = tpu.matmul %mul3A_883, %get3A_886, %dot_general3A_887 {dimension_numbers = #tpu.dot_dimension_numbers<[1], [0], [0], [1], [0, 0, 1, 1], [], []>, transpose_lhs_hint = false} : vector<128x32xf32>, vector<32x32xf32>, vector<128x32xf32> -> vector<128x32xf32>
    %mul3A_889 = arith.mulf %dot_general3A_882, %dot_general3A_882 : vector<128x32xf32>
    %sub3A_890 = arith.subf %dot_general3A_888, %mul3A_889 : vector<128x32xf32>
    %add3A_891 = arith.constant 9.99999974E-6 : f32
    %add3A_892 = vector.broadcast %add3A_891 : f32 to vector<128x32xf32>
    %add3A_893 = arith.addf %sub3A_890, %add3A_892 : vector<128x32xf32>
    %rsqrt3A_894 = math.rsqrt %add3A_893 : vector<128x32xf32>
    %sub3A_895 = vector.broadcast %sqrt3A_809 : vector<128x1xf32> to vector<128x36xf32>
    %sub3A_896 = vector.broadcast %get3A_3 : vector<1x36xf32> to vector<128x36xf32>
    %sub3A_897 = arith.subf %sub3A_895, %sub3A_896 : vector<128x36xf32>
    %div3A_898 = arith.constant 0.555555582 : f32
    %div3A_899 = vector.broadcast %div3A_898 : f32 to vector<128x36xf32>
    %div3A_900 = arith.divf %sub3A_897, %div3A_899 : vector<128x36xf32>
    %integer_pow3A_901 = arith.mulf %div3A_900, %div3A_900 : vector<128x36xf32>
    %neg3A_902 = arith.constant 0.000000e+00 : f32
    %neg3A_903 = vector.broadcast %neg3A_902 : f32 to vector<128x36xf32>
    %neg3A_904 = arith.subf %neg3A_903, %integer_pow3A_901 : vector<128x36xf32>
    %exp3A_905 = math.exp %neg3A_904 : vector<128x36xf32>
    %get3A_906 = arith.constant 0 : index
    %get3A_907 = arith.constant 0 : index
    %get3A_908 = vector.load %arg12[%get3A_906, %get3A_907] : memref<32x32xf32, #tpu.memory_space<vmem>>, vector<32x32xf32>
    %dot_general3A_909 = arith.constant dense<0.000000e+00> : vector<128x32xf32>
    %dot_general3A_910 = tpu.matmul %add3A_877, %get3A_908, %dot_general3A_909 {dimension_numbers = #tpu.dot_dimension_numbers<[1], [0], [0], [1], [0, 0, 1, 1], [], []>, transpose_lhs_hint = false} : vector<128x32xf32>, vector<32x32xf32>, vector<128x32xf32> -> vector<128x32xf32>
    %get3A_911 = arith.constant 0 : index
    %get3A_912 = arith.constant 0 : index
    %get3A_913 = vector.load %arg13[%get3A_911, %get3A_912] : memref<1x32xf32, #tpu.memory_space<vmem>>, vector<1x32xf32>
    %mul3A_914 = vector.broadcast %get3A_913 : vector<1x32xf32> to vector<128x32xf32>
    %mul3A_915 = arith.mulf %dot_general3A_882, %mul3A_914 : vector<128x32xf32>
    %sub3A_916 = arith.subf %dot_general3A_910, %mul3A_915 : vector<128x32xf32>
    %mul3A_917 = arith.mulf %rsqrt3A_894, %sub3A_916 : vector<128x32xf32>
    %get3A_918 = arith.constant 0 : index
    %get3A_919 = arith.constant 0 : index
    %get3A_920 = vector.load %arg14[%get3A_918, %get3A_919] : memref<36x32xf32, #tpu.memory_space<vmem>>, vector<36x32xf32>
    %dot_general3A_921 = arith.constant dense<0.000000e+00> : vector<128x32xf32>
    %dot_general3A_922 = tpu.matmul %exp3A_905, %get3A_920, %dot_general3A_921 {dimension_numbers = #tpu.dot_dimension_numbers<[1], [0], [0], [1], [0, 0, 1, 1], [], []>, transpose_lhs_hint = false} : vector<128x36xf32>, vector<36x32xf32>, vector<128x32xf32> -> vector<128x32xf32>
    %add3A_923 = arith.addf %mul3A_917, %dot_general3A_922 : vector<128x32xf32>
    %get3A_924 = arith.constant 0 : index
    %get3A_925 = arith.constant 0 : index
    %get3A_926 = vector.load %arg15[%get3A_924, %get3A_925] : memref<1x32xf32, #tpu.memory_space<vmem>>, vector<1x32xf32>
    %mul3A_927 = vector.broadcast %mul3A_843 : vector<128x1xf32> to vector<128x32xf32>
    %mul3A_928 = vector.broadcast %get3A_926 : vector<1x32xf32> to vector<128x32xf32>
    %mul3A_929 = arith.mulf %mul3A_927, %mul3A_928 : vector<128x32xf32>
    %add3A_930 = arith.addf %add3A_923, %mul3A_929 : vector<128x32xf32>
    %get3A_931 = arith.constant 0 : index
    %get3A_932 = arith.constant 0 : index
    %get3A_933 = vector.load %arg16[%get3A_931, %get3A_932] : memref<1x32xf32, #tpu.memory_space<vmem>>, vector<1x32xf32>
    %add3A_934 = vector.broadcast %get3A_933 : vector<1x32xf32> to vector<128x32xf32>
    %add3A_935 = arith.addf %add3A_930, %add3A_934 : vector<128x32xf32>
    %get3A_936 = arith.constant 0 : index
    %get3A_937 = arith.constant 0 : index
    %get3A_938 = vector.load %arg22[%get3A_936, %get3A_937] : memref<32x64xf32, #tpu.memory_space<vmem>>, vector<32x64xf32>
    %dot_general3A_939 = arith.constant dense<0.000000e+00> : vector<128x64xf32>
    %dot_general3A_940 = tpu.matmul %add3A_935, %get3A_938, %dot_general3A_939 {dimension_numbers = #tpu.dot_dimension_numbers<[1], [0], [0], [1], [0, 0, 1, 1], [], []>, transpose_lhs_hint = false} : vector<128x32xf32>, vector<32x64xf32>, vector<128x64xf32> -> vector<128x64xf32>
    %mul3A_941 = arith.mulf %add3A_935, %add3A_935 : vector<128x32xf32>
    %get3A_942 = arith.constant 0 : index
    %get3A_943 = arith.constant 0 : index
    %get3A_944 = vector.load %arg22[%get3A_942, %get3A_943] : memref<32x64xf32, #tpu.memory_space<vmem>>, vector<32x64xf32>
    %dot_general3A_945 = arith.constant dense<0.000000e+00> : vector<128x64xf32>
    %dot_general3A_946 = tpu.matmul %mul3A_941, %get3A_944, %dot_general3A_945 {dimension_numbers = #tpu.dot_dimension_numbers<[1], [0], [0], [1], [0, 0, 1, 1], [], []>, transpose_lhs_hint = false} : vector<128x32xf32>, vector<32x64xf32>, vector<128x64xf32> -> vector<128x64xf32>
    %mul3A_947 = arith.mulf %dot_general3A_940, %dot_general3A_940 : vector<128x64xf32>
    %sub3A_948 = arith.subf %dot_general3A_946, %mul3A_947 : vector<128x64xf32>
    %add3A_949 = arith.constant 9.99999974E-6 : f32
    %add3A_950 = vector.broadcast %add3A_949 : f32 to vector<128x64xf32>
    %add3A_951 = arith.addf %sub3A_948, %add3A_950 : vector<128x64xf32>
    %rsqrt3A_952 = math.rsqrt %add3A_951 : vector<128x64xf32>
    %get3A_953 = arith.constant 0 : index
    %get3A_954 = arith.constant 0 : index
    %get3A_955 = vector.load %arg18[%get3A_953, %get3A_954] : memref<32x64xf32, #tpu.memory_space<vmem>>, vector<32x64xf32>
    %dot_general3A_956 = arith.constant dense<0.000000e+00> : vector<128x64xf32>
    %dot_general3A_957 = tpu.matmul %add3A_935, %get3A_955, %dot_general3A_956 {dimension_numbers = #tpu.dot_dimension_numbers<[1], [0], [0], [1], [0, 0, 1, 1], [], []>, transpose_lhs_hint = false} : vector<128x32xf32>, vector<32x64xf32>, vector<128x64xf32> -> vector<128x64xf32>
    %get3A_958 = arith.constant 0 : index
    %get3A_959 = arith.constant 0 : index
    %get3A_960 = vector.load %arg19[%get3A_958, %get3A_959] : memref<1x64xf32, #tpu.memory_space<vmem>>, vector<1x64xf32>
    %mul3A_961 = vector.broadcast %get3A_960 : vector<1x64xf32> to vector<128x64xf32>
    %mul3A_962 = arith.mulf %dot_general3A_940, %mul3A_961 : vector<128x64xf32>
    %sub3A_963 = arith.subf %dot_general3A_957, %mul3A_962 : vector<128x64xf32>
    %mul3A_964 = arith.mulf %rsqrt3A_952, %sub3A_963 : vector<128x64xf32>
    %get3A_965 = arith.constant 0 : index
    %get3A_966 = arith.constant 0 : index
    %get3A_967 = vector.load %arg20[%get3A_965, %get3A_966] : memref<1x64xf32, #tpu.memory_space<vmem>>, vector<1x64xf32>
    %mul3A_968 = vector.broadcast %sqrt3A_809 : vector<128x1xf32> to vector<128x64xf32>
    %mul3A_969 = vector.broadcast %get3A_967 : vector<1x64xf32> to vector<128x64xf32>
    %mul3A_970 = arith.mulf %mul3A_968, %mul3A_969 : vector<128x64xf32>
    %add3A_971 = arith.addf %mul3A_964, %mul3A_970 : vector<128x64xf32>
    %get3A_972 = arith.constant 0 : index
    %get3A_973 = arith.constant 0 : index
    %get3A_974 = vector.load %arg21[%get3A_972, %get3A_973] : memref<1x64xf32, #tpu.memory_space<vmem>>, vector<1x64xf32>
    %add3A_975 = vector.broadcast %get3A_974 : vector<1x64xf32> to vector<128x64xf32>
    %add3A_976 = arith.addf %add3A_971, %add3A_975 : vector<128x64xf32>
    %get3A_977 = arith.constant 3 : index
    %get3A_978 = arith.constant 0 : index
    %get3A_979 = vector.load %arg6[%get3A_977, %get3A_978] : memref<8x64xf32, #tpu.memory_space<vmem>>, vector<1x64xf32>
    %add3A_980 = vector.broadcast %get3A_979 : vector<1x64xf32> to vector<128x64xf32>
    %add3A_981 = arith.addf %add3A_976, %add3A_980 : vector<128x64xf32>
    %add3A_982 = arith.addf %add3A_981, %dot_general3A_796 : vector<128x64xf32>
    %max3A_983 = arith.constant 0.000000e+00 : f32
    %max3A_984 = vector.broadcast %max3A_983 : f32 to vector<128x64xf32>
    %max3A_985 = arith.maximumf %add3A_982, %max3A_984 : vector<128x64xf32>
    %get3A_986 = arith.constant 0 : index
    %get3A_987 = arith.constant 0 : index
    %get3A_988 = vector.load %arg23[%get3A_986, %get3A_987] : memref<64x40xf32, #tpu.memory_space<vmem>>, vector<64x40xf32>
    %dot_general3A_989 = arith.constant dense<0.000000e+00> : vector<128x40xf32>
    %dot_general3A_990 = tpu.matmul %max3A_985, %get3A_988, %dot_general3A_989 {dimension_numbers = #tpu.dot_dimension_numbers<[1], [0], [0], [1], [0, 0, 1, 1], [], []>, transpose_lhs_hint = false} : vector<128x64xf32>, vector<64x40xf32>, vector<128x40xf32> -> vector<128x40xf32>
    %get3A_991 = arith.constant 0 : index
    %get3A_992 = arith.constant 0 : index
    %get3A_993 = vector.load %arg24[%get3A_991, %get3A_992] : memref<1x40xf32, #tpu.memory_space<vmem>>, vector<1x40xf32>
    %add3A_994 = vector.broadcast %get3A_993 : vector<1x40xf32> to vector<128x40xf32>
    %add3A_995 = arith.addf %dot_general3A_990, %add3A_994 : vector<128x40xf32>
    %get3A_996 = arith.constant 3 : index
    %get3A_997 = arith.constant 0 : index
    %get3A_998 = arith.constant 0 : index
    %get3A_999 = vector.load %arg7[%get3A_996, %get3A_997, %get3A_998] : memref<8x3x3xf32, #tpu.memory_space<vmem>>, vector<1x3x3xf32>
    %get3A_1000 = vector.shape_cast %get3A_999 : vector<1x3x3xf32> to vector<3x3xf32>
    %slice3A_1001 = vector.extract_strided_slice %add3A_995 {offsets = [0, 32], sizes = [128, 1], strides = [1, 1]} : vector<128x40xf32> to vector<128x1xf32>
    %mul3A_1002 = vector.broadcast %slice3A_1001 : vector<128x1xf32> to vector<128x3xf32>
    %mul3A_1003 = arith.mulf %mul3A_1002, %div3A_814 : vector<128x3xf32>
    %slice3A_1004 = vector.extract_strided_slice %add3A_995 {offsets = [0, 33], sizes = [128, 3], strides = [1, 1]} : vector<128x40xf32> to vector<128x3xf32>
    %dot_general3A_1005 = arith.constant dense<0.000000e+00> : vector<128x3xf32>
    %dot_general3A_1006 = tpu.matmul %slice3A_1004, %get3A_1000, %dot_general3A_1005 {dimension_numbers = #tpu.dot_dimension_numbers<[1], [0], [0], [1], [0, 0, 1, 1], [], []>, transpose_lhs_hint = false} : vector<128x3xf32>, vector<3x3xf32>, vector<128x3xf32> -> vector<128x3xf32>
    %add3A_1007 = arith.addf %mul3A_1003, %dot_general3A_1006 : vector<128x3xf32>
    %slice3A_1008 = vector.extract_strided_slice %add3A_995 {offsets = [0, 36], sizes = [128, 1], strides = [1, 1]} : vector<128x40xf32> to vector<128x1xf32>
    %mul3A_1009 = vector.broadcast %slice3A_1008 : vector<128x1xf32> to vector<128x3xf32>
    %mul3A_1010 = arith.mulf %mul3A_1009, %div3A_814 : vector<128x3xf32>
    %slice3A_1011 = vector.extract_strided_slice %add3A_995 {offsets = [0, 37], sizes = [128, 3], strides = [1, 1]} : vector<128x40xf32> to vector<128x3xf32>
    %dot_general3A_1012 = arith.constant dense<0.000000e+00> : vector<128x3xf32>
    %dot_general3A_1013 = tpu.matmul %slice3A_1011, %get3A_1000, %dot_general3A_1012 {dimension_numbers = #tpu.dot_dimension_numbers<[1], [0], [0], [1], [0, 0, 1, 1], [], []>, transpose_lhs_hint = false} : vector<128x3xf32>, vector<3x3xf32>, vector<128x3xf32> -> vector<128x3xf32>
    %add3A_1014 = arith.addf %mul3A_1010, %dot_general3A_1013 : vector<128x3xf32>
    %slice3A_1015 = vector.extract_strided_slice %add3A_995 {offsets = [0, 0], sizes = [128, 32], strides = [1, 1]} : vector<128x40xf32> to vector<128x32xf32>
    %concatenate3A_1016 = tpu.concatenate %slice3A_1015, %add3A_1007, %add3A_1014 in 1 : vector<128x32xf32>, vector<128x3xf32>, vector<128x3xf32> -> vector<128x38xf32>
    %dot_general3A_1017 = arith.constant dense<0.000000e+00> : vector<512x38xf32>
    %dot_general3A_1018 = tpu.matmul %select_n3A_783, %concatenate3A_1016, %dot_general3A_1017 {dimension_numbers = #tpu.dot_dimension_numbers<[0], [0], [1], [1], [0, 1, 1, 1], [], []>, transpose_lhs_hint = false} : vector<128x512xf32>, vector<128x38xf32>, vector<512x38xf32> -> vector<512x38xf32>
    %add3A_1019 = arith.addf %add3A_761, %dot_general3A_1018 : vector<512x38xf32>
    %get3A_1020 = arith.constant 512 : index
    %get3A_1021 = arith.constant 0 : index
    %get3A_1022 = vector.load %arg1[%get3A_1020, %get3A_1021] : memref<1024x128xf32, #tpu.memory_space<vmem>>, vector<128x128xf32>
    %get3A_1023 = arith.constant 0 : index
    %get3A_1024 = arith.constant 0 : index
    %get3A_1025 = arith.constant 0 : index
    %get3A_1026 = vector.load %arg2[%get3A_1023, %get3A_1024, %get3A_1025] : memref<1x128x8xi32, #tpu.memory_space<vmem>>, vector<1x128x8xi32>
    %get3A_1027 = vector.shape_cast %get3A_1026 : vector<1x128x8xi32> to vector<128x8xi32>
    %slice3A_1028 = vector.extract_strided_slice %get3A_1027 {offsets = [0, 4], sizes = [128, 1], strides = [1, 1]} : vector<128x8xi32> to vector<128x1xi32>
    %add3A_1029 = arith.constant 4 : i32
    %add3A_1030 = arith.addi %mul3A_5, %add3A_1029 : i32
    %mul3A_1031 = arith.constant 512 : i32
    %mul3A_1032 = arith.muli %add3A_1030, %mul3A_1031 : i32
    %sub3A_1033 = vector.broadcast %mul3A_1032 : i32 to vector<128x1xi32>
    %sub3A_1034 = arith.subi %slice3A_1028, %sub3A_1033 : vector<128x1xi32>
    %eq3A_1035 = vector.broadcast %sub3A_1034 : vector<128x1xi32> to vector<128x512xi32>
    %eq3A_1036 = arith.cmpi eq, %eq3A_1035, %iota3A : vector<128x512xi32>
    %jit3A_1037 = arith.constant 1.000000e+00 : f32
    %jit3A_1038 = arith.constant 0.000000e+00 : f32
    %broadcast_in_dim3A_1039 = vector.broadcast %jit3A_1037 : f32 to vector<128x512xf32>
    %broadcast_in_dim3A_1040 = vector.broadcast %jit3A_1038 : f32 to vector<128x512xf32>
    %select_n3A_1041 = arith.select %eq3A_1036, %broadcast_in_dim3A_1039, %broadcast_in_dim3A_1040 : vector<128x512xi1>, vector<128x512xf32>
    %get3A_1042 = arith.constant 0 : index
    %get3A_1043 = arith.constant 0 : index
    %get3A_1044 = vector.load %arg3[%get3A_1042, %get3A_1043] : memref<512x40xf32, #tpu.memory_space<vmem>>, vector<512x40xf32>
    %dot_general3A_1045 = arith.constant dense<0.000000e+00> : vector<128x40xf32>
    %dot_general3A_1046 = tpu.matmul %select_n3A_1041, %get3A_1044, %dot_general3A_1045 {dimension_numbers = #tpu.dot_dimension_numbers<[1], [0], [0], [1], [0, 0, 1, 1], [], []>, transpose_lhs_hint = false} : vector<128x512xf32>, vector<512x40xf32>, vector<128x40xf32> -> vector<128x40xf32>
    %slice3A_1047 = vector.extract_strided_slice %dot_general3A_1046 {offsets = [0, 0], sizes = [128, 32], strides = [1, 1]} : vector<128x40xf32> to vector<128x32xf32>
    %slice3A_1048 = vector.extract_strided_slice %dot_general3A_1046 {offsets = [0, 32], sizes = [128, 3], strides = [1, 1]} : vector<128x40xf32> to vector<128x3xf32>
    %slice3A_1049 = vector.extract_strided_slice %dot_general3A_1046 {offsets = [0, 35], sizes = [128, 1], strides = [1, 1]} : vector<128x40xf32> to vector<128x1xf32>
    %get3A_1050 = arith.constant 0 : index
    %get3A_1051 = arith.constant 0 : index
    %get3A_1052 = vector.load %arg25[%get3A_1050, %get3A_1051] : memref<32x64xf32, #tpu.memory_space<vmem>>, vector<32x64xf32>
    %dot_general3A_1053 = arith.constant dense<0.000000e+00> : vector<128x64xf32>
    %dot_general3A_1054 = tpu.matmul %slice3A_1047, %get3A_1052, %dot_general3A_1053 {dimension_numbers = #tpu.dot_dimension_numbers<[1], [0], [0], [1], [0, 0, 1, 1], [], []>, transpose_lhs_hint = false} : vector<128x32xf32>, vector<32x64xf32>, vector<128x64xf32> -> vector<128x64xf32>
    %get3A_1055 = arith.constant 4 : index
    %get3A_1056 = arith.constant 3 : index
    %get3A_1057 = vector.load %arg4[%get3A_1055, %get3A_1056] : memref<8x9xf32, #tpu.memory_space<vmem>>, vector<1x3xf32>
    %sub3A_1058 = vector.broadcast %get3A_1057 : vector<1x3xf32> to vector<128x3xf32>
    %sub3A_1059 = arith.subf %slice3A_1048, %sub3A_1058 : vector<128x3xf32>
    %mul3A_1060 = arith.mulf %sub3A_1059, %sub3A_1059 : vector<128x3xf32>
    %reduce_sum3A_1061 = arith.constant dense<0.000000e+00> : vector<128xf32>
    %reduce_sum3A_1062 = vector.multi_reduction <add>, %mul3A_1060, %reduce_sum3A_1061 [1] : vector<128x3xf32> to vector<128xf32>
    %broadcast_in_dim3A_1063 = vector.shape_cast %reduce_sum3A_1062 : vector<128xf32> to vector<128x1xf32>
    %add3A_1064 = arith.constant 9.99999993E-9 : f32
    %add3A_1065 = vector.broadcast %add3A_1064 : f32 to vector<128x1xf32>
    %add3A_1066 = arith.addf %broadcast_in_dim3A_1063, %add3A_1065 : vector<128x1xf32>
    %sqrt3A_1067 = math.sqrt %add3A_1066 : vector<128x1xf32>
    %add3A_1068 = arith.constant 9.99999997E-7 : f32
    %add3A_1069 = vector.broadcast %add3A_1068 : f32 to vector<128x1xf32>
    %add3A_1070 = arith.addf %sqrt3A_1067, %add3A_1069 : vector<128x1xf32>
    %div3A_1071 = vector.broadcast %add3A_1070 : vector<128x1xf32> to vector<128x3xf32>
    %div3A_1072 = arith.divf %sub3A_1059, %div3A_1071 : vector<128x3xf32>
    %get3A_1073 = arith.constant 0 : index
    %get3A_1074 = arith.constant 0 : index
    %get3A_1075 = arith.constant 0 : index
    %get3A_1076 = vector.load %arg5[%get3A_1073, %get3A_1074, %get3A_1075] : memref<1x1x8xf32, #tpu.memory_space<vmem>>, vector<1x1x8xf32>
    %get3A_1077 = vector.shape_cast %get3A_1076 : vector<1x1x8xf32> to vector<1x8xf32>
    %slice3A_1078 = vector.extract_strided_slice %get3A_1077 {offsets = [0, 4], sizes = [1, 1], strides = [1, 1]} : vector<1x8xf32> to vector<1x1xf32>
    %sub3A_1079 = vector.broadcast %slice3A_1078 : vector<1x1xf32> to vector<128x1xf32>
    %sub3A_1080 = arith.subf %slice3A_1049, %sub3A_1079 : vector<128x1xf32>
    %abs3A_1081 = math.absf %sub3A_1080 : vector<128x1xf32>
    %sign3A_1082 = tpu.bitcast %sub3A_1080 : vector<128x1xf32> -> vector<128x1xi32>
    %sign3A_1083 = arith.constant -2147483648 : i32
    %sign3A_1084 = vector.broadcast %sign3A_1083 : i32 to vector<128x1xi32>
    %sign3A_1085 = arith.andi %sign3A_1082, %sign3A_1084 : vector<128x1xi32>
    %sign3A_1086 = arith.constant 1065353216 : i32
    %sign3A_1087 = vector.broadcast %sign3A_1086 : i32 to vector<128x1xi32>
    %sign3A_1088 = arith.ori %sign3A_1087, %sign3A_1085 : vector<128x1xi32>
    %sign3A_1089 = tpu.bitcast %sign3A_1088 : vector<128x1xi32> -> vector<128x1xf32>
    %sign3A_1090 = math.absf %sub3A_1080 : vector<128x1xf32>
    %sign3A_1091 = arith.constant 0.000000e+00 : f32
    %sign3A_1092 = vector.broadcast %sign3A_1091 : f32 to vector<128x1xf32>
    %sign3A_1093 = arith.cmpf ogt, %sign3A_1090, %sign3A_1092 : vector<128x1xf32>
    %sign3A_1094 = arith.select %sign3A_1093, %sign3A_1089, %sub3A_1080 : vector<128x1xi1>, vector<128x1xf32>
    %gt3A_1095 = arith.constant 1.000000e+00 : f32
    %gt3A_1096 = vector.broadcast %gt3A_1095 : f32 to vector<128x1xf32>
    %gt3A_1097 = arith.cmpf ogt, %abs3A_1081, %gt3A_1096 : vector<128x1xf32>
    %jit3A_1098 = arith.constant 0.000000e+00 : f32
    %broadcast_in_dim3A_1099 = vector.broadcast %jit3A_1098 : f32 to vector<128x1xf32>
    %select_n3A_1100 = arith.select %gt3A_1097, %broadcast_in_dim3A_1099, %abs3A_1081 : vector<128x1xi1>, vector<128x1xf32>
    %mul3A_1101 = arith.mulf %sign3A_1094, %select_n3A_1100 : vector<128x1xf32>
    %get3A_1102 = arith.constant 0 : index
    %get3A_1103 = arith.constant 0 : index
    %get3A_1104 = vector.load %arg11[%get3A_1102, %get3A_1103] : memref<128x32xf32, #tpu.memory_space<vmem>>, vector<128x32xf32>
    %dot_general3A_1105 = arith.constant dense<0.000000e+00> : vector<128x32xf32>
    %dot_general3A_1106 = tpu.matmul %get3A_1022, %get3A_1104, %dot_general3A_1105 {dimension_numbers = #tpu.dot_dimension_numbers<[1], [0], [0], [1], [0, 0, 1, 1], [], []>, transpose_lhs_hint = false} : vector<128x128xf32>, vector<128x32xf32>, vector<128x32xf32> -> vector<128x32xf32>
    %mul3A_1107 = arith.mulf %get3A_1022, %get3A_1022 : vector<128x128xf32>
    %get3A_1108 = arith.constant 0 : index
    %get3A_1109 = arith.constant 0 : index
    %get3A_1110 = vector.load %arg11[%get3A_1108, %get3A_1109] : memref<128x32xf32, #tpu.memory_space<vmem>>, vector<128x32xf32>
    %dot_general3A_1111 = arith.constant dense<0.000000e+00> : vector<128x32xf32>
    %dot_general3A_1112 = tpu.matmul %mul3A_1107, %get3A_1110, %dot_general3A_1111 {dimension_numbers = #tpu.dot_dimension_numbers<[1], [0], [0], [1], [0, 0, 1, 1], [], []>, transpose_lhs_hint = false} : vector<128x128xf32>, vector<128x32xf32>, vector<128x32xf32> -> vector<128x32xf32>
    %mul3A_1113 = arith.mulf %dot_general3A_1106, %dot_general3A_1106 : vector<128x32xf32>
    %sub3A_1114 = arith.subf %dot_general3A_1112, %mul3A_1113 : vector<128x32xf32>
    %add3A_1115 = arith.constant 9.99999974E-6 : f32
    %add3A_1116 = vector.broadcast %add3A_1115 : f32 to vector<128x32xf32>
    %add3A_1117 = arith.addf %sub3A_1114, %add3A_1116 : vector<128x32xf32>
    %rsqrt3A_1118 = math.rsqrt %add3A_1117 : vector<128x32xf32>
    %get3A_1119 = arith.constant 0 : index
    %get3A_1120 = arith.constant 0 : index
    %get3A_1121 = vector.load %arg8[%get3A_1119, %get3A_1120] : memref<128x32xf32, #tpu.memory_space<vmem>>, vector<128x32xf32>
    %dot_general3A_1122 = arith.constant dense<0.000000e+00> : vector<128x32xf32>
    %dot_general3A_1123 = tpu.matmul %get3A_1022, %get3A_1121, %dot_general3A_1122 {dimension_numbers = #tpu.dot_dimension_numbers<[1], [0], [0], [1], [0, 0, 1, 1], [], []>, transpose_lhs_hint = false} : vector<128x128xf32>, vector<128x32xf32>, vector<128x32xf32> -> vector<128x32xf32>
    %get3A_1124 = arith.constant 0 : index
    %get3A_1125 = arith.constant 0 : index
    %get3A_1126 = vector.load %arg9[%get3A_1124, %get3A_1125] : memref<1x32xf32, #tpu.memory_space<vmem>>, vector<1x32xf32>
    %mul3A_1127 = vector.broadcast %get3A_1126 : vector<1x32xf32> to vector<128x32xf32>
    %mul3A_1128 = arith.mulf %dot_general3A_1106, %mul3A_1127 : vector<128x32xf32>
    %sub3A_1129 = arith.subf %dot_general3A_1123, %mul3A_1128 : vector<128x32xf32>
    %mul3A_1130 = arith.mulf %rsqrt3A_1118, %sub3A_1129 : vector<128x32xf32>
    %get3A_1131 = arith.constant 0 : index
    %get3A_1132 = arith.constant 0 : index
    %get3A_1133 = vector.load %arg10[%get3A_1131, %get3A_1132] : memref<1x32xf32, #tpu.memory_space<vmem>>, vector<1x32xf32>
    %add3A_1134 = vector.broadcast %get3A_1133 : vector<1x32xf32> to vector<128x32xf32>
    %add3A_1135 = arith.addf %mul3A_1130, %add3A_1134 : vector<128x32xf32>
    %get3A_1136 = arith.constant 0 : index
    %get3A_1137 = arith.constant 0 : index
    %get3A_1138 = vector.load %arg17[%get3A_1136, %get3A_1137] : memref<32x32xf32, #tpu.memory_space<vmem>>, vector<32x32xf32>
    %dot_general3A_1139 = arith.constant dense<0.000000e+00> : vector<128x32xf32>
    %dot_general3A_1140 = tpu.matmul %add3A_1135, %get3A_1138, %dot_general3A_1139 {dimension_numbers = #tpu.dot_dimension_numbers<[1], [0], [0], [1], [0, 0, 1, 1], [], []>, transpose_lhs_hint = false} : vector<128x32xf32>, vector<32x32xf32>, vector<128x32xf32> -> vector<128x32xf32>
    %mul3A_1141 = arith.mulf %add3A_1135, %add3A_1135 : vector<128x32xf32>
    %get3A_1142 = arith.constant 0 : index
    %get3A_1143 = arith.constant 0 : index
    %get3A_1144 = vector.load %arg17[%get3A_1142, %get3A_1143] : memref<32x32xf32, #tpu.memory_space<vmem>>, vector<32x32xf32>
    %dot_general3A_1145 = arith.constant dense<0.000000e+00> : vector<128x32xf32>
    %dot_general3A_1146 = tpu.matmul %mul3A_1141, %get3A_1144, %dot_general3A_1145 {dimension_numbers = #tpu.dot_dimension_numbers<[1], [0], [0], [1], [0, 0, 1, 1], [], []>, transpose_lhs_hint = false} : vector<128x32xf32>, vector<32x32xf32>, vector<128x32xf32> -> vector<128x32xf32>
    %mul3A_1147 = arith.mulf %dot_general3A_1140, %dot_general3A_1140 : vector<128x32xf32>
    %sub3A_1148 = arith.subf %dot_general3A_1146, %mul3A_1147 : vector<128x32xf32>
    %add3A_1149 = arith.constant 9.99999974E-6 : f32
    %add3A_1150 = vector.broadcast %add3A_1149 : f32 to vector<128x32xf32>
    %add3A_1151 = arith.addf %sub3A_1148, %add3A_1150 : vector<128x32xf32>
    %rsqrt3A_1152 = math.rsqrt %add3A_1151 : vector<128x32xf32>
    %sub3A_1153 = vector.broadcast %sqrt3A_1067 : vector<128x1xf32> to vector<128x36xf32>
    %sub3A_1154 = vector.broadcast %get3A_3 : vector<1x36xf32> to vector<128x36xf32>
    %sub3A_1155 = arith.subf %sub3A_1153, %sub3A_1154 : vector<128x36xf32>
    %div3A_1156 = arith.constant 0.555555582 : f32
    %div3A_1157 = vector.broadcast %div3A_1156 : f32 to vector<128x36xf32>
    %div3A_1158 = arith.divf %sub3A_1155, %div3A_1157 : vector<128x36xf32>
    %integer_pow3A_1159 = arith.mulf %div3A_1158, %div3A_1158 : vector<128x36xf32>
    %neg3A_1160 = arith.constant 0.000000e+00 : f32
    %neg3A_1161 = vector.broadcast %neg3A_1160 : f32 to vector<128x36xf32>
    %neg3A_1162 = arith.subf %neg3A_1161, %integer_pow3A_1159 : vector<128x36xf32>
    %exp3A_1163 = math.exp %neg3A_1162 : vector<128x36xf32>
    %get3A_1164 = arith.constant 0 : index
    %get3A_1165 = arith.constant 0 : index
    %get3A_1166 = vector.load %arg12[%get3A_1164, %get3A_1165] : memref<32x32xf32, #tpu.memory_space<vmem>>, vector<32x32xf32>
    %dot_general3A_1167 = arith.constant dense<0.000000e+00> : vector<128x32xf32>
    %dot_general3A_1168 = tpu.matmul %add3A_1135, %get3A_1166, %dot_general3A_1167 {dimension_numbers = #tpu.dot_dimension_numbers<[1], [0], [0], [1], [0, 0, 1, 1], [], []>, transpose_lhs_hint = false} : vector<128x32xf32>, vector<32x32xf32>, vector<128x32xf32> -> vector<128x32xf32>
    %get3A_1169 = arith.constant 0 : index
    %get3A_1170 = arith.constant 0 : index
    %get3A_1171 = vector.load %arg13[%get3A_1169, %get3A_1170] : memref<1x32xf32, #tpu.memory_space<vmem>>, vector<1x32xf32>
    %mul3A_1172 = vector.broadcast %get3A_1171 : vector<1x32xf32> to vector<128x32xf32>
    %mul3A_1173 = arith.mulf %dot_general3A_1140, %mul3A_1172 : vector<128x32xf32>
    %sub3A_1174 = arith.subf %dot_general3A_1168, %mul3A_1173 : vector<128x32xf32>
    %mul3A_1175 = arith.mulf %rsqrt3A_1152, %sub3A_1174 : vector<128x32xf32>
    %get3A_1176 = arith.constant 0 : index
    %get3A_1177 = arith.constant 0 : index
    %get3A_1178 = vector.load %arg14[%get3A_1176, %get3A_1177] : memref<36x32xf32, #tpu.memory_space<vmem>>, vector<36x32xf32>
    %dot_general3A_1179 = arith.constant dense<0.000000e+00> : vector<128x32xf32>
    %dot_general3A_1180 = tpu.matmul %exp3A_1163, %get3A_1178, %dot_general3A_1179 {dimension_numbers = #tpu.dot_dimension_numbers<[1], [0], [0], [1], [0, 0, 1, 1], [], []>, transpose_lhs_hint = false} : vector<128x36xf32>, vector<36x32xf32>, vector<128x32xf32> -> vector<128x32xf32>
    %add3A_1181 = arith.addf %mul3A_1175, %dot_general3A_1180 : vector<128x32xf32>
    %get3A_1182 = arith.constant 0 : index
    %get3A_1183 = arith.constant 0 : index
    %get3A_1184 = vector.load %arg15[%get3A_1182, %get3A_1183] : memref<1x32xf32, #tpu.memory_space<vmem>>, vector<1x32xf32>
    %mul3A_1185 = vector.broadcast %mul3A_1101 : vector<128x1xf32> to vector<128x32xf32>
    %mul3A_1186 = vector.broadcast %get3A_1184 : vector<1x32xf32> to vector<128x32xf32>
    %mul3A_1187 = arith.mulf %mul3A_1185, %mul3A_1186 : vector<128x32xf32>
    %add3A_1188 = arith.addf %add3A_1181, %mul3A_1187 : vector<128x32xf32>
    %get3A_1189 = arith.constant 0 : index
    %get3A_1190 = arith.constant 0 : index
    %get3A_1191 = vector.load %arg16[%get3A_1189, %get3A_1190] : memref<1x32xf32, #tpu.memory_space<vmem>>, vector<1x32xf32>
    %add3A_1192 = vector.broadcast %get3A_1191 : vector<1x32xf32> to vector<128x32xf32>
    %add3A_1193 = arith.addf %add3A_1188, %add3A_1192 : vector<128x32xf32>
    %get3A_1194 = arith.constant 0 : index
    %get3A_1195 = arith.constant 0 : index
    %get3A_1196 = vector.load %arg22[%get3A_1194, %get3A_1195] : memref<32x64xf32, #tpu.memory_space<vmem>>, vector<32x64xf32>
    %dot_general3A_1197 = arith.constant dense<0.000000e+00> : vector<128x64xf32>
    %dot_general3A_1198 = tpu.matmul %add3A_1193, %get3A_1196, %dot_general3A_1197 {dimension_numbers = #tpu.dot_dimension_numbers<[1], [0], [0], [1], [0, 0, 1, 1], [], []>, transpose_lhs_hint = false} : vector<128x32xf32>, vector<32x64xf32>, vector<128x64xf32> -> vector<128x64xf32>
    %mul3A_1199 = arith.mulf %add3A_1193, %add3A_1193 : vector<128x32xf32>
    %get3A_1200 = arith.constant 0 : index
    %get3A_1201 = arith.constant 0 : index
    %get3A_1202 = vector.load %arg22[%get3A_1200, %get3A_1201] : memref<32x64xf32, #tpu.memory_space<vmem>>, vector<32x64xf32>
    %dot_general3A_1203 = arith.constant dense<0.000000e+00> : vector<128x64xf32>
    %dot_general3A_1204 = tpu.matmul %mul3A_1199, %get3A_1202, %dot_general3A_1203 {dimension_numbers = #tpu.dot_dimension_numbers<[1], [0], [0], [1], [0, 0, 1, 1], [], []>, transpose_lhs_hint = false} : vector<128x32xf32>, vector<32x64xf32>, vector<128x64xf32> -> vector<128x64xf32>
    %mul3A_1205 = arith.mulf %dot_general3A_1198, %dot_general3A_1198 : vector<128x64xf32>
    %sub3A_1206 = arith.subf %dot_general3A_1204, %mul3A_1205 : vector<128x64xf32>
    %add3A_1207 = arith.constant 9.99999974E-6 : f32
    %add3A_1208 = vector.broadcast %add3A_1207 : f32 to vector<128x64xf32>
    %add3A_1209 = arith.addf %sub3A_1206, %add3A_1208 : vector<128x64xf32>
    %rsqrt3A_1210 = math.rsqrt %add3A_1209 : vector<128x64xf32>
    %get3A_1211 = arith.constant 0 : index
    %get3A_1212 = arith.constant 0 : index
    %get3A_1213 = vector.load %arg18[%get3A_1211, %get3A_1212] : memref<32x64xf32, #tpu.memory_space<vmem>>, vector<32x64xf32>
    %dot_general3A_1214 = arith.constant dense<0.000000e+00> : vector<128x64xf32>
    %dot_general3A_1215 = tpu.matmul %add3A_1193, %get3A_1213, %dot_general3A_1214 {dimension_numbers = #tpu.dot_dimension_numbers<[1], [0], [0], [1], [0, 0, 1, 1], [], []>, transpose_lhs_hint = false} : vector<128x32xf32>, vector<32x64xf32>, vector<128x64xf32> -> vector<128x64xf32>
    %get3A_1216 = arith.constant 0 : index
    %get3A_1217 = arith.constant 0 : index
    %get3A_1218 = vector.load %arg19[%get3A_1216, %get3A_1217] : memref<1x64xf32, #tpu.memory_space<vmem>>, vector<1x64xf32>
    %mul3A_1219 = vector.broadcast %get3A_1218 : vector<1x64xf32> to vector<128x64xf32>
    %mul3A_1220 = arith.mulf %dot_general3A_1198, %mul3A_1219 : vector<128x64xf32>
    %sub3A_1221 = arith.subf %dot_general3A_1215, %mul3A_1220 : vector<128x64xf32>
    %mul3A_1222 = arith.mulf %rsqrt3A_1210, %sub3A_1221 : vector<128x64xf32>
    %get3A_1223 = arith.constant 0 : index
    %get3A_1224 = arith.constant 0 : index
    %get3A_1225 = vector.load %arg20[%get3A_1223, %get3A_1224] : memref<1x64xf32, #tpu.memory_space<vmem>>, vector<1x64xf32>
    %mul3A_1226 = vector.broadcast %sqrt3A_1067 : vector<128x1xf32> to vector<128x64xf32>
    %mul3A_1227 = vector.broadcast %get3A_1225 : vector<1x64xf32> to vector<128x64xf32>
    %mul3A_1228 = arith.mulf %mul3A_1226, %mul3A_1227 : vector<128x64xf32>
    %add3A_1229 = arith.addf %mul3A_1222, %mul3A_1228 : vector<128x64xf32>
    %get3A_1230 = arith.constant 0 : index
    %get3A_1231 = arith.constant 0 : index
    %get3A_1232 = vector.load %arg21[%get3A_1230, %get3A_1231] : memref<1x64xf32, #tpu.memory_space<vmem>>, vector<1x64xf32>
    %add3A_1233 = vector.broadcast %get3A_1232 : vector<1x64xf32> to vector<128x64xf32>
    %add3A_1234 = arith.addf %add3A_1229, %add3A_1233 : vector<128x64xf32>
    %get3A_1235 = arith.constant 4 : index
    %get3A_1236 = arith.constant 0 : index
    %get3A_1237 = vector.load %arg6[%get3A_1235, %get3A_1236] : memref<8x64xf32, #tpu.memory_space<vmem>>, vector<1x64xf32>
    %add3A_1238 = vector.broadcast %get3A_1237 : vector<1x64xf32> to vector<128x64xf32>
    %add3A_1239 = arith.addf %add3A_1234, %add3A_1238 : vector<128x64xf32>
    %add3A_1240 = arith.addf %add3A_1239, %dot_general3A_1054 : vector<128x64xf32>
    %max3A_1241 = arith.constant 0.000000e+00 : f32
    %max3A_1242 = vector.broadcast %max3A_1241 : f32 to vector<128x64xf32>
    %max3A_1243 = arith.maximumf %add3A_1240, %max3A_1242 : vector<128x64xf32>
    %get3A_1244 = arith.constant 0 : index
    %get3A_1245 = arith.constant 0 : index
    %get3A_1246 = vector.load %arg23[%get3A_1244, %get3A_1245] : memref<64x40xf32, #tpu.memory_space<vmem>>, vector<64x40xf32>
    %dot_general3A_1247 = arith.constant dense<0.000000e+00> : vector<128x40xf32>
    %dot_general3A_1248 = tpu.matmul %max3A_1243, %get3A_1246, %dot_general3A_1247 {dimension_numbers = #tpu.dot_dimension_numbers<[1], [0], [0], [1], [0, 0, 1, 1], [], []>, transpose_lhs_hint = false} : vector<128x64xf32>, vector<64x40xf32>, vector<128x40xf32> -> vector<128x40xf32>
    %get3A_1249 = arith.constant 0 : index
    %get3A_1250 = arith.constant 0 : index
    %get3A_1251 = vector.load %arg24[%get3A_1249, %get3A_1250] : memref<1x40xf32, #tpu.memory_space<vmem>>, vector<1x40xf32>
    %add3A_1252 = vector.broadcast %get3A_1251 : vector<1x40xf32> to vector<128x40xf32>
    %add3A_1253 = arith.addf %dot_general3A_1248, %add3A_1252 : vector<128x40xf32>
    %get3A_1254 = arith.constant 4 : index
    %get3A_1255 = arith.constant 0 : index
    %get3A_1256 = arith.constant 0 : index
    %get3A_1257 = vector.load %arg7[%get3A_1254, %get3A_1255, %get3A_1256] : memref<8x3x3xf32, #tpu.memory_space<vmem>>, vector<1x3x3xf32>
    %get3A_1258 = vector.shape_cast %get3A_1257 : vector<1x3x3xf32> to vector<3x3xf32>
    %slice3A_1259 = vector.extract_strided_slice %add3A_1253 {offsets = [0, 32], sizes = [128, 1], strides = [1, 1]} : vector<128x40xf32> to vector<128x1xf32>
    %mul3A_1260 = vector.broadcast %slice3A_1259 : vector<128x1xf32> to vector<128x3xf32>
    %mul3A_1261 = arith.mulf %mul3A_1260, %div3A_1072 : vector<128x3xf32>
    %slice3A_1262 = vector.extract_strided_slice %add3A_1253 {offsets = [0, 33], sizes = [128, 3], strides = [1, 1]} : vector<128x40xf32> to vector<128x3xf32>
    %dot_general3A_1263 = arith.constant dense<0.000000e+00> : vector<128x3xf32>
    %dot_general3A_1264 = tpu.matmul %slice3A_1262, %get3A_1258, %dot_general3A_1263 {dimension_numbers = #tpu.dot_dimension_numbers<[1], [0], [0], [1], [0, 0, 1, 1], [], []>, transpose_lhs_hint = false} : vector<128x3xf32>, vector<3x3xf32>, vector<128x3xf32> -> vector<128x3xf32>
    %add3A_1265 = arith.addf %mul3A_1261, %dot_general3A_1264 : vector<128x3xf32>
    %slice3A_1266 = vector.extract_strided_slice %add3A_1253 {offsets = [0, 36], sizes = [128, 1], strides = [1, 1]} : vector<128x40xf32> to vector<128x1xf32>
    %mul3A_1267 = vector.broadcast %slice3A_1266 : vector<128x1xf32> to vector<128x3xf32>
    %mul3A_1268 = arith.mulf %mul3A_1267, %div3A_1072 : vector<128x3xf32>
    %slice3A_1269 = vector.extract_strided_slice %add3A_1253 {offsets = [0, 37], sizes = [128, 3], strides = [1, 1]} : vector<128x40xf32> to vector<128x3xf32>
    %dot_general3A_1270 = arith.constant dense<0.000000e+00> : vector<128x3xf32>
    %dot_general3A_1271 = tpu.matmul %slice3A_1269, %get3A_1258, %dot_general3A_1270 {dimension_numbers = #tpu.dot_dimension_numbers<[1], [0], [0], [1], [0, 0, 1, 1], [], []>, transpose_lhs_hint = false} : vector<128x3xf32>, vector<3x3xf32>, vector<128x3xf32> -> vector<128x3xf32>
    %add3A_1272 = arith.addf %mul3A_1268, %dot_general3A_1271 : vector<128x3xf32>
    %slice3A_1273 = vector.extract_strided_slice %add3A_1253 {offsets = [0, 0], sizes = [128, 32], strides = [1, 1]} : vector<128x40xf32> to vector<128x32xf32>
    %concatenate3A_1274 = tpu.concatenate %slice3A_1273, %add3A_1265, %add3A_1272 in 1 : vector<128x32xf32>, vector<128x3xf32>, vector<128x3xf32> -> vector<128x38xf32>
    %dot_general3A_1275 = arith.constant dense<0.000000e+00> : vector<512x38xf32>
    %dot_general3A_1276 = tpu.matmul %select_n3A_1041, %concatenate3A_1274, %dot_general3A_1275 {dimension_numbers = #tpu.dot_dimension_numbers<[0], [0], [1], [1], [0, 1, 1, 1], [], []>, transpose_lhs_hint = false} : vector<128x512xf32>, vector<128x38xf32>, vector<512x38xf32> -> vector<512x38xf32>
    %add3A_1277 = arith.addf %add3A_1019, %dot_general3A_1276 : vector<512x38xf32>
    %get3A_1278 = arith.constant 640 : index
    %get3A_1279 = arith.constant 0 : index
    %get3A_1280 = vector.load %arg1[%get3A_1278, %get3A_1279] : memref<1024x128xf32, #tpu.memory_space<vmem>>, vector<128x128xf32>
    %get3A_1281 = arith.constant 0 : index
    %get3A_1282 = arith.constant 0 : index
    %get3A_1283 = arith.constant 0 : index
    %get3A_1284 = vector.load %arg2[%get3A_1281, %get3A_1282, %get3A_1283] : memref<1x128x8xi32, #tpu.memory_space<vmem>>, vector<1x128x8xi32>
    %get3A_1285 = vector.shape_cast %get3A_1284 : vector<1x128x8xi32> to vector<128x8xi32>
    %slice3A_1286 = vector.extract_strided_slice %get3A_1285 {offsets = [0, 5], sizes = [128, 1], strides = [1, 1]} : vector<128x8xi32> to vector<128x1xi32>
    %add3A_1287 = arith.constant 5 : i32
    %add3A_1288 = arith.addi %mul3A_5, %add3A_1287 : i32
    %mul3A_1289 = arith.constant 512 : i32
    %mul3A_1290 = arith.muli %add3A_1288, %mul3A_1289 : i32
    %sub3A_1291 = vector.broadcast %mul3A_1290 : i32 to vector<128x1xi32>
    %sub3A_1292 = arith.subi %slice3A_1286, %sub3A_1291 : vector<128x1xi32>
    %eq3A_1293 = vector.broadcast %sub3A_1292 : vector<128x1xi32> to vector<128x512xi32>
    %eq3A_1294 = arith.cmpi eq, %eq3A_1293, %iota3A : vector<128x512xi32>
    %jit3A_1295 = arith.constant 1.000000e+00 : f32
    %jit3A_1296 = arith.constant 0.000000e+00 : f32
    %broadcast_in_dim3A_1297 = vector.broadcast %jit3A_1295 : f32 to vector<128x512xf32>
    %broadcast_in_dim3A_1298 = vector.broadcast %jit3A_1296 : f32 to vector<128x512xf32>
    %select_n3A_1299 = arith.select %eq3A_1294, %broadcast_in_dim3A_1297, %broadcast_in_dim3A_1298 : vector<128x512xi1>, vector<128x512xf32>
    %get3A_1300 = arith.constant 0 : index
    %get3A_1301 = arith.constant 0 : index
    %get3A_1302 = vector.load %arg3[%get3A_1300, %get3A_1301] : memref<512x40xf32, #tpu.memory_space<vmem>>, vector<512x40xf32>
    %dot_general3A_1303 = arith.constant dense<0.000000e+00> : vector<128x40xf32>
    %dot_general3A_1304 = tpu.matmul %select_n3A_1299, %get3A_1302, %dot_general3A_1303 {dimension_numbers = #tpu.dot_dimension_numbers<[1], [0], [0], [1], [0, 0, 1, 1], [], []>, transpose_lhs_hint = false} : vector<128x512xf32>, vector<512x40xf32>, vector<128x40xf32> -> vector<128x40xf32>
    %slice3A_1305 = vector.extract_strided_slice %dot_general3A_1304 {offsets = [0, 0], sizes = [128, 32], strides = [1, 1]} : vector<128x40xf32> to vector<128x32xf32>
    %slice3A_1306 = vector.extract_strided_slice %dot_general3A_1304 {offsets = [0, 32], sizes = [128, 3], strides = [1, 1]} : vector<128x40xf32> to vector<128x3xf32>
    %slice3A_1307 = vector.extract_strided_slice %dot_general3A_1304 {offsets = [0, 35], sizes = [128, 1], strides = [1, 1]} : vector<128x40xf32> to vector<128x1xf32>
    %get3A_1308 = arith.constant 0 : index
    %get3A_1309 = arith.constant 0 : index
    %get3A_1310 = vector.load %arg25[%get3A_1308, %get3A_1309] : memref<32x64xf32, #tpu.memory_space<vmem>>, vector<32x64xf32>
    %dot_general3A_1311 = arith.constant dense<0.000000e+00> : vector<128x64xf32>
    %dot_general3A_1312 = tpu.matmul %slice3A_1305, %get3A_1310, %dot_general3A_1311 {dimension_numbers = #tpu.dot_dimension_numbers<[1], [0], [0], [1], [0, 0, 1, 1], [], []>, transpose_lhs_hint = false} : vector<128x32xf32>, vector<32x64xf32>, vector<128x64xf32> -> vector<128x64xf32>
    %get3A_1313 = arith.constant 5 : index
    %get3A_1314 = arith.constant 3 : index
    %get3A_1315 = vector.load %arg4[%get3A_1313, %get3A_1314] : memref<8x9xf32, #tpu.memory_space<vmem>>, vector<1x3xf32>
    %sub3A_1316 = vector.broadcast %get3A_1315 : vector<1x3xf32> to vector<128x3xf32>
    %sub3A_1317 = arith.subf %slice3A_1306, %sub3A_1316 : vector<128x3xf32>
    %mul3A_1318 = arith.mulf %sub3A_1317, %sub3A_1317 : vector<128x3xf32>
    %reduce_sum3A_1319 = arith.constant dense<0.000000e+00> : vector<128xf32>
    %reduce_sum3A_1320 = vector.multi_reduction <add>, %mul3A_1318, %reduce_sum3A_1319 [1] : vector<128x3xf32> to vector<128xf32>
    %broadcast_in_dim3A_1321 = vector.shape_cast %reduce_sum3A_1320 : vector<128xf32> to vector<128x1xf32>
    %add3A_1322 = arith.constant 9.99999993E-9 : f32
    %add3A_1323 = vector.broadcast %add3A_1322 : f32 to vector<128x1xf32>
    %add3A_1324 = arith.addf %broadcast_in_dim3A_1321, %add3A_1323 : vector<128x1xf32>
    %sqrt3A_1325 = math.sqrt %add3A_1324 : vector<128x1xf32>
    %add3A_1326 = arith.constant 9.99999997E-7 : f32
    %add3A_1327 = vector.broadcast %add3A_1326 : f32 to vector<128x1xf32>
    %add3A_1328 = arith.addf %sqrt3A_1325, %add3A_1327 : vector<128x1xf32>
    %div3A_1329 = vector.broadcast %add3A_1328 : vector<128x1xf32> to vector<128x3xf32>
    %div3A_1330 = arith.divf %sub3A_1317, %div3A_1329 : vector<128x3xf32>
    %get3A_1331 = arith.constant 0 : index
    %get3A_1332 = arith.constant 0 : index
    %get3A_1333 = arith.constant 0 : index
    %get3A_1334 = vector.load %arg5[%get3A_1331, %get3A_1332, %get3A_1333] : memref<1x1x8xf32, #tpu.memory_space<vmem>>, vector<1x1x8xf32>
    %get3A_1335 = vector.shape_cast %get3A_1334 : vector<1x1x8xf32> to vector<1x8xf32>
    %slice3A_1336 = vector.extract_strided_slice %get3A_1335 {offsets = [0, 5], sizes = [1, 1], strides = [1, 1]} : vector<1x8xf32> to vector<1x1xf32>
    %sub3A_1337 = vector.broadcast %slice3A_1336 : vector<1x1xf32> to vector<128x1xf32>
    %sub3A_1338 = arith.subf %slice3A_1307, %sub3A_1337 : vector<128x1xf32>
    %abs3A_1339 = math.absf %sub3A_1338 : vector<128x1xf32>
    %sign3A_1340 = tpu.bitcast %sub3A_1338 : vector<128x1xf32> -> vector<128x1xi32>
    %sign3A_1341 = arith.constant -2147483648 : i32
    %sign3A_1342 = vector.broadcast %sign3A_1341 : i32 to vector<128x1xi32>
    %sign3A_1343 = arith.andi %sign3A_1340, %sign3A_1342 : vector<128x1xi32>
    %sign3A_1344 = arith.constant 1065353216 : i32
    %sign3A_1345 = vector.broadcast %sign3A_1344 : i32 to vector<128x1xi32>
    %sign3A_1346 = arith.ori %sign3A_1345, %sign3A_1343 : vector<128x1xi32>
    %sign3A_1347 = tpu.bitcast %sign3A_1346 : vector<128x1xi32> -> vector<128x1xf32>
    %sign3A_1348 = math.absf %sub3A_1338 : vector<128x1xf32>
    %sign3A_1349 = arith.constant 0.000000e+00 : f32
    %sign3A_1350 = vector.broadcast %sign3A_1349 : f32 to vector<128x1xf32>
    %sign3A_1351 = arith.cmpf ogt, %sign3A_1348, %sign3A_1350 : vector<128x1xf32>
    %sign3A_1352 = arith.select %sign3A_1351, %sign3A_1347, %sub3A_1338 : vector<128x1xi1>, vector<128x1xf32>
    %gt3A_1353 = arith.constant 1.000000e+00 : f32
    %gt3A_1354 = vector.broadcast %gt3A_1353 : f32 to vector<128x1xf32>
    %gt3A_1355 = arith.cmpf ogt, %abs3A_1339, %gt3A_1354 : vector<128x1xf32>
    %jit3A_1356 = arith.constant 0.000000e+00 : f32
    %broadcast_in_dim3A_1357 = vector.broadcast %jit3A_1356 : f32 to vector<128x1xf32>
    %select_n3A_1358 = arith.select %gt3A_1355, %broadcast_in_dim3A_1357, %abs3A_1339 : vector<128x1xi1>, vector<128x1xf32>
    %mul3A_1359 = arith.mulf %sign3A_1352, %select_n3A_1358 : vector<128x1xf32>
    %get3A_1360 = arith.constant 0 : index
    %get3A_1361 = arith.constant 0 : index
    %get3A_1362 = vector.load %arg11[%get3A_1360, %get3A_1361] : memref<128x32xf32, #tpu.memory_space<vmem>>, vector<128x32xf32>
    %dot_general3A_1363 = arith.constant dense<0.000000e+00> : vector<128x32xf32>
    %dot_general3A_1364 = tpu.matmul %get3A_1280, %get3A_1362, %dot_general3A_1363 {dimension_numbers = #tpu.dot_dimension_numbers<[1], [0], [0], [1], [0, 0, 1, 1], [], []>, transpose_lhs_hint = false} : vector<128x128xf32>, vector<128x32xf32>, vector<128x32xf32> -> vector<128x32xf32>
    %mul3A_1365 = arith.mulf %get3A_1280, %get3A_1280 : vector<128x128xf32>
    %get3A_1366 = arith.constant 0 : index
    %get3A_1367 = arith.constant 0 : index
    %get3A_1368 = vector.load %arg11[%get3A_1366, %get3A_1367] : memref<128x32xf32, #tpu.memory_space<vmem>>, vector<128x32xf32>
    %dot_general3A_1369 = arith.constant dense<0.000000e+00> : vector<128x32xf32>
    %dot_general3A_1370 = tpu.matmul %mul3A_1365, %get3A_1368, %dot_general3A_1369 {dimension_numbers = #tpu.dot_dimension_numbers<[1], [0], [0], [1], [0, 0, 1, 1], [], []>, transpose_lhs_hint = false} : vector<128x128xf32>, vector<128x32xf32>, vector<128x32xf32> -> vector<128x32xf32>
    %mul3A_1371 = arith.mulf %dot_general3A_1364, %dot_general3A_1364 : vector<128x32xf32>
    %sub3A_1372 = arith.subf %dot_general3A_1370, %mul3A_1371 : vector<128x32xf32>
    %add3A_1373 = arith.constant 9.99999974E-6 : f32
    %add3A_1374 = vector.broadcast %add3A_1373 : f32 to vector<128x32xf32>
    %add3A_1375 = arith.addf %sub3A_1372, %add3A_1374 : vector<128x32xf32>
    %rsqrt3A_1376 = math.rsqrt %add3A_1375 : vector<128x32xf32>
    %get3A_1377 = arith.constant 0 : index
    %get3A_1378 = arith.constant 0 : index
    %get3A_1379 = vector.load %arg8[%get3A_1377, %get3A_1378] : memref<128x32xf32, #tpu.memory_space<vmem>>, vector<128x32xf32>
    %dot_general3A_1380 = arith.constant dense<0.000000e+00> : vector<128x32xf32>
    %dot_general3A_1381 = tpu.matmul %get3A_1280, %get3A_1379, %dot_general3A_1380 {dimension_numbers = #tpu.dot_dimension_numbers<[1], [0], [0], [1], [0, 0, 1, 1], [], []>, transpose_lhs_hint = false} : vector<128x128xf32>, vector<128x32xf32>, vector<128x32xf32> -> vector<128x32xf32>
    %get3A_1382 = arith.constant 0 : index
    %get3A_1383 = arith.constant 0 : index
    %get3A_1384 = vector.load %arg9[%get3A_1382, %get3A_1383] : memref<1x32xf32, #tpu.memory_space<vmem>>, vector<1x32xf32>
    %mul3A_1385 = vector.broadcast %get3A_1384 : vector<1x32xf32> to vector<128x32xf32>
    %mul3A_1386 = arith.mulf %dot_general3A_1364, %mul3A_1385 : vector<128x32xf32>
    %sub3A_1387 = arith.subf %dot_general3A_1381, %mul3A_1386 : vector<128x32xf32>
    %mul3A_1388 = arith.mulf %rsqrt3A_1376, %sub3A_1387 : vector<128x32xf32>
    %get3A_1389 = arith.constant 0 : index
    %get3A_1390 = arith.constant 0 : index
    %get3A_1391 = vector.load %arg10[%get3A_1389, %get3A_1390] : memref<1x32xf32, #tpu.memory_space<vmem>>, vector<1x32xf32>
    %add3A_1392 = vector.broadcast %get3A_1391 : vector<1x32xf32> to vector<128x32xf32>
    %add3A_1393 = arith.addf %mul3A_1388, %add3A_1392 : vector<128x32xf32>
    %get3A_1394 = arith.constant 0 : index
    %get3A_1395 = arith.constant 0 : index
    %get3A_1396 = vector.load %arg17[%get3A_1394, %get3A_1395] : memref<32x32xf32, #tpu.memory_space<vmem>>, vector<32x32xf32>
    %dot_general3A_1397 = arith.constant dense<0.000000e+00> : vector<128x32xf32>
    %dot_general3A_1398 = tpu.matmul %add3A_1393, %get3A_1396, %dot_general3A_1397 {dimension_numbers = #tpu.dot_dimension_numbers<[1], [0], [0], [1], [0, 0, 1, 1], [], []>, transpose_lhs_hint = false} : vector<128x32xf32>, vector<32x32xf32>, vector<128x32xf32> -> vector<128x32xf32>
    %mul3A_1399 = arith.mulf %add3A_1393, %add3A_1393 : vector<128x32xf32>
    %get3A_1400 = arith.constant 0 : index
    %get3A_1401 = arith.constant 0 : index
    %get3A_1402 = vector.load %arg17[%get3A_1400, %get3A_1401] : memref<32x32xf32, #tpu.memory_space<vmem>>, vector<32x32xf32>
    %dot_general3A_1403 = arith.constant dense<0.000000e+00> : vector<128x32xf32>
    %dot_general3A_1404 = tpu.matmul %mul3A_1399, %get3A_1402, %dot_general3A_1403 {dimension_numbers = #tpu.dot_dimension_numbers<[1], [0], [0], [1], [0, 0, 1, 1], [], []>, transpose_lhs_hint = false} : vector<128x32xf32>, vector<32x32xf32>, vector<128x32xf32> -> vector<128x32xf32>
    %mul3A_1405 = arith.mulf %dot_general3A_1398, %dot_general3A_1398 : vector<128x32xf32>
    %sub3A_1406 = arith.subf %dot_general3A_1404, %mul3A_1405 : vector<128x32xf32>
    %add3A_1407 = arith.constant 9.99999974E-6 : f32
    %add3A_1408 = vector.broadcast %add3A_1407 : f32 to vector<128x32xf32>
    %add3A_1409 = arith.addf %sub3A_1406, %add3A_1408 : vector<128x32xf32>
    %rsqrt3A_1410 = math.rsqrt %add3A_1409 : vector<128x32xf32>
    %sub3A_1411 = vector.broadcast %sqrt3A_1325 : vector<128x1xf32> to vector<128x36xf32>
    %sub3A_1412 = vector.broadcast %get3A_3 : vector<1x36xf32> to vector<128x36xf32>
    %sub3A_1413 = arith.subf %sub3A_1411, %sub3A_1412 : vector<128x36xf32>
    %div3A_1414 = arith.constant 0.555555582 : f32
    %div3A_1415 = vector.broadcast %div3A_1414 : f32 to vector<128x36xf32>
    %div3A_1416 = arith.divf %sub3A_1413, %div3A_1415 : vector<128x36xf32>
    %integer_pow3A_1417 = arith.mulf %div3A_1416, %div3A_1416 : vector<128x36xf32>
    %neg3A_1418 = arith.constant 0.000000e+00 : f32
    %neg3A_1419 = vector.broadcast %neg3A_1418 : f32 to vector<128x36xf32>
    %neg3A_1420 = arith.subf %neg3A_1419, %integer_pow3A_1417 : vector<128x36xf32>
    %exp3A_1421 = math.exp %neg3A_1420 : vector<128x36xf32>
    %get3A_1422 = arith.constant 0 : index
    %get3A_1423 = arith.constant 0 : index
    %get3A_1424 = vector.load %arg12[%get3A_1422, %get3A_1423] : memref<32x32xf32, #tpu.memory_space<vmem>>, vector<32x32xf32>
    %dot_general3A_1425 = arith.constant dense<0.000000e+00> : vector<128x32xf32>
    %dot_general3A_1426 = tpu.matmul %add3A_1393, %get3A_1424, %dot_general3A_1425 {dimension_numbers = #tpu.dot_dimension_numbers<[1], [0], [0], [1], [0, 0, 1, 1], [], []>, transpose_lhs_hint = false} : vector<128x32xf32>, vector<32x32xf32>, vector<128x32xf32> -> vector<128x32xf32>
    %get3A_1427 = arith.constant 0 : index
    %get3A_1428 = arith.constant 0 : index
    %get3A_1429 = vector.load %arg13[%get3A_1427, %get3A_1428] : memref<1x32xf32, #tpu.memory_space<vmem>>, vector<1x32xf32>
    %mul3A_1430 = vector.broadcast %get3A_1429 : vector<1x32xf32> to vector<128x32xf32>
    %mul3A_1431 = arith.mulf %dot_general3A_1398, %mul3A_1430 : vector<128x32xf32>
    %sub3A_1432 = arith.subf %dot_general3A_1426, %mul3A_1431 : vector<128x32xf32>
    %mul3A_1433 = arith.mulf %rsqrt3A_1410, %sub3A_1432 : vector<128x32xf32>
    %get3A_1434 = arith.constant 0 : index
    %get3A_1435 = arith.constant 0 : index
    %get3A_1436 = vector.load %arg14[%get3A_1434, %get3A_1435] : memref<36x32xf32, #tpu.memory_space<vmem>>, vector<36x32xf32>
    %dot_general3A_1437 = arith.constant dense<0.000000e+00> : vector<128x32xf32>
    %dot_general3A_1438 = tpu.matmul %exp3A_1421, %get3A_1436, %dot_general3A_1437 {dimension_numbers = #tpu.dot_dimension_numbers<[1], [0], [0], [1], [0, 0, 1, 1], [], []>, transpose_lhs_hint = false} : vector<128x36xf32>, vector<36x32xf32>, vector<128x32xf32> -> vector<128x32xf32>
    %add3A_1439 = arith.addf %mul3A_1433, %dot_general3A_1438 : vector<128x32xf32>
    %get3A_1440 = arith.constant 0 : index
    %get3A_1441 = arith.constant 0 : index
    %get3A_1442 = vector.load %arg15[%get3A_1440, %get3A_1441] : memref<1x32xf32, #tpu.memory_space<vmem>>, vector<1x32xf32>
    %mul3A_1443 = vector.broadcast %mul3A_1359 : vector<128x1xf32> to vector<128x32xf32>
    %mul3A_1444 = vector.broadcast %get3A_1442 : vector<1x32xf32> to vector<128x32xf32>
    %mul3A_1445 = arith.mulf %mul3A_1443, %mul3A_1444 : vector<128x32xf32>
    %add3A_1446 = arith.addf %add3A_1439, %mul3A_1445 : vector<128x32xf32>
    %get3A_1447 = arith.constant 0 : index
    %get3A_1448 = arith.constant 0 : index
    %get3A_1449 = vector.load %arg16[%get3A_1447, %get3A_1448] : memref<1x32xf32, #tpu.memory_space<vmem>>, vector<1x32xf32>
    %add3A_1450 = vector.broadcast %get3A_1449 : vector<1x32xf32> to vector<128x32xf32>
    %add3A_1451 = arith.addf %add3A_1446, %add3A_1450 : vector<128x32xf32>
    %get3A_1452 = arith.constant 0 : index
    %get3A_1453 = arith.constant 0 : index
    %get3A_1454 = vector.load %arg22[%get3A_1452, %get3A_1453] : memref<32x64xf32, #tpu.memory_space<vmem>>, vector<32x64xf32>
    %dot_general3A_1455 = arith.constant dense<0.000000e+00> : vector<128x64xf32>
    %dot_general3A_1456 = tpu.matmul %add3A_1451, %get3A_1454, %dot_general3A_1455 {dimension_numbers = #tpu.dot_dimension_numbers<[1], [0], [0], [1], [0, 0, 1, 1], [], []>, transpose_lhs_hint = false} : vector<128x32xf32>, vector<32x64xf32>, vector<128x64xf32> -> vector<128x64xf32>
    %mul3A_1457 = arith.mulf %add3A_1451, %add3A_1451 : vector<128x32xf32>
    %get3A_1458 = arith.constant 0 : index
    %get3A_1459 = arith.constant 0 : index
    %get3A_1460 = vector.load %arg22[%get3A_1458, %get3A_1459] : memref<32x64xf32, #tpu.memory_space<vmem>>, vector<32x64xf32>
    %dot_general3A_1461 = arith.constant dense<0.000000e+00> : vector<128x64xf32>
    %dot_general3A_1462 = tpu.matmul %mul3A_1457, %get3A_1460, %dot_general3A_1461 {dimension_numbers = #tpu.dot_dimension_numbers<[1], [0], [0], [1], [0, 0, 1, 1], [], []>, transpose_lhs_hint = false} : vector<128x32xf32>, vector<32x64xf32>, vector<128x64xf32> -> vector<128x64xf32>
    %mul3A_1463 = arith.mulf %dot_general3A_1456, %dot_general3A_1456 : vector<128x64xf32>
    %sub3A_1464 = arith.subf %dot_general3A_1462, %mul3A_1463 : vector<128x64xf32>
    %add3A_1465 = arith.constant 9.99999974E-6 : f32
    %add3A_1466 = vector.broadcast %add3A_1465 : f32 to vector<128x64xf32>
    %add3A_1467 = arith.addf %sub3A_1464, %add3A_1466 : vector<128x64xf32>
    %rsqrt3A_1468 = math.rsqrt %add3A_1467 : vector<128x64xf32>
    %get3A_1469 = arith.constant 0 : index
    %get3A_1470 = arith.constant 0 : index
    %get3A_1471 = vector.load %arg18[%get3A_1469, %get3A_1470] : memref<32x64xf32, #tpu.memory_space<vmem>>, vector<32x64xf32>
    %dot_general3A_1472 = arith.constant dense<0.000000e+00> : vector<128x64xf32>
    %dot_general3A_1473 = tpu.matmul %add3A_1451, %get3A_1471, %dot_general3A_1472 {dimension_numbers = #tpu.dot_dimension_numbers<[1], [0], [0], [1], [0, 0, 1, 1], [], []>, transpose_lhs_hint = false} : vector<128x32xf32>, vector<32x64xf32>, vector<128x64xf32> -> vector<128x64xf32>
    %get3A_1474 = arith.constant 0 : index
    %get3A_1475 = arith.constant 0 : index
    %get3A_1476 = vector.load %arg19[%get3A_1474, %get3A_1475] : memref<1x64xf32, #tpu.memory_space<vmem>>, vector<1x64xf32>
    %mul3A_1477 = vector.broadcast %get3A_1476 : vector<1x64xf32> to vector<128x64xf32>
    %mul3A_1478 = arith.mulf %dot_general3A_1456, %mul3A_1477 : vector<128x64xf32>
    %sub3A_1479 = arith.subf %dot_general3A_1473, %mul3A_1478 : vector<128x64xf32>
    %mul3A_1480 = arith.mulf %rsqrt3A_1468, %sub3A_1479 : vector<128x64xf32>
    %get3A_1481 = arith.constant 0 : index
    %get3A_1482 = arith.constant 0 : index
    %get3A_1483 = vector.load %arg20[%get3A_1481, %get3A_1482] : memref<1x64xf32, #tpu.memory_space<vmem>>, vector<1x64xf32>
    %mul3A_1484 = vector.broadcast %sqrt3A_1325 : vector<128x1xf32> to vector<128x64xf32>
    %mul3A_1485 = vector.broadcast %get3A_1483 : vector<1x64xf32> to vector<128x64xf32>
    %mul3A_1486 = arith.mulf %mul3A_1484, %mul3A_1485 : vector<128x64xf32>
    %add3A_1487 = arith.addf %mul3A_1480, %mul3A_1486 : vector<128x64xf32>
    %get3A_1488 = arith.constant 0 : index
    %get3A_1489 = arith.constant 0 : index
    %get3A_1490 = vector.load %arg21[%get3A_1488, %get3A_1489] : memref<1x64xf32, #tpu.memory_space<vmem>>, vector<1x64xf32>
    %add3A_1491 = vector.broadcast %get3A_1490 : vector<1x64xf32> to vector<128x64xf32>
    %add3A_1492 = arith.addf %add3A_1487, %add3A_1491 : vector<128x64xf32>
    %get3A_1493 = arith.constant 5 : index
    %get3A_1494 = arith.constant 0 : index
    %get3A_1495 = vector.load %arg6[%get3A_1493, %get3A_1494] : memref<8x64xf32, #tpu.memory_space<vmem>>, vector<1x64xf32>
    %add3A_1496 = vector.broadcast %get3A_1495 : vector<1x64xf32> to vector<128x64xf32>
    %add3A_1497 = arith.addf %add3A_1492, %add3A_1496 : vector<128x64xf32>
    %add3A_1498 = arith.addf %add3A_1497, %dot_general3A_1312 : vector<128x64xf32>
    %max3A_1499 = arith.constant 0.000000e+00 : f32
    %max3A_1500 = vector.broadcast %max3A_1499 : f32 to vector<128x64xf32>
    %max3A_1501 = arith.maximumf %add3A_1498, %max3A_1500 : vector<128x64xf32>
    %get3A_1502 = arith.constant 0 : index
    %get3A_1503 = arith.constant 0 : index
    %get3A_1504 = vector.load %arg23[%get3A_1502, %get3A_1503] : memref<64x40xf32, #tpu.memory_space<vmem>>, vector<64x40xf32>
    %dot_general3A_1505 = arith.constant dense<0.000000e+00> : vector<128x40xf32>
    %dot_general3A_1506 = tpu.matmul %max3A_1501, %get3A_1504, %dot_general3A_1505 {dimension_numbers = #tpu.dot_dimension_numbers<[1], [0], [0], [1], [0, 0, 1, 1], [], []>, transpose_lhs_hint = false} : vector<128x64xf32>, vector<64x40xf32>, vector<128x40xf32> -> vector<128x40xf32>
    %get3A_1507 = arith.constant 0 : index
    %get3A_1508 = arith.constant 0 : index
    %get3A_1509 = vector.load %arg24[%get3A_1507, %get3A_1508] : memref<1x40xf32, #tpu.memory_space<vmem>>, vector<1x40xf32>
    %add3A_1510 = vector.broadcast %get3A_1509 : vector<1x40xf32> to vector<128x40xf32>
    %add3A_1511 = arith.addf %dot_general3A_1506, %add3A_1510 : vector<128x40xf32>
    %get3A_1512 = arith.constant 5 : index
    %get3A_1513 = arith.constant 0 : index
    %get3A_1514 = arith.constant 0 : index
    %get3A_1515 = vector.load %arg7[%get3A_1512, %get3A_1513, %get3A_1514] : memref<8x3x3xf32, #tpu.memory_space<vmem>>, vector<1x3x3xf32>
    %get3A_1516 = vector.shape_cast %get3A_1515 : vector<1x3x3xf32> to vector<3x3xf32>
    %slice3A_1517 = vector.extract_strided_slice %add3A_1511 {offsets = [0, 32], sizes = [128, 1], strides = [1, 1]} : vector<128x40xf32> to vector<128x1xf32>
    %mul3A_1518 = vector.broadcast %slice3A_1517 : vector<128x1xf32> to vector<128x3xf32>
    %mul3A_1519 = arith.mulf %mul3A_1518, %div3A_1330 : vector<128x3xf32>
    %slice3A_1520 = vector.extract_strided_slice %add3A_1511 {offsets = [0, 33], sizes = [128, 3], strides = [1, 1]} : vector<128x40xf32> to vector<128x3xf32>
    %dot_general3A_1521 = arith.constant dense<0.000000e+00> : vector<128x3xf32>
    %dot_general3A_1522 = tpu.matmul %slice3A_1520, %get3A_1516, %dot_general3A_1521 {dimension_numbers = #tpu.dot_dimension_numbers<[1], [0], [0], [1], [0, 0, 1, 1], [], []>, transpose_lhs_hint = false} : vector<128x3xf32>, vector<3x3xf32>, vector<128x3xf32> -> vector<128x3xf32>
    %add3A_1523 = arith.addf %mul3A_1519, %dot_general3A_1522 : vector<128x3xf32>
    %slice3A_1524 = vector.extract_strided_slice %add3A_1511 {offsets = [0, 36], sizes = [128, 1], strides = [1, 1]} : vector<128x40xf32> to vector<128x1xf32>
    %mul3A_1525 = vector.broadcast %slice3A_1524 : vector<128x1xf32> to vector<128x3xf32>
    %mul3A_1526 = arith.mulf %mul3A_1525, %div3A_1330 : vector<128x3xf32>
    %slice3A_1527 = vector.extract_strided_slice %add3A_1511 {offsets = [0, 37], sizes = [128, 3], strides = [1, 1]} : vector<128x40xf32> to vector<128x3xf32>
    %dot_general3A_1528 = arith.constant dense<0.000000e+00> : vector<128x3xf32>
    %dot_general3A_1529 = tpu.matmul %slice3A_1527, %get3A_1516, %dot_general3A_1528 {dimension_numbers = #tpu.dot_dimension_numbers<[1], [0], [0], [1], [0, 0, 1, 1], [], []>, transpose_lhs_hint = false} : vector<128x3xf32>, vector<3x3xf32>, vector<128x3xf32> -> vector<128x3xf32>
    %add3A_1530 = arith.addf %mul3A_1526, %dot_general3A_1529 : vector<128x3xf32>
    %slice3A_1531 = vector.extract_strided_slice %add3A_1511 {offsets = [0, 0], sizes = [128, 32], strides = [1, 1]} : vector<128x40xf32> to vector<128x32xf32>
    %concatenate3A_1532 = tpu.concatenate %slice3A_1531, %add3A_1523, %add3A_1530 in 1 : vector<128x32xf32>, vector<128x3xf32>, vector<128x3xf32> -> vector<128x38xf32>
    %dot_general3A_1533 = arith.constant dense<0.000000e+00> : vector<512x38xf32>
    %dot_general3A_1534 = tpu.matmul %select_n3A_1299, %concatenate3A_1532, %dot_general3A_1533 {dimension_numbers = #tpu.dot_dimension_numbers<[0], [0], [1], [1], [0, 1, 1, 1], [], []>, transpose_lhs_hint = false} : vector<128x512xf32>, vector<128x38xf32>, vector<512x38xf32> -> vector<512x38xf32>
    %add3A_1535 = arith.addf %add3A_1277, %dot_general3A_1534 : vector<512x38xf32>
    %get3A_1536 = arith.constant 768 : index
    %get3A_1537 = arith.constant 0 : index
    %get3A_1538 = vector.load %arg1[%get3A_1536, %get3A_1537] : memref<1024x128xf32, #tpu.memory_space<vmem>>, vector<128x128xf32>
    %get3A_1539 = arith.constant 0 : index
    %get3A_1540 = arith.constant 0 : index
    %get3A_1541 = arith.constant 0 : index
    %get3A_1542 = vector.load %arg2[%get3A_1539, %get3A_1540, %get3A_1541] : memref<1x128x8xi32, #tpu.memory_space<vmem>>, vector<1x128x8xi32>
    %get3A_1543 = vector.shape_cast %get3A_1542 : vector<1x128x8xi32> to vector<128x8xi32>
    %slice3A_1544 = vector.extract_strided_slice %get3A_1543 {offsets = [0, 6], sizes = [128, 1], strides = [1, 1]} : vector<128x8xi32> to vector<128x1xi32>
    %add3A_1545 = arith.constant 6 : i32
    %add3A_1546 = arith.addi %mul3A_5, %add3A_1545 : i32
    %mul3A_1547 = arith.constant 512 : i32
    %mul3A_1548 = arith.muli %add3A_1546, %mul3A_1547 : i32
    %sub3A_1549 = vector.broadcast %mul3A_1548 : i32 to vector<128x1xi32>
    %sub3A_1550 = arith.subi %slice3A_1544, %sub3A_1549 : vector<128x1xi32>
    %eq3A_1551 = vector.broadcast %sub3A_1550 : vector<128x1xi32> to vector<128x512xi32>
    %eq3A_1552 = arith.cmpi eq, %eq3A_1551, %iota3A : vector<128x512xi32>
    %jit3A_1553 = arith.constant 1.000000e+00 : f32
    %jit3A_1554 = arith.constant 0.000000e+00 : f32
    %broadcast_in_dim3A_1555 = vector.broadcast %jit3A_1553 : f32 to vector<128x512xf32>
    %broadcast_in_dim3A_1556 = vector.broadcast %jit3A_1554 : f32 to vector<128x512xf32>
    %select_n3A_1557 = arith.select %eq3A_1552, %broadcast_in_dim3A_1555, %broadcast_in_dim3A_1556 : vector<128x512xi1>, vector<128x512xf32>
    %get3A_1558 = arith.constant 0 : index
    %get3A_1559 = arith.constant 0 : index
    %get3A_1560 = vector.load %arg3[%get3A_1558, %get3A_1559] : memref<512x40xf32, #tpu.memory_space<vmem>>, vector<512x40xf32>
    %dot_general3A_1561 = arith.constant dense<0.000000e+00> : vector<128x40xf32>
    %dot_general3A_1562 = tpu.matmul %select_n3A_1557, %get3A_1560, %dot_general3A_1561 {dimension_numbers = #tpu.dot_dimension_numbers<[1], [0], [0], [1], [0, 0, 1, 1], [], []>, transpose_lhs_hint = false} : vector<128x512xf32>, vector<512x40xf32>, vector<128x40xf32> -> vector<128x40xf32>
    %slice3A_1563 = vector.extract_strided_slice %dot_general3A_1562 {offsets = [0, 0], sizes = [128, 32], strides = [1, 1]} : vector<128x40xf32> to vector<128x32xf32>
    %slice3A_1564 = vector.extract_strided_slice %dot_general3A_1562 {offsets = [0, 32], sizes = [128, 3], strides = [1, 1]} : vector<128x40xf32> to vector<128x3xf32>
    %slice3A_1565 = vector.extract_strided_slice %dot_general3A_1562 {offsets = [0, 35], sizes = [128, 1], strides = [1, 1]} : vector<128x40xf32> to vector<128x1xf32>
    %get3A_1566 = arith.constant 0 : index
    %get3A_1567 = arith.constant 0 : index
    %get3A_1568 = vector.load %arg25[%get3A_1566, %get3A_1567] : memref<32x64xf32, #tpu.memory_space<vmem>>, vector<32x64xf32>
    %dot_general3A_1569 = arith.constant dense<0.000000e+00> : vector<128x64xf32>
    %dot_general3A_1570 = tpu.matmul %slice3A_1563, %get3A_1568, %dot_general3A_1569 {dimension_numbers = #tpu.dot_dimension_numbers<[1], [0], [0], [1], [0, 0, 1, 1], [], []>, transpose_lhs_hint = false} : vector<128x32xf32>, vector<32x64xf32>, vector<128x64xf32> -> vector<128x64xf32>
    %get3A_1571 = arith.constant 6 : index
    %get3A_1572 = arith.constant 3 : index
    %get3A_1573 = vector.load %arg4[%get3A_1571, %get3A_1572] : memref<8x9xf32, #tpu.memory_space<vmem>>, vector<1x3xf32>
    %sub3A_1574 = vector.broadcast %get3A_1573 : vector<1x3xf32> to vector<128x3xf32>
    %sub3A_1575 = arith.subf %slice3A_1564, %sub3A_1574 : vector<128x3xf32>
    %mul3A_1576 = arith.mulf %sub3A_1575, %sub3A_1575 : vector<128x3xf32>
    %reduce_sum3A_1577 = arith.constant dense<0.000000e+00> : vector<128xf32>
    %reduce_sum3A_1578 = vector.multi_reduction <add>, %mul3A_1576, %reduce_sum3A_1577 [1] : vector<128x3xf32> to vector<128xf32>
    %broadcast_in_dim3A_1579 = vector.shape_cast %reduce_sum3A_1578 : vector<128xf32> to vector<128x1xf32>
    %add3A_1580 = arith.constant 9.99999993E-9 : f32
    %add3A_1581 = vector.broadcast %add3A_1580 : f32 to vector<128x1xf32>
    %add3A_1582 = arith.addf %broadcast_in_dim3A_1579, %add3A_1581 : vector<128x1xf32>
    %sqrt3A_1583 = math.sqrt %add3A_1582 : vector<128x1xf32>
    %add3A_1584 = arith.constant 9.99999997E-7 : f32
    %add3A_1585 = vector.broadcast %add3A_1584 : f32 to vector<128x1xf32>
    %add3A_1586 = arith.addf %sqrt3A_1583, %add3A_1585 : vector<128x1xf32>
    %div3A_1587 = vector.broadcast %add3A_1586 : vector<128x1xf32> to vector<128x3xf32>
    %div3A_1588 = arith.divf %sub3A_1575, %div3A_1587 : vector<128x3xf32>
    %get3A_1589 = arith.constant 0 : index
    %get3A_1590 = arith.constant 0 : index
    %get3A_1591 = arith.constant 0 : index
    %get3A_1592 = vector.load %arg5[%get3A_1589, %get3A_1590, %get3A_1591] : memref<1x1x8xf32, #tpu.memory_space<vmem>>, vector<1x1x8xf32>
    %get3A_1593 = vector.shape_cast %get3A_1592 : vector<1x1x8xf32> to vector<1x8xf32>
    %slice3A_1594 = vector.extract_strided_slice %get3A_1593 {offsets = [0, 6], sizes = [1, 1], strides = [1, 1]} : vector<1x8xf32> to vector<1x1xf32>
    %sub3A_1595 = vector.broadcast %slice3A_1594 : vector<1x1xf32> to vector<128x1xf32>
    %sub3A_1596 = arith.subf %slice3A_1565, %sub3A_1595 : vector<128x1xf32>
    %abs3A_1597 = math.absf %sub3A_1596 : vector<128x1xf32>
    %sign3A_1598 = tpu.bitcast %sub3A_1596 : vector<128x1xf32> -> vector<128x1xi32>
    %sign3A_1599 = arith.constant -2147483648 : i32
    %sign3A_1600 = vector.broadcast %sign3A_1599 : i32 to vector<128x1xi32>
    %sign3A_1601 = arith.andi %sign3A_1598, %sign3A_1600 : vector<128x1xi32>
    %sign3A_1602 = arith.constant 1065353216 : i32
    %sign3A_1603 = vector.broadcast %sign3A_1602 : i32 to vector<128x1xi32>
    %sign3A_1604 = arith.ori %sign3A_1603, %sign3A_1601 : vector<128x1xi32>
    %sign3A_1605 = tpu.bitcast %sign3A_1604 : vector<128x1xi32> -> vector<128x1xf32>
    %sign3A_1606 = math.absf %sub3A_1596 : vector<128x1xf32>
    %sign3A_1607 = arith.constant 0.000000e+00 : f32
    %sign3A_1608 = vector.broadcast %sign3A_1607 : f32 to vector<128x1xf32>
    %sign3A_1609 = arith.cmpf ogt, %sign3A_1606, %sign3A_1608 : vector<128x1xf32>
    %sign3A_1610 = arith.select %sign3A_1609, %sign3A_1605, %sub3A_1596 : vector<128x1xi1>, vector<128x1xf32>
    %gt3A_1611 = arith.constant 1.000000e+00 : f32
    %gt3A_1612 = vector.broadcast %gt3A_1611 : f32 to vector<128x1xf32>
    %gt3A_1613 = arith.cmpf ogt, %abs3A_1597, %gt3A_1612 : vector<128x1xf32>
    %jit3A_1614 = arith.constant 0.000000e+00 : f32
    %broadcast_in_dim3A_1615 = vector.broadcast %jit3A_1614 : f32 to vector<128x1xf32>
    %select_n3A_1616 = arith.select %gt3A_1613, %broadcast_in_dim3A_1615, %abs3A_1597 : vector<128x1xi1>, vector<128x1xf32>
    %mul3A_1617 = arith.mulf %sign3A_1610, %select_n3A_1616 : vector<128x1xf32>
    %get3A_1618 = arith.constant 0 : index
    %get3A_1619 = arith.constant 0 : index
    %get3A_1620 = vector.load %arg11[%get3A_1618, %get3A_1619] : memref<128x32xf32, #tpu.memory_space<vmem>>, vector<128x32xf32>
    %dot_general3A_1621 = arith.constant dense<0.000000e+00> : vector<128x32xf32>
    %dot_general3A_1622 = tpu.matmul %get3A_1538, %get3A_1620, %dot_general3A_1621 {dimension_numbers = #tpu.dot_dimension_numbers<[1], [0], [0], [1], [0, 0, 1, 1], [], []>, transpose_lhs_hint = false} : vector<128x128xf32>, vector<128x32xf32>, vector<128x32xf32> -> vector<128x32xf32>
    %mul3A_1623 = arith.mulf %get3A_1538, %get3A_1538 : vector<128x128xf32>
    %get3A_1624 = arith.constant 0 : index
    %get3A_1625 = arith.constant 0 : index
    %get3A_1626 = vector.load %arg11[%get3A_1624, %get3A_1625] : memref<128x32xf32, #tpu.memory_space<vmem>>, vector<128x32xf32>
    %dot_general3A_1627 = arith.constant dense<0.000000e+00> : vector<128x32xf32>
    %dot_general3A_1628 = tpu.matmul %mul3A_1623, %get3A_1626, %dot_general3A_1627 {dimension_numbers = #tpu.dot_dimension_numbers<[1], [0], [0], [1], [0, 0, 1, 1], [], []>, transpose_lhs_hint = false} : vector<128x128xf32>, vector<128x32xf32>, vector<128x32xf32> -> vector<128x32xf32>
    %mul3A_1629 = arith.mulf %dot_general3A_1622, %dot_general3A_1622 : vector<128x32xf32>
    %sub3A_1630 = arith.subf %dot_general3A_1628, %mul3A_1629 : vector<128x32xf32>
    %add3A_1631 = arith.constant 9.99999974E-6 : f32
    %add3A_1632 = vector.broadcast %add3A_1631 : f32 to vector<128x32xf32>
    %add3A_1633 = arith.addf %sub3A_1630, %add3A_1632 : vector<128x32xf32>
    %rsqrt3A_1634 = math.rsqrt %add3A_1633 : vector<128x32xf32>
    %get3A_1635 = arith.constant 0 : index
    %get3A_1636 = arith.constant 0 : index
    %get3A_1637 = vector.load %arg8[%get3A_1635, %get3A_1636] : memref<128x32xf32, #tpu.memory_space<vmem>>, vector<128x32xf32>
    %dot_general3A_1638 = arith.constant dense<0.000000e+00> : vector<128x32xf32>
    %dot_general3A_1639 = tpu.matmul %get3A_1538, %get3A_1637, %dot_general3A_1638 {dimension_numbers = #tpu.dot_dimension_numbers<[1], [0], [0], [1], [0, 0, 1, 1], [], []>, transpose_lhs_hint = false} : vector<128x128xf32>, vector<128x32xf32>, vector<128x32xf32> -> vector<128x32xf32>
    %get3A_1640 = arith.constant 0 : index
    %get3A_1641 = arith.constant 0 : index
    %get3A_1642 = vector.load %arg9[%get3A_1640, %get3A_1641] : memref<1x32xf32, #tpu.memory_space<vmem>>, vector<1x32xf32>
    %mul3A_1643 = vector.broadcast %get3A_1642 : vector<1x32xf32> to vector<128x32xf32>
    %mul3A_1644 = arith.mulf %dot_general3A_1622, %mul3A_1643 : vector<128x32xf32>
    %sub3A_1645 = arith.subf %dot_general3A_1639, %mul3A_1644 : vector<128x32xf32>
    %mul3A_1646 = arith.mulf %rsqrt3A_1634, %sub3A_1645 : vector<128x32xf32>
    %get3A_1647 = arith.constant 0 : index
    %get3A_1648 = arith.constant 0 : index
    %get3A_1649 = vector.load %arg10[%get3A_1647, %get3A_1648] : memref<1x32xf32, #tpu.memory_space<vmem>>, vector<1x32xf32>
    %add3A_1650 = vector.broadcast %get3A_1649 : vector<1x32xf32> to vector<128x32xf32>
    %add3A_1651 = arith.addf %mul3A_1646, %add3A_1650 : vector<128x32xf32>
    %get3A_1652 = arith.constant 0 : index
    %get3A_1653 = arith.constant 0 : index
    %get3A_1654 = vector.load %arg17[%get3A_1652, %get3A_1653] : memref<32x32xf32, #tpu.memory_space<vmem>>, vector<32x32xf32>
    %dot_general3A_1655 = arith.constant dense<0.000000e+00> : vector<128x32xf32>
    %dot_general3A_1656 = tpu.matmul %add3A_1651, %get3A_1654, %dot_general3A_1655 {dimension_numbers = #tpu.dot_dimension_numbers<[1], [0], [0], [1], [0, 0, 1, 1], [], []>, transpose_lhs_hint = false} : vector<128x32xf32>, vector<32x32xf32>, vector<128x32xf32> -> vector<128x32xf32>
    %mul3A_1657 = arith.mulf %add3A_1651, %add3A_1651 : vector<128x32xf32>
    %get3A_1658 = arith.constant 0 : index
    %get3A_1659 = arith.constant 0 : index
    %get3A_1660 = vector.load %arg17[%get3A_1658, %get3A_1659] : memref<32x32xf32, #tpu.memory_space<vmem>>, vector<32x32xf32>
    %dot_general3A_1661 = arith.constant dense<0.000000e+00> : vector<128x32xf32>
    %dot_general3A_1662 = tpu.matmul %mul3A_1657, %get3A_1660, %dot_general3A_1661 {dimension_numbers = #tpu.dot_dimension_numbers<[1], [0], [0], [1], [0, 0, 1, 1], [], []>, transpose_lhs_hint = false} : vector<128x32xf32>, vector<32x32xf32>, vector<128x32xf32> -> vector<128x32xf32>
    %mul3A_1663 = arith.mulf %dot_general3A_1656, %dot_general3A_1656 : vector<128x32xf32>
    %sub3A_1664 = arith.subf %dot_general3A_1662, %mul3A_1663 : vector<128x32xf32>
    %add3A_1665 = arith.constant 9.99999974E-6 : f32
    %add3A_1666 = vector.broadcast %add3A_1665 : f32 to vector<128x32xf32>
    %add3A_1667 = arith.addf %sub3A_1664, %add3A_1666 : vector<128x32xf32>
    %rsqrt3A_1668 = math.rsqrt %add3A_1667 : vector<128x32xf32>
    %sub3A_1669 = vector.broadcast %sqrt3A_1583 : vector<128x1xf32> to vector<128x36xf32>
    %sub3A_1670 = vector.broadcast %get3A_3 : vector<1x36xf32> to vector<128x36xf32>
    %sub3A_1671 = arith.subf %sub3A_1669, %sub3A_1670 : vector<128x36xf32>
    %div3A_1672 = arith.constant 0.555555582 : f32
    %div3A_1673 = vector.broadcast %div3A_1672 : f32 to vector<128x36xf32>
    %div3A_1674 = arith.divf %sub3A_1671, %div3A_1673 : vector<128x36xf32>
    %integer_pow3A_1675 = arith.mulf %div3A_1674, %div3A_1674 : vector<128x36xf32>
    %neg3A_1676 = arith.constant 0.000000e+00 : f32
    %neg3A_1677 = vector.broadcast %neg3A_1676 : f32 to vector<128x36xf32>
    %neg3A_1678 = arith.subf %neg3A_1677, %integer_pow3A_1675 : vector<128x36xf32>
    %exp3A_1679 = math.exp %neg3A_1678 : vector<128x36xf32>
    %get3A_1680 = arith.constant 0 : index
    %get3A_1681 = arith.constant 0 : index
    %get3A_1682 = vector.load %arg12[%get3A_1680, %get3A_1681] : memref<32x32xf32, #tpu.memory_space<vmem>>, vector<32x32xf32>
    %dot_general3A_1683 = arith.constant dense<0.000000e+00> : vector<128x32xf32>
    %dot_general3A_1684 = tpu.matmul %add3A_1651, %get3A_1682, %dot_general3A_1683 {dimension_numbers = #tpu.dot_dimension_numbers<[1], [0], [0], [1], [0, 0, 1, 1], [], []>, transpose_lhs_hint = false} : vector<128x32xf32>, vector<32x32xf32>, vector<128x32xf32> -> vector<128x32xf32>
    %get3A_1685 = arith.constant 0 : index
    %get3A_1686 = arith.constant 0 : index
    %get3A_1687 = vector.load %arg13[%get3A_1685, %get3A_1686] : memref<1x32xf32, #tpu.memory_space<vmem>>, vector<1x32xf32>
    %mul3A_1688 = vector.broadcast %get3A_1687 : vector<1x32xf32> to vector<128x32xf32>
    %mul3A_1689 = arith.mulf %dot_general3A_1656, %mul3A_1688 : vector<128x32xf32>
    %sub3A_1690 = arith.subf %dot_general3A_1684, %mul3A_1689 : vector<128x32xf32>
    %mul3A_1691 = arith.mulf %rsqrt3A_1668, %sub3A_1690 : vector<128x32xf32>
    %get3A_1692 = arith.constant 0 : index
    %get3A_1693 = arith.constant 0 : index
    %get3A_1694 = vector.load %arg14[%get3A_1692, %get3A_1693] : memref<36x32xf32, #tpu.memory_space<vmem>>, vector<36x32xf32>
    %dot_general3A_1695 = arith.constant dense<0.000000e+00> : vector<128x32xf32>
    %dot_general3A_1696 = tpu.matmul %exp3A_1679, %get3A_1694, %dot_general3A_1695 {dimension_numbers = #tpu.dot_dimension_numbers<[1], [0], [0], [1], [0, 0, 1, 1], [], []>, transpose_lhs_hint = false} : vector<128x36xf32>, vector<36x32xf32>, vector<128x32xf32> -> vector<128x32xf32>
    %add3A_1697 = arith.addf %mul3A_1691, %dot_general3A_1696 : vector<128x32xf32>
    %get3A_1698 = arith.constant 0 : index
    %get3A_1699 = arith.constant 0 : index
    %get3A_1700 = vector.load %arg15[%get3A_1698, %get3A_1699] : memref<1x32xf32, #tpu.memory_space<vmem>>, vector<1x32xf32>
    %mul3A_1701 = vector.broadcast %mul3A_1617 : vector<128x1xf32> to vector<128x32xf32>
    %mul3A_1702 = vector.broadcast %get3A_1700 : vector<1x32xf32> to vector<128x32xf32>
    %mul3A_1703 = arith.mulf %mul3A_1701, %mul3A_1702 : vector<128x32xf32>
    %add3A_1704 = arith.addf %add3A_1697, %mul3A_1703 : vector<128x32xf32>
    %get3A_1705 = arith.constant 0 : index
    %get3A_1706 = arith.constant 0 : index
    %get3A_1707 = vector.load %arg16[%get3A_1705, %get3A_1706] : memref<1x32xf32, #tpu.memory_space<vmem>>, vector<1x32xf32>
    %add3A_1708 = vector.broadcast %get3A_1707 : vector<1x32xf32> to vector<128x32xf32>
    %add3A_1709 = arith.addf %add3A_1704, %add3A_1708 : vector<128x32xf32>
    %get3A_1710 = arith.constant 0 : index
    %get3A_1711 = arith.constant 0 : index
    %get3A_1712 = vector.load %arg22[%get3A_1710, %get3A_1711] : memref<32x64xf32, #tpu.memory_space<vmem>>, vector<32x64xf32>
    %dot_general3A_1713 = arith.constant dense<0.000000e+00> : vector<128x64xf32>
    %dot_general3A_1714 = tpu.matmul %add3A_1709, %get3A_1712, %dot_general3A_1713 {dimension_numbers = #tpu.dot_dimension_numbers<[1], [0], [0], [1], [0, 0, 1, 1], [], []>, transpose_lhs_hint = false} : vector<128x32xf32>, vector<32x64xf32>, vector<128x64xf32> -> vector<128x64xf32>
    %mul3A_1715 = arith.mulf %add3A_1709, %add3A_1709 : vector<128x32xf32>
    %get3A_1716 = arith.constant 0 : index
    %get3A_1717 = arith.constant 0 : index
    %get3A_1718 = vector.load %arg22[%get3A_1716, %get3A_1717] : memref<32x64xf32, #tpu.memory_space<vmem>>, vector<32x64xf32>
    %dot_general3A_1719 = arith.constant dense<0.000000e+00> : vector<128x64xf32>
    %dot_general3A_1720 = tpu.matmul %mul3A_1715, %get3A_1718, %dot_general3A_1719 {dimension_numbers = #tpu.dot_dimension_numbers<[1], [0], [0], [1], [0, 0, 1, 1], [], []>, transpose_lhs_hint = false} : vector<128x32xf32>, vector<32x64xf32>, vector<128x64xf32> -> vector<128x64xf32>
    %mul3A_1721 = arith.mulf %dot_general3A_1714, %dot_general3A_1714 : vector<128x64xf32>
    %sub3A_1722 = arith.subf %dot_general3A_1720, %mul3A_1721 : vector<128x64xf32>
    %add3A_1723 = arith.constant 9.99999974E-6 : f32
    %add3A_1724 = vector.broadcast %add3A_1723 : f32 to vector<128x64xf32>
    %add3A_1725 = arith.addf %sub3A_1722, %add3A_1724 : vector<128x64xf32>
    %rsqrt3A_1726 = math.rsqrt %add3A_1725 : vector<128x64xf32>
    %get3A_1727 = arith.constant 0 : index
    %get3A_1728 = arith.constant 0 : index
    %get3A_1729 = vector.load %arg18[%get3A_1727, %get3A_1728] : memref<32x64xf32, #tpu.memory_space<vmem>>, vector<32x64xf32>
    %dot_general3A_1730 = arith.constant dense<0.000000e+00> : vector<128x64xf32>
    %dot_general3A_1731 = tpu.matmul %add3A_1709, %get3A_1729, %dot_general3A_1730 {dimension_numbers = #tpu.dot_dimension_numbers<[1], [0], [0], [1], [0, 0, 1, 1], [], []>, transpose_lhs_hint = false} : vector<128x32xf32>, vector<32x64xf32>, vector<128x64xf32> -> vector<128x64xf32>
    %get3A_1732 = arith.constant 0 : index
    %get3A_1733 = arith.constant 0 : index
    %get3A_1734 = vector.load %arg19[%get3A_1732, %get3A_1733] : memref<1x64xf32, #tpu.memory_space<vmem>>, vector<1x64xf32>
    %mul3A_1735 = vector.broadcast %get3A_1734 : vector<1x64xf32> to vector<128x64xf32>
    %mul3A_1736 = arith.mulf %dot_general3A_1714, %mul3A_1735 : vector<128x64xf32>
    %sub3A_1737 = arith.subf %dot_general3A_1731, %mul3A_1736 : vector<128x64xf32>
    %mul3A_1738 = arith.mulf %rsqrt3A_1726, %sub3A_1737 : vector<128x64xf32>
    %get3A_1739 = arith.constant 0 : index
    %get3A_1740 = arith.constant 0 : index
    %get3A_1741 = vector.load %arg20[%get3A_1739, %get3A_1740] : memref<1x64xf32, #tpu.memory_space<vmem>>, vector<1x64xf32>
    %mul3A_1742 = vector.broadcast %sqrt3A_1583 : vector<128x1xf32> to vector<128x64xf32>
    %mul3A_1743 = vector.broadcast %get3A_1741 : vector<1x64xf32> to vector<128x64xf32>
    %mul3A_1744 = arith.mulf %mul3A_1742, %mul3A_1743 : vector<128x64xf32>
    %add3A_1745 = arith.addf %mul3A_1738, %mul3A_1744 : vector<128x64xf32>
    %get3A_1746 = arith.constant 0 : index
    %get3A_1747 = arith.constant 0 : index
    %get3A_1748 = vector.load %arg21[%get3A_1746, %get3A_1747] : memref<1x64xf32, #tpu.memory_space<vmem>>, vector<1x64xf32>
    %add3A_1749 = vector.broadcast %get3A_1748 : vector<1x64xf32> to vector<128x64xf32>
    %add3A_1750 = arith.addf %add3A_1745, %add3A_1749 : vector<128x64xf32>
    %get3A_1751 = arith.constant 6 : index
    %get3A_1752 = arith.constant 0 : index
    %get3A_1753 = vector.load %arg6[%get3A_1751, %get3A_1752] : memref<8x64xf32, #tpu.memory_space<vmem>>, vector<1x64xf32>
    %add3A_1754 = vector.broadcast %get3A_1753 : vector<1x64xf32> to vector<128x64xf32>
    %add3A_1755 = arith.addf %add3A_1750, %add3A_1754 : vector<128x64xf32>
    %add3A_1756 = arith.addf %add3A_1755, %dot_general3A_1570 : vector<128x64xf32>
    %max3A_1757 = arith.constant 0.000000e+00 : f32
    %max3A_1758 = vector.broadcast %max3A_1757 : f32 to vector<128x64xf32>
    %max3A_1759 = arith.maximumf %add3A_1756, %max3A_1758 : vector<128x64xf32>
    %get3A_1760 = arith.constant 0 : index
    %get3A_1761 = arith.constant 0 : index
    %get3A_1762 = vector.load %arg23[%get3A_1760, %get3A_1761] : memref<64x40xf32, #tpu.memory_space<vmem>>, vector<64x40xf32>
    %dot_general3A_1763 = arith.constant dense<0.000000e+00> : vector<128x40xf32>
    %dot_general3A_1764 = tpu.matmul %max3A_1759, %get3A_1762, %dot_general3A_1763 {dimension_numbers = #tpu.dot_dimension_numbers<[1], [0], [0], [1], [0, 0, 1, 1], [], []>, transpose_lhs_hint = false} : vector<128x64xf32>, vector<64x40xf32>, vector<128x40xf32> -> vector<128x40xf32>
    %get3A_1765 = arith.constant 0 : index
    %get3A_1766 = arith.constant 0 : index
    %get3A_1767 = vector.load %arg24[%get3A_1765, %get3A_1766] : memref<1x40xf32, #tpu.memory_space<vmem>>, vector<1x40xf32>
    %add3A_1768 = vector.broadcast %get3A_1767 : vector<1x40xf32> to vector<128x40xf32>
    %add3A_1769 = arith.addf %dot_general3A_1764, %add3A_1768 : vector<128x40xf32>
    %get3A_1770 = arith.constant 6 : index
    %get3A_1771 = arith.constant 0 : index
    %get3A_1772 = arith.constant 0 : index
    %get3A_1773 = vector.load %arg7[%get3A_1770, %get3A_1771, %get3A_1772] : memref<8x3x3xf32, #tpu.memory_space<vmem>>, vector<1x3x3xf32>
    %get3A_1774 = vector.shape_cast %get3A_1773 : vector<1x3x3xf32> to vector<3x3xf32>
    %slice3A_1775 = vector.extract_strided_slice %add3A_1769 {offsets = [0, 32], sizes = [128, 1], strides = [1, 1]} : vector<128x40xf32> to vector<128x1xf32>
    %mul3A_1776 = vector.broadcast %slice3A_1775 : vector<128x1xf32> to vector<128x3xf32>
    %mul3A_1777 = arith.mulf %mul3A_1776, %div3A_1588 : vector<128x3xf32>
    %slice3A_1778 = vector.extract_strided_slice %add3A_1769 {offsets = [0, 33], sizes = [128, 3], strides = [1, 1]} : vector<128x40xf32> to vector<128x3xf32>
    %dot_general3A_1779 = arith.constant dense<0.000000e+00> : vector<128x3xf32>
    %dot_general3A_1780 = tpu.matmul %slice3A_1778, %get3A_1774, %dot_general3A_1779 {dimension_numbers = #tpu.dot_dimension_numbers<[1], [0], [0], [1], [0, 0, 1, 1], [], []>, transpose_lhs_hint = false} : vector<128x3xf32>, vector<3x3xf32>, vector<128x3xf32> -> vector<128x3xf32>
    %add3A_1781 = arith.addf %mul3A_1777, %dot_general3A_1780 : vector<128x3xf32>
    %slice3A_1782 = vector.extract_strided_slice %add3A_1769 {offsets = [0, 36], sizes = [128, 1], strides = [1, 1]} : vector<128x40xf32> to vector<128x1xf32>
    %mul3A_1783 = vector.broadcast %slice3A_1782 : vector<128x1xf32> to vector<128x3xf32>
    %mul3A_1784 = arith.mulf %mul3A_1783, %div3A_1588 : vector<128x3xf32>
    %slice3A_1785 = vector.extract_strided_slice %add3A_1769 {offsets = [0, 37], sizes = [128, 3], strides = [1, 1]} : vector<128x40xf32> to vector<128x3xf32>
    %dot_general3A_1786 = arith.constant dense<0.000000e+00> : vector<128x3xf32>
    %dot_general3A_1787 = tpu.matmul %slice3A_1785, %get3A_1774, %dot_general3A_1786 {dimension_numbers = #tpu.dot_dimension_numbers<[1], [0], [0], [1], [0, 0, 1, 1], [], []>, transpose_lhs_hint = false} : vector<128x3xf32>, vector<3x3xf32>, vector<128x3xf32> -> vector<128x3xf32>
    %add3A_1788 = arith.addf %mul3A_1784, %dot_general3A_1787 : vector<128x3xf32>
    %slice3A_1789 = vector.extract_strided_slice %add3A_1769 {offsets = [0, 0], sizes = [128, 32], strides = [1, 1]} : vector<128x40xf32> to vector<128x32xf32>
    %concatenate3A_1790 = tpu.concatenate %slice3A_1789, %add3A_1781, %add3A_1788 in 1 : vector<128x32xf32>, vector<128x3xf32>, vector<128x3xf32> -> vector<128x38xf32>
    %dot_general3A_1791 = arith.constant dense<0.000000e+00> : vector<512x38xf32>
    %dot_general3A_1792 = tpu.matmul %select_n3A_1557, %concatenate3A_1790, %dot_general3A_1791 {dimension_numbers = #tpu.dot_dimension_numbers<[0], [0], [1], [1], [0, 1, 1, 1], [], []>, transpose_lhs_hint = false} : vector<128x512xf32>, vector<128x38xf32>, vector<512x38xf32> -> vector<512x38xf32>
    %add3A_1793 = arith.addf %add3A_1535, %dot_general3A_1792 : vector<512x38xf32>
    %get3A_1794 = arith.constant 896 : index
    %get3A_1795 = arith.constant 0 : index
    %get3A_1796 = vector.load %arg1[%get3A_1794, %get3A_1795] : memref<1024x128xf32, #tpu.memory_space<vmem>>, vector<128x128xf32>
    %get3A_1797 = arith.constant 0 : index
    %get3A_1798 = arith.constant 0 : index
    %get3A_1799 = arith.constant 0 : index
    %get3A_1800 = vector.load %arg2[%get3A_1797, %get3A_1798, %get3A_1799] : memref<1x128x8xi32, #tpu.memory_space<vmem>>, vector<1x128x8xi32>
    %get3A_1801 = vector.shape_cast %get3A_1800 : vector<1x128x8xi32> to vector<128x8xi32>
    %slice3A_1802 = vector.extract_strided_slice %get3A_1801 {offsets = [0, 7], sizes = [128, 1], strides = [1, 1]} : vector<128x8xi32> to vector<128x1xi32>
    %add3A_1803 = arith.constant 7 : i32
    %add3A_1804 = arith.addi %mul3A_5, %add3A_1803 : i32
    %mul3A_1805 = arith.constant 512 : i32
    %mul3A_1806 = arith.muli %add3A_1804, %mul3A_1805 : i32
    %sub3A_1807 = vector.broadcast %mul3A_1806 : i32 to vector<128x1xi32>
    %sub3A_1808 = arith.subi %slice3A_1802, %sub3A_1807 : vector<128x1xi32>
    %eq3A_1809 = vector.broadcast %sub3A_1808 : vector<128x1xi32> to vector<128x512xi32>
    %eq3A_1810 = arith.cmpi eq, %eq3A_1809, %iota3A : vector<128x512xi32>
    %jit3A_1811 = arith.constant 1.000000e+00 : f32
    %jit3A_1812 = arith.constant 0.000000e+00 : f32
    %broadcast_in_dim3A_1813 = vector.broadcast %jit3A_1811 : f32 to vector<128x512xf32>
    %broadcast_in_dim3A_1814 = vector.broadcast %jit3A_1812 : f32 to vector<128x512xf32>
    %select_n3A_1815 = arith.select %eq3A_1810, %broadcast_in_dim3A_1813, %broadcast_in_dim3A_1814 : vector<128x512xi1>, vector<128x512xf32>
    %get3A_1816 = arith.constant 0 : index
    %get3A_1817 = arith.constant 0 : index
    %get3A_1818 = vector.load %arg3[%get3A_1816, %get3A_1817] : memref<512x40xf32, #tpu.memory_space<vmem>>, vector<512x40xf32>
    %dot_general3A_1819 = arith.constant dense<0.000000e+00> : vector<128x40xf32>
    %dot_general3A_1820 = tpu.matmul %select_n3A_1815, %get3A_1818, %dot_general3A_1819 {dimension_numbers = #tpu.dot_dimension_numbers<[1], [0], [0], [1], [0, 0, 1, 1], [], []>, transpose_lhs_hint = false} : vector<128x512xf32>, vector<512x40xf32>, vector<128x40xf32> -> vector<128x40xf32>
    %slice3A_1821 = vector.extract_strided_slice %dot_general3A_1820 {offsets = [0, 0], sizes = [128, 32], strides = [1, 1]} : vector<128x40xf32> to vector<128x32xf32>
    %slice3A_1822 = vector.extract_strided_slice %dot_general3A_1820 {offsets = [0, 32], sizes = [128, 3], strides = [1, 1]} : vector<128x40xf32> to vector<128x3xf32>
    %slice3A_1823 = vector.extract_strided_slice %dot_general3A_1820 {offsets = [0, 35], sizes = [128, 1], strides = [1, 1]} : vector<128x40xf32> to vector<128x1xf32>
    %get3A_1824 = arith.constant 0 : index
    %get3A_1825 = arith.constant 0 : index
    %get3A_1826 = vector.load %arg25[%get3A_1824, %get3A_1825] : memref<32x64xf32, #tpu.memory_space<vmem>>, vector<32x64xf32>
    %dot_general3A_1827 = arith.constant dense<0.000000e+00> : vector<128x64xf32>
    %dot_general3A_1828 = tpu.matmul %slice3A_1821, %get3A_1826, %dot_general3A_1827 {dimension_numbers = #tpu.dot_dimension_numbers<[1], [0], [0], [1], [0, 0, 1, 1], [], []>, transpose_lhs_hint = false} : vector<128x32xf32>, vector<32x64xf32>, vector<128x64xf32> -> vector<128x64xf32>
    %get3A_1829 = arith.constant 7 : index
    %get3A_1830 = arith.constant 3 : index
    %get3A_1831 = vector.load %arg4[%get3A_1829, %get3A_1830] : memref<8x9xf32, #tpu.memory_space<vmem>>, vector<1x3xf32>
    %sub3A_1832 = vector.broadcast %get3A_1831 : vector<1x3xf32> to vector<128x3xf32>
    %sub3A_1833 = arith.subf %slice3A_1822, %sub3A_1832 : vector<128x3xf32>
    %mul3A_1834 = arith.mulf %sub3A_1833, %sub3A_1833 : vector<128x3xf32>
    %reduce_sum3A_1835 = arith.constant dense<0.000000e+00> : vector<128xf32>
    %reduce_sum3A_1836 = vector.multi_reduction <add>, %mul3A_1834, %reduce_sum3A_1835 [1] : vector<128x3xf32> to vector<128xf32>
    %broadcast_in_dim3A_1837 = vector.shape_cast %reduce_sum3A_1836 : vector<128xf32> to vector<128x1xf32>
    %add3A_1838 = arith.constant 9.99999993E-9 : f32
    %add3A_1839 = vector.broadcast %add3A_1838 : f32 to vector<128x1xf32>
    %add3A_1840 = arith.addf %broadcast_in_dim3A_1837, %add3A_1839 : vector<128x1xf32>
    %sqrt3A_1841 = math.sqrt %add3A_1840 : vector<128x1xf32>
    %add3A_1842 = arith.constant 9.99999997E-7 : f32
    %add3A_1843 = vector.broadcast %add3A_1842 : f32 to vector<128x1xf32>
    %add3A_1844 = arith.addf %sqrt3A_1841, %add3A_1843 : vector<128x1xf32>
    %div3A_1845 = vector.broadcast %add3A_1844 : vector<128x1xf32> to vector<128x3xf32>
    %div3A_1846 = arith.divf %sub3A_1833, %div3A_1845 : vector<128x3xf32>
    %get3A_1847 = arith.constant 0 : index
    %get3A_1848 = arith.constant 0 : index
    %get3A_1849 = arith.constant 0 : index
    %get3A_1850 = vector.load %arg5[%get3A_1847, %get3A_1848, %get3A_1849] : memref<1x1x8xf32, #tpu.memory_space<vmem>>, vector<1x1x8xf32>
    %get3A_1851 = vector.shape_cast %get3A_1850 : vector<1x1x8xf32> to vector<1x8xf32>
    %slice3A_1852 = vector.extract_strided_slice %get3A_1851 {offsets = [0, 7], sizes = [1, 1], strides = [1, 1]} : vector<1x8xf32> to vector<1x1xf32>
    %sub3A_1853 = vector.broadcast %slice3A_1852 : vector<1x1xf32> to vector<128x1xf32>
    %sub3A_1854 = arith.subf %slice3A_1823, %sub3A_1853 : vector<128x1xf32>
    %abs3A_1855 = math.absf %sub3A_1854 : vector<128x1xf32>
    %sign3A_1856 = tpu.bitcast %sub3A_1854 : vector<128x1xf32> -> vector<128x1xi32>
    %sign3A_1857 = arith.constant -2147483648 : i32
    %sign3A_1858 = vector.broadcast %sign3A_1857 : i32 to vector<128x1xi32>
    %sign3A_1859 = arith.andi %sign3A_1856, %sign3A_1858 : vector<128x1xi32>
    %sign3A_1860 = arith.constant 1065353216 : i32
    %sign3A_1861 = vector.broadcast %sign3A_1860 : i32 to vector<128x1xi32>
    %sign3A_1862 = arith.ori %sign3A_1861, %sign3A_1859 : vector<128x1xi32>
    %sign3A_1863 = tpu.bitcast %sign3A_1862 : vector<128x1xi32> -> vector<128x1xf32>
    %sign3A_1864 = math.absf %sub3A_1854 : vector<128x1xf32>
    %sign3A_1865 = arith.constant 0.000000e+00 : f32
    %sign3A_1866 = vector.broadcast %sign3A_1865 : f32 to vector<128x1xf32>
    %sign3A_1867 = arith.cmpf ogt, %sign3A_1864, %sign3A_1866 : vector<128x1xf32>
    %sign3A_1868 = arith.select %sign3A_1867, %sign3A_1863, %sub3A_1854 : vector<128x1xi1>, vector<128x1xf32>
    %gt3A_1869 = arith.constant 1.000000e+00 : f32
    %gt3A_1870 = vector.broadcast %gt3A_1869 : f32 to vector<128x1xf32>
    %gt3A_1871 = arith.cmpf ogt, %abs3A_1855, %gt3A_1870 : vector<128x1xf32>
    %jit3A_1872 = arith.constant 0.000000e+00 : f32
    %broadcast_in_dim3A_1873 = vector.broadcast %jit3A_1872 : f32 to vector<128x1xf32>
    %select_n3A_1874 = arith.select %gt3A_1871, %broadcast_in_dim3A_1873, %abs3A_1855 : vector<128x1xi1>, vector<128x1xf32>
    %mul3A_1875 = arith.mulf %sign3A_1868, %select_n3A_1874 : vector<128x1xf32>
    %get3A_1876 = arith.constant 0 : index
    %get3A_1877 = arith.constant 0 : index
    %get3A_1878 = vector.load %arg11[%get3A_1876, %get3A_1877] : memref<128x32xf32, #tpu.memory_space<vmem>>, vector<128x32xf32>
    %dot_general3A_1879 = arith.constant dense<0.000000e+00> : vector<128x32xf32>
    %dot_general3A_1880 = tpu.matmul %get3A_1796, %get3A_1878, %dot_general3A_1879 {dimension_numbers = #tpu.dot_dimension_numbers<[1], [0], [0], [1], [0, 0, 1, 1], [], []>, transpose_lhs_hint = false} : vector<128x128xf32>, vector<128x32xf32>, vector<128x32xf32> -> vector<128x32xf32>
    %mul3A_1881 = arith.mulf %get3A_1796, %get3A_1796 : vector<128x128xf32>
    %get3A_1882 = arith.constant 0 : index
    %get3A_1883 = arith.constant 0 : index
    %get3A_1884 = vector.load %arg11[%get3A_1882, %get3A_1883] : memref<128x32xf32, #tpu.memory_space<vmem>>, vector<128x32xf32>
    %dot_general3A_1885 = arith.constant dense<0.000000e+00> : vector<128x32xf32>
    %dot_general3A_1886 = tpu.matmul %mul3A_1881, %get3A_1884, %dot_general3A_1885 {dimension_numbers = #tpu.dot_dimension_numbers<[1], [0], [0], [1], [0, 0, 1, 1], [], []>, transpose_lhs_hint = false} : vector<128x128xf32>, vector<128x32xf32>, vector<128x32xf32> -> vector<128x32xf32>
    %mul3A_1887 = arith.mulf %dot_general3A_1880, %dot_general3A_1880 : vector<128x32xf32>
    %sub3A_1888 = arith.subf %dot_general3A_1886, %mul3A_1887 : vector<128x32xf32>
    %add3A_1889 = arith.constant 9.99999974E-6 : f32
    %add3A_1890 = vector.broadcast %add3A_1889 : f32 to vector<128x32xf32>
    %add3A_1891 = arith.addf %sub3A_1888, %add3A_1890 : vector<128x32xf32>
    %rsqrt3A_1892 = math.rsqrt %add3A_1891 : vector<128x32xf32>
    %get3A_1893 = arith.constant 0 : index
    %get3A_1894 = arith.constant 0 : index
    %get3A_1895 = vector.load %arg8[%get3A_1893, %get3A_1894] : memref<128x32xf32, #tpu.memory_space<vmem>>, vector<128x32xf32>
    %dot_general3A_1896 = arith.constant dense<0.000000e+00> : vector<128x32xf32>
    %dot_general3A_1897 = tpu.matmul %get3A_1796, %get3A_1895, %dot_general3A_1896 {dimension_numbers = #tpu.dot_dimension_numbers<[1], [0], [0], [1], [0, 0, 1, 1], [], []>, transpose_lhs_hint = false} : vector<128x128xf32>, vector<128x32xf32>, vector<128x32xf32> -> vector<128x32xf32>
    %get3A_1898 = arith.constant 0 : index
    %get3A_1899 = arith.constant 0 : index
    %get3A_1900 = vector.load %arg9[%get3A_1898, %get3A_1899] : memref<1x32xf32, #tpu.memory_space<vmem>>, vector<1x32xf32>
    %mul3A_1901 = vector.broadcast %get3A_1900 : vector<1x32xf32> to vector<128x32xf32>
    %mul3A_1902 = arith.mulf %dot_general3A_1880, %mul3A_1901 : vector<128x32xf32>
    %sub3A_1903 = arith.subf %dot_general3A_1897, %mul3A_1902 : vector<128x32xf32>
    %mul3A_1904 = arith.mulf %rsqrt3A_1892, %sub3A_1903 : vector<128x32xf32>
    %get3A_1905 = arith.constant 0 : index
    %get3A_1906 = arith.constant 0 : index
    %get3A_1907 = vector.load %arg10[%get3A_1905, %get3A_1906] : memref<1x32xf32, #tpu.memory_space<vmem>>, vector<1x32xf32>
    %add3A_1908 = vector.broadcast %get3A_1907 : vector<1x32xf32> to vector<128x32xf32>
    %add3A_1909 = arith.addf %mul3A_1904, %add3A_1908 : vector<128x32xf32>
    %get3A_1910 = arith.constant 0 : index
    %get3A_1911 = arith.constant 0 : index
    %get3A_1912 = vector.load %arg17[%get3A_1910, %get3A_1911] : memref<32x32xf32, #tpu.memory_space<vmem>>, vector<32x32xf32>
    %dot_general3A_1913 = arith.constant dense<0.000000e+00> : vector<128x32xf32>
    %dot_general3A_1914 = tpu.matmul %add3A_1909, %get3A_1912, %dot_general3A_1913 {dimension_numbers = #tpu.dot_dimension_numbers<[1], [0], [0], [1], [0, 0, 1, 1], [], []>, transpose_lhs_hint = false} : vector<128x32xf32>, vector<32x32xf32>, vector<128x32xf32> -> vector<128x32xf32>
    %mul3A_1915 = arith.mulf %add3A_1909, %add3A_1909 : vector<128x32xf32>
    %get3A_1916 = arith.constant 0 : index
    %get3A_1917 = arith.constant 0 : index
    %get3A_1918 = vector.load %arg17[%get3A_1916, %get3A_1917] : memref<32x32xf32, #tpu.memory_space<vmem>>, vector<32x32xf32>
    %dot_general3A_1919 = arith.constant dense<0.000000e+00> : vector<128x32xf32>
    %dot_general3A_1920 = tpu.matmul %mul3A_1915, %get3A_1918, %dot_general3A_1919 {dimension_numbers = #tpu.dot_dimension_numbers<[1], [0], [0], [1], [0, 0, 1, 1], [], []>, transpose_lhs_hint = false} : vector<128x32xf32>, vector<32x32xf32>, vector<128x32xf32> -> vector<128x32xf32>
    %mul3A_1921 = arith.mulf %dot_general3A_1914, %dot_general3A_1914 : vector<128x32xf32>
    %sub3A_1922 = arith.subf %dot_general3A_1920, %mul3A_1921 : vector<128x32xf32>
    %add3A_1923 = arith.constant 9.99999974E-6 : f32
    %add3A_1924 = vector.broadcast %add3A_1923 : f32 to vector<128x32xf32>
    %add3A_1925 = arith.addf %sub3A_1922, %add3A_1924 : vector<128x32xf32>
    %rsqrt3A_1926 = math.rsqrt %add3A_1925 : vector<128x32xf32>
    %sub3A_1927 = vector.broadcast %sqrt3A_1841 : vector<128x1xf32> to vector<128x36xf32>
    %sub3A_1928 = vector.broadcast %get3A_3 : vector<1x36xf32> to vector<128x36xf32>
    %sub3A_1929 = arith.subf %sub3A_1927, %sub3A_1928 : vector<128x36xf32>
    %div3A_1930 = arith.constant 0.555555582 : f32
    %div3A_1931 = vector.broadcast %div3A_1930 : f32 to vector<128x36xf32>
    %div3A_1932 = arith.divf %sub3A_1929, %div3A_1931 : vector<128x36xf32>
    %integer_pow3A_1933 = arith.mulf %div3A_1932, %div3A_1932 : vector<128x36xf32>
    %neg3A_1934 = arith.constant 0.000000e+00 : f32
    %neg3A_1935 = vector.broadcast %neg3A_1934 : f32 to vector<128x36xf32>
    %neg3A_1936 = arith.subf %neg3A_1935, %integer_pow3A_1933 : vector<128x36xf32>
    %exp3A_1937 = math.exp %neg3A_1936 : vector<128x36xf32>
    %get3A_1938 = arith.constant 0 : index
    %get3A_1939 = arith.constant 0 : index
    %get3A_1940 = vector.load %arg12[%get3A_1938, %get3A_1939] : memref<32x32xf32, #tpu.memory_space<vmem>>, vector<32x32xf32>
    %dot_general3A_1941 = arith.constant dense<0.000000e+00> : vector<128x32xf32>
    %dot_general3A_1942 = tpu.matmul %add3A_1909, %get3A_1940, %dot_general3A_1941 {dimension_numbers = #tpu.dot_dimension_numbers<[1], [0], [0], [1], [0, 0, 1, 1], [], []>, transpose_lhs_hint = false} : vector<128x32xf32>, vector<32x32xf32>, vector<128x32xf32> -> vector<128x32xf32>
    %get3A_1943 = arith.constant 0 : index
    %get3A_1944 = arith.constant 0 : index
    %get3A_1945 = vector.load %arg13[%get3A_1943, %get3A_1944] : memref<1x32xf32, #tpu.memory_space<vmem>>, vector<1x32xf32>
    %mul3A_1946 = vector.broadcast %get3A_1945 : vector<1x32xf32> to vector<128x32xf32>
    %mul3A_1947 = arith.mulf %dot_general3A_1914, %mul3A_1946 : vector<128x32xf32>
    %sub3A_1948 = arith.subf %dot_general3A_1942, %mul3A_1947 : vector<128x32xf32>
    %mul3A_1949 = arith.mulf %rsqrt3A_1926, %sub3A_1948 : vector<128x32xf32>
    %get3A_1950 = arith.constant 0 : index
    %get3A_1951 = arith.constant 0 : index
    %get3A_1952 = vector.load %arg14[%get3A_1950, %get3A_1951] : memref<36x32xf32, #tpu.memory_space<vmem>>, vector<36x32xf32>
    %dot_general3A_1953 = arith.constant dense<0.000000e+00> : vector<128x32xf32>
    %dot_general3A_1954 = tpu.matmul %exp3A_1937, %get3A_1952, %dot_general3A_1953 {dimension_numbers = #tpu.dot_dimension_numbers<[1], [0], [0], [1], [0, 0, 1, 1], [], []>, transpose_lhs_hint = false} : vector<128x36xf32>, vector<36x32xf32>, vector<128x32xf32> -> vector<128x32xf32>
    %add3A_1955 = arith.addf %mul3A_1949, %dot_general3A_1954 : vector<128x32xf32>
    %get3A_1956 = arith.constant 0 : index
    %get3A_1957 = arith.constant 0 : index
    %get3A_1958 = vector.load %arg15[%get3A_1956, %get3A_1957] : memref<1x32xf32, #tpu.memory_space<vmem>>, vector<1x32xf32>
    %mul3A_1959 = vector.broadcast %mul3A_1875 : vector<128x1xf32> to vector<128x32xf32>
    %mul3A_1960 = vector.broadcast %get3A_1958 : vector<1x32xf32> to vector<128x32xf32>
    %mul3A_1961 = arith.mulf %mul3A_1959, %mul3A_1960 : vector<128x32xf32>
    %add3A_1962 = arith.addf %add3A_1955, %mul3A_1961 : vector<128x32xf32>
    %get3A_1963 = arith.constant 0 : index
    %get3A_1964 = arith.constant 0 : index
    %get3A_1965 = vector.load %arg16[%get3A_1963, %get3A_1964] : memref<1x32xf32, #tpu.memory_space<vmem>>, vector<1x32xf32>
    %add3A_1966 = vector.broadcast %get3A_1965 : vector<1x32xf32> to vector<128x32xf32>
    %add3A_1967 = arith.addf %add3A_1962, %add3A_1966 : vector<128x32xf32>
    %get3A_1968 = arith.constant 0 : index
    %get3A_1969 = arith.constant 0 : index
    %get3A_1970 = vector.load %arg22[%get3A_1968, %get3A_1969] : memref<32x64xf32, #tpu.memory_space<vmem>>, vector<32x64xf32>
    %dot_general3A_1971 = arith.constant dense<0.000000e+00> : vector<128x64xf32>
    %dot_general3A_1972 = tpu.matmul %add3A_1967, %get3A_1970, %dot_general3A_1971 {dimension_numbers = #tpu.dot_dimension_numbers<[1], [0], [0], [1], [0, 0, 1, 1], [], []>, transpose_lhs_hint = false} : vector<128x32xf32>, vector<32x64xf32>, vector<128x64xf32> -> vector<128x64xf32>
    %mul3A_1973 = arith.mulf %add3A_1967, %add3A_1967 : vector<128x32xf32>
    %get3A_1974 = arith.constant 0 : index
    %get3A_1975 = arith.constant 0 : index
    %get3A_1976 = vector.load %arg22[%get3A_1974, %get3A_1975] : memref<32x64xf32, #tpu.memory_space<vmem>>, vector<32x64xf32>
    %dot_general3A_1977 = arith.constant dense<0.000000e+00> : vector<128x64xf32>
    %dot_general3A_1978 = tpu.matmul %mul3A_1973, %get3A_1976, %dot_general3A_1977 {dimension_numbers = #tpu.dot_dimension_numbers<[1], [0], [0], [1], [0, 0, 1, 1], [], []>, transpose_lhs_hint = false} : vector<128x32xf32>, vector<32x64xf32>, vector<128x64xf32> -> vector<128x64xf32>
    %mul3A_1979 = arith.mulf %dot_general3A_1972, %dot_general3A_1972 : vector<128x64xf32>
    %sub3A_1980 = arith.subf %dot_general3A_1978, %mul3A_1979 : vector<128x64xf32>
    %add3A_1981 = arith.constant 9.99999974E-6 : f32
    %add3A_1982 = vector.broadcast %add3A_1981 : f32 to vector<128x64xf32>
    %add3A_1983 = arith.addf %sub3A_1980, %add3A_1982 : vector<128x64xf32>
    %rsqrt3A_1984 = math.rsqrt %add3A_1983 : vector<128x64xf32>
    %get3A_1985 = arith.constant 0 : index
    %get3A_1986 = arith.constant 0 : index
    %get3A_1987 = vector.load %arg18[%get3A_1985, %get3A_1986] : memref<32x64xf32, #tpu.memory_space<vmem>>, vector<32x64xf32>
    %dot_general3A_1988 = arith.constant dense<0.000000e+00> : vector<128x64xf32>
    %dot_general3A_1989 = tpu.matmul %add3A_1967, %get3A_1987, %dot_general3A_1988 {dimension_numbers = #tpu.dot_dimension_numbers<[1], [0], [0], [1], [0, 0, 1, 1], [], []>, transpose_lhs_hint = false} : vector<128x32xf32>, vector<32x64xf32>, vector<128x64xf32> -> vector<128x64xf32>
    %get3A_1990 = arith.constant 0 : index
    %get3A_1991 = arith.constant 0 : index
    %get3A_1992 = vector.load %arg19[%get3A_1990, %get3A_1991] : memref<1x64xf32, #tpu.memory_space<vmem>>, vector<1x64xf32>
    %mul3A_1993 = vector.broadcast %get3A_1992 : vector<1x64xf32> to vector<128x64xf32>
    %mul3A_1994 = arith.mulf %dot_general3A_1972, %mul3A_1993 : vector<128x64xf32>
    %sub3A_1995 = arith.subf %dot_general3A_1989, %mul3A_1994 : vector<128x64xf32>
    %mul3A_1996 = arith.mulf %rsqrt3A_1984, %sub3A_1995 : vector<128x64xf32>
    %get3A_1997 = arith.constant 0 : index
    %get3A_1998 = arith.constant 0 : index
    %get3A_1999 = vector.load %arg20[%get3A_1997, %get3A_1998] : memref<1x64xf32, #tpu.memory_space<vmem>>, vector<1x64xf32>
    %mul3A_2000 = vector.broadcast %sqrt3A_1841 : vector<128x1xf32> to vector<128x64xf32>
    %mul3A_2001 = vector.broadcast %get3A_1999 : vector<1x64xf32> to vector<128x64xf32>
    %mul3A_2002 = arith.mulf %mul3A_2000, %mul3A_2001 : vector<128x64xf32>
    %add3A_2003 = arith.addf %mul3A_1996, %mul3A_2002 : vector<128x64xf32>
    %get3A_2004 = arith.constant 0 : index
    %get3A_2005 = arith.constant 0 : index
    %get3A_2006 = vector.load %arg21[%get3A_2004, %get3A_2005] : memref<1x64xf32, #tpu.memory_space<vmem>>, vector<1x64xf32>
    %add3A_2007 = vector.broadcast %get3A_2006 : vector<1x64xf32> to vector<128x64xf32>
    %add3A_2008 = arith.addf %add3A_2003, %add3A_2007 : vector<128x64xf32>
    %get3A_2009 = arith.constant 7 : index
    %get3A_2010 = arith.constant 0 : index
    %get3A_2011 = vector.load %arg6[%get3A_2009, %get3A_2010] : memref<8x64xf32, #tpu.memory_space<vmem>>, vector<1x64xf32>
    %add3A_2012 = vector.broadcast %get3A_2011 : vector<1x64xf32> to vector<128x64xf32>
    %add3A_2013 = arith.addf %add3A_2008, %add3A_2012 : vector<128x64xf32>
    %add3A_2014 = arith.addf %add3A_2013, %dot_general3A_1828 : vector<128x64xf32>
    %max3A_2015 = arith.constant 0.000000e+00 : f32
    %max3A_2016 = vector.broadcast %max3A_2015 : f32 to vector<128x64xf32>
    %max3A_2017 = arith.maximumf %add3A_2014, %max3A_2016 : vector<128x64xf32>
    %get3A_2018 = arith.constant 0 : index
    %get3A_2019 = arith.constant 0 : index
    %get3A_2020 = vector.load %arg23[%get3A_2018, %get3A_2019] : memref<64x40xf32, #tpu.memory_space<vmem>>, vector<64x40xf32>
    %dot_general3A_2021 = arith.constant dense<0.000000e+00> : vector<128x40xf32>
    %dot_general3A_2022 = tpu.matmul %max3A_2017, %get3A_2020, %dot_general3A_2021 {dimension_numbers = #tpu.dot_dimension_numbers<[1], [0], [0], [1], [0, 0, 1, 1], [], []>, transpose_lhs_hint = false} : vector<128x64xf32>, vector<64x40xf32>, vector<128x40xf32> -> vector<128x40xf32>
    %get3A_2023 = arith.constant 0 : index
    %get3A_2024 = arith.constant 0 : index
    %get3A_2025 = vector.load %arg24[%get3A_2023, %get3A_2024] : memref<1x40xf32, #tpu.memory_space<vmem>>, vector<1x40xf32>
    %add3A_2026 = vector.broadcast %get3A_2025 : vector<1x40xf32> to vector<128x40xf32>
    %add3A_2027 = arith.addf %dot_general3A_2022, %add3A_2026 : vector<128x40xf32>
    %get3A_2028 = arith.constant 7 : index
    %get3A_2029 = arith.constant 0 : index
    %get3A_2030 = arith.constant 0 : index
    %get3A_2031 = vector.load %arg7[%get3A_2028, %get3A_2029, %get3A_2030] : memref<8x3x3xf32, #tpu.memory_space<vmem>>, vector<1x3x3xf32>
    %get3A_2032 = vector.shape_cast %get3A_2031 : vector<1x3x3xf32> to vector<3x3xf32>
    %slice3A_2033 = vector.extract_strided_slice %add3A_2027 {offsets = [0, 32], sizes = [128, 1], strides = [1, 1]} : vector<128x40xf32> to vector<128x1xf32>
    %mul3A_2034 = vector.broadcast %slice3A_2033 : vector<128x1xf32> to vector<128x3xf32>
    %mul3A_2035 = arith.mulf %mul3A_2034, %div3A_1846 : vector<128x3xf32>
    %slice3A_2036 = vector.extract_strided_slice %add3A_2027 {offsets = [0, 33], sizes = [128, 3], strides = [1, 1]} : vector<128x40xf32> to vector<128x3xf32>
    %dot_general3A_2037 = arith.constant dense<0.000000e+00> : vector<128x3xf32>
    %dot_general3A_2038 = tpu.matmul %slice3A_2036, %get3A_2032, %dot_general3A_2037 {dimension_numbers = #tpu.dot_dimension_numbers<[1], [0], [0], [1], [0, 0, 1, 1], [], []>, transpose_lhs_hint = false} : vector<128x3xf32>, vector<3x3xf32>, vector<128x3xf32> -> vector<128x3xf32>
    %add3A_2039 = arith.addf %mul3A_2035, %dot_general3A_2038 : vector<128x3xf32>
    %slice3A_2040 = vector.extract_strided_slice %add3A_2027 {offsets = [0, 36], sizes = [128, 1], strides = [1, 1]} : vector<128x40xf32> to vector<128x1xf32>
    %mul3A_2041 = vector.broadcast %slice3A_2040 : vector<128x1xf32> to vector<128x3xf32>
    %mul3A_2042 = arith.mulf %mul3A_2041, %div3A_1846 : vector<128x3xf32>
    %slice3A_2043 = vector.extract_strided_slice %add3A_2027 {offsets = [0, 37], sizes = [128, 3], strides = [1, 1]} : vector<128x40xf32> to vector<128x3xf32>
    %dot_general3A_2044 = arith.constant dense<0.000000e+00> : vector<128x3xf32>
    %dot_general3A_2045 = tpu.matmul %slice3A_2043, %get3A_2032, %dot_general3A_2044 {dimension_numbers = #tpu.dot_dimension_numbers<[1], [0], [0], [1], [0, 0, 1, 1], [], []>, transpose_lhs_hint = false} : vector<128x3xf32>, vector<3x3xf32>, vector<128x3xf32> -> vector<128x3xf32>
    %add3A_2046 = arith.addf %mul3A_2042, %dot_general3A_2045 : vector<128x3xf32>
    %slice3A_2047 = vector.extract_strided_slice %add3A_2027 {offsets = [0, 0], sizes = [128, 32], strides = [1, 1]} : vector<128x40xf32> to vector<128x32xf32>
    %concatenate3A_2048 = tpu.concatenate %slice3A_2047, %add3A_2039, %add3A_2046 in 1 : vector<128x32xf32>, vector<128x3xf32>, vector<128x3xf32> -> vector<128x38xf32>
    %dot_general3A_2049 = arith.constant dense<0.000000e+00> : vector<512x38xf32>
    %dot_general3A_2050 = tpu.matmul %select_n3A_1815, %concatenate3A_2048, %dot_general3A_2049 {dimension_numbers = #tpu.dot_dimension_numbers<[0], [0], [1], [1], [0, 1, 1, 1], [], []>, transpose_lhs_hint = false} : vector<128x512xf32>, vector<128x38xf32>, vector<512x38xf32> -> vector<512x38xf32>
    %add3A_2051 = arith.addf %add3A_1793, %dot_general3A_2050 : vector<512x38xf32>
    %get3A_2052 = arith.constant 0 : index
    %get3A_2053 = arith.constant 0 : index
    %get3A_2054 = vector.load %arg27[%get3A_2052, %get3A_2053] : memref<512x38xf32, #tpu.memory_space<vmem>>, vector<512x38xf32>
    %add3A_2055 = arith.addf %get3A_2054, %add3A_2051 : vector<512x38xf32>
    %swap3A = arith.constant 0 : index
    %swap3A_2056 = arith.constant 0 : index
    %swap3A_2057 = vector.load %arg27[%swap3A, %swap3A_2056] : memref<512x38xf32, #tpu.memory_space<vmem>>, vector<512x38xf32>
    tpu.vector_store %arg27[%swap3A, %swap3A_2056], %add3A_2055 {strides = array<i32>} : memref<512x38xf32, #tpu.memory_space<vmem>>, vector<512x38xf32>,
    return
  }
  func.func @transform_0(%arg0: i32) -> (i32, i32) {
    %c0_i32 = arith.constant 0 : i32
    %c0_i32_0 = arith.constant 0 : i32
    return %arg0, %c0_i32 : i32, i32
  }
  func.func @transform_1(%arg0: i32) -> (i32, i32, i32) {
    %c0_i32 = arith.constant 0 : i32
    %c0_i32_0 = arith.constant 0 : i32
    %c0_i32_1 = arith.constant 0 : i32
    return %arg0, %c0_i32, %c0_i32_0 : i32, i32, i32
  }
  func.func @transform_2(%arg0: i32) -> (i32, i32) {
    %c0_i32 = arith.constant 0 : i32
    %c0_i32_0 = arith.constant 0 : i32
    %c0_i32_1 = arith.constant 0 : i32
    return %c0_i32, %c0_i32_0 : i32, i32
  }
  func.func @transform_3(%arg0: i32) -> (i32, i32) {
    %c0_i32 = arith.constant 0 : i32
    %c0_i32_0 = arith.constant 0 : i32
    return %arg0, %c0_i32 : i32, i32
  }
  func.func @transform_4(%arg0: i32) -> (i32, i32, i32) {
    %c0_i32 = arith.constant 0 : i32
    %c0_i32_0 = arith.constant 0 : i32
    %c0_i32_1 = arith.constant 0 : i32
    return %arg0, %c0_i32, %c0_i32_0 : i32, i32, i32
  }
  func.func @transform_5(%arg0: i32) -> (i32, i32) {
    %c0_i32 = arith.constant 0 : i32
    %c0_i32_0 = arith.constant 0 : i32
    return %arg0, %c0_i32 : i32, i32
  }
  func.func @transform_6(%arg0: i32) -> (i32, i32, i32) {
    %c0_i32 = arith.constant 0 : i32
    %c0_i32_0 = arith.constant 0 : i32
    %c0_i32_1 = arith.constant 0 : i32
    return %arg0, %c0_i32, %c0_i32_0 : i32, i32, i32
  }
  func.func @transform_7(%arg0: i32) -> (i32, i32) {
    %c0_i32 = arith.constant 0 : i32
    %c0_i32_0 = arith.constant 0 : i32
    %c0_i32_1 = arith.constant 0 : i32
    return %c0_i32, %c0_i32_0 : i32, i32
  }
  func.func @transform_8(%arg0: i32) -> (i32, i32) {
    %c0_i32 = arith.constant 0 : i32
    %c0_i32_0 = arith.constant 0 : i32
    %c0_i32_1 = arith.constant 0 : i32
    return %c0_i32, %c0_i32_0 : i32, i32
  }
  func.func @transform_9(%arg0: i32) -> (i32, i32) {
    %c0_i32 = arith.constant 0 : i32
    %c0_i32_0 = arith.constant 0 : i32
    %c0_i32_1 = arith.constant 0 : i32
    return %c0_i32, %c0_i32_0 : i32, i32
  }
  func.func @transform_10(%arg0: i32) -> (i32, i32) {
    %c0_i32 = arith.constant 0 : i32
    %c0_i32_0 = arith.constant 0 : i32
    %c0_i32_1 = arith.constant 0 : i32
    return %c0_i32, %c0_i32_0 : i32, i32
  }
  func.func @transform_11(%arg0: i32) -> (i32, i32) {
    %c0_i32 = arith.constant 0 : i32
    %c0_i32_0 = arith.constant 0 : i32
    %c0_i32_1 = arith.constant 0 : i32
    return %c0_i32, %c0_i32_0 : i32, i32
  }
  func.func @transform_12(%arg0: i32) -> (i32, i32) {
    %c0_i32 = arith.constant 0 : i32
    %c0_i32_0 = arith.constant 0 : i32
    %c0_i32_1 = arith.constant 0 : i32
    return %c0_i32, %c0_i32_0 : i32, i32
  }
  func.func @transform_13(%arg0: i32) -> (i32, i32) {
    %c0_i32 = arith.constant 0 : i32
    %c0_i32_0 = arith.constant 0 : i32
    %c0_i32_1 = arith.constant 0 : i32
    return %c0_i32, %c0_i32_0 : i32, i32
  }
  func.func @transform_14(%arg0: i32) -> (i32, i32) {
    %c0_i32 = arith.constant 0 : i32
    %c0_i32_0 = arith.constant 0 : i32
    %c0_i32_1 = arith.constant 0 : i32
    return %c0_i32, %c0_i32_0 : i32, i32
  }
  func.func @transform_15(%arg0: i32) -> (i32, i32) {
    %c0_i32 = arith.constant 0 : i32
    %c0_i32_0 = arith.constant 0 : i32
    %c0_i32_1 = arith.constant 0 : i32
    return %c0_i32, %c0_i32_0 : i32, i32
  }
  func.func @transform_16(%arg0: i32) -> (i32, i32) {
    %c0_i32 = arith.constant 0 : i32
    %c0_i32_0 = arith.constant 0 : i32
    %c0_i32_1 = arith.constant 0 : i32
    return %c0_i32, %c0_i32_0 : i32, i32
  }
  func.func @transform_17(%arg0: i32) -> (i32, i32) {
    %c0_i32 = arith.constant 0 : i32
    %c0_i32_0 = arith.constant 0 : i32
    %c0_i32_1 = arith.constant 0 : i32
    return %c0_i32, %c0_i32_0 : i32, i32
  }
  func.func @transform_18(%arg0: i32) -> (i32, i32) {
    %c0_i32 = arith.constant 0 : i32
    %c0_i32_0 = arith.constant 0 : i32
    %c0_i32_1 = arith.constant 0 : i32
    return %c0_i32, %c0_i32_0 : i32, i32
  }
  func.func @transform_19(%arg0: i32) -> (i32, i32) {
    %c0_i32 = arith.constant 0 : i32
    %c0_i32_0 = arith.constant 0 : i32
    %c0_i32_1 = arith.constant 0 : i32
    return %c0_i32, %c0_i32_0 : i32, i32
  }
  func.func @transform_20(%arg0: i32) -> (i32, i32) {
    %c0_i32 = arith.constant 0 : i32
    %c0_i32_0 = arith.constant 0 : i32
    %c0_i32_1 = arith.constant 0 : i32
    return %c0_i32, %c0_i32_0 : i32, i32
  }
  func.func @transform_21(%arg0: i32) -> (i32, i32) {
    %c0_i32 = arith.constant 0 : i32
    %c0_i32_0 = arith.constant 0 : i32
    %c0_i32_1 = arith.constant 0 : i32
    return %c0_i32, %c0_i32_0 : i32, i32
  }
  func.func @transform_22(%arg0: i32) -> (i32, i32) {
    %c0_i32 = arith.constant 0 : i32
    %c0_i32_0 = arith.constant 0 : i32
    %c0_i32_1 = arith.constant 0 : i32
    return %c0_i32, %c0_i32_0 : i32, i32
  }
  func.func @transform_23(%arg0: i32) -> (i32, i32) {
    %c0_i32 = arith.constant 0 : i32
    %c0_i32_0 = arith.constant 0 : i32
    %c0_i32_1 = arith.constant 0 : i32
    return %c0_i32, %c0_i32_0 : i32, i32
  }
  func.func @transform_24(%arg0: i32) -> (i32, i32) {
    %c0_i32 = arith.constant 0 : i32
    %c0_i32_0 = arith.constant 0 : i32
    %c0_i32_1 = arith.constant 0 : i32
    return %c0_i32, %c0_i32_0 : i32, i32
  }
  func.func @transform_25(%arg0: i32) -> (i32, i32) {
    %c0_i32 = arith.constant 0 : i32
    %c0_i32_0 = arith.constant 0 : i32
    %c0_i32_1 = arith.constant 0 : i32
    return %c0_i32, %c0_i32_0 : i32, i32
  }
  func.func @transform_26(%arg0: i32) -> (i32, i32) {
    %c0_i32 = arith.constant 0 : i32
    %c0_i32_0 = arith.constant 0 : i32
    %c0_i32_1 = arith.constant 0 : i32
    return %c0_i32, %c0_i32_0 : i32, i32
  }
}

</mosaic_0001>

<sc_bundles>
// kernel: kernel.6.cloned.1.call-start
scs
__scs_entry_jumppad:
0x0: {  	(pc) =	sbr.rel $0x88, $3  }
0x1: {  	(tag) =	ssettag $0x0;
	lr =	simm.s32 $0x1  }
0x2: {  	[smem:$0x3F84] =	sst lr;
	_ =	strace $0xD0000000  }
0x3: {  	_ = 	snop  }
0x4: {  	_ = 	snop  }
0x5: {  	_ = 	snop  }
0x6: {  	_ = 	snop  }
0x7: {  	_ = 	snop  }
__scs_overlays_trampoline_lowered:
0x8: {  	[smem:$0x3F93] =	sst s0  }
0x9: {  	[smem:$0x3F94] =	sst s1  }
0xa: {  	[smem:$0x3F95] =	sst s2  }
0xb: {  	[smem:$0x3F96] =	sst s3  }
0xc: {  	[smem:$0x3F97] =	sst s4  }
0xd: {  	[smem:$0x3F98] =	sst s5  }
0xe: {  	[smem:$0x3F99] =	sst s6  }
0xf: {  	[smem:$0x3F9A] =	sst s7  }
0x10: {  	[smem:$0x3F9B] =	sst s8  }
0x11: {  	[smem:$0x3F9C] =	sst s9;
	s0 =	simm.s32 @!p0 $0x0  }
0x12: {  	s1 =	sld [smem:$0x3F82];
	s0 =	simm.s32 @p0 $0x1  }
0x13: {  	[smem:$0x3F9D] =	sst s0;
	s0 =	simm.s32 @!p1 $0x0  }
0x14: {  	s2 =	sld [smem:$0x3F81];
	s0 =	simm.s32 @p1 $0x1  }
0x15: {  	[smem:$0x3F9E] =	sst s0;
	s0 =	simm.s32 @!p2 $0x0  }
0x16: {  	s3 =	sld [smem:$0x3FDB];
	s0 =	simm.s32 @p2 $0x1  }
0x17: {  	s4 =	simm.s32 $0x1BF5;
	[smem:$0x3FA0] =	sst s0  }
0x18: {  	s0 =	sld [smem:$0x3F83];
	_ =	swait.ge [sflag:s4], $0x0  }
0x19: {  	s7 =	sld [smem:$0x3F84]  }
0x1a: {  	s8 =	sadd.s32 $0xFFFFE003, lr  }
0x1b: {  	s9 =	sadd.s32 $0xFFFFFEF7, lr;
	s5 =	simm.s32 $0xFFFFFFFF;
	p2 =	slt.u32 s8, $0xFFFFF086  }
0x1c: {  	p1 =	slt.u32 s9, $0xF7A;
	s5 =	simm.s32 @!p2 $0x0  }
0x1d: {  	s5 =	simm.s32 @p1 $0x1;
	p0 =	seq.s32 s7, s2  }
0x1e: {  	s7 =	smul.u32 @!p0 $0xF7A, s2;
	p2 =	seq.s32 @!p0 s5, $0x0  }
0x1f: {  	s9 =	smul.u32 $0xF7A, s1;
	s8 =	simm.s32 @!p0 $0x1BF5;
	p2 =	por !p2, p0  }
0x20: {  	[sflag:s8] =	ssyncset.s32 @!p0 $0xFFFFF086;
	s6 =	sadd.s32 @!p0 s3, s7;
	s7 =	simm.s32 @!p0 $0x108  }
0x21: {  	s3 =	sadd.s32 s3, s9;
	s6 =	sadd.s32 @!p0 $0x88, s6;
	s7 =	simm.s32 @p2 $0x1082  }
0x22: {  	[simem:s7], [sflag:s8] =	dma.local @!p0 [hbm:s6], $0xF7A  }
0x23: {  	s9 =	sor.u32 $0xD0000000, s2;
	s6 =	simm.s32 $0x108;
	_ =	swait.ge @!p0 [sflag:s8], $0x0  }
0x24: {  	s3 =	sadd.s32 $0x88, s3;
	s6 =	simm.s32 @!p1 $0x1082;
	[sflag:s4] =	ssyncset.s32 $0xFFFFF086  }
0x25: {  	[simem:s6], [sflag:s4] =	dma.local [hbm:s3], $0xF7A  }
0x26: {  	[smem:$0x3F84] =	sst s1;
	(tag) =	ssettag s2;
	_ =	strace s9  }
0x27: {  	s1 =	sld [smem:$0x3F94]  }
0x28: {  	s2 =	sld [smem:$0x3F95]  }
0x29: {  	s4 =	sld [smem:$0x3F97]  }
0x2a: {  	p0 =	seq.s32 s5, $0x0;
	s5 =	sld [smem:$0x3F98]  }
0x2b: {  	s6 =	sld [smem:$0x3F99]  }
0x2c: {  	s7 =	sld [smem:$0x3F9A]  }
0x2d: {  	s3 =	simm.s32 $0x108;
	s8 =	sld [smem:$0x3F9B]  }
0x2e: {  	s3 =	simm.s32 @!p0 $0x1082;
	s9 =	sld [smem:$0x3F9C]  }
0x2f: {  	lr =	sadd.s32 s0, s3;
	s0 =	sld [smem:$0x3F93]  }
0x30: {  	s3 =	sld [smem:$0x3F96]  }
0x31: {  	[smem:$0x3F9F] =	sst s10  }
0x32: {  	s10 =	sld [smem:$0x3F9D];
	_ =	sdelay $0x3  }
0x33: {  	p0 =	seq.s32 s10, $0x1;
	s10 =	sld [smem:$0x3F9F];
	_ =	sdelay $0x3  }
0x34: {  	[smem:$0x3F9F] =	sst s10  }
0x35: {  	s10 =	sld [smem:$0x3F9E];
	_ =	sdelay $0x3  }
0x36: {  	p1 =	seq.s32 s10, $0x1;
	s10 =	sld [smem:$0x3F9F];
	_ =	sdelay $0x3  }
0x37: {  	[smem:$0x3F9F] =	sst s10  }
0x38: {  	s10 =	sld [smem:$0x3FA0]  }
0x39: {  	_ = 	snop;
	(pc) =	sbr.ind lr, $3  }
0x3a: {  	_ = 	snop  }
0x3b: {  	_ = 	snop  }
0x3c: {  	p2 =	seq.s32 s10, $0x1;
	s10 =	sld [smem:$0x3F9F]  }
0x3d: {  	_ =	shalt  }
0x3e: {  	_ =	shalt  }
0x3f: {  	_ =	shalt  }
0x40: {  	_ =	shalt  }
0x41: {  	_ =	shalt  }
0x42: {  	_ =	shalt  }
0x43: {  	_ =	shalt  }
0x44: {  	_ =	shalt  }
0x45: {  	_ =	shalt  }
0x46: {  	_ =	shalt  }
0x47: {  	_ =	shalt  }
0x48: {  	_ =	shalt  }
0x49: {  	_ =	shalt  }
0x4a: {  	_ =	shalt  }
0x4b: {  	_ =	shalt  }
0x4c: {  	_ =	shalt  }
0x4d: {  	_ =	shalt  }
0x4e: {  	_ =	shalt  }
0x4f: {  	_ =	shalt  }
0x50: {  	_ =	shalt  }
0x51: {  	_ =	shalt  }
0x52: {  	_ =	shalt  }
0x53: {  	_ =	shalt  }
0x54: {  	_ =	shalt  }
0x55: {  	_ =	shalt  }
0x56: {  	_ =	shalt  }
0x57: {  	_ =	shalt  }
0x58: {  	_ =	shalt  }
0x59: {  	_ =	shalt  }
0x5a: {  	_ =	shalt  }
0x5b: {  	_ =	shalt  }
0x5c: {  	_ =	shalt  }
0x5d: {  	_ =	shalt  }
0x5e: {  	_ =	shalt  }
0x5f: {  	_ =	shalt  }
0x60: {  	_ =	shalt  }
0x61: {  	_ =	shalt  }
0x62: {  	_ =	shalt  }
0x63: {  	_ =	shalt  }
0x64: {  	_ =	shalt  }
0x65: {  	_ =	shalt  }
0x66: {  	_ =	shalt  }
0x67: {  	_ =	shalt  }
0x68: {  	_ =	shalt  }
0x69: {  	_ =	shalt  }
0x6a: {  	_ =	shalt  }
0x6b: {  	_ =	shalt  }
0x6c: {  	_ =	shalt  }
0x6d: {  	_ =	shalt  }
0x6e: {  	_ =	shalt  }
0x6f: {  	_ =	shalt  }
0x70: {  	_ =	shalt  }
0x71: {  	_ =	shalt  }
0x72: {  	_ =	shalt  }
0x73: {  	_ =	shalt  }
0x74: {  	_ =	shalt  }
0x75: {  	_ =	shalt  }
0x76: {  	_ =	shalt  }
0x77: {  	_ =	shalt  }
0x78: {  	_ =	shalt  }
0x79: {  	_ =	shalt  }
0x7a: {  	_ =	shalt  }
0x7b: {  	_ =	shalt  }
0x7c: {  	_ =	shalt  }
0x7d: {  	_ =	shalt  }
0x7e: {  	_ =	shalt  }
0x7f: {  	_ =	shalt  }
0x80: {  	_ =	shalt  }
0x81: {  	_ =	shalt  }
0x82: {  	_ =	shalt  }
0x83: {  	_ =	shalt  }
0x84: {  	_ =	shalt  }
0x85: {  	_ =	shalt  }
0x86: {  	_ =	shalt  }
0x87: {  	_ =	shalt  }
.Lfunc_end0:
.L_simem_size_0:
called_computation_lowered:
.L_overlay_start_0:
0x88: {  	s2 =	sld [smem:$0x3FD9]  }
0x89: {  	s3 =	sld [smem:$0x3FFE];
	_ =	sdelay $0x1  }
0x8a: {  	s1 =	srdreg.scid  }
0x8b: {  	s0 =	sand.u32 $0x1, s1  }
0x8c: {  	s17 =	sshll.u32 s0, $0xA;
	s2 =	sadd.s32 s3, s2  }
0x8d: {  	s2 =	sadd.s32 s2, s17  }
0x8e: {  	[smem:$0x3FAB] =	sst s2  }
0x8f: {  	_ = 	snop  }
0x90: {  	s2 =	sld [smem:$0x3FC8];
	(tm) =	ssettm $0x1  }
0x91: {  	s18 =	sld [smem:$0x3FFB];
	_ =	sdelay $0x3  }
0x92: {  	_ =	strace s18  }
0x93: {  	s3 =	sld [smem:$0x3FFC];
	_ =	sdelay $0x3  }
0x94: {  	_ =	strace s3  }
0x95: {  	s3 =	sld [smem:$0x3FFD];
	_ =	sdelay $0x3  }
0x96: {  	_ =	strace s3  }
0x97: {  	_ =	strace $0x8FFFFFFF  }
0x98: {  	s19 =	sld [smem:$0x3FDB];
	_ =	sdelay $0x1  }
0x99: {  	s4 =	simm.s32 $_scs_section_size  }
0x9a: {  	s5 =	simm.s32 $_size__tile_overlayer_lowered;
	s6 =	simm.s32 $_tile_overlayer_lowered  }
0x9b: {  	s22 =	simm.s32 $0x1BFF;
	s21 =	sshll.u32 s6, $0x1;
	s3 =	sadd.s32 s4, s19  }
0x9c: {  	s7 =	simm.s32 $0x0;
	s20 =	sshll.u32 s5, $0x1;
	s5 =	sadd.s32 s21, s3  }
0x9d: {  	[timem:s7], [sflag:s22] =	dma.local [hbm:s5], s20  }
0x9e: {  	_ =	swait.ge [sflag:s22], s20  }
0x9f: {  	s4 =	ssub.s32 $0x0, s20;
	[sflag:s22] =	ssyncset.done $0x0  }
0xa0: {  	[sflag:s22] =	ssyncadd.s32 s4;
	_ =	sdelay $0x1  }
0xa1: {  	s23 =	simm.s32 $0x1B8B  }
0xa2: {  	_ =	swait.ge [sflag:s23], $0x1  }
0xa3: {  	[sflag:s23] =	ssyncset.done $0x0  }
0xa4: {  	s25 =	simm.s32 $0x1B8E;
	s24 =	sld [smem:$0x3FFE];
	[sflag:s23] =	ssyncadd.s32 $0xFFFFFFFF  }
0xa5: {  	s26 =	simm.s32 $execute0_lowered;
	[smem:$0x3FD2] =	sst s25  }
0xa6: {  	s5 =	sshll.u32 s26, $0x1;
	_ =	strace $0x80000046;
	[dreg:$0x1] =	wrdreg $0xFFFFFFFF  }
0xa7: {  	s28 =	simm.s32 $_size_execute0_lowered;
	s3 =	sadd.s32 s3, s5;
	[dreg:$0x0] =	wrdreg $0x0  }
0xa8: {  	s5 =	sshll.u32 s28, $0x1;
	[dreg:$0x2] =	wrdreg s3  }
0xa9: {  	[dreg:$0x3] =	wrdreg s5  }
0xaa: {  	[dreg:$0x4] =	wrdreg $0xC0  }
0xab: {  	_ =	task [dreg:s7], $0x5FFFF  }
0xac: {  	[dreg:$0x1] =	wrdreg $0xFFFFFFFF  }
0xad: {  	[dreg:$0x0] =	wrdreg $0x60  }
0xae: {  	[dreg:$0x2] =	wrdreg s24  }
0xaf: {  	[dreg:$0x3] =	wrdreg s2  }
0xb0: {  	[dreg:$0x4] =	wrdreg $0x9  }
0xb1: {  	_ =	task.clear_ibuf [dreg:s7], $0x5FFFF;
	_ =	strace $0x90000046  }
0xb2: {  	s29 =	simm.s32 $0x9;
	_ =	strace $0x80000048  }
0xb3: {  	_ =	swait.ge [sflag:s29], $0x1  }
0xb4: {  	[sflag:s29] =	ssyncadd.s32 $0xFFFFFFFF  }
0xb5: {  	_ =	strace $0x90000048  }
0xb6: {  	_ =	sfence  }
0xb7: {  	s30 =	sld [smem:$0x0];
	_ =	sdelay $0x2  }
0xb8: {  	s31 =	sshll.u32 s1, $0xD;
	s1 =	sshrl.u32 s1, $0x2  }
0xb9: {  	s3 =	sand.u32 $0x4000, s31;
	s1 =	sadd.s32 s1, s30  }
0xba: {  	s0 =	sor.u32 s3, s0;
	s1 =	sshll.u32 s1, $0x11  }
0xbb: {  	s0 =	sor.u32 s1, s0  }
0xbc: {  	s0 =	sadd.s32 $0x8F2B, s0  }
0xbd: {  	[sflag:s0] =	ssyncadd.remote.s32 $0x1  }
0xbe: {  	_ =	sfence.sel $0xFFFF  }
0xbf: {  	[dreg:$0x0] =	wrdreg $0xFFFFFFFF;
	(pc) =	sbr.abs _section_cstart, $3  }
0xc0: {  	[dreg:$0x1] =	wrdreg $0xFFFFFFFF  }
0xc1: {  	_ =	task.clear_ibuf [dreg:s7], $0x2FFFF;
	_ =	strace $0x9FFFFFFF  }
0xc2: {  	(tm) =	ssettm $0x7FFFFFFF  }
0xc3: {  	_ =	shalt  }
tec
execute0_lowered:
.L_overlay_start_1:
0x0: {  	(tag) =	ssettag $0x1  }
0x1: {  	s1 =	srdreg.scid;
	s0 =	stileid.u32  }
0x2: {  	s5 =	rddreg [dreg:$0x0];
	s1 =	sand.u32 $0x1, s1;
	s4 =	sshll.u32 s0, $0x1  }
0x3: {  	s2 =	rddreg [dreg:$0x1];
	s3 =	simm.s32 $0x0;
	s30 =	sor.u32 s1, s4  }
0x4: {  	[smem:$0x7FF] =	sst s3;
	s29 =	sadd.s32 $0x6200, s5;
	s4 =	sshll.u32 s30, $0x8  }
0x5: {  	s31 =	sadd.s32 $0xE200, s5;
	[dreg:$0xe] =	wrdreg s1;
	s4 =	sadd.s32 s29, s4  }
0x6: {  	_ =	strace $0x80000047;
	s6 =	sshll.u32 s30, $0xF;
	s9 =	sadd.s32 $0x10, s4  }
0x7: {  	[tilespmem:s3], [sflag:$0x3] =	stream.linear.gather [hbm4b:s4+s3], $0x80, $0x38;
	[tilespmem:$0x8100] =	vst v63  }
0x8: {  	s5 =	sadd.s32 s31, s6;
	s10 =	sadd.s32 $0x20, s4;
	[dreg:$0x3] =	wrdreg s9  }
0x9: {  	s11 =	sadd.s32 $0x800, s5;
	[dreg:$0x4] =	wrdreg s10  }
0xa: {  	s12 =	sadd.s32 $0x30, s4;
	[dreg:$0x5] =	wrdreg s11  }
0xb: {  	s13 =	sadd.s32 $0x1000, s5;
	[dreg:$0x6] =	wrdreg s12  }
0xc: {  	s14 =	sadd.s32 $0x40, s4;
	[dreg:$0x7] =	wrdreg s13  }
0xd: {  	s15 =	sadd.s32 $0x1800, s5;
	[dreg:$0x8] =	wrdreg s14  }
0xe: {  	s16 =	sadd.s32 $0x50, s4;
	[dreg:$0x9] =	wrdreg s15  }
0xf: {  	s17 =	sadd.s32 $0x2000, s5;
	[dreg:$0xa] =	wrdreg s16  }
0x10: {  	s18 =	sadd.s32 $0x60, s4;
	[dreg:$0xb] =	wrdreg s17  }
0x11: {  	s19 =	sadd.s32 $0x2800, s5;
	[dreg:$0xc] =	wrdreg s18  }
0x12: {  	s6 =	simm.s32 $0x3;
	[dreg:$0xd] =	wrdreg s19  }
0x13: {  	_ =	swait.ge [sflag:s6], $0x80  }
0x14: {  	[sflag:s6] =	ssyncset.done $0x0  }
0x15: {  	s7 =	simm.s32 $0x80;
	s8 =	simm.s32 $0x100;
	[sflag:s6] =	ssyncadd.s32 $0xFFFFFF80  }
0x16: {  	[tilespmem:s8], [sflag:$0x1] =	stream.indirect.gather [hbm4b:s2+s7], $0x80, s3, s7, $0xb8;
	[tilespmem:$0x8100] =	vst v63  }
0x17: {  	s9 =	rddreg [dreg:$0x3]  }
0x18: {  	[tilespmem:s7], [sflag:$0x3] =	stream.linear.gather [hbm4b:s9+s3], $0x80, $0x38;
	[tilespmem:$0x8100] =	vst v63  }
0x19: {  	_ =	swait.ge [sflag:s6], $0x80  }
0x1a: {  	[sflag:s6] =	ssyncset.done $0x0  }
0x1b: {  	s10 =	simm.s32 $0x1;
	s9 =	simm.s32 $0x4100;
	[sflag:s6] =	ssyncadd.s32 $0xFFFFFF80  }
0x1c: {  	[tilespmem:s9], [sflag:$0x2] =	stream.indirect.gather [hbm4b:s2+s7], $0x80, s7, s7, $0xb8;
	[tilespmem:$0x8100] =	vst v63  }
0x1d: {  	_ =	swait.ge [sflag:s10], $0x4000  }
0x1e: {  	[sflag:s10] =	ssyncset.done $0x0  }
0x1f: {  	[sflag:s10] =	ssyncadd.s32 $0xFFFFC000  }
0x20: {  	[hbm4b:s5+s3] =	stream.linear.scatter [tilespmem:s8], [sflag:$0x3], $0x4000, $0x38;
	[tilespmem:$0x8100] =	vst v63  }
0x21: {  	_ =	swait.ge [sflag:s6], $0x4000  }
0x22: {  	[sflag:s6] =	ssyncset.done $0x0  }
0x23: {  	s11 =	rddreg [dreg:$0x4];
	[sflag:s6] =	ssyncadd.s32 $0xFFFFC000  }
0x24: {  	[tilespmem:s3], [sflag:$0x3] =	stream.linear.gather [hbm4b:s11+s3], $0x80, $0x38;
	[tilespmem:$0x8100] =	vst v63  }
0x25: {  	_ =	swait.ge [sflag:s6], $0x80  }
0x26: {  	[sflag:s6] =	ssyncset.done $0x0  }
0x27: {  	s11 =	simm.s32 $0x2;
	[sflag:s6] =	ssyncadd.s32 $0xFFFFFF80  }
0x28: {  	[tilespmem:s8], [sflag:$0x1] =	stream.indirect.gather [hbm4b:s2+s7], $0x80, s3, s7, $0xb8;
	[tilespmem:$0x8100] =	vst v63  }
0x29: {  	_ =	swait.ge [sflag:s11], $0x4000  }
0x2a: {  	[sflag:s11] =	ssyncset.done $0x0  }
0x2b: {  	s12 =	rddreg [dreg:$0x5];
	[sflag:s11] =	ssyncadd.s32 $0xFFFFC000  }
0x2c: {  	[hbm4b:s12+s3] =	stream.linear.scatter [tilespmem:s9], [sflag:$0x3], $0x4000, $0x38;
	[tilespmem:$0x8100] =	vst v63  }
0x2d: {  	_ =	swait.ge [sflag:s6], $0x4000  }
0x2e: {  	[sflag:s6] =	ssyncset.done $0x0  }
0x2f: {  	s20 =	rddreg [dreg:$0x6];
	[sflag:s6] =	ssyncadd.s32 $0xFFFFC000  }
0x30: {  	[tilespmem:s7], [sflag:$0x3] =	stream.linear.gather [hbm4b:s20+s3], $0x80, $0x38;
	[tilespmem:$0x8100] =	vst v63  }
0x31: {  	_ =	swait.ge [sflag:s6], $0x80  }
0x32: {  	[sflag:s6] =	ssyncset.done $0x0  }
0x33: {  	[sflag:s6] =	ssyncadd.s32 $0xFFFFFF80  }
0x34: {  	[tilespmem:s9], [sflag:$0x2] =	stream.indirect.gather [hbm4b:s2+s7], $0x80, s7, s7, $0xb8;
	[tilespmem:$0x8100] =	vst v63  }
0x35: {  	_ =	swait.ge [sflag:s10], $0x4000  }
0x36: {  	[sflag:s10] =	ssyncset.done $0x0  }
0x37: {  	s21 =	rddreg [dreg:$0x7];
	[sflag:s10] =	ssyncadd.s32 $0xFFFFC000  }
0x38: {  	[hbm4b:s21+s3] =	stream.linear.scatter [tilespmem:s8], [sflag:$0x3], $0x4000, $0x38;
	[tilespmem:$0x8100] =	vst v63  }
0x39: {  	_ =	swait.ge [sflag:s6], $0x4000  }
0x3a: {  	[sflag:s6] =	ssyncset.done $0x0  }
0x3b: {  	s22 =	rddreg [dreg:$0x8];
	[sflag:s6] =	ssyncadd.s32 $0xFFFFC000  }
0x3c: {  	[tilespmem:s3], [sflag:$0x3] =	stream.linear.gather [hbm4b:s22+s3], $0x80, $0x38;
	[tilespmem:$0x8100] =	vst v63  }
0x3d: {  	_ =	swait.ge [sflag:s6], $0x80  }
0x3e: {  	[sflag:s6] =	ssyncset.done $0x0  }
0x3f: {  	[sflag:s6] =	ssyncadd.s32 $0xFFFFFF80  }
0x40: {  	[tilespmem:s8], [sflag:$0x1] =	stream.indirect.gather [hbm4b:s2+s7], $0x80, s3, s7, $0xb8;
	[tilespmem:$0x8100] =	vst v63  }
0x41: {  	_ =	swait.ge [sflag:s11], $0x4000  }
0x42: {  	[sflag:s11] =	ssyncset.done $0x0  }
0x43: {  	s23 =	rddreg [dreg:$0x9];
	[sflag:s11] =	ssyncadd.s32 $0xFFFFC000  }
0x44: {  	[hbm4b:s23+s3] =	stream.linear.scatter [tilespmem:s9], [sflag:$0x3], $0x4000, $0x38;
	[tilespmem:$0x8100] =	vst v63  }
0x45: {  	_ =	swait.ge [sflag:s6], $0x4000  }
0x46: {  	[sflag:s6] =	ssyncset.done $0x0  }
0x47: {  	s24 =	rddreg [dreg:$0xa];
	[sflag:s6] =	ssyncadd.s32 $0xFFFFC000  }
0x48: {  	[tilespmem:s7], [sflag:$0x3] =	stream.linear.gather [hbm4b:s24+s3], $0x80, $0x38;
	[tilespmem:$0x8100] =	vst v63  }
0x49: {  	_ =	swait.ge [sflag:s6], $0x80  }
0x4a: {  	[sflag:s6] =	ssyncset.done $0x0  }
0x4b: {  	[sflag:s6] =	ssyncadd.s32 $0xFFFFFF80  }
0x4c: {  	[tilespmem:s9], [sflag:$0x2] =	stream.indirect.gather [hbm4b:s2+s7], $0x80, s7, s7, $0xb8;
	[tilespmem:$0x8100] =	vst v63  }
0x4d: {  	_ =	swait.ge [sflag:s10], $0x4000  }
0x4e: {  	[sflag:s10] =	ssyncset.done $0x0  }
0x4f: {  	s25 =	rddreg [dreg:$0xb];
	[sflag:s10] =	ssyncadd.s32 $0xFFFFC000  }
0x50: {  	[hbm4b:s25+s3] =	stream.linear.scatter [tilespmem:s8], [sflag:$0x3], $0x4000, $0x38;
	[tilespmem:$0x8100] =	vst v63  }
0x51: {  	_ =	swait.ge [sflag:s6], $0x4000  }
0x52: {  	[sflag:s6] =	ssyncset.done $0x0  }
0x53: {  	s26 =	rddreg [dreg:$0xc];
	[sflag:s6] =	ssyncadd.s32 $0xFFFFC000  }
0x54: {  	[tilespmem:s3], [sflag:$0x3] =	stream.linear.gather [hbm4b:s26+s3], $0x80, $0x38;
	[tilespmem:$0x8100] =	vst v63  }
0x55: {  	_ =	swait.ge [sflag:s6], $0x80  }
0x56: {  	[sflag:s6] =	ssyncset.done $0x0  }
0x57: {  	[sflag:s6] =	ssyncadd.s32 $0xFFFFFF80  }
0x58: {  	[tilespmem:s8], [sflag:$0x1] =	stream.indirect.gather [hbm4b:s2+s7], $0x80, s3, s7, $0xb8;
	[tilespmem:$0x8100] =	vst v63  }
0x59: {  	_ =	swait.ge [sflag:s11], $0x4000  }
0x5a: {  	[sflag:s11] =	ssyncset.done $0x0  }
0x5b: {  	s0 =	rddreg [dreg:$0xd];
	[sflag:s11] =	ssyncadd.s32 $0xFFFFC000  }
0x5c: {  	[hbm4b:s0+s3] =	stream.linear.scatter [tilespmem:s9], [sflag:$0x3], $0x4000, $0x38;
	[tilespmem:$0x8100] =	vst v63  }
0x5d: {  	_ =	swait.ge [sflag:s6], $0x4000  }
0x5e: {  	[sflag:s6] =	ssyncset.done $0x0  }
0x5f: {  	s12 =	sadd.s32 $0x70, s4;
	[sflag:s6] =	ssyncadd.s32 $0xFFFFC000  }
0x60: {  	[tilespmem:s7], [sflag:$0x3] =	stream.linear.gather [hbm4b:s12+s3], $0x80, $0x38;
	[tilespmem:$0x8100] =	vst v63  }
0x61: {  	_ =	swait.ge [sflag:s6], $0x80  }
0x62: {  	[sflag:s6] =	ssyncset.done $0x0  }
0x63: {  	[sflag:s6] =	ssyncadd.s32 $0xFFFFFF80  }
0x64: {  	[tilespmem:s9], [sflag:$0x2] =	stream.indirect.gather [hbm4b:s2+s7], $0x80, s7, s7, $0xb8;
	[tilespmem:$0x8100] =	vst v63  }
0x65: {  	_ =	swait.ge [sflag:s10], $0x4000  }
0x66: {  	[sflag:s10] =	ssyncset.done $0x0  }
0x67: {  	s13 =	sadd.s32 $0x3000, s5;
	s26 =	sshll.u32 s30, $0x4;
	[sflag:s10] =	ssyncadd.s32 $0xFFFFC000  }
0x68: {  	[hbm4b:s13+s3] =	stream.linear.scatter [tilespmem:s8], [sflag:$0x3], $0x4000, $0x38;
	[tilespmem:$0x8100] =	vst v63  }
0x69: {  	s17 =	sor.u32 $0x8, s26;
	_ =	swait.ge [sflag:s6], $0x4000  }
0x6a: {  	s14 =	sshll.u32 s17, $0x4;
	[sflag:s6] =	ssyncset.done $0x0  }
0x6b: {  	s14 =	sadd.s32 s29, s14;
	[sflag:s6] =	ssyncadd.s32 $0xFFFFC000  }
0x6c: {  	[tilespmem:s3], [sflag:$0x3] =	stream.linear.gather [hbm4b:s14+s3], $0x80, $0x38;
	[tilespmem:$0x8100] =	vst v63  }
0x6d: {  	_ =	swait.ge [sflag:s6], $0x80  }
0x6e: {  	[sflag:s6] =	ssyncset.done $0x0  }
0x6f: {  	[sflag:s6] =	ssyncadd.s32 $0xFFFFFF80  }
0x70: {  	[tilespmem:s8], [sflag:$0x1] =	stream.indirect.gather [hbm4b:s2+s7], $0x80, s3, s7, $0xb8;
	[tilespmem:$0x8100] =	vst v63  }
0x71: {  	_ =	swait.ge [sflag:s11], $0x4000  }
0x72: {  	[sflag:s11] =	ssyncset.done $0x0  }
0x73: {  	s15 =	sadd.s32 $0x3800, s5;
	[sflag:s11] =	ssyncadd.s32 $0xFFFFC000  }
0x74: {  	[hbm4b:s15+s3] =	stream.linear.scatter [tilespmem:s9], [sflag:$0x3], $0x4000, $0x38;
	[tilespmem:$0x8100] =	vst v63  }
0x75: {  	s19 =	sor.u32 $0x9, s26;
	_ =	swait.ge [sflag:s6], $0x4000  }
0x76: {  	s16 =	sshll.u32 s19, $0x4;
	[sflag:s6] =	ssyncset.done $0x0  }
0x77: {  	s16 =	sadd.s32 s29, s16;
	[sflag:s6] =	ssyncadd.s32 $0xFFFFC000  }
0x78: {  	[tilespmem:s7], [sflag:$0x3] =	stream.linear.gather [hbm4b:s16+s3], $0x80, $0x38;
	[tilespmem:$0x8100] =	vst v63  }
0x79: {  	_ =	swait.ge [sflag:s6], $0x80  }
0x7a: {  	[sflag:s6] =	ssyncset.done $0x0  }
0x7b: {  	[sflag:s6] =	ssyncadd.s32 $0xFFFFFF80  }
0x7c: {  	[tilespmem:s9], [sflag:$0x2] =	stream.indirect.gather [hbm4b:s2+s7], $0x80, s7, s7, $0xb8;
	[tilespmem:$0x8100] =	vst v63  }
0x7d: {  	_ =	swait.ge [sflag:s10], $0x4000  }
0x7e: {  	s17 =	sshll.u32 s17, $0xB;
	[sflag:s10] =	ssyncset.done $0x0  }
0x7f: {  	s17 =	sadd.s32 s31, s17;
	[sflag:s10] =	ssyncadd.s32 $0xFFFFC000  }
0x80: {  	[hbm4b:s17+s3] =	stream.linear.scatter [tilespmem:s8], [sflag:$0x3], $0x4000, $0x38;
	[tilespmem:$0x8100] =	vst v63  }
0x81: {  	s21 =	sor.u32 $0xA, s26;
	_ =	swait.ge [sflag:s6], $0x4000  }
0x82: {  	s18 =	sshll.u32 s21, $0x4;
	[sflag:s6] =	ssyncset.done $0x0  }
0x83: {  	s18 =	sadd.s32 s29, s18;
	[sflag:s6] =	ssyncadd.s32 $0xFFFFC000  }
0x84: {  	[tilespmem:s3], [sflag:$0x3] =	stream.linear.gather [hbm4b:s18+s3], $0x80, $0x38;
	[tilespmem:$0x8100] =	vst v63  }
0x85: {  	_ =	swait.ge [sflag:s6], $0x80  }
0x86: {  	[sflag:s6] =	ssyncset.done $0x0  }
0x87: {  	[sflag:s6] =	ssyncadd.s32 $0xFFFFFF80  }
0x88: {  	[tilespmem:s8], [sflag:$0x1] =	stream.indirect.gather [hbm4b:s2+s7], $0x80, s3, s7, $0xb8;
	[tilespmem:$0x8100] =	vst v63  }
0x89: {  	_ =	swait.ge [sflag:s11], $0x4000  }
0x8a: {  	s19 =	sshll.u32 s19, $0xB;
	[sflag:s11] =	ssyncset.done $0x0  }
0x8b: {  	s19 =	sadd.s32 s31, s19;
	[sflag:s11] =	ssyncadd.s32 $0xFFFFC000  }
0x8c: {  	[hbm4b:s19+s3] =	stream.linear.scatter [tilespmem:s9], [sflag:$0x3], $0x4000, $0x38;
	[tilespmem:$0x8100] =	vst v63  }
0x8d: {  	s23 =	sor.u32 $0xB, s26;
	_ =	swait.ge [sflag:s6], $0x4000  }
0x8e: {  	s20 =	sshll.u32 s23, $0x4;
	[sflag:s6] =	ssyncset.done $0x0  }
0x8f: {  	s20 =	sadd.s32 s29, s20;
	[sflag:s6] =	ssyncadd.s32 $0xFFFFC000  }
0x90: {  	[tilespmem:s7], [sflag:$0x3] =	stream.linear.gather [hbm4b:s20+s3], $0x80, $0x38;
	[tilespmem:$0x8100] =	vst v63  }
0x91: {  	_ =	swait.ge [sflag:s6], $0x80  }
0x92: {  	[sflag:s6] =	ssyncset.done $0x0  }
0x93: {  	[sflag:s6] =	ssyncadd.s32 $0xFFFFFF80  }
0x94: {  	[tilespmem:s9], [sflag:$0x2] =	stream.indirect.gather [hbm4b:s2+s7], $0x80, s7, s7, $0xb8;
	[tilespmem:$0x8100] =	vst v63  }
0x95: {  	_ =	swait.ge [sflag:s10], $0x4000  }
0x96: {  	s21 =	sshll.u32 s21, $0xB;
	[sflag:s10] =	ssyncset.done $0x0  }
0x97: {  	s21 =	sadd.s32 s31, s21;
	[sflag:s10] =	ssyncadd.s32 $0xFFFFC000  }
0x98: {  	[hbm4b:s21+s3] =	stream.linear.scatter [tilespmem:s8], [sflag:$0x3], $0x4000, $0x38;
	[tilespmem:$0x8100] =	vst v63  }
0x99: {  	s25 =	sor.u32 $0xC, s26;
	_ =	swait.ge [sflag:s6], $0x4000  }
0x9a: {  	s22 =	sshll.u32 s25, $0x4;
	[sflag:s6] =	ssyncset.done $0x0  }
0x9b: {  	s22 =	sadd.s32 s29, s22;
	[sflag:s6] =	ssyncadd.s32 $0xFFFFC000  }
0x9c: {  	[tilespmem:s3], [sflag:$0x3] =	stream.linear.gather [hbm4b:s22+s3], $0x80, $0x38;
	[tilespmem:$0x8100] =	vst v63  }
0x9d: {  	_ =	swait.ge [sflag:s6], $0x80  }
0x9e: {  	[sflag:s6] =	ssyncset.done $0x0  }
0x9f: {  	[sflag:s6] =	ssyncadd.s32 $0xFFFFFF80  }
0xa0: {  	[tilespmem:s8], [sflag:$0x1] =	stream.indirect.gather [hbm4b:s2+s7], $0x80, s3, s7, $0xb8;
	[tilespmem:$0x8100] =	vst v63  }
0xa1: {  	_ =	swait.ge [sflag:s11], $0x4000  }
0xa2: {  	s23 =	sshll.u32 s23, $0xB;
	[sflag:s11] =	ssyncset.done $0x0  }
0xa3: {  	s23 =	sadd.s32 s31, s23;
	[sflag:s11] =	ssyncadd.s32 $0xFFFFC000  }
0xa4: {  	[hbm4b:s23+s3] =	stream.linear.scatter [tilespmem:s9], [sflag:$0x3], $0x4000, $0x38;
	[tilespmem:$0x8100] =	vst v63  }
0xa5: {  	s28 =	sor.u32 $0xD, s26;
	_ =	swait.ge [sflag:s6], $0x4000  }
0xa6: {  	s24 =	sshll.u32 s28, $0x4;
	[sflag:s6] =	ssyncset.done $0x0  }
0xa7: {  	s24 =	sadd.s32 s29, s24;
	[sflag:s6] =	ssyncadd.s32 $0xFFFFC000  }
0xa8: {  	[tilespmem:s7], [sflag:$0x3] =	stream.linear.gather [hbm4b:s24+s3], $0x80, $0x38;
	[tilespmem:$0x8100] =	vst v63  }
0xa9: {  	_ =	swait.ge [sflag:s6], $0x80  }
0xaa: {  	[sflag:s6] =	ssyncset.done $0x0  }
0xab: {  	[sflag:s6] =	ssyncadd.s32 $0xFFFFFF80  }
0xac: {  	[tilespmem:s9], [sflag:$0x2] =	stream.indirect.gather [hbm4b:s2+s7], $0x80, s7, s7, $0xb8;
	[tilespmem:$0x8100] =	vst v63  }
0xad: {  	_ =	swait.ge [sflag:s10], $0x4000  }
0xae: {  	s25 =	sshll.u32 s25, $0xB;
	[sflag:s10] =	ssyncset.done $0x0  }
0xaf: {  	s25 =	sadd.s32 s31, s25;
	[sflag:s10] =	ssyncadd.s32 $0xFFFFC000  }
0xb0: {  	[hbm4b:s25+s3] =	stream.linear.scatter [tilespmem:s8], [sflag:$0x3], $0x4000, $0x38;
	[tilespmem:$0x8100] =	vst v63  }
0xb1: {  	s1 =	sor.u32 $0xE, s26;
	_ =	swait.ge [sflag:s6], $0x4000  }
0xb2: {  	s26 =	sshll.u32 s1, $0x4;
	[sflag:s6] =	ssyncset.done $0x0  }
0xb3: {  	s26 =	sadd.s32 s29, s26;
	[sflag:s6] =	ssyncadd.s32 $0xFFFFC000  }
0xb4: {  	[tilespmem:s3], [sflag:$0x3] =	stream.linear.gather [hbm4b:s26+s3], $0x80, $0x38;
	[tilespmem:$0x8100] =	vst v63  }
0xb5: {  	_ =	swait.ge [sflag:s6], $0x80  }
0xb6: {  	[sflag:s6] =	ssyncset.done $0x0  }
0xb7: {  	[sflag:s6] =	ssyncadd.s32 $0xFFFFFF80  }
0xb8: {  	[tilespmem:s8], [sflag:$0x1] =	stream.indirect.gather [hbm4b:s2+s7], $0x80, s3, s7, $0xb8;
	[tilespmem:$0x8100] =	vst v63  }
0xb9: {  	_ =	swait.ge [sflag:s11], $0x4000  }
0xba: {  	s28 =	sshll.u32 s28, $0xB;
	[sflag:s11] =	ssyncset.done $0x0  }
0xbb: {  	s28 =	sadd.s32 s31, s28;
	[dreg:$0xf] =	wrdreg s31;
	[sflag:s11] =	ssyncadd.s32 $0xFFFFC000  }
0xbc: {  	[hbm4b:s28+s3] =	stream.linear.scatter [tilespmem:s9], [sflag:$0x3], $0x4000, $0x38;
	[tilespmem:$0x8100] =	vst v63  }
0xbd: {  	s0 =	sshllo.u32 s30, $0x4;
	_ =	swait.ge [sflag:s6], $0x4000  }
0xbe: {  	s30 =	sshll.u32 s0, $0x4;
	[sflag:s6] =	ssyncset.done $0x0  }
0xbf: {  	s29 =	sadd.s32 s29, s30;
	[sflag:s6] =	ssyncadd.s32 $0xFFFFC000  }
0xc0: {  	[tilespmem:s7], [sflag:$0x3] =	stream.linear.gather [hbm4b:s29+s3], $0x80, $0x38;
	[tilespmem:$0x8100] =	vst v63  }
0xc1: {  	_ =	swait.ge [sflag:s6], $0x80  }
0xc2: {  	[sflag:s6] =	ssyncset.done $0x0  }
0xc3: {  	[sflag:s6] =	ssyncadd.s32 $0xFFFFFF80  }
0xc4: {  	[tilespmem:s9], [sflag:$0x2] =	stream.indirect.gather [hbm4b:s2+s7], $0x80, s7, s7, $0xb8;
	[tilespmem:$0x8100] =	vst v63  }
0xc5: {  	_ =	swait.ge [sflag:s10], $0x4000  }
0xc6: {  	s1 =	sshll.u32 s1, $0xB;
	[sflag:s10] =	ssyncset.done $0x0  }
0xc7: {  	s30 =	sadd.s32 s31, s1;
	[sflag:s10] =	ssyncadd.s32 $0xFFFFC000  }
0xc8: {  	[hbm4b:s30+s3] =	stream.linear.scatter [tilespmem:s8], [sflag:$0x3], $0x4000, $0x38;
	[tilespmem:$0x8100] =	vst v63  }
0xc9: {  	_ =	swait.ge [sflag:s6], $0x4000  }
0xca: {  	s1 =	rddreg [dreg:$0xe]  }
0xcb: {  	s1 =	ssub.s32 $0x2, s1  }
0xcc: {  	s31 =	sshrl.u32 s1, $0x1  }
0xcd: {  	[sflag:s6] =	ssyncset.done $0x0;
	s1 =	ssub.s32 s1, s31  }
0xce: {  	[sflag:s6] =	ssyncadd.s32 $0xFFFFC000;
	s1 =	smax.u32 s1, $0x1  }
0xcf: {  	s0 =	sshll.u32 s0, $0xB;
	_ =	swait.ge [sflag:s11], $0x4000;
	p0 =	sne.s32 s1, $0x1  }
.Ltmp0:
0xd0: {  	[sflag:s11] =	ssyncset.done $0x0;
	s31 =	rddreg [dreg:$0xf];
	(pc) =	sbr.rel @!p0 .LBB2_2-.Ltmp0, $4  }
0xd1: {  	s31 =	sadd.s32 s31, s0;
	[sflag:s11] =	ssyncadd.s32 $0xFFFFC000  }
0xd2: {  	[hbm4b:s31+s3] =	stream.linear.scatter [tilespmem:s9], [sflag:$0x3], $0x4000, $0x38;
	[tilespmem:$0x8100] =	vst v63  }
0xd3: {  	_ =	swait.ge [sflag:s6], $0x4000  }
0xd4: {  	s1 =	sadd.s32 $0xFFFFFFFF, s1;
	[sflag:s6] =	ssyncset.done $0x0  }
.LBB2_1:
0xd5: {  	[sflag:s6] =	ssyncadd.s32 $0xFFFFC000  }
0xd6: {  	[tilespmem:s3], [sflag:$0x3] =	stream.linear.gather [hbm4b:s4+s3], $0x80, $0x38;
	[tilespmem:$0x8100] =	vst v63  }
0xd7: {  	_ =	swait.ge [sflag:s6], $0x80  }
0xd8: {  	[sflag:s6] =	ssyncset.done $0x0  }
0xd9: {  	[sflag:s6] =	ssyncadd.s32 $0xFFFFFF80  }
0xda: {  	[tilespmem:s8], [sflag:$0x1] =	stream.indirect.gather [hbm4b:s2+s7], $0x80, s3, s7, $0xb8;
	[tilespmem:$0x8100] =	vst v63  }
0xdb: {  	s0 =	rddreg [dreg:$0x3]  }
0xdc: {  	[tilespmem:s7], [sflag:$0x3] =	stream.linear.gather [hbm4b:s0+s3], $0x80, $0x38;
	[tilespmem:$0x8100] =	vst v63  }
0xdd: {  	_ =	swait.ge [sflag:s6], $0x80  }
0xde: {  	[sflag:s6] =	ssyncset.done $0x0  }
0xdf: {  	[sflag:s6] =	ssyncadd.s32 $0xFFFFFF80  }
0xe0: {  	[tilespmem:s9], [sflag:$0x2] =	stream.indirect.gather [hbm4b:s2+s7], $0x80, s7, s7, $0xb8;
	[tilespmem:$0x8100] =	vst v63  }
0xe1: {  	_ =	swait.ge [sflag:s10], $0x4000  }
0xe2: {  	[sflag:s10] =	ssyncset.done $0x0  }
0xe3: {  	[sflag:s10] =	ssyncadd.s32 $0xFFFFC000  }
0xe4: {  	[hbm4b:s5+s3] =	stream.linear.scatter [tilespmem:s8], [sflag:$0x3], $0x4000, $0x38;
	[tilespmem:$0x8100] =	vst v63  }
0xe5: {  	_ =	swait.ge [sflag:s6], $0x4000  }
0xe6: {  	[sflag:s6] =	ssyncset.done $0x0  }
0xe7: {  	s0 =	rddreg [dreg:$0x4];
	[sflag:s6] =	ssyncadd.s32 $0xFFFFC000  }
0xe8: {  	[tilespmem:s3], [sflag:$0x3] =	stream.linear.gather [hbm4b:s0+s3], $0x80, $0x38;
	[tilespmem:$0x8100] =	vst v63  }
0xe9: {  	_ =	swait.ge [sflag:s6], $0x80  }
0xea: {  	[sflag:s6] =	ssyncset.done $0x0  }
0xeb: {  	[sflag:s6] =	ssyncadd.s32 $0xFFFFFF80  }
0xec: {  	[tilespmem:s8], [sflag:$0x1] =	stream.indirect.gather [hbm4b:s2+s7], $0x80, s3, s7, $0xb8;
	[tilespmem:$0x8100] =	vst v63  }
0xed: {  	_ =	swait.ge [sflag:s11], $0x4000  }
0xee: {  	[sflag:s11] =	ssyncset.done $0x0  }
0xef: {  	s0 =	rddreg [dreg:$0x5];
	[sflag:s11] =	ssyncadd.s32 $0xFFFFC000  }
0xf0: {  	[hbm4b:s0+s3] =	stream.linear.scatter [tilespmem:s9], [sflag:$0x3], $0x4000, $0x38;
	[tilespmem:$0x8100] =	vst v63  }
0xf1: {  	_ =	swait.ge [sflag:s6], $0x4000  }
0xf2: {  	[sflag:s6] =	ssyncset.done $0x0  }
0xf3: {  	s0 =	rddreg [dreg:$0x6];
	[sflag:s6] =	ssyncadd.s32 $0xFFFFC000  }
0xf4: {  	[tilespmem:s7], [sflag:$0x3] =	stream.linear.gather [hbm4b:s0+s3], $0x80, $0x38;
	[tilespmem:$0x8100] =	vst v63  }
0xf5: {  	_ =	swait.ge [sflag:s6], $0x80  }
0xf6: {  	[sflag:s6] =	ssyncset.done $0x0  }
0xf7: {  	[sflag:s6] =	ssyncadd.s32 $0xFFFFFF80  }
0xf8: {  	[tilespmem:s9], [sflag:$0x2] =	stream.indirect.gather [hbm4b:s2+s7], $0x80, s7, s7, $0xb8;
	[tilespmem:$0x8100] =	vst v63  }
0xf9: {  	_ =	swait.ge [sflag:s10], $0x4000  }
0xfa: {  	[sflag:s10] =	ssyncset.done $0x0  }
0xfb: {  	s0 =	rddreg [dreg:$0x7];
	[sflag:s10] =	ssyncadd.s32 $0xFFFFC000  }
0xfc: {  	[hbm4b:s0+s3] =	stream.linear.scatter [tilespmem:s8], [sflag:$0x3], $0x4000, $0x38;
	[tilespmem:$0x8100] =	vst v63  }
0xfd: {  	_ =	swait.ge [sflag:s6], $0x4000  }
0xfe: {  	[sflag:s6] =	ssyncset.done $0x0  }
0xff: {  	s0 =	rddreg [dreg:$0x8];
	[sflag:s6] =	ssyncadd.s32 $0xFFFFC000  }
0x100: {  	[tilespmem:s3], [sflag:$0x3] =	stream.linear.gather [hbm4b:s0+s3], $0x80, $0x38;
	[tilespmem:$0x8100] =	vst v63  }
0x101: {  	_ =	swait.ge [sflag:s6], $0x80  }
0x102: {  	[sflag:s6] =	ssyncset.done $0x0  }
0x103: {  	[sflag:s6] =	ssyncadd.s32 $0xFFFFFF80  }
0x104: {  	[tilespmem:s8], [sflag:$0x1] =	stream.indirect.gather [hbm4b:s2+s7], $0x80, s3, s7, $0xb8;
	[tilespmem:$0x8100] =	vst v63  }
0x105: {  	_ =	swait.ge [sflag:s11], $0x4000  }
0x106: {  	[sflag:s11] =	ssyncset.done $0x0  }
0x107: {  	s0 =	rddreg [dreg:$0x9];
	[sflag:s11] =	ssyncadd.s32 $0xFFFFC000  }
0x108: {  	[hbm4b:s0+s3] =	stream.linear.scatter [tilespmem:s9], [sflag:$0x3], $0x4000, $0x38;
	[tilespmem:$0x8100] =	vst v63  }
0x109: {  	_ =	swait.ge [sflag:s6], $0x4000  }
0x10a: {  	[sflag:s6] =	ssyncset.done $0x0  }
0x10b: {  	s0 =	rddreg [dreg:$0xa];
	[sflag:s6] =	ssyncadd.s32 $0xFFFFC000  }
0x10c: {  	[tilespmem:s7], [sflag:$0x3] =	stream.linear.gather [hbm4b:s0+s3], $0x80, $0x38;
	[tilespmem:$0x8100] =	vst v63  }
0x10d: {  	_ =	swait.ge [sflag:s6], $0x80  }
0x10e: {  	[sflag:s6] =	ssyncset.done $0x0  }
0x10f: {  	[sflag:s6] =	ssyncadd.s32 $0xFFFFFF80  }
0x110: {  	[tilespmem:s9], [sflag:$0x2] =	stream.indirect.gather [hbm4b:s2+s7], $0x80, s7, s7, $0xb8;
	[tilespmem:$0x8100] =	vst v63  }
0x111: {  	_ =	swait.ge [sflag:s10], $0x4000  }
0x112: {  	[sflag:s10] =	ssyncset.done $0x0  }
0x113: {  	s0 =	rddreg [dreg:$0xb];
	[sflag:s10] =	ssyncadd.s32 $0xFFFFC000  }
0x114: {  	[hbm4b:s0+s3] =	stream.linear.scatter [tilespmem:s8], [sflag:$0x3], $0x4000, $0x38;
	[tilespmem:$0x8100] =	vst v63  }
0x115: {  	_ =	swait.ge [sflag:s6], $0x4000  }
0x116: {  	[sflag:s6] =	ssyncset.done $0x0  }
0x117: {  	s0 =	rddreg [dreg:$0xc];
	[sflag:s6] =	ssyncadd.s32 $0xFFFFC000  }
0x118: {  	[tilespmem:s3], [sflag:$0x3] =	stream.linear.gather [hbm4b:s0+s3], $0x80, $0x38;
	[tilespmem:$0x8100] =	vst v63  }
0x119: {  	_ =	swait.ge [sflag:s6], $0x80  }
0x11a: {  	[sflag:s6] =	ssyncset.done $0x0  }
0x11b: {  	[sflag:s6] =	ssyncadd.s32 $0xFFFFFF80  }
0x11c: {  	[tilespmem:s8], [sflag:$0x1] =	stream.indirect.gather [hbm4b:s2+s7], $0x80, s3, s7, $0xb8;
	[tilespmem:$0x8100] =	vst v63  }
0x11d: {  	_ =	swait.ge [sflag:s11], $0x4000  }
0x11e: {  	[sflag:s11] =	ssyncset.done $0x0  }
0x11f: {  	s0 =	rddreg [dreg:$0xd];
	[sflag:s11] =	ssyncadd.s32 $0xFFFFC000  }
0x120: {  	[hbm4b:s0+s3] =	stream.linear.scatter [tilespmem:s9], [sflag:$0x3], $0x4000, $0x38;
	[tilespmem:$0x8100] =	vst v63  }
0x121: {  	_ =	swait.ge [sflag:s6], $0x4000  }
0x122: {  	[sflag:s6] =	ssyncset.done $0x0  }
0x123: {  	[sflag:s6] =	ssyncadd.s32 $0xFFFFC000  }
0x124: {  	[tilespmem:s7], [sflag:$0x3] =	stream.linear.gather [hbm4b:s12+s3], $0x80, $0x38;
	[tilespmem:$0x8100] =	vst v63  }
0x125: {  	_ =	swait.ge [sflag:s6], $0x80  }
0x126: {  	[sflag:s6] =	ssyncset.done $0x0  }
0x127: {  	[sflag:s6] =	ssyncadd.s32 $0xFFFFFF80  }
0x128: {  	[tilespmem:s9], [sflag:$0x2] =	stream.indirect.gather [hbm4b:s2+s7], $0x80, s7, s7, $0xb8;
	[tilespmem:$0x8100] =	vst v63  }
0x129: {  	_ =	swait.ge [sflag:s10], $0x4000  }
0x12a: {  	[sflag:s10] =	ssyncset.done $0x0  }
0x12b: {  	[sflag:s10] =	ssyncadd.s32 $0xFFFFC000  }
0x12c: {  	[hbm4b:s13+s3] =	stream.linear.scatter [tilespmem:s8], [sflag:$0x3], $0x4000, $0x38;
	[tilespmem:$0x8100] =	vst v63  }
0x12d: {  	_ =	swait.ge [sflag:s6], $0x4000  }
0x12e: {  	[sflag:s6] =	ssyncset.done $0x0  }
0x12f: {  	[sflag:s6] =	ssyncadd.s32 $0xFFFFC000  }
0x130: {  	[tilespmem:s3], [sflag:$0x3] =	stream.linear.gather [hbm4b:s14+s3], $0x80, $0x38;
	[tilespmem:$0x8100] =	vst v63  }
0x131: {  	_ =	swait.ge [sflag:s6], $0x80  }
0x132: {  	[sflag:s6] =	ssyncset.done $0x0  }
0x133: {  	[sflag:s6] =	ssyncadd.s32 $0xFFFFFF80  }
0x134: {  	[tilespmem:s8], [sflag:$0x1] =	stream.indirect.gather [hbm4b:s2+s7], $0x80, s3, s7, $0xb8;
	[tilespmem:$0x8100] =	vst v63  }
0x135: {  	_ =	swait.ge [sflag:s11], $0x4000  }
0x136: {  	[sflag:s11] =	ssyncset.done $0x0  }
0x137: {  	[sflag:s11] =	ssyncadd.s32 $0xFFFFC000  }
0x138: {  	[hbm4b:s15+s3] =	stream.linear.scatter [tilespmem:s9], [sflag:$0x3], $0x4000, $0x38;
	[tilespmem:$0x8100] =	vst v63  }
0x139: {  	_ =	swait.ge [sflag:s6], $0x4000  }
0x13a: {  	[sflag:s6] =	ssyncset.done $0x0  }
0x13b: {  	[sflag:s6] =	ssyncadd.s32 $0xFFFFC000  }
0x13c: {  	[tilespmem:s7], [sflag:$0x3] =	stream.linear.gather [hbm4b:s16+s3], $0x80, $0x38;
	[tilespmem:$0x8100] =	vst v63  }
0x13d: {  	_ =	swait.ge [sflag:s6], $0x80  }
0x13e: {  	[sflag:s6] =	ssyncset.done $0x0  }
0x13f: {  	[sflag:s6] =	ssyncadd.s32 $0xFFFFFF80  }
0x140: {  	[tilespmem:s9], [sflag:$0x2] =	stream.indirect.gather [hbm4b:s2+s7], $0x80, s7, s7, $0xb8;
	[tilespmem:$0x8100] =	vst v63  }
0x141: {  	_ =	swait.ge [sflag:s10], $0x4000  }
0x142: {  	[sflag:s10] =	ssyncset.done $0x0  }
0x143: {  	[sflag:s10] =	ssyncadd.s32 $0xFFFFC000  }
0x144: {  	[hbm4b:s17+s3] =	stream.linear.scatter [tilespmem:s8], [sflag:$0x3], $0x4000, $0x38;
	[tilespmem:$0x8100] =	vst v63  }
0x145: {  	_ =	swait.ge [sflag:s6], $0x4000  }
0x146: {  	[sflag:s6] =	ssyncset.done $0x0  }
0x147: {  	[sflag:s6] =	ssyncadd.s32 $0xFFFFC000  }
0x148: {  	[tilespmem:s3], [sflag:$0x3] =	stream.linear.gather [hbm4b:s18+s3], $0x80, $0x38;
	[tilespmem:$0x8100] =	vst v63  }
0x149: {  	_ =	swait.ge [sflag:s6], $0x80  }
0x14a: {  	[sflag:s6] =	ssyncset.done $0x0  }
0x14b: {  	[sflag:s6] =	ssyncadd.s32 $0xFFFFFF80  }
0x14c: {  	[tilespmem:s8], [sflag:$0x1] =	stream.indirect.gather [hbm4b:s2+s7], $0x80, s3, s7, $0xb8;
	[tilespmem:$0x8100] =	vst v63  }
0x14d: {  	_ =	swait.ge [sflag:s11], $0x4000  }
0x14e: {  	[sflag:s11] =	ssyncset.done $0x0  }
0x14f: {  	[sflag:s11] =	ssyncadd.s32 $0xFFFFC000  }
0x150: {  	[hbm4b:s19+s3] =	stream.linear.scatter [tilespmem:s9], [sflag:$0x3], $0x4000, $0x38;
	[tilespmem:$0x8100] =	vst v63  }
0x151: {  	_ =	swait.ge [sflag:s6], $0x4000  }
0x152: {  	[sflag:s6] =	ssyncset.done $0x0  }
0x153: {  	[sflag:s6] =	ssyncadd.s32 $0xFFFFC000  }
0x154: {  	[tilespmem:s7], [sflag:$0x3] =	stream.linear.gather [hbm4b:s20+s3], $0x80, $0x38;
	[tilespmem:$0x8100] =	vst v63  }
0x155: {  	_ =	swait.ge [sflag:s6], $0x80  }
0x156: {  	[sflag:s6] =	ssyncset.done $0x0  }
0x157: {  	[sflag:s6] =	ssyncadd.s32 $0xFFFFFF80  }
0x158: {  	[tilespmem:s9], [sflag:$0x2] =	stream.indirect.gather [hbm4b:s2+s7], $0x80, s7, s7, $0xb8;
	[tilespmem:$0x8100] =	vst v63  }
0x159: {  	_ =	swait.ge [sflag:s10], $0x4000  }
0x15a: {  	[sflag:s10] =	ssyncset.done $0x0  }
0x15b: {  	[sflag:s10] =	ssyncadd.s32 $0xFFFFC000  }
0x15c: {  	[hbm4b:s21+s3] =	stream.linear.scatter [tilespmem:s8], [sflag:$0x3], $0x4000, $0x38;
	[tilespmem:$0x8100] =	vst v63  }
0x15d: {  	_ =	swait.ge [sflag:s6], $0x4000  }
0x15e: {  	[sflag:s6] =	ssyncset.done $0x0  }
0x15f: {  	[sflag:s6] =	ssyncadd.s32 $0xFFFFC000  }
0x160: {  	[tilespmem:s3], [sflag:$0x3] =	stream.linear.gather [hbm4b:s22+s3], $0x80, $0x38;
	[tilespmem:$0x8100] =	vst v63  }
0x161: {  	_ =	swait.ge [sflag:s6], $0x80  }
0x162: {  	[sflag:s6] =	ssyncset.done $0x0  }
0x163: {  	[sflag:s6] =	ssyncadd.s32 $0xFFFFFF80  }
0x164: {  	[tilespmem:s8], [sflag:$0x1] =	stream.indirect.gather [hbm4b:s2+s7], $0x80, s3, s7, $0xb8;
	[tilespmem:$0x8100] =	vst v63  }
0x165: {  	_ =	swait.ge [sflag:s11], $0x4000  }
0x166: {  	[sflag:s11] =	ssyncset.done $0x0  }
0x167: {  	[sflag:s11] =	ssyncadd.s32 $0xFFFFC000  }
0x168: {  	[hbm4b:s23+s3] =	stream.linear.scatter [tilespmem:s9], [sflag:$0x3], $0x4000, $0x38;
	[tilespmem:$0x8100] =	vst v63  }
0x169: {  	_ =	swait.ge [sflag:s6], $0x4000  }
0x16a: {  	[sflag:s6] =	ssyncset.done $0x0  }
0x16b: {  	[sflag:s6] =	ssyncadd.s32 $0xFFFFC000  }
0x16c: {  	[tilespmem:s7], [sflag:$0x3] =	stream.linear.gather [hbm4b:s24+s3], $0x80, $0x38;
	[tilespmem:$0x8100] =	vst v63  }
0x16d: {  	_ =	swait.ge [sflag:s6], $0x80  }
0x16e: {  	[sflag:s6] =	ssyncset.done $0x0  }
0x16f: {  	[sflag:s6] =	ssyncadd.s32 $0xFFFFFF80  }
0x170: {  	[tilespmem:s9], [sflag:$0x2] =	stream.indirect.gather [hbm4b:s2+s7], $0x80, s7, s7, $0xb8;
	[tilespmem:$0x8100] =	vst v63  }
0x171: {  	_ =	swait.ge [sflag:s10], $0x4000  }
0x172: {  	[sflag:s10] =	ssyncset.done $0x0  }
0x173: {  	[sflag:s10] =	ssyncadd.s32 $0xFFFFC000  }
0x174: {  	[hbm4b:s25+s3] =	stream.linear.scatter [tilespmem:s8], [sflag:$0x3], $0x4000, $0x38;
	[tilespmem:$0x8100] =	vst v63  }
0x175: {  	_ =	swait.ge [sflag:s6], $0x4000  }
0x176: {  	[sflag:s6] =	ssyncset.done $0x0  }
0x177: {  	[sflag:s6] =	ssyncadd.s32 $0xFFFFC000  }
0x178: {  	[tilespmem:s3], [sflag:$0x3] =	stream.linear.gather [hbm4b:s26+s3], $0x80, $0x38;
	[tilespmem:$0x8100] =	vst v63  }
0x179: {  	_ =	swait.ge [sflag:s6], $0x80  }
0x17a: {  	[sflag:s6] =	ssyncset.done $0x0  }
0x17b: {  	[sflag:s6] =	ssyncadd.s32 $0xFFFFFF80  }
0x17c: {  	[tilespmem:s8], [sflag:$0x1] =	stream.indirect.gather [hbm4b:s2+s7], $0x80, s3, s7, $0xb8;
	[tilespmem:$0x8100] =	vst v63  }
0x17d: {  	_ =	swait.ge [sflag:s11], $0x4000  }
0x17e: {  	[sflag:s11] =	ssyncset.done $0x0  }
0x17f: {  	[sflag:s11] =	ssyncadd.s32 $0xFFFFC000  }
0x180: {  	[hbm4b:s28+s3] =	stream.linear.scatter [tilespmem:s9], [sflag:$0x3], $0x4000, $0x38;
	[tilespmem:$0x8100] =	vst v63  }
0x181: {  	_ =	swait.ge [sflag:s6], $0x4000  }
0x182: {  	[sflag:s6] =	ssyncset.done $0x0  }
0x183: {  	[sflag:s6] =	ssyncadd.s32 $0xFFFFC000  }
0x184: {  	[tilespmem:s7], [sflag:$0x3] =	stream.linear.gather [hbm4b:s29+s3], $0x80, $0x38;
	[tilespmem:$0x8100] =	vst v63  }
0x185: {  	_ =	swait.ge [sflag:s6], $0x80  }
0x186: {  	[sflag:s6] =	ssyncset.done $0x0  }
0x187: {  	[sflag:s6] =	ssyncadd.s32 $0xFFFFFF80  }
0x188: {  	[tilespmem:s9], [sflag:$0x2] =	stream.indirect.gather [hbm4b:s2+s7], $0x80, s7, s7, $0xb8;
	[tilespmem:$0x8100] =	vst v63  }
0x189: {  	_ =	swait.ge [sflag:s10], $0x4000  }
0x18a: {  	[sflag:s10] =	ssyncset.done $0x0  }
0x18b: {  	[sflag:s10] =	ssyncadd.s32 $0xFFFFC000  }
0x18c: {  	[hbm4b:s30+s3] =	stream.linear.scatter [tilespmem:s8], [sflag:$0x3], $0x4000, $0x38;
	[tilespmem:$0x8100] =	vst v63  }
0x18d: {  	_ =	swait.ge [sflag:s6], $0x4000  }
0x18e: {  	[sflag:s6] =	ssyncset.done $0x0  }
0x18f: {  	[sflag:s6] =	ssyncadd.s32 $0xFFFFC000  }
0x190: {  	p0 =	sne.s32 s1, $0x1;
	_ =	swait.ge [sflag:s11], $0x4000  }
.Ltmp1:
0x191: {  	[sflag:s11] =	ssyncset.done $0x0;
	(pc) =	sbr.rel @p0 .LBB2_1-.Ltmp1, $4  }
0x192: {  	[sflag:s11] =	ssyncadd.s32 $0xFFFFC000  }
0x193: {  	[hbm4b:s31+s3] =	stream.linear.scatter [tilespmem:s9], [sflag:$0x3], $0x4000, $0x38;
	[tilespmem:$0x8100] =	vst v63  }
0x194: {  	_ =	swait.ge [sflag:s6], $0x4000  }
0x195: {  	s1 =	sadd.s32 $0xFFFFFFFF, s1;
	[sflag:s6] =	ssyncset.done $0x0  }
.LBB2_2:
0x196: {  	[sflag:s6] =	ssyncadd.s32 $0xFFFFC000  }
0x197: {  	_ =	sfence.sel $0x180000  }
0x198: {  	[bflag:$0x0] =	sbarrier.arrive $0xFFFF  }
0x199: {  	_ =	strace $0x90000047  }
0x19a: {  	s0 =	stileid.u32;
	[bflag:$0x2] =	sbarrier.arrive $0xFFFF  }
0x19b: {  	p0 =	sne.s32 s0, $0x0;
	s0 =	rddreg [dreg:$0x2]  }
0x19c: {  	s0 =	sadd.s32 @!p0 $0x100000, s0  }
0x19d: {  	[sflag:s0] =	ssyncadd.tile.s32 @!p0 $0x1;
	_ =	shalt  }
.Lfunc_end2:
_tile_overlayer_lowered:
.L_overlay_start_2:
0x19e: {  	(tag) =	ssettag $0x2  }
0x19f: {  	s0 =	rddreg [dreg:$0x0];
	s2 =	stileid.u32  }
0x1a0: {  	s1 =	rddreg [dreg:$0x1];
	p0 =	sne.s32 s2, $0x0  }
0x1a1: {  	s3 =	rddreg [dreg:$0x2];
	[bflag:$0x3] =	sbarrier.arrive $0xFFFF;
	s2 =	simm.s32 @!p0 $0x1C03  }
0x1a2: {  	[timem:s3], [sflag:s2] =	dma.local @!p0 [hbm:s0], s1  }
0x1a3: {  	s0 =	simm.s32 @!p0 $0x3  }
0x1a4: {  	_ =	swait.ge @!p0 [sflag:s0], s1  }
0x1a5: {  	s1 =	ssub.s32 @!p0 $0x0, s1;
	[sflag:s0] =	ssyncset.done @!p0 $0x0  }
0x1a6: {  	[sflag:s0] =	ssyncadd.s32 @!p0 s1  }
0x1a7: {  	[bflag:$0x3] =	sbarrier.arrive $0xFFFF  }
0x1a8: {  	_ =	shalt  }

</sc_bundles>
